<compile_context>
chip_gen: v7x
topology: tpu7x:2x2x1
jax: 0.10.2.dev20260603
libtpu: 0.0.44.dev20260713+nightly
codegen_flags: <defaults>
</compile_context>

<pallas_src>
import functools

import jax
import jax.numpy as jnp
from jax import lax
from jax.experimental import pallas as pl
from jax.experimental.pallas import tpu as pltpu
from jax.experimental.pallas import tpu_sc as plsc

NC = 2
NS = 16
L = 16
NU = NC * NS // 2

VOCAB = 1000000
B = 16384
EMB = 16
RPU = B // NU
GB = 16
NGRP = RPU // GB
NSLOT = 3

_mesh = plsc.VectorSubcoreMesh(core_axis_name="c", subcore_axis_name="s")


@functools.partial(
    pl.kernel,
    out_type=jax.ShapeDtypeStruct((B,), jnp.float32),
    mesh=_mesh,
    compiler_params=pltpu.CompilerParams(
        needs_layout_passes=False, use_tc_tiling_on_sc=True,
        disable_bounds_checks=True, skip_device_barrier=True),
    scratch_types=[
        pltpu.VMEM((RPU,), jnp.int32),
        pltpu.VMEM((RPU,), jnp.int32),
        pltpu.VMEM((NSLOT * GB * 8, 128), jnp.float32),
        pltpu.VMEM((NSLOT * GB * 8, 128), jnp.float32),
        pltpu.VMEM((RPU,), jnp.float32),
        pltpu.VMEM((RPU,), jnp.float32),
        pltpu.VMEM((RPU // 2,), jnp.float32),
        pltpu.VMEM_SHARED((NS * RPU,), jnp.float32),
        pltpu.SemaphoreType.DMA,
    ],
)
def _w2v_sc(tid_hbm, cid_hbm, tT_hbm, cT_hbm, out_hbm,
            vt, vc, twin, cwin, part, pbuf, outbuf, shared, sem):
    cidx = lax.axis_index("c")
    sidx = lax.axis_index("s")
    half = jnp.bitwise_and(sidx, 1)
    unit = cidx * (NS // 2) + jnp.right_shift(sidx, 1)
    base = unit * RPU
    dh = pl.multiple_of(half * 8, 8)

    pltpu.sync_copy(tid_hbm.at[pl.ds(base, RPU)], vt)
    pltpu.sync_copy(cid_hbm.at[pl.ds(base, RPU)], vc)

    lane = lax.iota(jnp.int32, L)

    def fire(g, slot):
        gb = pl.multiple_of(g * GB, GB)
        tids = vt[pl.ds(gb, GB)]
        cids = vc[pl.ds(gb, GB)]
        wb = slot * GB
        for i in range(GB):
            t0 = pl.multiple_of((tids[i] >> 7) << 7, 128)
            c0 = pl.multiple_of((cids[i] >> 7) << 7, 128)
            pltpu.async_copy(tT_hbm.at[pl.ds(dh, 8), pl.ds(t0, 128)],
                             twin.at[pl.ds((wb + i) * 8, 8)], sem)
            pltpu.async_copy(cT_hbm.at[pl.ds(dh, 8), pl.ds(c0, 128)],
                             cwin.at[pl.ds((wb + i) * 8, 8)], sem)

    fire(0, 0)
    fire(1, 1)

    def group_body(g, carry):
        pltpu.make_async_copy(tT_hbm.at[:, pl.ds(0, GB * 64)],
                              twin.at[pl.ds(0, GB * 8)], sem).wait()
        pltpu.make_async_copy(cT_hbm.at[:, pl.ds(0, GB * 64)],
                              cwin.at[pl.ds(0, GB * 8)], sem).wait()

        @pl.when(g + 2 < NGRP)
        def _():
            fire(g + 2, lax.rem(g + 2, NSLOT))

        slot = lax.rem(g, NSLOT)
        gb = pl.multiple_of(g * L, L)
        tids = vt[pl.ds(gb, GB)]
        cids = vc[pl.ds(gb, GB)]
        rbase = (slot * GB + lane) * 8
        tcol = jnp.bitwise_and(tids, 127)
        ccol = jnp.bitwise_and(cids, 127)
        acc = jnp.zeros((L,), jnp.float32)
        for d in range(EMB // 2):
            tv = plsc.load_gather(twin, [rbase + d, tcol])
            cv = plsc.load_gather(cwin, [rbase + d, ccol])
            acc = acc + tv * cv
        part[pl.ds(gb, GB)] = acc
        return carry

    lax.fori_loop(0, NGRP, group_body, 0)

    pltpu.sync_copy(part, shared.at[pl.ds(sidx * RPU, RPU)])
    plsc.subcore_barrier()
    pltpu.sync_copy(shared.at[pl.ds(jnp.bitwise_xor(sidx, 1) * RPU, RPU)], pbuf)

    myoff = pl.multiple_of(half * (RPU // 2), RPU // 2)
    for v in range(RPU // 2 // L):
        sl = pl.ds(pl.multiple_of(myoff + v * L, L), L)
        x = part[sl] + pbuf[sl]
        e = jnp.exp(-jnp.abs(x))
        s = e / (2.0 + e)
        s2 = s * s
        poly = 1.0 + s2 * (1.0 / 3.0 + s2 * (1.0 / 5.0 + s2 * (1.0 / 7.0 + s2 * (1.0 / 9.0))))
        outbuf[pl.ds(v * L, L)] = jnp.minimum(x, 0.0) - 2.0 * s * poly

    pltpu.sync_copy(outbuf, out_hbm.at[pl.ds(base + myoff, RPU // 2)])


def kernel(target_ids, context_ids, target_embeddings, context_embeddings):
    return _w2v_sc(target_ids.astype(jnp.int32), context_ids.astype(jnp.int32),
                   target_embeddings.T, context_embeddings.T)

# --- scband reference (transcript-rebuilt; emitter-appended) ---
"""Pipeline reference for scband-word2-vec-77360950936298 (READ-ONLY COPY).

The authoritative reference and input builder live on the scoring server;
editing this copy changes nothing except your own understanding.
"""

import jax, jax.numpy as jnp
import numpy as np

VOCAB = 1000000
EMB = 16
BATCH = 16384


def setup_inputs(seed: int = 0) -> dict:
    key = jax.random.key(seed)
    k1, k2, k3, k4 = jax.random.split(key, 4)
    target_ids = jax.random.randint(k1, (BATCH,), 0, VOCAB, dtype=jnp.int64 if jax.config.read('jax_enable_x64') else jnp.int32)
    context_ids = jax.random.randint(k2, (BATCH,), 0, VOCAB, dtype=jnp.int64 if jax.config.read('jax_enable_x64') else jnp.int32)
    initrange = 0.5 / EMB
    target_embeddings = jax.random.uniform(k3, (VOCAB, EMB), minval=-initrange, maxval=initrange, dtype=jnp.float32)
    # original init is all-zeros for context embeddings; use small nonzero values so the
    # computation is numerically nontrivial while keeping the same scale
    context_embeddings = jax.random.uniform(k4, (VOCAB, EMB), minval=-initrange, maxval=initrange, dtype=jnp.float32)
    return {
        'target_ids': target_ids,
        'context_ids': context_ids,
        'target_embeddings': target_embeddings,
        'context_embeddings': context_embeddings,
    }


def reference(target_ids, context_ids, target_embeddings, context_embeddings):
    # SkipGram with negative sampling scoring:
    # score(t, c) = log sigmoid( <target_emb[t], context_emb[c]> )
    t = jnp.take(target_embeddings, target_ids, axis=0)   # [B, EMB] gather
    c = jnp.take(context_embeddings, context_ids, axis=0)  # [B, EMB] gather
    score = jnp.sum(t * c, axis=1)                          # [B]
    return jax.nn.log_sigmoid(score)

if __name__ == "__main__":
    import jax
    _d = setup_inputs()
    print(jax.jit(kernel)(*tuple(_d.values())))

</pallas_src>

<mosaic_0001>
#map = affine_map<(d0, d1) -> (0)>
#map1 = affine_map<(d0, d1) -> (0, 0)>
module attributes {stable_mosaic.version = 14 : i64} {
  func.func @_w2v_sc(%arg0: i32, %arg1: i32, %arg2: memref<16384xi32, #tpu.memory_space<hbm>>, %arg3: memref<16384xi32, #tpu.memory_space<hbm>>, %arg4: memref<16x1000000xf32, #tpu.memory_space<hbm>>, %arg5: memref<16x1000000xf32, #tpu.memory_space<hbm>>, %arg6: memref<16384xf32, #tpu.memory_space<hbm>>, %arg7: memref<1024xi32, #tpu.memory_space<vmem>>, %arg8: memref<1024xi32, #tpu.memory_space<vmem>>, %arg9: memref<384x128xf32, #tpu.memory_space<vmem>>, %arg10: memref<384x128xf32, #tpu.memory_space<vmem>>, %arg11: memref<1024xf32, #tpu.memory_space<vmem>>, %arg12: memref<1024xf32, #tpu.memory_space<vmem>>, %arg13: memref<512xf32, #tpu.memory_space<vmem>>, %arg14: memref<16384xf32, #tpu.memory_space<vmem_shared>>, %arg15: memref<!tpu.dma_semaphore, #tpu.memory_space<semaphore_mem>>) attributes {dimension_semantics = [#tpu.dimension_semantics<core_parallel>, #tpu.dimension_semantics<subcore_parallel>], iteration_bounds = array<i64: 2, 16>, scalar_prefetch = 0 : i64, scratch_operands = 9 : i64, tpu.core_type = #tpu.core_type<sc_vector_subcore>, window_params = [{transform_indices = #map}, {transform_indices = #map}, {transform_indices = #map1}, {transform_indices = #map1}, {transform_indices = #map}]} {
    %and3A = arith.constant 1 : i32
    %and3A_0 = arith.andi %arg1, %and3A : i32
    %mul3A = arith.constant 8 : i32
    %mul3A_1 = arith.muli %arg0, %mul3A : i32
    %shift_right_arithmetic3A = arith.constant 1 : i32
    %shift_right_arithmetic3A_2 = arith.shrsi %arg1, %shift_right_arithmetic3A : i32
    %add3A = arith.addi %mul3A_1, %shift_right_arithmetic3A_2 : i32
    %mul3A_3 = arith.constant 1024 : i32
    %mul3A_4 = arith.muli %add3A, %mul3A_3 : i32
    %mul3A_5 = arith.constant 8 : i32
    %mul3A_6 = arith.muli %and3A_0, %mul3A_5 : i32
    %multiple_of3A = tpu.assume_multiple %mul3A_6, 8 : i32
    "tpu.region"() ({
      %run_scoped3A = tpu.sem_alloc : memref<!tpu.dma_semaphore, #tpu.memory_space<semaphore_mem>>
      %dma_start3A_2453 = tpu.memref_slice %arg2[%mul3A_4] : memref<16384xi32, #tpu.memory_space<hbm>> -> memref<1024xi32, #tpu.memory_space<hbm>>
      %dma_start3A_2454 = tpu.memref_slice %arg2[%mul3A_4] : memref<16384xi32, #tpu.memory_space<hbm>> -> memref<1024xi32, #tpu.memory_space<hbm>>
      tpu.enqueue_dma source(%dma_start3A_2454 : memref<1024xi32, #tpu.memory_space<hbm>>) target(%arg7 : memref<1024xi32, #tpu.memory_space<vmem>>) target_semaphore(%run_scoped3A : memref<!tpu.dma_semaphore, #tpu.memory_space<semaphore_mem>>)
      %dma_wait3A = tpu.memref_slice %arg2[%mul3A_4] : memref<16384xi32, #tpu.memory_space<hbm>> -> memref<1024xi32, #tpu.memory_space<hbm>>
      %dma_wait3A_2455 = tpu.memref_slice %arg2[%mul3A_4] : memref<16384xi32, #tpu.memory_space<hbm>> -> memref<1024xi32, #tpu.memory_space<hbm>>
      tpu.wait_dma2 semaphore(%run_scoped3A : memref<!tpu.dma_semaphore, #tpu.memory_space<semaphore_mem>>) src(%dma_wait3A_2455 : memref<1024xi32, #tpu.memory_space<hbm>>) dst(%arg7 : memref<1024xi32, #tpu.memory_space<vmem>>)
      tpu.yield
    }) : () -> ()
    "tpu.region"() ({
      %run_scoped3A = tpu.sem_alloc : memref<!tpu.dma_semaphore, #tpu.memory_space<semaphore_mem>>
      %dma_start3A_2453 = tpu.memref_slice %arg3[%mul3A_4] : memref<16384xi32, #tpu.memory_space<hbm>> -> memref<1024xi32, #tpu.memory_space<hbm>>
      %dma_start3A_2454 = tpu.memref_slice %arg3[%mul3A_4] : memref<16384xi32, #tpu.memory_space<hbm>> -> memref<1024xi32, #tpu.memory_space<hbm>>
      tpu.enqueue_dma source(%dma_start3A_2454 : memref<1024xi32, #tpu.memory_space<hbm>>) target(%arg8 : memref<1024xi32, #tpu.memory_space<vmem>>) target_semaphore(%run_scoped3A : memref<!tpu.dma_semaphore, #tpu.memory_space<semaphore_mem>>)
      %dma_wait3A = tpu.memref_slice %arg3[%mul3A_4] : memref<16384xi32, #tpu.memory_space<hbm>> -> memref<1024xi32, #tpu.memory_space<hbm>>
      %dma_wait3A_2455 = tpu.memref_slice %arg3[%mul3A_4] : memref<16384xi32, #tpu.memory_space<hbm>> -> memref<1024xi32, #tpu.memory_space<hbm>>
      tpu.wait_dma2 semaphore(%run_scoped3A : memref<!tpu.dma_semaphore, #tpu.memory_space<semaphore_mem>>) src(%dma_wait3A_2455 : memref<1024xi32, #tpu.memory_space<hbm>>) dst(%arg8 : memref<1024xi32, #tpu.memory_space<vmem>>)
      tpu.yield
    }) : () -> ()
    %iota3A = tpu.iota {dimensions = array<i32: 0>} : vector<16xi32>
    %multiple_of3A_7 = arith.constant 0 : i32
    %multiple_of3A_8 = tpu.assume_multiple %multiple_of3A_7, 16 : i32
    %get3A = arith.index_cast %multiple_of3A_8 : i32 to index
    %get3A_9 = tpu.vector_load %arg7[%get3A] {strides = array<i32>} : memref<1024xi32, #tpu.memory_space<vmem>>, vector<16xi32>,
    %get3A_10 = arith.index_cast %multiple_of3A_8 : i32 to index
    %get3A_11 = tpu.vector_load %arg8[%get3A_10] {strides = array<i32>} : memref<1024xi32, #tpu.memory_space<vmem>>, vector<16xi32>,
    %slice3A = vector.extract_strided_slice %get3A_9 {offsets = [0], sizes = [1], strides = [1]} : vector<16xi32> to vector<1xi32>
    %squeeze3A = vector.extract %slice3A[0] : i32 from vector<1xi32>
    %shift_right_arithmetic3A_12 = arith.constant 7 : i32
    %shift_right_arithmetic3A_13 = arith.shrsi %squeeze3A, %shift_right_arithmetic3A_12 : i32
    %shift_left3A = arith.constant 7 : i32
    %shift_left3A_14 = arith.shli %shift_right_arithmetic3A_13, %shift_left3A : i32
    %multiple_of3A_15 = tpu.assume_multiple %shift_left3A_14, 128 : i32
    %slice3A_16 = vector.extract_strided_slice %get3A_11 {offsets = [0], sizes = [1], strides = [1]} : vector<16xi32> to vector<1xi32>
    %squeeze3A_17 = vector.extract %slice3A_16[0] : i32 from vector<1xi32>
    %shift_right_arithmetic3A_18 = arith.constant 7 : i32
    %shift_right_arithmetic3A_19 = arith.shrsi %squeeze3A_17, %shift_right_arithmetic3A_18 : i32
    %shift_left3A_20 = arith.constant 7 : i32
    %shift_left3A_21 = arith.shli %shift_right_arithmetic3A_19, %shift_left3A_20 : i32
    %multiple_of3A_22 = tpu.assume_multiple %shift_left3A_21, 128 : i32
    %dma_start3A = arith.constant 0 : i32
    %dma_start3A_23 = arith.constant 0 : i32
    %dma_start3A_24 = tpu.memref_slice %arg9[%dma_start3A, %dma_start3A_23] : memref<384x128xf32, #tpu.memory_space<vmem>> -> memref<8x128xf32, #tpu.memory_space<vmem>>
    %dma_start3A_25 = tpu.memref_slice %arg4[%multiple_of3A, %multiple_of3A_15] : memref<16x1000000xf32, #tpu.memory_space<hbm>> -> memref<8x128xf32, #tpu.memory_space<hbm>>
    %dma_start3A_26 = arith.constant 0 : i32
    %dma_start3A_27 = arith.constant 0 : i32
    %dma_start3A_28 = tpu.memref_slice %arg9[%dma_start3A_26, %dma_start3A_27] : memref<384x128xf32, #tpu.memory_space<vmem>> -> memref<8x128xf32, #tpu.memory_space<vmem>>
    %dma_start3A_29 = tpu.memref_slice %arg4[%multiple_of3A, %multiple_of3A_15] : memref<16x1000000xf32, #tpu.memory_space<hbm>> -> memref<8x128xf32, #tpu.memory_space<hbm>>
    tpu.enqueue_dma source(%dma_start3A_29 : memref<8x128xf32, #tpu.memory_space<hbm>>) target(%dma_start3A_28 : memref<8x128xf32, #tpu.memory_space<vmem>>) target_semaphore(%arg15 : memref<!tpu.dma_semaphore, #tpu.memory_space<semaphore_mem>>)
    %dma_start3A_30 = arith.constant 0 : i32
    %dma_start3A_31 = arith.constant 0 : i32
    %dma_start3A_32 = tpu.memref_slice %arg10[%dma_start3A_30, %dma_start3A_31] : memref<384x128xf32, #tpu.memory_space<vmem>> -> memref<8x128xf32, #tpu.memory_space<vmem>>
    %dma_start3A_33 = tpu.memref_slice %arg5[%multiple_of3A, %multiple_of3A_22] : memref<16x1000000xf32, #tpu.memory_space<hbm>> -> memref<8x128xf32, #tpu.memory_space<hbm>>
    %dma_start3A_34 = arith.constant 0 : i32
    %dma_start3A_35 = arith.constant 0 : i32
    %dma_start3A_36 = tpu.memref_slice %arg10[%dma_start3A_34, %dma_start3A_35] : memref<384x128xf32, #tpu.memory_space<vmem>> -> memref<8x128xf32, #tpu.memory_space<vmem>>
    %dma_start3A_37 = tpu.memref_slice %arg5[%multiple_of3A, %multiple_of3A_22] : memref<16x1000000xf32, #tpu.memory_space<hbm>> -> memref<8x128xf32, #tpu.memory_space<hbm>>
    tpu.enqueue_dma source(%dma_start3A_37 : memref<8x128xf32, #tpu.memory_space<hbm>>) target(%dma_start3A_36 : memref<8x128xf32, #tpu.memory_space<vmem>>) target_semaphore(%arg15 : memref<!tpu.dma_semaphore, #tpu.memory_space<semaphore_mem>>)
    %slice3A_38 = vector.extract_strided_slice %get3A_9 {offsets = [1], sizes = [1], strides = [1]} : vector<16xi32> to vector<1xi32>
    %squeeze3A_39 = vector.extract %slice3A_38[0] : i32 from vector<1xi32>
    %shift_right_arithmetic3A_40 = arith.constant 7 : i32
    %shift_right_arithmetic3A_41 = arith.shrsi %squeeze3A_39, %shift_right_arithmetic3A_40 : i32
    %shift_left3A_42 = arith.constant 7 : i32
    %shift_left3A_43 = arith.shli %shift_right_arithmetic3A_41, %shift_left3A_42 : i32
    %multiple_of3A_44 = tpu.assume_multiple %shift_left3A_43, 128 : i32
    %slice3A_45 = vector.extract_strided_slice %get3A_11 {offsets = [1], sizes = [1], strides = [1]} : vector<16xi32> to vector<1xi32>
    %squeeze3A_46 = vector.extract %slice3A_45[0] : i32 from vector<1xi32>
    %shift_right_arithmetic3A_47 = arith.constant 7 : i32
    %shift_right_arithmetic3A_48 = arith.shrsi %squeeze3A_46, %shift_right_arithmetic3A_47 : i32
    %shift_left3A_49 = arith.constant 7 : i32
    %shift_left3A_50 = arith.shli %shift_right_arithmetic3A_48, %shift_left3A_49 : i32
    %multiple_of3A_51 = tpu.assume_multiple %shift_left3A_50, 128 : i32
    %dma_start3A_52 = arith.constant 8 : i32
    %dma_start3A_53 = arith.constant 0 : i32
    %dma_start3A_54 = tpu.memref_slice %arg9[%dma_start3A_52, %dma_start3A_53] : memref<384x128xf32, #tpu.memory_space<vmem>> -> memref<8x128xf32, #tpu.memory_space<vmem>>
    %dma_start3A_55 = tpu.memref_slice %arg4[%multiple_of3A, %multiple_of3A_44] : memref<16x1000000xf32, #tpu.memory_space<hbm>> -> memref<8x128xf32, #tpu.memory_space<hbm>>
    %dma_start3A_56 = arith.constant 8 : i32
    %dma_start3A_57 = arith.constant 0 : i32
    %dma_start3A_58 = tpu.memref_slice %arg9[%dma_start3A_56, %dma_start3A_57] : memref<384x128xf32, #tpu.memory_space<vmem>> -> memref<8x128xf32, #tpu.memory_space<vmem>>
    %dma_start3A_59 = tpu.memref_slice %arg4[%multiple_of3A, %multiple_of3A_44] : memref<16x1000000xf32, #tpu.memory_space<hbm>> -> memref<8x128xf32, #tpu.memory_space<hbm>>
    tpu.enqueue_dma source(%dma_start3A_59 : memref<8x128xf32, #tpu.memory_space<hbm>>) target(%dma_start3A_58 : memref<8x128xf32, #tpu.memory_space<vmem>>) target_semaphore(%arg15 : memref<!tpu.dma_semaphore, #tpu.memory_space<semaphore_mem>>)
    %dma_start3A_60 = arith.constant 8 : i32
    %dma_start3A_61 = arith.constant 0 : i32
    %dma_start3A_62 = tpu.memref_slice %arg10[%dma_start3A_60, %dma_start3A_61] : memref<384x128xf32, #tpu.memory_space<vmem>> -> memref<8x128xf32, #tpu.memory_space<vmem>>
    %dma_start3A_63 = tpu.memref_slice %arg5[%multiple_of3A, %multiple_of3A_51] : memref<16x1000000xf32, #tpu.memory_space<hbm>> -> memref<8x128xf32, #tpu.memory_space<hbm>>
    %dma_start3A_64 = arith.constant 8 : i32
    %dma_start3A_65 = arith.constant 0 : i32
    %dma_start3A_66 = tpu.memref_slice %arg10[%dma_start3A_64, %dma_start3A_65] : memref<384x128xf32, #tpu.memory_space<vmem>> -> memref<8x128xf32, #tpu.memory_space<vmem>>
    %dma_start3A_67 = tpu.memref_slice %arg5[%multiple_of3A, %multiple_of3A_51] : memref<16x1000000xf32, #tpu.memory_space<hbm>> -> memref<8x128xf32, #tpu.memory_space<hbm>>
    tpu.enqueue_dma source(%dma_start3A_67 : memref<8x128xf32, #tpu.memory_space<hbm>>) target(%dma_start3A_66 : memref<8x128xf32, #tpu.memory_space<vmem>>) target_semaphore(%arg15 : memref<!tpu.dma_semaphore, #tpu.memory_space<semaphore_mem>>)
    %slice3A_68 = vector.extract_strided_slice %get3A_9 {offsets = [2], sizes = [1], strides = [1]} : vector<16xi32> to vector<1xi32>
    %squeeze3A_69 = vector.extract %slice3A_68[0] : i32 from vector<1xi32>
    %shift_right_arithmetic3A_70 = arith.constant 7 : i32
    %shift_right_arithmetic3A_71 = arith.shrsi %squeeze3A_69, %shift_right_arithmetic3A_70 : i32
    %shift_left3A_72 = arith.constant 7 : i32
    %shift_left3A_73 = arith.shli %shift_right_arithmetic3A_71, %shift_left3A_72 : i32
    %multiple_of3A_74 = tpu.assume_multiple %shift_left3A_73, 128 : i32
    %slice3A_75 = vector.extract_strided_slice %get3A_11 {offsets = [2], sizes = [1], strides = [1]} : vector<16xi32> to vector<1xi32>
    %squeeze3A_76 = vector.extract %slice3A_75[0] : i32 from vector<1xi32>
    %shift_right_arithmetic3A_77 = arith.constant 7 : i32
    %shift_right_arithmetic3A_78 = arith.shrsi %squeeze3A_76, %shift_right_arithmetic3A_77 : i32
    %shift_left3A_79 = arith.constant 7 : i32
    %shift_left3A_80 = arith.shli %shift_right_arithmetic3A_78, %shift_left3A_79 : i32
    %multiple_of3A_81 = tpu.assume_multiple %shift_left3A_80, 128 : i32
    %dma_start3A_82 = arith.constant 16 : i32
    %dma_start3A_83 = arith.constant 0 : i32
    %dma_start3A_84 = tpu.memref_slice %arg9[%dma_start3A_82, %dma_start3A_83] : memref<384x128xf32, #tpu.memory_space<vmem>> -> memref<8x128xf32, #tpu.memory_space<vmem>>
    %dma_start3A_85 = tpu.memref_slice %arg4[%multiple_of3A, %multiple_of3A_74] : memref<16x1000000xf32, #tpu.memory_space<hbm>> -> memref<8x128xf32, #tpu.memory_space<hbm>>
    %dma_start3A_86 = arith.constant 16 : i32
    %dma_start3A_87 = arith.constant 0 : i32
    %dma_start3A_88 = tpu.memref_slice %arg9[%dma_start3A_86, %dma_start3A_87] : memref<384x128xf32, #tpu.memory_space<vmem>> -> memref<8x128xf32, #tpu.memory_space<vmem>>
    %dma_start3A_89 = tpu.memref_slice %arg4[%multiple_of3A, %multiple_of3A_74] : memref<16x1000000xf32, #tpu.memory_space<hbm>> -> memref<8x128xf32, #tpu.memory_space<hbm>>
    tpu.enqueue_dma source(%dma_start3A_89 : memref<8x128xf32, #tpu.memory_space<hbm>>) target(%dma_start3A_88 : memref<8x128xf32, #tpu.memory_space<vmem>>) target_semaphore(%arg15 : memref<!tpu.dma_semaphore, #tpu.memory_space<semaphore_mem>>)
    %dma_start3A_90 = arith.constant 16 : i32
    %dma_start3A_91 = arith.constant 0 : i32
    %dma_start3A_92 = tpu.memref_slice %arg10[%dma_start3A_90, %dma_start3A_91] : memref<384x128xf32, #tpu.memory_space<vmem>> -> memref<8x128xf32, #tpu.memory_space<vmem>>
    %dma_start3A_93 = tpu.memref_slice %arg5[%multiple_of3A, %multiple_of3A_81] : memref<16x1000000xf32, #tpu.memory_space<hbm>> -> memref<8x128xf32, #tpu.memory_space<hbm>>
    %dma_start3A_94 = arith.constant 16 : i32
    %dma_start3A_95 = arith.constant 0 : i32
    %dma_start3A_96 = tpu.memref_slice %arg10[%dma_start3A_94, %dma_start3A_95] : memref<384x128xf32, #tpu.memory_space<vmem>> -> memref<8x128xf32, #tpu.memory_space<vmem>>
    %dma_start3A_97 = tpu.memref_slice %arg5[%multiple_of3A, %multiple_of3A_81] : memref<16x1000000xf32, #tpu.memory_space<hbm>> -> memref<8x128xf32, #tpu.memory_space<hbm>>
    tpu.enqueue_dma source(%dma_start3A_97 : memref<8x128xf32, #tpu.memory_space<hbm>>) target(%dma_start3A_96 : memref<8x128xf32, #tpu.memory_space<vmem>>) target_semaphore(%arg15 : memref<!tpu.dma_semaphore, #tpu.memory_space<semaphore_mem>>)
    %slice3A_98 = vector.extract_strided_slice %get3A_9 {offsets = [3], sizes = [1], strides = [1]} : vector<16xi32> to vector<1xi32>
    %squeeze3A_99 = vector.extract %slice3A_98[0] : i32 from vector<1xi32>
    %shift_right_arithmetic3A_100 = arith.constant 7 : i32
    %shift_right_arithmetic3A_101 = arith.shrsi %squeeze3A_99, %shift_right_arithmetic3A_100 : i32
    %shift_left3A_102 = arith.constant 7 : i32
    %shift_left3A_103 = arith.shli %shift_right_arithmetic3A_101, %shift_left3A_102 : i32
    %multiple_of3A_104 = tpu.assume_multiple %shift_left3A_103, 128 : i32
    %slice3A_105 = vector.extract_strided_slice %get3A_11 {offsets = [3], sizes = [1], strides = [1]} : vector<16xi32> to vector<1xi32>
    %squeeze3A_106 = vector.extract %slice3A_105[0] : i32 from vector<1xi32>
    %shift_right_arithmetic3A_107 = arith.constant 7 : i32
    %shift_right_arithmetic3A_108 = arith.shrsi %squeeze3A_106, %shift_right_arithmetic3A_107 : i32
    %shift_left3A_109 = arith.constant 7 : i32
    %shift_left3A_110 = arith.shli %shift_right_arithmetic3A_108, %shift_left3A_109 : i32
    %multiple_of3A_111 = tpu.assume_multiple %shift_left3A_110, 128 : i32
    %dma_start3A_112 = arith.constant 24 : i32
    %dma_start3A_113 = arith.constant 0 : i32
    %dma_start3A_114 = tpu.memref_slice %arg9[%dma_start3A_112, %dma_start3A_113] : memref<384x128xf32, #tpu.memory_space<vmem>> -> memref<8x128xf32, #tpu.memory_space<vmem>>
    %dma_start3A_115 = tpu.memref_slice %arg4[%multiple_of3A, %multiple_of3A_104] : memref<16x1000000xf32, #tpu.memory_space<hbm>> -> memref<8x128xf32, #tpu.memory_space<hbm>>
    %dma_start3A_116 = arith.constant 24 : i32
    %dma_start3A_117 = arith.constant 0 : i32
    %dma_start3A_118 = tpu.memref_slice %arg9[%dma_start3A_116, %dma_start3A_117] : memref<384x128xf32, #tpu.memory_space<vmem>> -> memref<8x128xf32, #tpu.memory_space<vmem>>
    %dma_start3A_119 = tpu.memref_slice %arg4[%multiple_of3A, %multiple_of3A_104] : memref<16x1000000xf32, #tpu.memory_space<hbm>> -> memref<8x128xf32, #tpu.memory_space<hbm>>
    tpu.enqueue_dma source(%dma_start3A_119 : memref<8x128xf32, #tpu.memory_space<hbm>>) target(%dma_start3A_118 : memref<8x128xf32, #tpu.memory_space<vmem>>) target_semaphore(%arg15 : memref<!tpu.dma_semaphore, #tpu.memory_space<semaphore_mem>>)
    %dma_start3A_120 = arith.constant 24 : i32
    %dma_start3A_121 = arith.constant 0 : i32
    %dma_start3A_122 = tpu.memref_slice %arg10[%dma_start3A_120, %dma_start3A_121] : memref<384x128xf32, #tpu.memory_space<vmem>> -> memref<8x128xf32, #tpu.memory_space<vmem>>
    %dma_start3A_123 = tpu.memref_slice %arg5[%multiple_of3A, %multiple_of3A_111] : memref<16x1000000xf32, #tpu.memory_space<hbm>> -> memref<8x128xf32, #tpu.memory_space<hbm>>
    %dma_start3A_124 = arith.constant 24 : i32
    %dma_start3A_125 = arith.constant 0 : i32
    %dma_start3A_126 = tpu.memref_slice %arg10[%dma_start3A_124, %dma_start3A_125] : memref<384x128xf32, #tpu.memory_space<vmem>> -> memref<8x128xf32, #tpu.memory_space<vmem>>
    %dma_start3A_127 = tpu.memref_slice %arg5[%multiple_of3A, %multiple_of3A_111] : memref<16x1000000xf32, #tpu.memory_space<hbm>> -> memref<8x128xf32, #tpu.memory_space<hbm>>
    tpu.enqueue_dma source(%dma_start3A_127 : memref<8x128xf32, #tpu.memory_space<hbm>>) target(%dma_start3A_126 : memref<8x128xf32, #tpu.memory_space<vmem>>) target_semaphore(%arg15 : memref<!tpu.dma_semaphore, #tpu.memory_space<semaphore_mem>>)
    %slice3A_128 = vector.extract_strided_slice %get3A_9 {offsets = [4], sizes = [1], strides = [1]} : vector<16xi32> to vector<1xi32>
    %squeeze3A_129 = vector.extract %slice3A_128[0] : i32 from vector<1xi32>
    %shift_right_arithmetic3A_130 = arith.constant 7 : i32
    %shift_right_arithmetic3A_131 = arith.shrsi %squeeze3A_129, %shift_right_arithmetic3A_130 : i32
    %shift_left3A_132 = arith.constant 7 : i32
    %shift_left3A_133 = arith.shli %shift_right_arithmetic3A_131, %shift_left3A_132 : i32
    %multiple_of3A_134 = tpu.assume_multiple %shift_left3A_133, 128 : i32
    %slice3A_135 = vector.extract_strided_slice %get3A_11 {offsets = [4], sizes = [1], strides = [1]} : vector<16xi32> to vector<1xi32>
    %squeeze3A_136 = vector.extract %slice3A_135[0] : i32 from vector<1xi32>
    %shift_right_arithmetic3A_137 = arith.constant 7 : i32
    %shift_right_arithmetic3A_138 = arith.shrsi %squeeze3A_136, %shift_right_arithmetic3A_137 : i32
    %shift_left3A_139 = arith.constant 7 : i32
    %shift_left3A_140 = arith.shli %shift_right_arithmetic3A_138, %shift_left3A_139 : i32
    %multiple_of3A_141 = tpu.assume_multiple %shift_left3A_140, 128 : i32
    %dma_start3A_142 = arith.constant 32 : i32
    %dma_start3A_143 = arith.constant 0 : i32
    %dma_start3A_144 = tpu.memref_slice %arg9[%dma_start3A_142, %dma_start3A_143] : memref<384x128xf32, #tpu.memory_space<vmem>> -> memref<8x128xf32, #tpu.memory_space<vmem>>
    %dma_start3A_145 = tpu.memref_slice %arg4[%multiple_of3A, %multiple_of3A_134] : memref<16x1000000xf32, #tpu.memory_space<hbm>> -> memref<8x128xf32, #tpu.memory_space<hbm>>
    %dma_start3A_146 = arith.constant 32 : i32
    %dma_start3A_147 = arith.constant 0 : i32
    %dma_start3A_148 = tpu.memref_slice %arg9[%dma_start3A_146, %dma_start3A_147] : memref<384x128xf32, #tpu.memory_space<vmem>> -> memref<8x128xf32, #tpu.memory_space<vmem>>
    %dma_start3A_149 = tpu.memref_slice %arg4[%multiple_of3A, %multiple_of3A_134] : memref<16x1000000xf32, #tpu.memory_space<hbm>> -> memref<8x128xf32, #tpu.memory_space<hbm>>
    tpu.enqueue_dma source(%dma_start3A_149 : memref<8x128xf32, #tpu.memory_space<hbm>>) target(%dma_start3A_148 : memref<8x128xf32, #tpu.memory_space<vmem>>) target_semaphore(%arg15 : memref<!tpu.dma_semaphore, #tpu.memory_space<semaphore_mem>>)
    %dma_start3A_150 = arith.constant 32 : i32
    %dma_start3A_151 = arith.constant 0 : i32
    %dma_start3A_152 = tpu.memref_slice %arg10[%dma_start3A_150, %dma_start3A_151] : memref<384x128xf32, #tpu.memory_space<vmem>> -> memref<8x128xf32, #tpu.memory_space<vmem>>
    %dma_start3A_153 = tpu.memref_slice %arg5[%multiple_of3A, %multiple_of3A_141] : memref<16x1000000xf32, #tpu.memory_space<hbm>> -> memref<8x128xf32, #tpu.memory_space<hbm>>
    %dma_start3A_154 = arith.constant 32 : i32
    %dma_start3A_155 = arith.constant 0 : i32
    %dma_start3A_156 = tpu.memref_slice %arg10[%dma_start3A_154, %dma_start3A_155] : memref<384x128xf32, #tpu.memory_space<vmem>> -> memref<8x128xf32, #tpu.memory_space<vmem>>
    %dma_start3A_157 = tpu.memref_slice %arg5[%multiple_of3A, %multiple_of3A_141] : memref<16x1000000xf32, #tpu.memory_space<hbm>> -> memref<8x128xf32, #tpu.memory_space<hbm>>
    tpu.enqueue_dma source(%dma_start3A_157 : memref<8x128xf32, #tpu.memory_space<hbm>>) target(%dma_start3A_156 : memref<8x128xf32, #tpu.memory_space<vmem>>) target_semaphore(%arg15 : memref<!tpu.dma_semaphore, #tpu.memory_space<semaphore_mem>>)
    %slice3A_158 = vector.extract_strided_slice %get3A_9 {offsets = [5], sizes = [1], strides = [1]} : vector<16xi32> to vector<1xi32>
    %squeeze3A_159 = vector.extract %slice3A_158[0] : i32 from vector<1xi32>
    %shift_right_arithmetic3A_160 = arith.constant 7 : i32
    %shift_right_arithmetic3A_161 = arith.shrsi %squeeze3A_159, %shift_right_arithmetic3A_160 : i32
    %shift_left3A_162 = arith.constant 7 : i32
    %shift_left3A_163 = arith.shli %shift_right_arithmetic3A_161, %shift_left3A_162 : i32
    %multiple_of3A_164 = tpu.assume_multiple %shift_left3A_163, 128 : i32
    %slice3A_165 = vector.extract_strided_slice %get3A_11 {offsets = [5], sizes = [1], strides = [1]} : vector<16xi32> to vector<1xi32>
    %squeeze3A_166 = vector.extract %slice3A_165[0] : i32 from vector<1xi32>
    %shift_right_arithmetic3A_167 = arith.constant 7 : i32
    %shift_right_arithmetic3A_168 = arith.shrsi %squeeze3A_166, %shift_right_arithmetic3A_167 : i32
    %shift_left3A_169 = arith.constant 7 : i32
    %shift_left3A_170 = arith.shli %shift_right_arithmetic3A_168, %shift_left3A_169 : i32
    %multiple_of3A_171 = tpu.assume_multiple %shift_left3A_170, 128 : i32
    %dma_start3A_172 = arith.constant 40 : i32
    %dma_start3A_173 = arith.constant 0 : i32
    %dma_start3A_174 = tpu.memref_slice %arg9[%dma_start3A_172, %dma_start3A_173] : memref<384x128xf32, #tpu.memory_space<vmem>> -> memref<8x128xf32, #tpu.memory_space<vmem>>
    %dma_start3A_175 = tpu.memref_slice %arg4[%multiple_of3A, %multiple_of3A_164] : memref<16x1000000xf32, #tpu.memory_space<hbm>> -> memref<8x128xf32, #tpu.memory_space<hbm>>
    %dma_start3A_176 = arith.constant 40 : i32
    %dma_start3A_177 = arith.constant 0 : i32
    %dma_start3A_178 = tpu.memref_slice %arg9[%dma_start3A_176, %dma_start3A_177] : memref<384x128xf32, #tpu.memory_space<vmem>> -> memref<8x128xf32, #tpu.memory_space<vmem>>
    %dma_start3A_179 = tpu.memref_slice %arg4[%multiple_of3A, %multiple_of3A_164] : memref<16x1000000xf32, #tpu.memory_space<hbm>> -> memref<8x128xf32, #tpu.memory_space<hbm>>
    tpu.enqueue_dma source(%dma_start3A_179 : memref<8x128xf32, #tpu.memory_space<hbm>>) target(%dma_start3A_178 : memref<8x128xf32, #tpu.memory_space<vmem>>) target_semaphore(%arg15 : memref<!tpu.dma_semaphore, #tpu.memory_space<semaphore_mem>>)
    %dma_start3A_180 = arith.constant 40 : i32
    %dma_start3A_181 = arith.constant 0 : i32
    %dma_start3A_182 = tpu.memref_slice %arg10[%dma_start3A_180, %dma_start3A_181] : memref<384x128xf32, #tpu.memory_space<vmem>> -> memref<8x128xf32, #tpu.memory_space<vmem>>
    %dma_start3A_183 = tpu.memref_slice %arg5[%multiple_of3A, %multiple_of3A_171] : memref<16x1000000xf32, #tpu.memory_space<hbm>> -> memref<8x128xf32, #tpu.memory_space<hbm>>
    %dma_start3A_184 = arith.constant 40 : i32
    %dma_start3A_185 = arith.constant 0 : i32
    %dma_start3A_186 = tpu.memref_slice %arg10[%dma_start3A_184, %dma_start3A_185] : memref<384x128xf32, #tpu.memory_space<vmem>> -> memref<8x128xf32, #tpu.memory_space<vmem>>
    %dma_start3A_187 = tpu.memref_slice %arg5[%multiple_of3A, %multiple_of3A_171] : memref<16x1000000xf32, #tpu.memory_space<hbm>> -> memref<8x128xf32, #tpu.memory_space<hbm>>
    tpu.enqueue_dma source(%dma_start3A_187 : memref<8x128xf32, #tpu.memory_space<hbm>>) target(%dma_start3A_186 : memref<8x128xf32, #tpu.memory_space<vmem>>) target_semaphore(%arg15 : memref<!tpu.dma_semaphore, #tpu.memory_space<semaphore_mem>>)
    %slice3A_188 = vector.extract_strided_slice %get3A_9 {offsets = [6], sizes = [1], strides = [1]} : vector<16xi32> to vector<1xi32>
    %squeeze3A_189 = vector.extract %slice3A_188[0] : i32 from vector<1xi32>
    %shift_right_arithmetic3A_190 = arith.constant 7 : i32
    %shift_right_arithmetic3A_191 = arith.shrsi %squeeze3A_189, %shift_right_arithmetic3A_190 : i32
    %shift_left3A_192 = arith.constant 7 : i32
    %shift_left3A_193 = arith.shli %shift_right_arithmetic3A_191, %shift_left3A_192 : i32
    %multiple_of3A_194 = tpu.assume_multiple %shift_left3A_193, 128 : i32
    %slice3A_195 = vector.extract_strided_slice %get3A_11 {offsets = [6], sizes = [1], strides = [1]} : vector<16xi32> to vector<1xi32>
    %squeeze3A_196 = vector.extract %slice3A_195[0] : i32 from vector<1xi32>
    %shift_right_arithmetic3A_197 = arith.constant 7 : i32
    %shift_right_arithmetic3A_198 = arith.shrsi %squeeze3A_196, %shift_right_arithmetic3A_197 : i32
    %shift_left3A_199 = arith.constant 7 : i32
    %shift_left3A_200 = arith.shli %shift_right_arithmetic3A_198, %shift_left3A_199 : i32
    %multiple_of3A_201 = tpu.assume_multiple %shift_left3A_200, 128 : i32
    %dma_start3A_202 = arith.constant 48 : i32
    %dma_start3A_203 = arith.constant 0 : i32
    %dma_start3A_204 = tpu.memref_slice %arg9[%dma_start3A_202, %dma_start3A_203] : memref<384x128xf32, #tpu.memory_space<vmem>> -> memref<8x128xf32, #tpu.memory_space<vmem>>
    %dma_start3A_205 = tpu.memref_slice %arg4[%multiple_of3A, %multiple_of3A_194] : memref<16x1000000xf32, #tpu.memory_space<hbm>> -> memref<8x128xf32, #tpu.memory_space<hbm>>
    %dma_start3A_206 = arith.constant 48 : i32
    %dma_start3A_207 = arith.constant 0 : i32
    %dma_start3A_208 = tpu.memref_slice %arg9[%dma_start3A_206, %dma_start3A_207] : memref<384x128xf32, #tpu.memory_space<vmem>> -> memref<8x128xf32, #tpu.memory_space<vmem>>
    %dma_start3A_209 = tpu.memref_slice %arg4[%multiple_of3A, %multiple_of3A_194] : memref<16x1000000xf32, #tpu.memory_space<hbm>> -> memref<8x128xf32, #tpu.memory_space<hbm>>
    tpu.enqueue_dma source(%dma_start3A_209 : memref<8x128xf32, #tpu.memory_space<hbm>>) target(%dma_start3A_208 : memref<8x128xf32, #tpu.memory_space<vmem>>) target_semaphore(%arg15 : memref<!tpu.dma_semaphore, #tpu.memory_space<semaphore_mem>>)
    %dma_start3A_210 = arith.constant 48 : i32
    %dma_start3A_211 = arith.constant 0 : i32
    %dma_start3A_212 = tpu.memref_slice %arg10[%dma_start3A_210, %dma_start3A_211] : memref<384x128xf32, #tpu.memory_space<vmem>> -> memref<8x128xf32, #tpu.memory_space<vmem>>
    %dma_start3A_213 = tpu.memref_slice %arg5[%multiple_of3A, %multiple_of3A_201] : memref<16x1000000xf32, #tpu.memory_space<hbm>> -> memref<8x128xf32, #tpu.memory_space<hbm>>
    %dma_start3A_214 = arith.constant 48 : i32
    %dma_start3A_215 = arith.constant 0 : i32
    %dma_start3A_216 = tpu.memref_slice %arg10[%dma_start3A_214, %dma_start3A_215] : memref<384x128xf32, #tpu.memory_space<vmem>> -> memref<8x128xf32, #tpu.memory_space<vmem>>
    %dma_start3A_217 = tpu.memref_slice %arg5[%multiple_of3A, %multiple_of3A_201] : memref<16x1000000xf32, #tpu.memory_space<hbm>> -> memref<8x128xf32, #tpu.memory_space<hbm>>
    tpu.enqueue_dma source(%dma_start3A_217 : memref<8x128xf32, #tpu.memory_space<hbm>>) target(%dma_start3A_216 : memref<8x128xf32, #tpu.memory_space<vmem>>) target_semaphore(%arg15 : memref<!tpu.dma_semaphore, #tpu.memory_space<semaphore_mem>>)
    %slice3A_218 = vector.extract_strided_slice %get3A_9 {offsets = [7], sizes = [1], strides = [1]} : vector<16xi32> to vector<1xi32>
    %squeeze3A_219 = vector.extract %slice3A_218[0] : i32 from vector<1xi32>
    %shift_right_arithmetic3A_220 = arith.constant 7 : i32
    %shift_right_arithmetic3A_221 = arith.shrsi %squeeze3A_219, %shift_right_arithmetic3A_220 : i32
    %shift_left3A_222 = arith.constant 7 : i32
    %shift_left3A_223 = arith.shli %shift_right_arithmetic3A_221, %shift_left3A_222 : i32
    %multiple_of3A_224 = tpu.assume_multiple %shift_left3A_223, 128 : i32
    %slice3A_225 = vector.extract_strided_slice %get3A_11 {offsets = [7], sizes = [1], strides = [1]} : vector<16xi32> to vector<1xi32>
    %squeeze3A_226 = vector.extract %slice3A_225[0] : i32 from vector<1xi32>
    %shift_right_arithmetic3A_227 = arith.constant 7 : i32
    %shift_right_arithmetic3A_228 = arith.shrsi %squeeze3A_226, %shift_right_arithmetic3A_227 : i32
    %shift_left3A_229 = arith.constant 7 : i32
    %shift_left3A_230 = arith.shli %shift_right_arithmetic3A_228, %shift_left3A_229 : i32
    %multiple_of3A_231 = tpu.assume_multiple %shift_left3A_230, 128 : i32
    %dma_start3A_232 = arith.constant 56 : i32
    %dma_start3A_233 = arith.constant 0 : i32
    %dma_start3A_234 = tpu.memref_slice %arg9[%dma_start3A_232, %dma_start3A_233] : memref<384x128xf32, #tpu.memory_space<vmem>> -> memref<8x128xf32, #tpu.memory_space<vmem>>
    %dma_start3A_235 = tpu.memref_slice %arg4[%multiple_of3A, %multiple_of3A_224] : memref<16x1000000xf32, #tpu.memory_space<hbm>> -> memref<8x128xf32, #tpu.memory_space<hbm>>
    %dma_start3A_236 = arith.constant 56 : i32
    %dma_start3A_237 = arith.constant 0 : i32
    %dma_start3A_238 = tpu.memref_slice %arg9[%dma_start3A_236, %dma_start3A_237] : memref<384x128xf32, #tpu.memory_space<vmem>> -> memref<8x128xf32, #tpu.memory_space<vmem>>
    %dma_start3A_239 = tpu.memref_slice %arg4[%multiple_of3A, %multiple_of3A_224] : memref<16x1000000xf32, #tpu.memory_space<hbm>> -> memref<8x128xf32, #tpu.memory_space<hbm>>
    tpu.enqueue_dma source(%dma_start3A_239 : memref<8x128xf32, #tpu.memory_space<hbm>>) target(%dma_start3A_238 : memref<8x128xf32, #tpu.memory_space<vmem>>) target_semaphore(%arg15 : memref<!tpu.dma_semaphore, #tpu.memory_space<semaphore_mem>>)
    %dma_start3A_240 = arith.constant 56 : i32
    %dma_start3A_241 = arith.constant 0 : i32
    %dma_start3A_242 = tpu.memref_slice %arg10[%dma_start3A_240, %dma_start3A_241] : memref<384x128xf32, #tpu.memory_space<vmem>> -> memref<8x128xf32, #tpu.memory_space<vmem>>
    %dma_start3A_243 = tpu.memref_slice %arg5[%multiple_of3A, %multiple_of3A_231] : memref<16x1000000xf32, #tpu.memory_space<hbm>> -> memref<8x128xf32, #tpu.memory_space<hbm>>
    %dma_start3A_244 = arith.constant 56 : i32
    %dma_start3A_245 = arith.constant 0 : i32
    %dma_start3A_246 = tpu.memref_slice %arg10[%dma_start3A_244, %dma_start3A_245] : memref<384x128xf32, #tpu.memory_space<vmem>> -> memref<8x128xf32, #tpu.memory_space<vmem>>
    %dma_start3A_247 = tpu.memref_slice %arg5[%multiple_of3A, %multiple_of3A_231] : memref<16x1000000xf32, #tpu.memory_space<hbm>> -> memref<8x128xf32, #tpu.memory_space<hbm>>
    tpu.enqueue_dma source(%dma_start3A_247 : memref<8x128xf32, #tpu.memory_space<hbm>>) target(%dma_start3A_246 : memref<8x128xf32, #tpu.memory_space<vmem>>) target_semaphore(%arg15 : memref<!tpu.dma_semaphore, #tpu.memory_space<semaphore_mem>>)
    %slice3A_248 = vector.extract_strided_slice %get3A_9 {offsets = [8], sizes = [1], strides = [1]} : vector<16xi32> to vector<1xi32>
    %squeeze3A_249 = vector.extract %slice3A_248[0] : i32 from vector<1xi32>
    %shift_right_arithmetic3A_250 = arith.constant 7 : i32
    %shift_right_arithmetic3A_251 = arith.shrsi %squeeze3A_249, %shift_right_arithmetic3A_250 : i32
    %shift_left3A_252 = arith.constant 7 : i32
    %shift_left3A_253 = arith.shli %shift_right_arithmetic3A_251, %shift_left3A_252 : i32
    %multiple_of3A_254 = tpu.assume_multiple %shift_left3A_253, 128 : i32
    %slice3A_255 = vector.extract_strided_slice %get3A_11 {offsets = [8], sizes = [1], strides = [1]} : vector<16xi32> to vector<1xi32>
    %squeeze3A_256 = vector.extract %slice3A_255[0] : i32 from vector<1xi32>
    %shift_right_arithmetic3A_257 = arith.constant 7 : i32
    %shift_right_arithmetic3A_258 = arith.shrsi %squeeze3A_256, %shift_right_arithmetic3A_257 : i32
    %shift_left3A_259 = arith.constant 7 : i32
    %shift_left3A_260 = arith.shli %shift_right_arithmetic3A_258, %shift_left3A_259 : i32
    %multiple_of3A_261 = tpu.assume_multiple %shift_left3A_260, 128 : i32
    %dma_start3A_262 = arith.constant 64 : i32
    %dma_start3A_263 = arith.constant 0 : i32
    %dma_start3A_264 = tpu.memref_slice %arg9[%dma_start3A_262, %dma_start3A_263] : memref<384x128xf32, #tpu.memory_space<vmem>> -> memref<8x128xf32, #tpu.memory_space<vmem>>
    %dma_start3A_265 = tpu.memref_slice %arg4[%multiple_of3A, %multiple_of3A_254] : memref<16x1000000xf32, #tpu.memory_space<hbm>> -> memref<8x128xf32, #tpu.memory_space<hbm>>
    %dma_start3A_266 = arith.constant 64 : i32
    %dma_start3A_267 = arith.constant 0 : i32
    %dma_start3A_268 = tpu.memref_slice %arg9[%dma_start3A_266, %dma_start3A_267] : memref<384x128xf32, #tpu.memory_space<vmem>> -> memref<8x128xf32, #tpu.memory_space<vmem>>
    %dma_start3A_269 = tpu.memref_slice %arg4[%multiple_of3A, %multiple_of3A_254] : memref<16x1000000xf32, #tpu.memory_space<hbm>> -> memref<8x128xf32, #tpu.memory_space<hbm>>
    tpu.enqueue_dma source(%dma_start3A_269 : memref<8x128xf32, #tpu.memory_space<hbm>>) target(%dma_start3A_268 : memref<8x128xf32, #tpu.memory_space<vmem>>) target_semaphore(%arg15 : memref<!tpu.dma_semaphore, #tpu.memory_space<semaphore_mem>>)
    %dma_start3A_270 = arith.constant 64 : i32
    %dma_start3A_271 = arith.constant 0 : i32
    %dma_start3A_272 = tpu.memref_slice %arg10[%dma_start3A_270, %dma_start3A_271] : memref<384x128xf32, #tpu.memory_space<vmem>> -> memref<8x128xf32, #tpu.memory_space<vmem>>
    %dma_start3A_273 = tpu.memref_slice %arg5[%multiple_of3A, %multiple_of3A_261] : memref<16x1000000xf32, #tpu.memory_space<hbm>> -> memref<8x128xf32, #tpu.memory_space<hbm>>
    %dma_start3A_274 = arith.constant 64 : i32
    %dma_start3A_275 = arith.constant 0 : i32
    %dma_start3A_276 = tpu.memref_slice %arg10[%dma_start3A_274, %dma_start3A_275] : memref<384x128xf32, #tpu.memory_space<vmem>> -> memref<8x128xf32, #tpu.memory_space<vmem>>
    %dma_start3A_277 = tpu.memref_slice %arg5[%multiple_of3A, %multiple_of3A_261] : memref<16x1000000xf32, #tpu.memory_space<hbm>> -> memref<8x128xf32, #tpu.memory_space<hbm>>
    tpu.enqueue_dma source(%dma_start3A_277 : memref<8x128xf32, #tpu.memory_space<hbm>>) target(%dma_start3A_276 : memref<8x128xf32, #tpu.memory_space<vmem>>) target_semaphore(%arg15 : memref<!tpu.dma_semaphore, #tpu.memory_space<semaphore_mem>>)
    %slice3A_278 = vector.extract_strided_slice %get3A_9 {offsets = [9], sizes = [1], strides = [1]} : vector<16xi32> to vector<1xi32>
    %squeeze3A_279 = vector.extract %slice3A_278[0] : i32 from vector<1xi32>
    %shift_right_arithmetic3A_280 = arith.constant 7 : i32
    %shift_right_arithmetic3A_281 = arith.shrsi %squeeze3A_279, %shift_right_arithmetic3A_280 : i32
    %shift_left3A_282 = arith.constant 7 : i32
    %shift_left3A_283 = arith.shli %shift_right_arithmetic3A_281, %shift_left3A_282 : i32
    %multiple_of3A_284 = tpu.assume_multiple %shift_left3A_283, 128 : i32
    %slice3A_285 = vector.extract_strided_slice %get3A_11 {offsets = [9], sizes = [1], strides = [1]} : vector<16xi32> to vector<1xi32>
    %squeeze3A_286 = vector.extract %slice3A_285[0] : i32 from vector<1xi32>
    %shift_right_arithmetic3A_287 = arith.constant 7 : i32
    %shift_right_arithmetic3A_288 = arith.shrsi %squeeze3A_286, %shift_right_arithmetic3A_287 : i32
    %shift_left3A_289 = arith.constant 7 : i32
    %shift_left3A_290 = arith.shli %shift_right_arithmetic3A_288, %shift_left3A_289 : i32
    %multiple_of3A_291 = tpu.assume_multiple %shift_left3A_290, 128 : i32
    %dma_start3A_292 = arith.constant 72 : i32
    %dma_start3A_293 = arith.constant 0 : i32
    %dma_start3A_294 = tpu.memref_slice %arg9[%dma_start3A_292, %dma_start3A_293] : memref<384x128xf32, #tpu.memory_space<vmem>> -> memref<8x128xf32, #tpu.memory_space<vmem>>
    %dma_start3A_295 = tpu.memref_slice %arg4[%multiple_of3A, %multiple_of3A_284] : memref<16x1000000xf32, #tpu.memory_space<hbm>> -> memref<8x128xf32, #tpu.memory_space<hbm>>
    %dma_start3A_296 = arith.constant 72 : i32
    %dma_start3A_297 = arith.constant 0 : i32
    %dma_start3A_298 = tpu.memref_slice %arg9[%dma_start3A_296, %dma_start3A_297] : memref<384x128xf32, #tpu.memory_space<vmem>> -> memref<8x128xf32, #tpu.memory_space<vmem>>
    %dma_start3A_299 = tpu.memref_slice %arg4[%multiple_of3A, %multiple_of3A_284] : memref<16x1000000xf32, #tpu.memory_space<hbm>> -> memref<8x128xf32, #tpu.memory_space<hbm>>
    tpu.enqueue_dma source(%dma_start3A_299 : memref<8x128xf32, #tpu.memory_space<hbm>>) target(%dma_start3A_298 : memref<8x128xf32, #tpu.memory_space<vmem>>) target_semaphore(%arg15 : memref<!tpu.dma_semaphore, #tpu.memory_space<semaphore_mem>>)
    %dma_start3A_300 = arith.constant 72 : i32
    %dma_start3A_301 = arith.constant 0 : i32
    %dma_start3A_302 = tpu.memref_slice %arg10[%dma_start3A_300, %dma_start3A_301] : memref<384x128xf32, #tpu.memory_space<vmem>> -> memref<8x128xf32, #tpu.memory_space<vmem>>
    %dma_start3A_303 = tpu.memref_slice %arg5[%multiple_of3A, %multiple_of3A_291] : memref<16x1000000xf32, #tpu.memory_space<hbm>> -> memref<8x128xf32, #tpu.memory_space<hbm>>
    %dma_start3A_304 = arith.constant 72 : i32
    %dma_start3A_305 = arith.constant 0 : i32
    %dma_start3A_306 = tpu.memref_slice %arg10[%dma_start3A_304, %dma_start3A_305] : memref<384x128xf32, #tpu.memory_space<vmem>> -> memref<8x128xf32, #tpu.memory_space<vmem>>
    %dma_start3A_307 = tpu.memref_slice %arg5[%multiple_of3A, %multiple_of3A_291] : memref<16x1000000xf32, #tpu.memory_space<hbm>> -> memref<8x128xf32, #tpu.memory_space<hbm>>
    tpu.enqueue_dma source(%dma_start3A_307 : memref<8x128xf32, #tpu.memory_space<hbm>>) target(%dma_start3A_306 : memref<8x128xf32, #tpu.memory_space<vmem>>) target_semaphore(%arg15 : memref<!tpu.dma_semaphore, #tpu.memory_space<semaphore_mem>>)
    %slice3A_308 = vector.extract_strided_slice %get3A_9 {offsets = [10], sizes = [1], strides = [1]} : vector<16xi32> to vector<1xi32>
    %squeeze3A_309 = vector.extract %slice3A_308[0] : i32 from vector<1xi32>
    %shift_right_arithmetic3A_310 = arith.constant 7 : i32
    %shift_right_arithmetic3A_311 = arith.shrsi %squeeze3A_309, %shift_right_arithmetic3A_310 : i32
    %shift_left3A_312 = arith.constant 7 : i32
    %shift_left3A_313 = arith.shli %shift_right_arithmetic3A_311, %shift_left3A_312 : i32
    %multiple_of3A_314 = tpu.assume_multiple %shift_left3A_313, 128 : i32
    %slice3A_315 = vector.extract_strided_slice %get3A_11 {offsets = [10], sizes = [1], strides = [1]} : vector<16xi32> to vector<1xi32>
    %squeeze3A_316 = vector.extract %slice3A_315[0] : i32 from vector<1xi32>
    %shift_right_arithmetic3A_317 = arith.constant 7 : i32
    %shift_right_arithmetic3A_318 = arith.shrsi %squeeze3A_316, %shift_right_arithmetic3A_317 : i32
    %shift_left3A_319 = arith.constant 7 : i32
    %shift_left3A_320 = arith.shli %shift_right_arithmetic3A_318, %shift_left3A_319 : i32
    %multiple_of3A_321 = tpu.assume_multiple %shift_left3A_320, 128 : i32
    %dma_start3A_322 = arith.constant 80 : i32
    %dma_start3A_323 = arith.constant 0 : i32
    %dma_start3A_324 = tpu.memref_slice %arg9[%dma_start3A_322, %dma_start3A_323] : memref<384x128xf32, #tpu.memory_space<vmem>> -> memref<8x128xf32, #tpu.memory_space<vmem>>
    %dma_start3A_325 = tpu.memref_slice %arg4[%multiple_of3A, %multiple_of3A_314] : memref<16x1000000xf32, #tpu.memory_space<hbm>> -> memref<8x128xf32, #tpu.memory_space<hbm>>
    %dma_start3A_326 = arith.constant 80 : i32
    %dma_start3A_327 = arith.constant 0 : i32
    %dma_start3A_328 = tpu.memref_slice %arg9[%dma_start3A_326, %dma_start3A_327] : memref<384x128xf32, #tpu.memory_space<vmem>> -> memref<8x128xf32, #tpu.memory_space<vmem>>
    %dma_start3A_329 = tpu.memref_slice %arg4[%multiple_of3A, %multiple_of3A_314] : memref<16x1000000xf32, #tpu.memory_space<hbm>> -> memref<8x128xf32, #tpu.memory_space<hbm>>
    tpu.enqueue_dma source(%dma_start3A_329 : memref<8x128xf32, #tpu.memory_space<hbm>>) target(%dma_start3A_328 : memref<8x128xf32, #tpu.memory_space<vmem>>) target_semaphore(%arg15 : memref<!tpu.dma_semaphore, #tpu.memory_space<semaphore_mem>>)
    %dma_start3A_330 = arith.constant 80 : i32
    %dma_start3A_331 = arith.constant 0 : i32
    %dma_start3A_332 = tpu.memref_slice %arg10[%dma_start3A_330, %dma_start3A_331] : memref<384x128xf32, #tpu.memory_space<vmem>> -> memref<8x128xf32, #tpu.memory_space<vmem>>
    %dma_start3A_333 = tpu.memref_slice %arg5[%multiple_of3A, %multiple_of3A_321] : memref<16x1000000xf32, #tpu.memory_space<hbm>> -> memref<8x128xf32, #tpu.memory_space<hbm>>
    %dma_start3A_334 = arith.constant 80 : i32
    %dma_start3A_335 = arith.constant 0 : i32
    %dma_start3A_336 = tpu.memref_slice %arg10[%dma_start3A_334, %dma_start3A_335] : memref<384x128xf32, #tpu.memory_space<vmem>> -> memref<8x128xf32, #tpu.memory_space<vmem>>
    %dma_start3A_337 = tpu.memref_slice %arg5[%multiple_of3A, %multiple_of3A_321] : memref<16x1000000xf32, #tpu.memory_space<hbm>> -> memref<8x128xf32, #tpu.memory_space<hbm>>
    tpu.enqueue_dma source(%dma_start3A_337 : memref<8x128xf32, #tpu.memory_space<hbm>>) target(%dma_start3A_336 : memref<8x128xf32, #tpu.memory_space<vmem>>) target_semaphore(%arg15 : memref<!tpu.dma_semaphore, #tpu.memory_space<semaphore_mem>>)
    %slice3A_338 = vector.extract_strided_slice %get3A_9 {offsets = [11], sizes = [1], strides = [1]} : vector<16xi32> to vector<1xi32>
    %squeeze3A_339 = vector.extract %slice3A_338[0] : i32 from vector<1xi32>
    %shift_right_arithmetic3A_340 = arith.constant 7 : i32
    %shift_right_arithmetic3A_341 = arith.shrsi %squeeze3A_339, %shift_right_arithmetic3A_340 : i32
    %shift_left3A_342 = arith.constant 7 : i32
    %shift_left3A_343 = arith.shli %shift_right_arithmetic3A_341, %shift_left3A_342 : i32
    %multiple_of3A_344 = tpu.assume_multiple %shift_left3A_343, 128 : i32
    %slice3A_345 = vector.extract_strided_slice %get3A_11 {offsets = [11], sizes = [1], strides = [1]} : vector<16xi32> to vector<1xi32>
    %squeeze3A_346 = vector.extract %slice3A_345[0] : i32 from vector<1xi32>
    %shift_right_arithmetic3A_347 = arith.constant 7 : i32
    %shift_right_arithmetic3A_348 = arith.shrsi %squeeze3A_346, %shift_right_arithmetic3A_347 : i32
    %shift_left3A_349 = arith.constant 7 : i32
    %shift_left3A_350 = arith.shli %shift_right_arithmetic3A_348, %shift_left3A_349 : i32
    %multiple_of3A_351 = tpu.assume_multiple %shift_left3A_350, 128 : i32
    %dma_start3A_352 = arith.constant 88 : i32
    %dma_start3A_353 = arith.constant 0 : i32
    %dma_start3A_354 = tpu.memref_slice %arg9[%dma_start3A_352, %dma_start3A_353] : memref<384x128xf32, #tpu.memory_space<vmem>> -> memref<8x128xf32, #tpu.memory_space<vmem>>
    %dma_start3A_355 = tpu.memref_slice %arg4[%multiple_of3A, %multiple_of3A_344] : memref<16x1000000xf32, #tpu.memory_space<hbm>> -> memref<8x128xf32, #tpu.memory_space<hbm>>
    %dma_start3A_356 = arith.constant 88 : i32
    %dma_start3A_357 = arith.constant 0 : i32
    %dma_start3A_358 = tpu.memref_slice %arg9[%dma_start3A_356, %dma_start3A_357] : memref<384x128xf32, #tpu.memory_space<vmem>> -> memref<8x128xf32, #tpu.memory_space<vmem>>
    %dma_start3A_359 = tpu.memref_slice %arg4[%multiple_of3A, %multiple_of3A_344] : memref<16x1000000xf32, #tpu.memory_space<hbm>> -> memref<8x128xf32, #tpu.memory_space<hbm>>
    tpu.enqueue_dma source(%dma_start3A_359 : memref<8x128xf32, #tpu.memory_space<hbm>>) target(%dma_start3A_358 : memref<8x128xf32, #tpu.memory_space<vmem>>) target_semaphore(%arg15 : memref<!tpu.dma_semaphore, #tpu.memory_space<semaphore_mem>>)
    %dma_start3A_360 = arith.constant 88 : i32
    %dma_start3A_361 = arith.constant 0 : i32
    %dma_start3A_362 = tpu.memref_slice %arg10[%dma_start3A_360, %dma_start3A_361] : memref<384x128xf32, #tpu.memory_space<vmem>> -> memref<8x128xf32, #tpu.memory_space<vmem>>
    %dma_start3A_363 = tpu.memref_slice %arg5[%multiple_of3A, %multiple_of3A_351] : memref<16x1000000xf32, #tpu.memory_space<hbm>> -> memref<8x128xf32, #tpu.memory_space<hbm>>
    %dma_start3A_364 = arith.constant 88 : i32
    %dma_start3A_365 = arith.constant 0 : i32
    %dma_start3A_366 = tpu.memref_slice %arg10[%dma_start3A_364, %dma_start3A_365] : memref<384x128xf32, #tpu.memory_space<vmem>> -> memref<8x128xf32, #tpu.memory_space<vmem>>
    %dma_start3A_367 = tpu.memref_slice %arg5[%multiple_of3A, %multiple_of3A_351] : memref<16x1000000xf32, #tpu.memory_space<hbm>> -> memref<8x128xf32, #tpu.memory_space<hbm>>
    tpu.enqueue_dma source(%dma_start3A_367 : memref<8x128xf32, #tpu.memory_space<hbm>>) target(%dma_start3A_366 : memref<8x128xf32, #tpu.memory_space<vmem>>) target_semaphore(%arg15 : memref<!tpu.dma_semaphore, #tpu.memory_space<semaphore_mem>>)
    %slice3A_368 = vector.extract_strided_slice %get3A_9 {offsets = [12], sizes = [1], strides = [1]} : vector<16xi32> to vector<1xi32>
    %squeeze3A_369 = vector.extract %slice3A_368[0] : i32 from vector<1xi32>
    %shift_right_arithmetic3A_370 = arith.constant 7 : i32
    %shift_right_arithmetic3A_371 = arith.shrsi %squeeze3A_369, %shift_right_arithmetic3A_370 : i32
    %shift_left3A_372 = arith.constant 7 : i32
    %shift_left3A_373 = arith.shli %shift_right_arithmetic3A_371, %shift_left3A_372 : i32
    %multiple_of3A_374 = tpu.assume_multiple %shift_left3A_373, 128 : i32
    %slice3A_375 = vector.extract_strided_slice %get3A_11 {offsets = [12], sizes = [1], strides = [1]} : vector<16xi32> to vector<1xi32>
    %squeeze3A_376 = vector.extract %slice3A_375[0] : i32 from vector<1xi32>
    %shift_right_arithmetic3A_377 = arith.constant 7 : i32
    %shift_right_arithmetic3A_378 = arith.shrsi %squeeze3A_376, %shift_right_arithmetic3A_377 : i32
    %shift_left3A_379 = arith.constant 7 : i32
    %shift_left3A_380 = arith.shli %shift_right_arithmetic3A_378, %shift_left3A_379 : i32
    %multiple_of3A_381 = tpu.assume_multiple %shift_left3A_380, 128 : i32
    %dma_start3A_382 = arith.constant 96 : i32
    %dma_start3A_383 = arith.constant 0 : i32
    %dma_start3A_384 = tpu.memref_slice %arg9[%dma_start3A_382, %dma_start3A_383] : memref<384x128xf32, #tpu.memory_space<vmem>> -> memref<8x128xf32, #tpu.memory_space<vmem>>
    %dma_start3A_385 = tpu.memref_slice %arg4[%multiple_of3A, %multiple_of3A_374] : memref<16x1000000xf32, #tpu.memory_space<hbm>> -> memref<8x128xf32, #tpu.memory_space<hbm>>
    %dma_start3A_386 = arith.constant 96 : i32
    %dma_start3A_387 = arith.constant 0 : i32
    %dma_start3A_388 = tpu.memref_slice %arg9[%dma_start3A_386, %dma_start3A_387] : memref<384x128xf32, #tpu.memory_space<vmem>> -> memref<8x128xf32, #tpu.memory_space<vmem>>
    %dma_start3A_389 = tpu.memref_slice %arg4[%multiple_of3A, %multiple_of3A_374] : memref<16x1000000xf32, #tpu.memory_space<hbm>> -> memref<8x128xf32, #tpu.memory_space<hbm>>
    tpu.enqueue_dma source(%dma_start3A_389 : memref<8x128xf32, #tpu.memory_space<hbm>>) target(%dma_start3A_388 : memref<8x128xf32, #tpu.memory_space<vmem>>) target_semaphore(%arg15 : memref<!tpu.dma_semaphore, #tpu.memory_space<semaphore_mem>>)
    %dma_start3A_390 = arith.constant 96 : i32
    %dma_start3A_391 = arith.constant 0 : i32
    %dma_start3A_392 = tpu.memref_slice %arg10[%dma_start3A_390, %dma_start3A_391] : memref<384x128xf32, #tpu.memory_space<vmem>> -> memref<8x128xf32, #tpu.memory_space<vmem>>
    %dma_start3A_393 = tpu.memref_slice %arg5[%multiple_of3A, %multiple_of3A_381] : memref<16x1000000xf32, #tpu.memory_space<hbm>> -> memref<8x128xf32, #tpu.memory_space<hbm>>
    %dma_start3A_394 = arith.constant 96 : i32
    %dma_start3A_395 = arith.constant 0 : i32
    %dma_start3A_396 = tpu.memref_slice %arg10[%dma_start3A_394, %dma_start3A_395] : memref<384x128xf32, #tpu.memory_space<vmem>> -> memref<8x128xf32, #tpu.memory_space<vmem>>
    %dma_start3A_397 = tpu.memref_slice %arg5[%multiple_of3A, %multiple_of3A_381] : memref<16x1000000xf32, #tpu.memory_space<hbm>> -> memref<8x128xf32, #tpu.memory_space<hbm>>
    tpu.enqueue_dma source(%dma_start3A_397 : memref<8x128xf32, #tpu.memory_space<hbm>>) target(%dma_start3A_396 : memref<8x128xf32, #tpu.memory_space<vmem>>) target_semaphore(%arg15 : memref<!tpu.dma_semaphore, #tpu.memory_space<semaphore_mem>>)
    %slice3A_398 = vector.extract_strided_slice %get3A_9 {offsets = [13], sizes = [1], strides = [1]} : vector<16xi32> to vector<1xi32>
    %squeeze3A_399 = vector.extract %slice3A_398[0] : i32 from vector<1xi32>
    %shift_right_arithmetic3A_400 = arith.constant 7 : i32
    %shift_right_arithmetic3A_401 = arith.shrsi %squeeze3A_399, %shift_right_arithmetic3A_400 : i32
    %shift_left3A_402 = arith.constant 7 : i32
    %shift_left3A_403 = arith.shli %shift_right_arithmetic3A_401, %shift_left3A_402 : i32
    %multiple_of3A_404 = tpu.assume_multiple %shift_left3A_403, 128 : i32
    %slice3A_405 = vector.extract_strided_slice %get3A_11 {offsets = [13], sizes = [1], strides = [1]} : vector<16xi32> to vector<1xi32>
    %squeeze3A_406 = vector.extract %slice3A_405[0] : i32 from vector<1xi32>
    %shift_right_arithmetic3A_407 = arith.constant 7 : i32
    %shift_right_arithmetic3A_408 = arith.shrsi %squeeze3A_406, %shift_right_arithmetic3A_407 : i32
    %shift_left3A_409 = arith.constant 7 : i32
    %shift_left3A_410 = arith.shli %shift_right_arithmetic3A_408, %shift_left3A_409 : i32
    %multiple_of3A_411 = tpu.assume_multiple %shift_left3A_410, 128 : i32
    %dma_start3A_412 = arith.constant 104 : i32
    %dma_start3A_413 = arith.constant 0 : i32
    %dma_start3A_414 = tpu.memref_slice %arg9[%dma_start3A_412, %dma_start3A_413] : memref<384x128xf32, #tpu.memory_space<vmem>> -> memref<8x128xf32, #tpu.memory_space<vmem>>
    %dma_start3A_415 = tpu.memref_slice %arg4[%multiple_of3A, %multiple_of3A_404] : memref<16x1000000xf32, #tpu.memory_space<hbm>> -> memref<8x128xf32, #tpu.memory_space<hbm>>
    %dma_start3A_416 = arith.constant 104 : i32
    %dma_start3A_417 = arith.constant 0 : i32
    %dma_start3A_418 = tpu.memref_slice %arg9[%dma_start3A_416, %dma_start3A_417] : memref<384x128xf32, #tpu.memory_space<vmem>> -> memref<8x128xf32, #tpu.memory_space<vmem>>
    %dma_start3A_419 = tpu.memref_slice %arg4[%multiple_of3A, %multiple_of3A_404] : memref<16x1000000xf32, #tpu.memory_space<hbm>> -> memref<8x128xf32, #tpu.memory_space<hbm>>
    tpu.enqueue_dma source(%dma_start3A_419 : memref<8x128xf32, #tpu.memory_space<hbm>>) target(%dma_start3A_418 : memref<8x128xf32, #tpu.memory_space<vmem>>) target_semaphore(%arg15 : memref<!tpu.dma_semaphore, #tpu.memory_space<semaphore_mem>>)
    %dma_start3A_420 = arith.constant 104 : i32
    %dma_start3A_421 = arith.constant 0 : i32
    %dma_start3A_422 = tpu.memref_slice %arg10[%dma_start3A_420, %dma_start3A_421] : memref<384x128xf32, #tpu.memory_space<vmem>> -> memref<8x128xf32, #tpu.memory_space<vmem>>
    %dma_start3A_423 = tpu.memref_slice %arg5[%multiple_of3A, %multiple_of3A_411] : memref<16x1000000xf32, #tpu.memory_space<hbm>> -> memref<8x128xf32, #tpu.memory_space<hbm>>
    %dma_start3A_424 = arith.constant 104 : i32
    %dma_start3A_425 = arith.constant 0 : i32
    %dma_start3A_426 = tpu.memref_slice %arg10[%dma_start3A_424, %dma_start3A_425] : memref<384x128xf32, #tpu.memory_space<vmem>> -> memref<8x128xf32, #tpu.memory_space<vmem>>
    %dma_start3A_427 = tpu.memref_slice %arg5[%multiple_of3A, %multiple_of3A_411] : memref<16x1000000xf32, #tpu.memory_space<hbm>> -> memref<8x128xf32, #tpu.memory_space<hbm>>
    tpu.enqueue_dma source(%dma_start3A_427 : memref<8x128xf32, #tpu.memory_space<hbm>>) target(%dma_start3A_426 : memref<8x128xf32, #tpu.memory_space<vmem>>) target_semaphore(%arg15 : memref<!tpu.dma_semaphore, #tpu.memory_space<semaphore_mem>>)
    %slice3A_428 = vector.extract_strided_slice %get3A_9 {offsets = [14], sizes = [1], strides = [1]} : vector<16xi32> to vector<1xi32>
    %squeeze3A_429 = vector.extract %slice3A_428[0] : i32 from vector<1xi32>
    %shift_right_arithmetic3A_430 = arith.constant 7 : i32
    %shift_right_arithmetic3A_431 = arith.shrsi %squeeze3A_429, %shift_right_arithmetic3A_430 : i32
    %shift_left3A_432 = arith.constant 7 : i32
    %shift_left3A_433 = arith.shli %shift_right_arithmetic3A_431, %shift_left3A_432 : i32
    %multiple_of3A_434 = tpu.assume_multiple %shift_left3A_433, 128 : i32
    %slice3A_435 = vector.extract_strided_slice %get3A_11 {offsets = [14], sizes = [1], strides = [1]} : vector<16xi32> to vector<1xi32>
    %squeeze3A_436 = vector.extract %slice3A_435[0] : i32 from vector<1xi32>
    %shift_right_arithmetic3A_437 = arith.constant 7 : i32
    %shift_right_arithmetic3A_438 = arith.shrsi %squeeze3A_436, %shift_right_arithmetic3A_437 : i32
    %shift_left3A_439 = arith.constant 7 : i32
    %shift_left3A_440 = arith.shli %shift_right_arithmetic3A_438, %shift_left3A_439 : i32
    %multiple_of3A_441 = tpu.assume_multiple %shift_left3A_440, 128 : i32
    %dma_start3A_442 = arith.constant 112 : i32
    %dma_start3A_443 = arith.constant 0 : i32
    %dma_start3A_444 = tpu.memref_slice %arg9[%dma_start3A_442, %dma_start3A_443] : memref<384x128xf32, #tpu.memory_space<vmem>> -> memref<8x128xf32, #tpu.memory_space<vmem>>
    %dma_start3A_445 = tpu.memref_slice %arg4[%multiple_of3A, %multiple_of3A_434] : memref<16x1000000xf32, #tpu.memory_space<hbm>> -> memref<8x128xf32, #tpu.memory_space<hbm>>
    %dma_start3A_446 = arith.constant 112 : i32
    %dma_start3A_447 = arith.constant 0 : i32
    %dma_start3A_448 = tpu.memref_slice %arg9[%dma_start3A_446, %dma_start3A_447] : memref<384x128xf32, #tpu.memory_space<vmem>> -> memref<8x128xf32, #tpu.memory_space<vmem>>
    %dma_start3A_449 = tpu.memref_slice %arg4[%multiple_of3A, %multiple_of3A_434] : memref<16x1000000xf32, #tpu.memory_space<hbm>> -> memref<8x128xf32, #tpu.memory_space<hbm>>
    tpu.enqueue_dma source(%dma_start3A_449 : memref<8x128xf32, #tpu.memory_space<hbm>>) target(%dma_start3A_448 : memref<8x128xf32, #tpu.memory_space<vmem>>) target_semaphore(%arg15 : memref<!tpu.dma_semaphore, #tpu.memory_space<semaphore_mem>>)
    %dma_start3A_450 = arith.constant 112 : i32
    %dma_start3A_451 = arith.constant 0 : i32
    %dma_start3A_452 = tpu.memref_slice %arg10[%dma_start3A_450, %dma_start3A_451] : memref<384x128xf32, #tpu.memory_space<vmem>> -> memref<8x128xf32, #tpu.memory_space<vmem>>
    %dma_start3A_453 = tpu.memref_slice %arg5[%multiple_of3A, %multiple_of3A_441] : memref<16x1000000xf32, #tpu.memory_space<hbm>> -> memref<8x128xf32, #tpu.memory_space<hbm>>
    %dma_start3A_454 = arith.constant 112 : i32
    %dma_start3A_455 = arith.constant 0 : i32
    %dma_start3A_456 = tpu.memref_slice %arg10[%dma_start3A_454, %dma_start3A_455] : memref<384x128xf32, #tpu.memory_space<vmem>> -> memref<8x128xf32, #tpu.memory_space<vmem>>
    %dma_start3A_457 = tpu.memref_slice %arg5[%multiple_of3A, %multiple_of3A_441] : memref<16x1000000xf32, #tpu.memory_space<hbm>> -> memref<8x128xf32, #tpu.memory_space<hbm>>
    tpu.enqueue_dma source(%dma_start3A_457 : memref<8x128xf32, #tpu.memory_space<hbm>>) target(%dma_start3A_456 : memref<8x128xf32, #tpu.memory_space<vmem>>) target_semaphore(%arg15 : memref<!tpu.dma_semaphore, #tpu.memory_space<semaphore_mem>>)
    %slice3A_458 = vector.extract_strided_slice %get3A_9 {offsets = [15], sizes = [1], strides = [1]} : vector<16xi32> to vector<1xi32>
    %squeeze3A_459 = vector.extract %slice3A_458[0] : i32 from vector<1xi32>
    %shift_right_arithmetic3A_460 = arith.constant 7 : i32
    %shift_right_arithmetic3A_461 = arith.shrsi %squeeze3A_459, %shift_right_arithmetic3A_460 : i32
    %shift_left3A_462 = arith.constant 7 : i32
    %shift_left3A_463 = arith.shli %shift_right_arithmetic3A_461, %shift_left3A_462 : i32
    %multiple_of3A_464 = tpu.assume_multiple %shift_left3A_463, 128 : i32
    %slice3A_465 = vector.extract_strided_slice %get3A_11 {offsets = [15], sizes = [1], strides = [1]} : vector<16xi32> to vector<1xi32>
    %squeeze3A_466 = vector.extract %slice3A_465[0] : i32 from vector<1xi32>
    %shift_right_arithmetic3A_467 = arith.constant 7 : i32
    %shift_right_arithmetic3A_468 = arith.shrsi %squeeze3A_466, %shift_right_arithmetic3A_467 : i32
    %shift_left3A_469 = arith.constant 7 : i32
    %shift_left3A_470 = arith.shli %shift_right_arithmetic3A_468, %shift_left3A_469 : i32
    %multiple_of3A_471 = tpu.assume_multiple %shift_left3A_470, 128 : i32
    %dma_start3A_472 = arith.constant 120 : i32
    %dma_start3A_473 = arith.constant 0 : i32
    %dma_start3A_474 = tpu.memref_slice %arg9[%dma_start3A_472, %dma_start3A_473] : memref<384x128xf32, #tpu.memory_space<vmem>> -> memref<8x128xf32, #tpu.memory_space<vmem>>
    %dma_start3A_475 = tpu.memref_slice %arg4[%multiple_of3A, %multiple_of3A_464] : memref<16x1000000xf32, #tpu.memory_space<hbm>> -> memref<8x128xf32, #tpu.memory_space<hbm>>
    %dma_start3A_476 = arith.constant 120 : i32
    %dma_start3A_477 = arith.constant 0 : i32
    %dma_start3A_478 = tpu.memref_slice %arg9[%dma_start3A_476, %dma_start3A_477] : memref<384x128xf32, #tpu.memory_space<vmem>> -> memref<8x128xf32, #tpu.memory_space<vmem>>
    %dma_start3A_479 = tpu.memref_slice %arg4[%multiple_of3A, %multiple_of3A_464] : memref<16x1000000xf32, #tpu.memory_space<hbm>> -> memref<8x128xf32, #tpu.memory_space<hbm>>
    tpu.enqueue_dma source(%dma_start3A_479 : memref<8x128xf32, #tpu.memory_space<hbm>>) target(%dma_start3A_478 : memref<8x128xf32, #tpu.memory_space<vmem>>) target_semaphore(%arg15 : memref<!tpu.dma_semaphore, #tpu.memory_space<semaphore_mem>>)
    %dma_start3A_480 = arith.constant 120 : i32
    %dma_start3A_481 = arith.constant 0 : i32
    %dma_start3A_482 = tpu.memref_slice %arg10[%dma_start3A_480, %dma_start3A_481] : memref<384x128xf32, #tpu.memory_space<vmem>> -> memref<8x128xf32, #tpu.memory_space<vmem>>
    %dma_start3A_483 = tpu.memref_slice %arg5[%multiple_of3A, %multiple_of3A_471] : memref<16x1000000xf32, #tpu.memory_space<hbm>> -> memref<8x128xf32, #tpu.memory_space<hbm>>
    %dma_start3A_484 = arith.constant 120 : i32
    %dma_start3A_485 = arith.constant 0 : i32
    %dma_start3A_486 = tpu.memref_slice %arg10[%dma_start3A_484, %dma_start3A_485] : memref<384x128xf32, #tpu.memory_space<vmem>> -> memref<8x128xf32, #tpu.memory_space<vmem>>
    %dma_start3A_487 = tpu.memref_slice %arg5[%multiple_of3A, %multiple_of3A_471] : memref<16x1000000xf32, #tpu.memory_space<hbm>> -> memref<8x128xf32, #tpu.memory_space<hbm>>
    tpu.enqueue_dma source(%dma_start3A_487 : memref<8x128xf32, #tpu.memory_space<hbm>>) target(%dma_start3A_486 : memref<8x128xf32, #tpu.memory_space<vmem>>) target_semaphore(%arg15 : memref<!tpu.dma_semaphore, #tpu.memory_space<semaphore_mem>>)
    %multiple_of3A_488 = arith.constant 16 : i32
    %multiple_of3A_489 = tpu.assume_multiple %multiple_of3A_488, 16 : i32
    %get3A_490 = arith.index_cast %multiple_of3A_489 : i32 to index
    %get3A_491 = tpu.vector_load %arg7[%get3A_490] {strides = array<i32>} : memref<1024xi32, #tpu.memory_space<vmem>>, vector<16xi32>,
    %get3A_492 = arith.index_cast %multiple_of3A_489 : i32 to index
    %get3A_493 = tpu.vector_load %arg8[%get3A_492] {strides = array<i32>} : memref<1024xi32, #tpu.memory_space<vmem>>, vector<16xi32>,
    %slice3A_494 = vector.extract_strided_slice %get3A_491 {offsets = [0], sizes = [1], strides = [1]} : vector<16xi32> to vector<1xi32>
    %squeeze3A_495 = vector.extract %slice3A_494[0] : i32 from vector<1xi32>
    %shift_right_arithmetic3A_496 = arith.constant 7 : i32
    %shift_right_arithmetic3A_497 = arith.shrsi %squeeze3A_495, %shift_right_arithmetic3A_496 : i32
    %shift_left3A_498 = arith.constant 7 : i32
    %shift_left3A_499 = arith.shli %shift_right_arithmetic3A_497, %shift_left3A_498 : i32
    %multiple_of3A_500 = tpu.assume_multiple %shift_left3A_499, 128 : i32
    %slice3A_501 = vector.extract_strided_slice %get3A_493 {offsets = [0], sizes = [1], strides = [1]} : vector<16xi32> to vector<1xi32>
    %squeeze3A_502 = vector.extract %slice3A_501[0] : i32 from vector<1xi32>
    %shift_right_arithmetic3A_503 = arith.constant 7 : i32
    %shift_right_arithmetic3A_504 = arith.shrsi %squeeze3A_502, %shift_right_arithmetic3A_503 : i32
    %shift_left3A_505 = arith.constant 7 : i32
    %shift_left3A_506 = arith.shli %shift_right_arithmetic3A_504, %shift_left3A_505 : i32
    %multiple_of3A_507 = tpu.assume_multiple %shift_left3A_506, 128 : i32
    %dma_start3A_508 = arith.constant 128 : i32
    %dma_start3A_509 = arith.constant 0 : i32
    %dma_start3A_510 = tpu.memref_slice %arg9[%dma_start3A_508, %dma_start3A_509] : memref<384x128xf32, #tpu.memory_space<vmem>> -> memref<8x128xf32, #tpu.memory_space<vmem>>
    %dma_start3A_511 = tpu.memref_slice %arg4[%multiple_of3A, %multiple_of3A_500] : memref<16x1000000xf32, #tpu.memory_space<hbm>> -> memref<8x128xf32, #tpu.memory_space<hbm>>
    %dma_start3A_512 = arith.constant 128 : i32
    %dma_start3A_513 = arith.constant 0 : i32
    %dma_start3A_514 = tpu.memref_slice %arg9[%dma_start3A_512, %dma_start3A_513] : memref<384x128xf32, #tpu.memory_space<vmem>> -> memref<8x128xf32, #tpu.memory_space<vmem>>
    %dma_start3A_515 = tpu.memref_slice %arg4[%multiple_of3A, %multiple_of3A_500] : memref<16x1000000xf32, #tpu.memory_space<hbm>> -> memref<8x128xf32, #tpu.memory_space<hbm>>
    tpu.enqueue_dma source(%dma_start3A_515 : memref<8x128xf32, #tpu.memory_space<hbm>>) target(%dma_start3A_514 : memref<8x128xf32, #tpu.memory_space<vmem>>) target_semaphore(%arg15 : memref<!tpu.dma_semaphore, #tpu.memory_space<semaphore_mem>>)
    %dma_start3A_516 = arith.constant 128 : i32
    %dma_start3A_517 = arith.constant 0 : i32
    %dma_start3A_518 = tpu.memref_slice %arg10[%dma_start3A_516, %dma_start3A_517] : memref<384x128xf32, #tpu.memory_space<vmem>> -> memref<8x128xf32, #tpu.memory_space<vmem>>
    %dma_start3A_519 = tpu.memref_slice %arg5[%multiple_of3A, %multiple_of3A_507] : memref<16x1000000xf32, #tpu.memory_space<hbm>> -> memref<8x128xf32, #tpu.memory_space<hbm>>
    %dma_start3A_520 = arith.constant 128 : i32
    %dma_start3A_521 = arith.constant 0 : i32
    %dma_start3A_522 = tpu.memref_slice %arg10[%dma_start3A_520, %dma_start3A_521] : memref<384x128xf32, #tpu.memory_space<vmem>> -> memref<8x128xf32, #tpu.memory_space<vmem>>
    %dma_start3A_523 = tpu.memref_slice %arg5[%multiple_of3A, %multiple_of3A_507] : memref<16x1000000xf32, #tpu.memory_space<hbm>> -> memref<8x128xf32, #tpu.memory_space<hbm>>
    tpu.enqueue_dma source(%dma_start3A_523 : memref<8x128xf32, #tpu.memory_space<hbm>>) target(%dma_start3A_522 : memref<8x128xf32, #tpu.memory_space<vmem>>) target_semaphore(%arg15 : memref<!tpu.dma_semaphore, #tpu.memory_space<semaphore_mem>>)
    %slice3A_524 = vector.extract_strided_slice %get3A_491 {offsets = [1], sizes = [1], strides = [1]} : vector<16xi32> to vector<1xi32>
    %squeeze3A_525 = vector.extract %slice3A_524[0] : i32 from vector<1xi32>
    %shift_right_arithmetic3A_526 = arith.constant 7 : i32
    %shift_right_arithmetic3A_527 = arith.shrsi %squeeze3A_525, %shift_right_arithmetic3A_526 : i32
    %shift_left3A_528 = arith.constant 7 : i32
    %shift_left3A_529 = arith.shli %shift_right_arithmetic3A_527, %shift_left3A_528 : i32
    %multiple_of3A_530 = tpu.assume_multiple %shift_left3A_529, 128 : i32
    %slice3A_531 = vector.extract_strided_slice %get3A_493 {offsets = [1], sizes = [1], strides = [1]} : vector<16xi32> to vector<1xi32>
    %squeeze3A_532 = vector.extract %slice3A_531[0] : i32 from vector<1xi32>
    %shift_right_arithmetic3A_533 = arith.constant 7 : i32
    %shift_right_arithmetic3A_534 = arith.shrsi %squeeze3A_532, %shift_right_arithmetic3A_533 : i32
    %shift_left3A_535 = arith.constant 7 : i32
    %shift_left3A_536 = arith.shli %shift_right_arithmetic3A_534, %shift_left3A_535 : i32
    %multiple_of3A_537 = tpu.assume_multiple %shift_left3A_536, 128 : i32
    %dma_start3A_538 = arith.constant 136 : i32
    %dma_start3A_539 = arith.constant 0 : i32
    %dma_start3A_540 = tpu.memref_slice %arg9[%dma_start3A_538, %dma_start3A_539] : memref<384x128xf32, #tpu.memory_space<vmem>> -> memref<8x128xf32, #tpu.memory_space<vmem>>
    %dma_start3A_541 = tpu.memref_slice %arg4[%multiple_of3A, %multiple_of3A_530] : memref<16x1000000xf32, #tpu.memory_space<hbm>> -> memref<8x128xf32, #tpu.memory_space<hbm>>
    %dma_start3A_542 = arith.constant 136 : i32
    %dma_start3A_543 = arith.constant 0 : i32
    %dma_start3A_544 = tpu.memref_slice %arg9[%dma_start3A_542, %dma_start3A_543] : memref<384x128xf32, #tpu.memory_space<vmem>> -> memref<8x128xf32, #tpu.memory_space<vmem>>
    %dma_start3A_545 = tpu.memref_slice %arg4[%multiple_of3A, %multiple_of3A_530] : memref<16x1000000xf32, #tpu.memory_space<hbm>> -> memref<8x128xf32, #tpu.memory_space<hbm>>
    tpu.enqueue_dma source(%dma_start3A_545 : memref<8x128xf32, #tpu.memory_space<hbm>>) target(%dma_start3A_544 : memref<8x128xf32, #tpu.memory_space<vmem>>) target_semaphore(%arg15 : memref<!tpu.dma_semaphore, #tpu.memory_space<semaphore_mem>>)
    %dma_start3A_546 = arith.constant 136 : i32
    %dma_start3A_547 = arith.constant 0 : i32
    %dma_start3A_548 = tpu.memref_slice %arg10[%dma_start3A_546, %dma_start3A_547] : memref<384x128xf32, #tpu.memory_space<vmem>> -> memref<8x128xf32, #tpu.memory_space<vmem>>
    %dma_start3A_549 = tpu.memref_slice %arg5[%multiple_of3A, %multiple_of3A_537] : memref<16x1000000xf32, #tpu.memory_space<hbm>> -> memref<8x128xf32, #tpu.memory_space<hbm>>
    %dma_start3A_550 = arith.constant 136 : i32
    %dma_start3A_551 = arith.constant 0 : i32
    %dma_start3A_552 = tpu.memref_slice %arg10[%dma_start3A_550, %dma_start3A_551] : memref<384x128xf32, #tpu.memory_space<vmem>> -> memref<8x128xf32, #tpu.memory_space<vmem>>
    %dma_start3A_553 = tpu.memref_slice %arg5[%multiple_of3A, %multiple_of3A_537] : memref<16x1000000xf32, #tpu.memory_space<hbm>> -> memref<8x128xf32, #tpu.memory_space<hbm>>
    tpu.enqueue_dma source(%dma_start3A_553 : memref<8x128xf32, #tpu.memory_space<hbm>>) target(%dma_start3A_552 : memref<8x128xf32, #tpu.memory_space<vmem>>) target_semaphore(%arg15 : memref<!tpu.dma_semaphore, #tpu.memory_space<semaphore_mem>>)
    %slice3A_554 = vector.extract_strided_slice %get3A_491 {offsets = [2], sizes = [1], strides = [1]} : vector<16xi32> to vector<1xi32>
    %squeeze3A_555 = vector.extract %slice3A_554[0] : i32 from vector<1xi32>
    %shift_right_arithmetic3A_556 = arith.constant 7 : i32
    %shift_right_arithmetic3A_557 = arith.shrsi %squeeze3A_555, %shift_right_arithmetic3A_556 : i32
    %shift_left3A_558 = arith.constant 7 : i32
    %shift_left3A_559 = arith.shli %shift_right_arithmetic3A_557, %shift_left3A_558 : i32
    %multiple_of3A_560 = tpu.assume_multiple %shift_left3A_559, 128 : i32
    %slice3A_561 = vector.extract_strided_slice %get3A_493 {offsets = [2], sizes = [1], strides = [1]} : vector<16xi32> to vector<1xi32>
    %squeeze3A_562 = vector.extract %slice3A_561[0] : i32 from vector<1xi32>
    %shift_right_arithmetic3A_563 = arith.constant 7 : i32
    %shift_right_arithmetic3A_564 = arith.shrsi %squeeze3A_562, %shift_right_arithmetic3A_563 : i32
    %shift_left3A_565 = arith.constant 7 : i32
    %shift_left3A_566 = arith.shli %shift_right_arithmetic3A_564, %shift_left3A_565 : i32
    %multiple_of3A_567 = tpu.assume_multiple %shift_left3A_566, 128 : i32
    %dma_start3A_568 = arith.constant 144 : i32
    %dma_start3A_569 = arith.constant 0 : i32
    %dma_start3A_570 = tpu.memref_slice %arg9[%dma_start3A_568, %dma_start3A_569] : memref<384x128xf32, #tpu.memory_space<vmem>> -> memref<8x128xf32, #tpu.memory_space<vmem>>
    %dma_start3A_571 = tpu.memref_slice %arg4[%multiple_of3A, %multiple_of3A_560] : memref<16x1000000xf32, #tpu.memory_space<hbm>> -> memref<8x128xf32, #tpu.memory_space<hbm>>
    %dma_start3A_572 = arith.constant 144 : i32
    %dma_start3A_573 = arith.constant 0 : i32
    %dma_start3A_574 = tpu.memref_slice %arg9[%dma_start3A_572, %dma_start3A_573] : memref<384x128xf32, #tpu.memory_space<vmem>> -> memref<8x128xf32, #tpu.memory_space<vmem>>
    %dma_start3A_575 = tpu.memref_slice %arg4[%multiple_of3A, %multiple_of3A_560] : memref<16x1000000xf32, #tpu.memory_space<hbm>> -> memref<8x128xf32, #tpu.memory_space<hbm>>
    tpu.enqueue_dma source(%dma_start3A_575 : memref<8x128xf32, #tpu.memory_space<hbm>>) target(%dma_start3A_574 : memref<8x128xf32, #tpu.memory_space<vmem>>) target_semaphore(%arg15 : memref<!tpu.dma_semaphore, #tpu.memory_space<semaphore_mem>>)
    %dma_start3A_576 = arith.constant 144 : i32
    %dma_start3A_577 = arith.constant 0 : i32
    %dma_start3A_578 = tpu.memref_slice %arg10[%dma_start3A_576, %dma_start3A_577] : memref<384x128xf32, #tpu.memory_space<vmem>> -> memref<8x128xf32, #tpu.memory_space<vmem>>
    %dma_start3A_579 = tpu.memref_slice %arg5[%multiple_of3A, %multiple_of3A_567] : memref<16x1000000xf32, #tpu.memory_space<hbm>> -> memref<8x128xf32, #tpu.memory_space<hbm>>
    %dma_start3A_580 = arith.constant 144 : i32
    %dma_start3A_581 = arith.constant 0 : i32
    %dma_start3A_582 = tpu.memref_slice %arg10[%dma_start3A_580, %dma_start3A_581] : memref<384x128xf32, #tpu.memory_space<vmem>> -> memref<8x128xf32, #tpu.memory_space<vmem>>
    %dma_start3A_583 = tpu.memref_slice %arg5[%multiple_of3A, %multiple_of3A_567] : memref<16x1000000xf32, #tpu.memory_space<hbm>> -> memref<8x128xf32, #tpu.memory_space<hbm>>
    tpu.enqueue_dma source(%dma_start3A_583 : memref<8x128xf32, #tpu.memory_space<hbm>>) target(%dma_start3A_582 : memref<8x128xf32, #tpu.memory_space<vmem>>) target_semaphore(%arg15 : memref<!tpu.dma_semaphore, #tpu.memory_space<semaphore_mem>>)
    %slice3A_584 = vector.extract_strided_slice %get3A_491 {offsets = [3], sizes = [1], strides = [1]} : vector<16xi32> to vector<1xi32>
    %squeeze3A_585 = vector.extract %slice3A_584[0] : i32 from vector<1xi32>
    %shift_right_arithmetic3A_586 = arith.constant 7 : i32
    %shift_right_arithmetic3A_587 = arith.shrsi %squeeze3A_585, %shift_right_arithmetic3A_586 : i32
    %shift_left3A_588 = arith.constant 7 : i32
    %shift_left3A_589 = arith.shli %shift_right_arithmetic3A_587, %shift_left3A_588 : i32
    %multiple_of3A_590 = tpu.assume_multiple %shift_left3A_589, 128 : i32
    %slice3A_591 = vector.extract_strided_slice %get3A_493 {offsets = [3], sizes = [1], strides = [1]} : vector<16xi32> to vector<1xi32>
    %squeeze3A_592 = vector.extract %slice3A_591[0] : i32 from vector<1xi32>
    %shift_right_arithmetic3A_593 = arith.constant 7 : i32
    %shift_right_arithmetic3A_594 = arith.shrsi %squeeze3A_592, %shift_right_arithmetic3A_593 : i32
    %shift_left3A_595 = arith.constant 7 : i32
    %shift_left3A_596 = arith.shli %shift_right_arithmetic3A_594, %shift_left3A_595 : i32
    %multiple_of3A_597 = tpu.assume_multiple %shift_left3A_596, 128 : i32
    %dma_start3A_598 = arith.constant 152 : i32
    %dma_start3A_599 = arith.constant 0 : i32
    %dma_start3A_600 = tpu.memref_slice %arg9[%dma_start3A_598, %dma_start3A_599] : memref<384x128xf32, #tpu.memory_space<vmem>> -> memref<8x128xf32, #tpu.memory_space<vmem>>
    %dma_start3A_601 = tpu.memref_slice %arg4[%multiple_of3A, %multiple_of3A_590] : memref<16x1000000xf32, #tpu.memory_space<hbm>> -> memref<8x128xf32, #tpu.memory_space<hbm>>
    %dma_start3A_602 = arith.constant 152 : i32
    %dma_start3A_603 = arith.constant 0 : i32
    %dma_start3A_604 = tpu.memref_slice %arg9[%dma_start3A_602, %dma_start3A_603] : memref<384x128xf32, #tpu.memory_space<vmem>> -> memref<8x128xf32, #tpu.memory_space<vmem>>
    %dma_start3A_605 = tpu.memref_slice %arg4[%multiple_of3A, %multiple_of3A_590] : memref<16x1000000xf32, #tpu.memory_space<hbm>> -> memref<8x128xf32, #tpu.memory_space<hbm>>
    tpu.enqueue_dma source(%dma_start3A_605 : memref<8x128xf32, #tpu.memory_space<hbm>>) target(%dma_start3A_604 : memref<8x128xf32, #tpu.memory_space<vmem>>) target_semaphore(%arg15 : memref<!tpu.dma_semaphore, #tpu.memory_space<semaphore_mem>>)
    %dma_start3A_606 = arith.constant 152 : i32
    %dma_start3A_607 = arith.constant 0 : i32
    %dma_start3A_608 = tpu.memref_slice %arg10[%dma_start3A_606, %dma_start3A_607] : memref<384x128xf32, #tpu.memory_space<vmem>> -> memref<8x128xf32, #tpu.memory_space<vmem>>
    %dma_start3A_609 = tpu.memref_slice %arg5[%multiple_of3A, %multiple_of3A_597] : memref<16x1000000xf32, #tpu.memory_space<hbm>> -> memref<8x128xf32, #tpu.memory_space<hbm>>
    %dma_start3A_610 = arith.constant 152 : i32
    %dma_start3A_611 = arith.constant 0 : i32
    %dma_start3A_612 = tpu.memref_slice %arg10[%dma_start3A_610, %dma_start3A_611] : memref<384x128xf32, #tpu.memory_space<vmem>> -> memref<8x128xf32, #tpu.memory_space<vmem>>
    %dma_start3A_613 = tpu.memref_slice %arg5[%multiple_of3A, %multiple_of3A_597] : memref<16x1000000xf32, #tpu.memory_space<hbm>> -> memref<8x128xf32, #tpu.memory_space<hbm>>
    tpu.enqueue_dma source(%dma_start3A_613 : memref<8x128xf32, #tpu.memory_space<hbm>>) target(%dma_start3A_612 : memref<8x128xf32, #tpu.memory_space<vmem>>) target_semaphore(%arg15 : memref<!tpu.dma_semaphore, #tpu.memory_space<semaphore_mem>>)
    %slice3A_614 = vector.extract_strided_slice %get3A_491 {offsets = [4], sizes = [1], strides = [1]} : vector<16xi32> to vector<1xi32>
    %squeeze3A_615 = vector.extract %slice3A_614[0] : i32 from vector<1xi32>
    %shift_right_arithmetic3A_616 = arith.constant 7 : i32
    %shift_right_arithmetic3A_617 = arith.shrsi %squeeze3A_615, %shift_right_arithmetic3A_616 : i32
    %shift_left3A_618 = arith.constant 7 : i32
    %shift_left3A_619 = arith.shli %shift_right_arithmetic3A_617, %shift_left3A_618 : i32
    %multiple_of3A_620 = tpu.assume_multiple %shift_left3A_619, 128 : i32
    %slice3A_621 = vector.extract_strided_slice %get3A_493 {offsets = [4], sizes = [1], strides = [1]} : vector<16xi32> to vector<1xi32>
    %squeeze3A_622 = vector.extract %slice3A_621[0] : i32 from vector<1xi32>
    %shift_right_arithmetic3A_623 = arith.constant 7 : i32
    %shift_right_arithmetic3A_624 = arith.shrsi %squeeze3A_622, %shift_right_arithmetic3A_623 : i32
    %shift_left3A_625 = arith.constant 7 : i32
    %shift_left3A_626 = arith.shli %shift_right_arithmetic3A_624, %shift_left3A_625 : i32
    %multiple_of3A_627 = tpu.assume_multiple %shift_left3A_626, 128 : i32
    %dma_start3A_628 = arith.constant 160 : i32
    %dma_start3A_629 = arith.constant 0 : i32
    %dma_start3A_630 = tpu.memref_slice %arg9[%dma_start3A_628, %dma_start3A_629] : memref<384x128xf32, #tpu.memory_space<vmem>> -> memref<8x128xf32, #tpu.memory_space<vmem>>
    %dma_start3A_631 = tpu.memref_slice %arg4[%multiple_of3A, %multiple_of3A_620] : memref<16x1000000xf32, #tpu.memory_space<hbm>> -> memref<8x128xf32, #tpu.memory_space<hbm>>
    %dma_start3A_632 = arith.constant 160 : i32
    %dma_start3A_633 = arith.constant 0 : i32
    %dma_start3A_634 = tpu.memref_slice %arg9[%dma_start3A_632, %dma_start3A_633] : memref<384x128xf32, #tpu.memory_space<vmem>> -> memref<8x128xf32, #tpu.memory_space<vmem>>
    %dma_start3A_635 = tpu.memref_slice %arg4[%multiple_of3A, %multiple_of3A_620] : memref<16x1000000xf32, #tpu.memory_space<hbm>> -> memref<8x128xf32, #tpu.memory_space<hbm>>
    tpu.enqueue_dma source(%dma_start3A_635 : memref<8x128xf32, #tpu.memory_space<hbm>>) target(%dma_start3A_634 : memref<8x128xf32, #tpu.memory_space<vmem>>) target_semaphore(%arg15 : memref<!tpu.dma_semaphore, #tpu.memory_space<semaphore_mem>>)
    %dma_start3A_636 = arith.constant 160 : i32
    %dma_start3A_637 = arith.constant 0 : i32
    %dma_start3A_638 = tpu.memref_slice %arg10[%dma_start3A_636, %dma_start3A_637] : memref<384x128xf32, #tpu.memory_space<vmem>> -> memref<8x128xf32, #tpu.memory_space<vmem>>
    %dma_start3A_639 = tpu.memref_slice %arg5[%multiple_of3A, %multiple_of3A_627] : memref<16x1000000xf32, #tpu.memory_space<hbm>> -> memref<8x128xf32, #tpu.memory_space<hbm>>
    %dma_start3A_640 = arith.constant 160 : i32
    %dma_start3A_641 = arith.constant 0 : i32
    %dma_start3A_642 = tpu.memref_slice %arg10[%dma_start3A_640, %dma_start3A_641] : memref<384x128xf32, #tpu.memory_space<vmem>> -> memref<8x128xf32, #tpu.memory_space<vmem>>
    %dma_start3A_643 = tpu.memref_slice %arg5[%multiple_of3A, %multiple_of3A_627] : memref<16x1000000xf32, #tpu.memory_space<hbm>> -> memref<8x128xf32, #tpu.memory_space<hbm>>
    tpu.enqueue_dma source(%dma_start3A_643 : memref<8x128xf32, #tpu.memory_space<hbm>>) target(%dma_start3A_642 : memref<8x128xf32, #tpu.memory_space<vmem>>) target_semaphore(%arg15 : memref<!tpu.dma_semaphore, #tpu.memory_space<semaphore_mem>>)
    %slice3A_644 = vector.extract_strided_slice %get3A_491 {offsets = [5], sizes = [1], strides = [1]} : vector<16xi32> to vector<1xi32>
    %squeeze3A_645 = vector.extract %slice3A_644[0] : i32 from vector<1xi32>
    %shift_right_arithmetic3A_646 = arith.constant 7 : i32
    %shift_right_arithmetic3A_647 = arith.shrsi %squeeze3A_645, %shift_right_arithmetic3A_646 : i32
    %shift_left3A_648 = arith.constant 7 : i32
    %shift_left3A_649 = arith.shli %shift_right_arithmetic3A_647, %shift_left3A_648 : i32
    %multiple_of3A_650 = tpu.assume_multiple %shift_left3A_649, 128 : i32
    %slice3A_651 = vector.extract_strided_slice %get3A_493 {offsets = [5], sizes = [1], strides = [1]} : vector<16xi32> to vector<1xi32>
    %squeeze3A_652 = vector.extract %slice3A_651[0] : i32 from vector<1xi32>
    %shift_right_arithmetic3A_653 = arith.constant 7 : i32
    %shift_right_arithmetic3A_654 = arith.shrsi %squeeze3A_652, %shift_right_arithmetic3A_653 : i32
    %shift_left3A_655 = arith.constant 7 : i32
    %shift_left3A_656 = arith.shli %shift_right_arithmetic3A_654, %shift_left3A_655 : i32
    %multiple_of3A_657 = tpu.assume_multiple %shift_left3A_656, 128 : i32
    %dma_start3A_658 = arith.constant 168 : i32
    %dma_start3A_659 = arith.constant 0 : i32
    %dma_start3A_660 = tpu.memref_slice %arg9[%dma_start3A_658, %dma_start3A_659] : memref<384x128xf32, #tpu.memory_space<vmem>> -> memref<8x128xf32, #tpu.memory_space<vmem>>
    %dma_start3A_661 = tpu.memref_slice %arg4[%multiple_of3A, %multiple_of3A_650] : memref<16x1000000xf32, #tpu.memory_space<hbm>> -> memref<8x128xf32, #tpu.memory_space<hbm>>
    %dma_start3A_662 = arith.constant 168 : i32
    %dma_start3A_663 = arith.constant 0 : i32
    %dma_start3A_664 = tpu.memref_slice %arg9[%dma_start3A_662, %dma_start3A_663] : memref<384x128xf32, #tpu.memory_space<vmem>> -> memref<8x128xf32, #tpu.memory_space<vmem>>
    %dma_start3A_665 = tpu.memref_slice %arg4[%multiple_of3A, %multiple_of3A_650] : memref<16x1000000xf32, #tpu.memory_space<hbm>> -> memref<8x128xf32, #tpu.memory_space<hbm>>
    tpu.enqueue_dma source(%dma_start3A_665 : memref<8x128xf32, #tpu.memory_space<hbm>>) target(%dma_start3A_664 : memref<8x128xf32, #tpu.memory_space<vmem>>) target_semaphore(%arg15 : memref<!tpu.dma_semaphore, #tpu.memory_space<semaphore_mem>>)
    %dma_start3A_666 = arith.constant 168 : i32
    %dma_start3A_667 = arith.constant 0 : i32
    %dma_start3A_668 = tpu.memref_slice %arg10[%dma_start3A_666, %dma_start3A_667] : memref<384x128xf32, #tpu.memory_space<vmem>> -> memref<8x128xf32, #tpu.memory_space<vmem>>
    %dma_start3A_669 = tpu.memref_slice %arg5[%multiple_of3A, %multiple_of3A_657] : memref<16x1000000xf32, #tpu.memory_space<hbm>> -> memref<8x128xf32, #tpu.memory_space<hbm>>
    %dma_start3A_670 = arith.constant 168 : i32
    %dma_start3A_671 = arith.constant 0 : i32
    %dma_start3A_672 = tpu.memref_slice %arg10[%dma_start3A_670, %dma_start3A_671] : memref<384x128xf32, #tpu.memory_space<vmem>> -> memref<8x128xf32, #tpu.memory_space<vmem>>
    %dma_start3A_673 = tpu.memref_slice %arg5[%multiple_of3A, %multiple_of3A_657] : memref<16x1000000xf32, #tpu.memory_space<hbm>> -> memref<8x128xf32, #tpu.memory_space<hbm>>
    tpu.enqueue_dma source(%dma_start3A_673 : memref<8x128xf32, #tpu.memory_space<hbm>>) target(%dma_start3A_672 : memref<8x128xf32, #tpu.memory_space<vmem>>) target_semaphore(%arg15 : memref<!tpu.dma_semaphore, #tpu.memory_space<semaphore_mem>>)
    %slice3A_674 = vector.extract_strided_slice %get3A_491 {offsets = [6], sizes = [1], strides = [1]} : vector<16xi32> to vector<1xi32>
    %squeeze3A_675 = vector.extract %slice3A_674[0] : i32 from vector<1xi32>
    %shift_right_arithmetic3A_676 = arith.constant 7 : i32
    %shift_right_arithmetic3A_677 = arith.shrsi %squeeze3A_675, %shift_right_arithmetic3A_676 : i32
    %shift_left3A_678 = arith.constant 7 : i32
    %shift_left3A_679 = arith.shli %shift_right_arithmetic3A_677, %shift_left3A_678 : i32
    %multiple_of3A_680 = tpu.assume_multiple %shift_left3A_679, 128 : i32
    %slice3A_681 = vector.extract_strided_slice %get3A_493 {offsets = [6], sizes = [1], strides = [1]} : vector<16xi32> to vector<1xi32>
    %squeeze3A_682 = vector.extract %slice3A_681[0] : i32 from vector<1xi32>
    %shift_right_arithmetic3A_683 = arith.constant 7 : i32
    %shift_right_arithmetic3A_684 = arith.shrsi %squeeze3A_682, %shift_right_arithmetic3A_683 : i32
    %shift_left3A_685 = arith.constant 7 : i32
    %shift_left3A_686 = arith.shli %shift_right_arithmetic3A_684, %shift_left3A_685 : i32
    %multiple_of3A_687 = tpu.assume_multiple %shift_left3A_686, 128 : i32
    %dma_start3A_688 = arith.constant 176 : i32
    %dma_start3A_689 = arith.constant 0 : i32
    %dma_start3A_690 = tpu.memref_slice %arg9[%dma_start3A_688, %dma_start3A_689] : memref<384x128xf32, #tpu.memory_space<vmem>> -> memref<8x128xf32, #tpu.memory_space<vmem>>
    %dma_start3A_691 = tpu.memref_slice %arg4[%multiple_of3A, %multiple_of3A_680] : memref<16x1000000xf32, #tpu.memory_space<hbm>> -> memref<8x128xf32, #tpu.memory_space<hbm>>
    %dma_start3A_692 = arith.constant 176 : i32
    %dma_start3A_693 = arith.constant 0 : i32
    %dma_start3A_694 = tpu.memref_slice %arg9[%dma_start3A_692, %dma_start3A_693] : memref<384x128xf32, #tpu.memory_space<vmem>> -> memref<8x128xf32, #tpu.memory_space<vmem>>
    %dma_start3A_695 = tpu.memref_slice %arg4[%multiple_of3A, %multiple_of3A_680] : memref<16x1000000xf32, #tpu.memory_space<hbm>> -> memref<8x128xf32, #tpu.memory_space<hbm>>
    tpu.enqueue_dma source(%dma_start3A_695 : memref<8x128xf32, #tpu.memory_space<hbm>>) target(%dma_start3A_694 : memref<8x128xf32, #tpu.memory_space<vmem>>) target_semaphore(%arg15 : memref<!tpu.dma_semaphore, #tpu.memory_space<semaphore_mem>>)
    %dma_start3A_696 = arith.constant 176 : i32
    %dma_start3A_697 = arith.constant 0 : i32
    %dma_start3A_698 = tpu.memref_slice %arg10[%dma_start3A_696, %dma_start3A_697] : memref<384x128xf32, #tpu.memory_space<vmem>> -> memref<8x128xf32, #tpu.memory_space<vmem>>
    %dma_start3A_699 = tpu.memref_slice %arg5[%multiple_of3A, %multiple_of3A_687] : memref<16x1000000xf32, #tpu.memory_space<hbm>> -> memref<8x128xf32, #tpu.memory_space<hbm>>
    %dma_start3A_700 = arith.constant 176 : i32
    %dma_start3A_701 = arith.constant 0 : i32
    %dma_start3A_702 = tpu.memref_slice %arg10[%dma_start3A_700, %dma_start3A_701] : memref<384x128xf32, #tpu.memory_space<vmem>> -> memref<8x128xf32, #tpu.memory_space<vmem>>
    %dma_start3A_703 = tpu.memref_slice %arg5[%multiple_of3A, %multiple_of3A_687] : memref<16x1000000xf32, #tpu.memory_space<hbm>> -> memref<8x128xf32, #tpu.memory_space<hbm>>
    tpu.enqueue_dma source(%dma_start3A_703 : memref<8x128xf32, #tpu.memory_space<hbm>>) target(%dma_start3A_702 : memref<8x128xf32, #tpu.memory_space<vmem>>) target_semaphore(%arg15 : memref<!tpu.dma_semaphore, #tpu.memory_space<semaphore_mem>>)
    %slice3A_704 = vector.extract_strided_slice %get3A_491 {offsets = [7], sizes = [1], strides = [1]} : vector<16xi32> to vector<1xi32>
    %squeeze3A_705 = vector.extract %slice3A_704[0] : i32 from vector<1xi32>
    %shift_right_arithmetic3A_706 = arith.constant 7 : i32
    %shift_right_arithmetic3A_707 = arith.shrsi %squeeze3A_705, %shift_right_arithmetic3A_706 : i32
    %shift_left3A_708 = arith.constant 7 : i32
    %shift_left3A_709 = arith.shli %shift_right_arithmetic3A_707, %shift_left3A_708 : i32
    %multiple_of3A_710 = tpu.assume_multiple %shift_left3A_709, 128 : i32
    %slice3A_711 = vector.extract_strided_slice %get3A_493 {offsets = [7], sizes = [1], strides = [1]} : vector<16xi32> to vector<1xi32>
    %squeeze3A_712 = vector.extract %slice3A_711[0] : i32 from vector<1xi32>
    %shift_right_arithmetic3A_713 = arith.constant 7 : i32
    %shift_right_arithmetic3A_714 = arith.shrsi %squeeze3A_712, %shift_right_arithmetic3A_713 : i32
    %shift_left3A_715 = arith.constant 7 : i32
    %shift_left3A_716 = arith.shli %shift_right_arithmetic3A_714, %shift_left3A_715 : i32
    %multiple_of3A_717 = tpu.assume_multiple %shift_left3A_716, 128 : i32
    %dma_start3A_718 = arith.constant 184 : i32
    %dma_start3A_719 = arith.constant 0 : i32
    %dma_start3A_720 = tpu.memref_slice %arg9[%dma_start3A_718, %dma_start3A_719] : memref<384x128xf32, #tpu.memory_space<vmem>> -> memref<8x128xf32, #tpu.memory_space<vmem>>
    %dma_start3A_721 = tpu.memref_slice %arg4[%multiple_of3A, %multiple_of3A_710] : memref<16x1000000xf32, #tpu.memory_space<hbm>> -> memref<8x128xf32, #tpu.memory_space<hbm>>
    %dma_start3A_722 = arith.constant 184 : i32
    %dma_start3A_723 = arith.constant 0 : i32
    %dma_start3A_724 = tpu.memref_slice %arg9[%dma_start3A_722, %dma_start3A_723] : memref<384x128xf32, #tpu.memory_space<vmem>> -> memref<8x128xf32, #tpu.memory_space<vmem>>
    %dma_start3A_725 = tpu.memref_slice %arg4[%multiple_of3A, %multiple_of3A_710] : memref<16x1000000xf32, #tpu.memory_space<hbm>> -> memref<8x128xf32, #tpu.memory_space<hbm>>
    tpu.enqueue_dma source(%dma_start3A_725 : memref<8x128xf32, #tpu.memory_space<hbm>>) target(%dma_start3A_724 : memref<8x128xf32, #tpu.memory_space<vmem>>) target_semaphore(%arg15 : memref<!tpu.dma_semaphore, #tpu.memory_space<semaphore_mem>>)
    %dma_start3A_726 = arith.constant 184 : i32
    %dma_start3A_727 = arith.constant 0 : i32
    %dma_start3A_728 = tpu.memref_slice %arg10[%dma_start3A_726, %dma_start3A_727] : memref<384x128xf32, #tpu.memory_space<vmem>> -> memref<8x128xf32, #tpu.memory_space<vmem>>
    %dma_start3A_729 = tpu.memref_slice %arg5[%multiple_of3A, %multiple_of3A_717] : memref<16x1000000xf32, #tpu.memory_space<hbm>> -> memref<8x128xf32, #tpu.memory_space<hbm>>
    %dma_start3A_730 = arith.constant 184 : i32
    %dma_start3A_731 = arith.constant 0 : i32
    %dma_start3A_732 = tpu.memref_slice %arg10[%dma_start3A_730, %dma_start3A_731] : memref<384x128xf32, #tpu.memory_space<vmem>> -> memref<8x128xf32, #tpu.memory_space<vmem>>
    %dma_start3A_733 = tpu.memref_slice %arg5[%multiple_of3A, %multiple_of3A_717] : memref<16x1000000xf32, #tpu.memory_space<hbm>> -> memref<8x128xf32, #tpu.memory_space<hbm>>
    tpu.enqueue_dma source(%dma_start3A_733 : memref<8x128xf32, #tpu.memory_space<hbm>>) target(%dma_start3A_732 : memref<8x128xf32, #tpu.memory_space<vmem>>) target_semaphore(%arg15 : memref<!tpu.dma_semaphore, #tpu.memory_space<semaphore_mem>>)
    %slice3A_734 = vector.extract_strided_slice %get3A_491 {offsets = [8], sizes = [1], strides = [1]} : vector<16xi32> to vector<1xi32>
    %squeeze3A_735 = vector.extract %slice3A_734[0] : i32 from vector<1xi32>
    %shift_right_arithmetic3A_736 = arith.constant 7 : i32
    %shift_right_arithmetic3A_737 = arith.shrsi %squeeze3A_735, %shift_right_arithmetic3A_736 : i32
    %shift_left3A_738 = arith.constant 7 : i32
    %shift_left3A_739 = arith.shli %shift_right_arithmetic3A_737, %shift_left3A_738 : i32
    %multiple_of3A_740 = tpu.assume_multiple %shift_left3A_739, 128 : i32
    %slice3A_741 = vector.extract_strided_slice %get3A_493 {offsets = [8], sizes = [1], strides = [1]} : vector<16xi32> to vector<1xi32>
    %squeeze3A_742 = vector.extract %slice3A_741[0] : i32 from vector<1xi32>
    %shift_right_arithmetic3A_743 = arith.constant 7 : i32
    %shift_right_arithmetic3A_744 = arith.shrsi %squeeze3A_742, %shift_right_arithmetic3A_743 : i32
    %shift_left3A_745 = arith.constant 7 : i32
    %shift_left3A_746 = arith.shli %shift_right_arithmetic3A_744, %shift_left3A_745 : i32
    %multiple_of3A_747 = tpu.assume_multiple %shift_left3A_746, 128 : i32
    %dma_start3A_748 = arith.constant 192 : i32
    %dma_start3A_749 = arith.constant 0 : i32
    %dma_start3A_750 = tpu.memref_slice %arg9[%dma_start3A_748, %dma_start3A_749] : memref<384x128xf32, #tpu.memory_space<vmem>> -> memref<8x128xf32, #tpu.memory_space<vmem>>
    %dma_start3A_751 = tpu.memref_slice %arg4[%multiple_of3A, %multiple_of3A_740] : memref<16x1000000xf32, #tpu.memory_space<hbm>> -> memref<8x128xf32, #tpu.memory_space<hbm>>
    %dma_start3A_752 = arith.constant 192 : i32
    %dma_start3A_753 = arith.constant 0 : i32
    %dma_start3A_754 = tpu.memref_slice %arg9[%dma_start3A_752, %dma_start3A_753] : memref<384x128xf32, #tpu.memory_space<vmem>> -> memref<8x128xf32, #tpu.memory_space<vmem>>
    %dma_start3A_755 = tpu.memref_slice %arg4[%multiple_of3A, %multiple_of3A_740] : memref<16x1000000xf32, #tpu.memory_space<hbm>> -> memref<8x128xf32, #tpu.memory_space<hbm>>
    tpu.enqueue_dma source(%dma_start3A_755 : memref<8x128xf32, #tpu.memory_space<hbm>>) target(%dma_start3A_754 : memref<8x128xf32, #tpu.memory_space<vmem>>) target_semaphore(%arg15 : memref<!tpu.dma_semaphore, #tpu.memory_space<semaphore_mem>>)
    %dma_start3A_756 = arith.constant 192 : i32
    %dma_start3A_757 = arith.constant 0 : i32
    %dma_start3A_758 = tpu.memref_slice %arg10[%dma_start3A_756, %dma_start3A_757] : memref<384x128xf32, #tpu.memory_space<vmem>> -> memref<8x128xf32, #tpu.memory_space<vmem>>
    %dma_start3A_759 = tpu.memref_slice %arg5[%multiple_of3A, %multiple_of3A_747] : memref<16x1000000xf32, #tpu.memory_space<hbm>> -> memref<8x128xf32, #tpu.memory_space<hbm>>
    %dma_start3A_760 = arith.constant 192 : i32
    %dma_start3A_761 = arith.constant 0 : i32
    %dma_start3A_762 = tpu.memref_slice %arg10[%dma_start3A_760, %dma_start3A_761] : memref<384x128xf32, #tpu.memory_space<vmem>> -> memref<8x128xf32, #tpu.memory_space<vmem>>
    %dma_start3A_763 = tpu.memref_slice %arg5[%multiple_of3A, %multiple_of3A_747] : memref<16x1000000xf32, #tpu.memory_space<hbm>> -> memref<8x128xf32, #tpu.memory_space<hbm>>
    tpu.enqueue_dma source(%dma_start3A_763 : memref<8x128xf32, #tpu.memory_space<hbm>>) target(%dma_start3A_762 : memref<8x128xf32, #tpu.memory_space<vmem>>) target_semaphore(%arg15 : memref<!tpu.dma_semaphore, #tpu.memory_space<semaphore_mem>>)
    %slice3A_764 = vector.extract_strided_slice %get3A_491 {offsets = [9], sizes = [1], strides = [1]} : vector<16xi32> to vector<1xi32>
    %squeeze3A_765 = vector.extract %slice3A_764[0] : i32 from vector<1xi32>
    %shift_right_arithmetic3A_766 = arith.constant 7 : i32
    %shift_right_arithmetic3A_767 = arith.shrsi %squeeze3A_765, %shift_right_arithmetic3A_766 : i32
    %shift_left3A_768 = arith.constant 7 : i32
    %shift_left3A_769 = arith.shli %shift_right_arithmetic3A_767, %shift_left3A_768 : i32
    %multiple_of3A_770 = tpu.assume_multiple %shift_left3A_769, 128 : i32
    %slice3A_771 = vector.extract_strided_slice %get3A_493 {offsets = [9], sizes = [1], strides = [1]} : vector<16xi32> to vector<1xi32>
    %squeeze3A_772 = vector.extract %slice3A_771[0] : i32 from vector<1xi32>
    %shift_right_arithmetic3A_773 = arith.constant 7 : i32
    %shift_right_arithmetic3A_774 = arith.shrsi %squeeze3A_772, %shift_right_arithmetic3A_773 : i32
    %shift_left3A_775 = arith.constant 7 : i32
    %shift_left3A_776 = arith.shli %shift_right_arithmetic3A_774, %shift_left3A_775 : i32
    %multiple_of3A_777 = tpu.assume_multiple %shift_left3A_776, 128 : i32
    %dma_start3A_778 = arith.constant 200 : i32
    %dma_start3A_779 = arith.constant 0 : i32
    %dma_start3A_780 = tpu.memref_slice %arg9[%dma_start3A_778, %dma_start3A_779] : memref<384x128xf32, #tpu.memory_space<vmem>> -> memref<8x128xf32, #tpu.memory_space<vmem>>
    %dma_start3A_781 = tpu.memref_slice %arg4[%multiple_of3A, %multiple_of3A_770] : memref<16x1000000xf32, #tpu.memory_space<hbm>> -> memref<8x128xf32, #tpu.memory_space<hbm>>
    %dma_start3A_782 = arith.constant 200 : i32
    %dma_start3A_783 = arith.constant 0 : i32
    %dma_start3A_784 = tpu.memref_slice %arg9[%dma_start3A_782, %dma_start3A_783] : memref<384x128xf32, #tpu.memory_space<vmem>> -> memref<8x128xf32, #tpu.memory_space<vmem>>
    %dma_start3A_785 = tpu.memref_slice %arg4[%multiple_of3A, %multiple_of3A_770] : memref<16x1000000xf32, #tpu.memory_space<hbm>> -> memref<8x128xf32, #tpu.memory_space<hbm>>
    tpu.enqueue_dma source(%dma_start3A_785 : memref<8x128xf32, #tpu.memory_space<hbm>>) target(%dma_start3A_784 : memref<8x128xf32, #tpu.memory_space<vmem>>) target_semaphore(%arg15 : memref<!tpu.dma_semaphore, #tpu.memory_space<semaphore_mem>>)
    %dma_start3A_786 = arith.constant 200 : i32
    %dma_start3A_787 = arith.constant 0 : i32
    %dma_start3A_788 = tpu.memref_slice %arg10[%dma_start3A_786, %dma_start3A_787] : memref<384x128xf32, #tpu.memory_space<vmem>> -> memref<8x128xf32, #tpu.memory_space<vmem>>
    %dma_start3A_789 = tpu.memref_slice %arg5[%multiple_of3A, %multiple_of3A_777] : memref<16x1000000xf32, #tpu.memory_space<hbm>> -> memref<8x128xf32, #tpu.memory_space<hbm>>
    %dma_start3A_790 = arith.constant 200 : i32
    %dma_start3A_791 = arith.constant 0 : i32
    %dma_start3A_792 = tpu.memref_slice %arg10[%dma_start3A_790, %dma_start3A_791] : memref<384x128xf32, #tpu.memory_space<vmem>> -> memref<8x128xf32, #tpu.memory_space<vmem>>
    %dma_start3A_793 = tpu.memref_slice %arg5[%multiple_of3A, %multiple_of3A_777] : memref<16x1000000xf32, #tpu.memory_space<hbm>> -> memref<8x128xf32, #tpu.memory_space<hbm>>
    tpu.enqueue_dma source(%dma_start3A_793 : memref<8x128xf32, #tpu.memory_space<hbm>>) target(%dma_start3A_792 : memref<8x128xf32, #tpu.memory_space<vmem>>) target_semaphore(%arg15 : memref<!tpu.dma_semaphore, #tpu.memory_space<semaphore_mem>>)
    %slice3A_794 = vector.extract_strided_slice %get3A_491 {offsets = [10], sizes = [1], strides = [1]} : vector<16xi32> to vector<1xi32>
    %squeeze3A_795 = vector.extract %slice3A_794[0] : i32 from vector<1xi32>
    %shift_right_arithmetic3A_796 = arith.constant 7 : i32
    %shift_right_arithmetic3A_797 = arith.shrsi %squeeze3A_795, %shift_right_arithmetic3A_796 : i32
    %shift_left3A_798 = arith.constant 7 : i32
    %shift_left3A_799 = arith.shli %shift_right_arithmetic3A_797, %shift_left3A_798 : i32
    %multiple_of3A_800 = tpu.assume_multiple %shift_left3A_799, 128 : i32
    %slice3A_801 = vector.extract_strided_slice %get3A_493 {offsets = [10], sizes = [1], strides = [1]} : vector<16xi32> to vector<1xi32>
    %squeeze3A_802 = vector.extract %slice3A_801[0] : i32 from vector<1xi32>
    %shift_right_arithmetic3A_803 = arith.constant 7 : i32
    %shift_right_arithmetic3A_804 = arith.shrsi %squeeze3A_802, %shift_right_arithmetic3A_803 : i32
    %shift_left3A_805 = arith.constant 7 : i32
    %shift_left3A_806 = arith.shli %shift_right_arithmetic3A_804, %shift_left3A_805 : i32
    %multiple_of3A_807 = tpu.assume_multiple %shift_left3A_806, 128 : i32
    %dma_start3A_808 = arith.constant 208 : i32
    %dma_start3A_809 = arith.constant 0 : i32
    %dma_start3A_810 = tpu.memref_slice %arg9[%dma_start3A_808, %dma_start3A_809] : memref<384x128xf32, #tpu.memory_space<vmem>> -> memref<8x128xf32, #tpu.memory_space<vmem>>
    %dma_start3A_811 = tpu.memref_slice %arg4[%multiple_of3A, %multiple_of3A_800] : memref<16x1000000xf32, #tpu.memory_space<hbm>> -> memref<8x128xf32, #tpu.memory_space<hbm>>
    %dma_start3A_812 = arith.constant 208 : i32
    %dma_start3A_813 = arith.constant 0 : i32
    %dma_start3A_814 = tpu.memref_slice %arg9[%dma_start3A_812, %dma_start3A_813] : memref<384x128xf32, #tpu.memory_space<vmem>> -> memref<8x128xf32, #tpu.memory_space<vmem>>
    %dma_start3A_815 = tpu.memref_slice %arg4[%multiple_of3A, %multiple_of3A_800] : memref<16x1000000xf32, #tpu.memory_space<hbm>> -> memref<8x128xf32, #tpu.memory_space<hbm>>
    tpu.enqueue_dma source(%dma_start3A_815 : memref<8x128xf32, #tpu.memory_space<hbm>>) target(%dma_start3A_814 : memref<8x128xf32, #tpu.memory_space<vmem>>) target_semaphore(%arg15 : memref<!tpu.dma_semaphore, #tpu.memory_space<semaphore_mem>>)
    %dma_start3A_816 = arith.constant 208 : i32
    %dma_start3A_817 = arith.constant 0 : i32
    %dma_start3A_818 = tpu.memref_slice %arg10[%dma_start3A_816, %dma_start3A_817] : memref<384x128xf32, #tpu.memory_space<vmem>> -> memref<8x128xf32, #tpu.memory_space<vmem>>
    %dma_start3A_819 = tpu.memref_slice %arg5[%multiple_of3A, %multiple_of3A_807] : memref<16x1000000xf32, #tpu.memory_space<hbm>> -> memref<8x128xf32, #tpu.memory_space<hbm>>
    %dma_start3A_820 = arith.constant 208 : i32
    %dma_start3A_821 = arith.constant 0 : i32
    %dma_start3A_822 = tpu.memref_slice %arg10[%dma_start3A_820, %dma_start3A_821] : memref<384x128xf32, #tpu.memory_space<vmem>> -> memref<8x128xf32, #tpu.memory_space<vmem>>
    %dma_start3A_823 = tpu.memref_slice %arg5[%multiple_of3A, %multiple_of3A_807] : memref<16x1000000xf32, #tpu.memory_space<hbm>> -> memref<8x128xf32, #tpu.memory_space<hbm>>
    tpu.enqueue_dma source(%dma_start3A_823 : memref<8x128xf32, #tpu.memory_space<hbm>>) target(%dma_start3A_822 : memref<8x128xf32, #tpu.memory_space<vmem>>) target_semaphore(%arg15 : memref<!tpu.dma_semaphore, #tpu.memory_space<semaphore_mem>>)
    %slice3A_824 = vector.extract_strided_slice %get3A_491 {offsets = [11], sizes = [1], strides = [1]} : vector<16xi32> to vector<1xi32>
    %squeeze3A_825 = vector.extract %slice3A_824[0] : i32 from vector<1xi32>
    %shift_right_arithmetic3A_826 = arith.constant 7 : i32
    %shift_right_arithmetic3A_827 = arith.shrsi %squeeze3A_825, %shift_right_arithmetic3A_826 : i32
    %shift_left3A_828 = arith.constant 7 : i32
    %shift_left3A_829 = arith.shli %shift_right_arithmetic3A_827, %shift_left3A_828 : i32
    %multiple_of3A_830 = tpu.assume_multiple %shift_left3A_829, 128 : i32
    %slice3A_831 = vector.extract_strided_slice %get3A_493 {offsets = [11], sizes = [1], strides = [1]} : vector<16xi32> to vector<1xi32>
    %squeeze3A_832 = vector.extract %slice3A_831[0] : i32 from vector<1xi32>
    %shift_right_arithmetic3A_833 = arith.constant 7 : i32
    %shift_right_arithmetic3A_834 = arith.shrsi %squeeze3A_832, %shift_right_arithmetic3A_833 : i32
    %shift_left3A_835 = arith.constant 7 : i32
    %shift_left3A_836 = arith.shli %shift_right_arithmetic3A_834, %shift_left3A_835 : i32
    %multiple_of3A_837 = tpu.assume_multiple %shift_left3A_836, 128 : i32
    %dma_start3A_838 = arith.constant 216 : i32
    %dma_start3A_839 = arith.constant 0 : i32
    %dma_start3A_840 = tpu.memref_slice %arg9[%dma_start3A_838, %dma_start3A_839] : memref<384x128xf32, #tpu.memory_space<vmem>> -> memref<8x128xf32, #tpu.memory_space<vmem>>
    %dma_start3A_841 = tpu.memref_slice %arg4[%multiple_of3A, %multiple_of3A_830] : memref<16x1000000xf32, #tpu.memory_space<hbm>> -> memref<8x128xf32, #tpu.memory_space<hbm>>
    %dma_start3A_842 = arith.constant 216 : i32
    %dma_start3A_843 = arith.constant 0 : i32
    %dma_start3A_844 = tpu.memref_slice %arg9[%dma_start3A_842, %dma_start3A_843] : memref<384x128xf32, #tpu.memory_space<vmem>> -> memref<8x128xf32, #tpu.memory_space<vmem>>
    %dma_start3A_845 = tpu.memref_slice %arg4[%multiple_of3A, %multiple_of3A_830] : memref<16x1000000xf32, #tpu.memory_space<hbm>> -> memref<8x128xf32, #tpu.memory_space<hbm>>
    tpu.enqueue_dma source(%dma_start3A_845 : memref<8x128xf32, #tpu.memory_space<hbm>>) target(%dma_start3A_844 : memref<8x128xf32, #tpu.memory_space<vmem>>) target_semaphore(%arg15 : memref<!tpu.dma_semaphore, #tpu.memory_space<semaphore_mem>>)
    %dma_start3A_846 = arith.constant 216 : i32
    %dma_start3A_847 = arith.constant 0 : i32
    %dma_start3A_848 = tpu.memref_slice %arg10[%dma_start3A_846, %dma_start3A_847] : memref<384x128xf32, #tpu.memory_space<vmem>> -> memref<8x128xf32, #tpu.memory_space<vmem>>
    %dma_start3A_849 = tpu.memref_slice %arg5[%multiple_of3A, %multiple_of3A_837] : memref<16x1000000xf32, #tpu.memory_space<hbm>> -> memref<8x128xf32, #tpu.memory_space<hbm>>
    %dma_start3A_850 = arith.constant 216 : i32
    %dma_start3A_851 = arith.constant 0 : i32
    %dma_start3A_852 = tpu.memref_slice %arg10[%dma_start3A_850, %dma_start3A_851] : memref<384x128xf32, #tpu.memory_space<vmem>> -> memref<8x128xf32, #tpu.memory_space<vmem>>
    %dma_start3A_853 = tpu.memref_slice %arg5[%multiple_of3A, %multiple_of3A_837] : memref<16x1000000xf32, #tpu.memory_space<hbm>> -> memref<8x128xf32, #tpu.memory_space<hbm>>
    tpu.enqueue_dma source(%dma_start3A_853 : memref<8x128xf32, #tpu.memory_space<hbm>>) target(%dma_start3A_852 : memref<8x128xf32, #tpu.memory_space<vmem>>) target_semaphore(%arg15 : memref<!tpu.dma_semaphore, #tpu.memory_space<semaphore_mem>>)
    %slice3A_854 = vector.extract_strided_slice %get3A_491 {offsets = [12], sizes = [1], strides = [1]} : vector<16xi32> to vector<1xi32>
    %squeeze3A_855 = vector.extract %slice3A_854[0] : i32 from vector<1xi32>
    %shift_right_arithmetic3A_856 = arith.constant 7 : i32
    %shift_right_arithmetic3A_857 = arith.shrsi %squeeze3A_855, %shift_right_arithmetic3A_856 : i32
    %shift_left3A_858 = arith.constant 7 : i32
    %shift_left3A_859 = arith.shli %shift_right_arithmetic3A_857, %shift_left3A_858 : i32
    %multiple_of3A_860 = tpu.assume_multiple %shift_left3A_859, 128 : i32
    %slice3A_861 = vector.extract_strided_slice %get3A_493 {offsets = [12], sizes = [1], strides = [1]} : vector<16xi32> to vector<1xi32>
    %squeeze3A_862 = vector.extract %slice3A_861[0] : i32 from vector<1xi32>
    %shift_right_arithmetic3A_863 = arith.constant 7 : i32
    %shift_right_arithmetic3A_864 = arith.shrsi %squeeze3A_862, %shift_right_arithmetic3A_863 : i32
    %shift_left3A_865 = arith.constant 7 : i32
    %shift_left3A_866 = arith.shli %shift_right_arithmetic3A_864, %shift_left3A_865 : i32
    %multiple_of3A_867 = tpu.assume_multiple %shift_left3A_866, 128 : i32
    %dma_start3A_868 = arith.constant 224 : i32
    %dma_start3A_869 = arith.constant 0 : i32
    %dma_start3A_870 = tpu.memref_slice %arg9[%dma_start3A_868, %dma_start3A_869] : memref<384x128xf32, #tpu.memory_space<vmem>> -> memref<8x128xf32, #tpu.memory_space<vmem>>
    %dma_start3A_871 = tpu.memref_slice %arg4[%multiple_of3A, %multiple_of3A_860] : memref<16x1000000xf32, #tpu.memory_space<hbm>> -> memref<8x128xf32, #tpu.memory_space<hbm>>
    %dma_start3A_872 = arith.constant 224 : i32
    %dma_start3A_873 = arith.constant 0 : i32
    %dma_start3A_874 = tpu.memref_slice %arg9[%dma_start3A_872, %dma_start3A_873] : memref<384x128xf32, #tpu.memory_space<vmem>> -> memref<8x128xf32, #tpu.memory_space<vmem>>
    %dma_start3A_875 = tpu.memref_slice %arg4[%multiple_of3A, %multiple_of3A_860] : memref<16x1000000xf32, #tpu.memory_space<hbm>> -> memref<8x128xf32, #tpu.memory_space<hbm>>
    tpu.enqueue_dma source(%dma_start3A_875 : memref<8x128xf32, #tpu.memory_space<hbm>>) target(%dma_start3A_874 : memref<8x128xf32, #tpu.memory_space<vmem>>) target_semaphore(%arg15 : memref<!tpu.dma_semaphore, #tpu.memory_space<semaphore_mem>>)
    %dma_start3A_876 = arith.constant 224 : i32
    %dma_start3A_877 = arith.constant 0 : i32
    %dma_start3A_878 = tpu.memref_slice %arg10[%dma_start3A_876, %dma_start3A_877] : memref<384x128xf32, #tpu.memory_space<vmem>> -> memref<8x128xf32, #tpu.memory_space<vmem>>
    %dma_start3A_879 = tpu.memref_slice %arg5[%multiple_of3A, %multiple_of3A_867] : memref<16x1000000xf32, #tpu.memory_space<hbm>> -> memref<8x128xf32, #tpu.memory_space<hbm>>
    %dma_start3A_880 = arith.constant 224 : i32
    %dma_start3A_881 = arith.constant 0 : i32
    %dma_start3A_882 = tpu.memref_slice %arg10[%dma_start3A_880, %dma_start3A_881] : memref<384x128xf32, #tpu.memory_space<vmem>> -> memref<8x128xf32, #tpu.memory_space<vmem>>
    %dma_start3A_883 = tpu.memref_slice %arg5[%multiple_of3A, %multiple_of3A_867] : memref<16x1000000xf32, #tpu.memory_space<hbm>> -> memref<8x128xf32, #tpu.memory_space<hbm>>
    tpu.enqueue_dma source(%dma_start3A_883 : memref<8x128xf32, #tpu.memory_space<hbm>>) target(%dma_start3A_882 : memref<8x128xf32, #tpu.memory_space<vmem>>) target_semaphore(%arg15 : memref<!tpu.dma_semaphore, #tpu.memory_space<semaphore_mem>>)
    %slice3A_884 = vector.extract_strided_slice %get3A_491 {offsets = [13], sizes = [1], strides = [1]} : vector<16xi32> to vector<1xi32>
    %squeeze3A_885 = vector.extract %slice3A_884[0] : i32 from vector<1xi32>
    %shift_right_arithmetic3A_886 = arith.constant 7 : i32
    %shift_right_arithmetic3A_887 = arith.shrsi %squeeze3A_885, %shift_right_arithmetic3A_886 : i32
    %shift_left3A_888 = arith.constant 7 : i32
    %shift_left3A_889 = arith.shli %shift_right_arithmetic3A_887, %shift_left3A_888 : i32
    %multiple_of3A_890 = tpu.assume_multiple %shift_left3A_889, 128 : i32
    %slice3A_891 = vector.extract_strided_slice %get3A_493 {offsets = [13], sizes = [1], strides = [1]} : vector<16xi32> to vector<1xi32>
    %squeeze3A_892 = vector.extract %slice3A_891[0] : i32 from vector<1xi32>
    %shift_right_arithmetic3A_893 = arith.constant 7 : i32
    %shift_right_arithmetic3A_894 = arith.shrsi %squeeze3A_892, %shift_right_arithmetic3A_893 : i32
    %shift_left3A_895 = arith.constant 7 : i32
    %shift_left3A_896 = arith.shli %shift_right_arithmetic3A_894, %shift_left3A_895 : i32
    %multiple_of3A_897 = tpu.assume_multiple %shift_left3A_896, 128 : i32
    %dma_start3A_898 = arith.constant 232 : i32
    %dma_start3A_899 = arith.constant 0 : i32
    %dma_start3A_900 = tpu.memref_slice %arg9[%dma_start3A_898, %dma_start3A_899] : memref<384x128xf32, #tpu.memory_space<vmem>> -> memref<8x128xf32, #tpu.memory_space<vmem>>
    %dma_start3A_901 = tpu.memref_slice %arg4[%multiple_of3A, %multiple_of3A_890] : memref<16x1000000xf32, #tpu.memory_space<hbm>> -> memref<8x128xf32, #tpu.memory_space<hbm>>
    %dma_start3A_902 = arith.constant 232 : i32
    %dma_start3A_903 = arith.constant 0 : i32
    %dma_start3A_904 = tpu.memref_slice %arg9[%dma_start3A_902, %dma_start3A_903] : memref<384x128xf32, #tpu.memory_space<vmem>> -> memref<8x128xf32, #tpu.memory_space<vmem>>
    %dma_start3A_905 = tpu.memref_slice %arg4[%multiple_of3A, %multiple_of3A_890] : memref<16x1000000xf32, #tpu.memory_space<hbm>> -> memref<8x128xf32, #tpu.memory_space<hbm>>
    tpu.enqueue_dma source(%dma_start3A_905 : memref<8x128xf32, #tpu.memory_space<hbm>>) target(%dma_start3A_904 : memref<8x128xf32, #tpu.memory_space<vmem>>) target_semaphore(%arg15 : memref<!tpu.dma_semaphore, #tpu.memory_space<semaphore_mem>>)
    %dma_start3A_906 = arith.constant 232 : i32
    %dma_start3A_907 = arith.constant 0 : i32
    %dma_start3A_908 = tpu.memref_slice %arg10[%dma_start3A_906, %dma_start3A_907] : memref<384x128xf32, #tpu.memory_space<vmem>> -> memref<8x128xf32, #tpu.memory_space<vmem>>
    %dma_start3A_909 = tpu.memref_slice %arg5[%multiple_of3A, %multiple_of3A_897] : memref<16x1000000xf32, #tpu.memory_space<hbm>> -> memref<8x128xf32, #tpu.memory_space<hbm>>
    %dma_start3A_910 = arith.constant 232 : i32
    %dma_start3A_911 = arith.constant 0 : i32
    %dma_start3A_912 = tpu.memref_slice %arg10[%dma_start3A_910, %dma_start3A_911] : memref<384x128xf32, #tpu.memory_space<vmem>> -> memref<8x128xf32, #tpu.memory_space<vmem>>
    %dma_start3A_913 = tpu.memref_slice %arg5[%multiple_of3A, %multiple_of3A_897] : memref<16x1000000xf32, #tpu.memory_space<hbm>> -> memref<8x128xf32, #tpu.memory_space<hbm>>
    tpu.enqueue_dma source(%dma_start3A_913 : memref<8x128xf32, #tpu.memory_space<hbm>>) target(%dma_start3A_912 : memref<8x128xf32, #tpu.memory_space<vmem>>) target_semaphore(%arg15 : memref<!tpu.dma_semaphore, #tpu.memory_space<semaphore_mem>>)
    %slice3A_914 = vector.extract_strided_slice %get3A_491 {offsets = [14], sizes = [1], strides = [1]} : vector<16xi32> to vector<1xi32>
    %squeeze3A_915 = vector.extract %slice3A_914[0] : i32 from vector<1xi32>
    %shift_right_arithmetic3A_916 = arith.constant 7 : i32
    %shift_right_arithmetic3A_917 = arith.shrsi %squeeze3A_915, %shift_right_arithmetic3A_916 : i32
    %shift_left3A_918 = arith.constant 7 : i32
    %shift_left3A_919 = arith.shli %shift_right_arithmetic3A_917, %shift_left3A_918 : i32
    %multiple_of3A_920 = tpu.assume_multiple %shift_left3A_919, 128 : i32
    %slice3A_921 = vector.extract_strided_slice %get3A_493 {offsets = [14], sizes = [1], strides = [1]} : vector<16xi32> to vector<1xi32>
    %squeeze3A_922 = vector.extract %slice3A_921[0] : i32 from vector<1xi32>
    %shift_right_arithmetic3A_923 = arith.constant 7 : i32
    %shift_right_arithmetic3A_924 = arith.shrsi %squeeze3A_922, %shift_right_arithmetic3A_923 : i32
    %shift_left3A_925 = arith.constant 7 : i32
    %shift_left3A_926 = arith.shli %shift_right_arithmetic3A_924, %shift_left3A_925 : i32
    %multiple_of3A_927 = tpu.assume_multiple %shift_left3A_926, 128 : i32
    %dma_start3A_928 = arith.constant 240 : i32
    %dma_start3A_929 = arith.constant 0 : i32
    %dma_start3A_930 = tpu.memref_slice %arg9[%dma_start3A_928, %dma_start3A_929] : memref<384x128xf32, #tpu.memory_space<vmem>> -> memref<8x128xf32, #tpu.memory_space<vmem>>
    %dma_start3A_931 = tpu.memref_slice %arg4[%multiple_of3A, %multiple_of3A_920] : memref<16x1000000xf32, #tpu.memory_space<hbm>> -> memref<8x128xf32, #tpu.memory_space<hbm>>
    %dma_start3A_932 = arith.constant 240 : i32
    %dma_start3A_933 = arith.constant 0 : i32
    %dma_start3A_934 = tpu.memref_slice %arg9[%dma_start3A_932, %dma_start3A_933] : memref<384x128xf32, #tpu.memory_space<vmem>> -> memref<8x128xf32, #tpu.memory_space<vmem>>
    %dma_start3A_935 = tpu.memref_slice %arg4[%multiple_of3A, %multiple_of3A_920] : memref<16x1000000xf32, #tpu.memory_space<hbm>> -> memref<8x128xf32, #tpu.memory_space<hbm>>
    tpu.enqueue_dma source(%dma_start3A_935 : memref<8x128xf32, #tpu.memory_space<hbm>>) target(%dma_start3A_934 : memref<8x128xf32, #tpu.memory_space<vmem>>) target_semaphore(%arg15 : memref<!tpu.dma_semaphore, #tpu.memory_space<semaphore_mem>>)
    %dma_start3A_936 = arith.constant 240 : i32
    %dma_start3A_937 = arith.constant 0 : i32
    %dma_start3A_938 = tpu.memref_slice %arg10[%dma_start3A_936, %dma_start3A_937] : memref<384x128xf32, #tpu.memory_space<vmem>> -> memref<8x128xf32, #tpu.memory_space<vmem>>
    %dma_start3A_939 = tpu.memref_slice %arg5[%multiple_of3A, %multiple_of3A_927] : memref<16x1000000xf32, #tpu.memory_space<hbm>> -> memref<8x128xf32, #tpu.memory_space<hbm>>
    %dma_start3A_940 = arith.constant 240 : i32
    %dma_start3A_941 = arith.constant 0 : i32
    %dma_start3A_942 = tpu.memref_slice %arg10[%dma_start3A_940, %dma_start3A_941] : memref<384x128xf32, #tpu.memory_space<vmem>> -> memref<8x128xf32, #tpu.memory_space<vmem>>
    %dma_start3A_943 = tpu.memref_slice %arg5[%multiple_of3A, %multiple_of3A_927] : memref<16x1000000xf32, #tpu.memory_space<hbm>> -> memref<8x128xf32, #tpu.memory_space<hbm>>
    tpu.enqueue_dma source(%dma_start3A_943 : memref<8x128xf32, #tpu.memory_space<hbm>>) target(%dma_start3A_942 : memref<8x128xf32, #tpu.memory_space<vmem>>) target_semaphore(%arg15 : memref<!tpu.dma_semaphore, #tpu.memory_space<semaphore_mem>>)
    %slice3A_944 = vector.extract_strided_slice %get3A_491 {offsets = [15], sizes = [1], strides = [1]} : vector<16xi32> to vector<1xi32>
    %squeeze3A_945 = vector.extract %slice3A_944[0] : i32 from vector<1xi32>
    %shift_right_arithmetic3A_946 = arith.constant 7 : i32
    %shift_right_arithmetic3A_947 = arith.shrsi %squeeze3A_945, %shift_right_arithmetic3A_946 : i32
    %shift_left3A_948 = arith.constant 7 : i32
    %shift_left3A_949 = arith.shli %shift_right_arithmetic3A_947, %shift_left3A_948 : i32
    %multiple_of3A_950 = tpu.assume_multiple %shift_left3A_949, 128 : i32
    %slice3A_951 = vector.extract_strided_slice %get3A_493 {offsets = [15], sizes = [1], strides = [1]} : vector<16xi32> to vector<1xi32>
    %squeeze3A_952 = vector.extract %slice3A_951[0] : i32 from vector<1xi32>
    %shift_right_arithmetic3A_953 = arith.constant 7 : i32
    %shift_right_arithmetic3A_954 = arith.shrsi %squeeze3A_952, %shift_right_arithmetic3A_953 : i32
    %shift_left3A_955 = arith.constant 7 : i32
    %shift_left3A_956 = arith.shli %shift_right_arithmetic3A_954, %shift_left3A_955 : i32
    %multiple_of3A_957 = tpu.assume_multiple %shift_left3A_956, 128 : i32
    %dma_start3A_958 = arith.constant 248 : i32
    %dma_start3A_959 = arith.constant 0 : i32
    %dma_start3A_960 = tpu.memref_slice %arg9[%dma_start3A_958, %dma_start3A_959] : memref<384x128xf32, #tpu.memory_space<vmem>> -> memref<8x128xf32, #tpu.memory_space<vmem>>
    %dma_start3A_961 = tpu.memref_slice %arg4[%multiple_of3A, %multiple_of3A_950] : memref<16x1000000xf32, #tpu.memory_space<hbm>> -> memref<8x128xf32, #tpu.memory_space<hbm>>
    %dma_start3A_962 = arith.constant 248 : i32
    %dma_start3A_963 = arith.constant 0 : i32
    %dma_start3A_964 = tpu.memref_slice %arg9[%dma_start3A_962, %dma_start3A_963] : memref<384x128xf32, #tpu.memory_space<vmem>> -> memref<8x128xf32, #tpu.memory_space<vmem>>
    %dma_start3A_965 = tpu.memref_slice %arg4[%multiple_of3A, %multiple_of3A_950] : memref<16x1000000xf32, #tpu.memory_space<hbm>> -> memref<8x128xf32, #tpu.memory_space<hbm>>
    tpu.enqueue_dma source(%dma_start3A_965 : memref<8x128xf32, #tpu.memory_space<hbm>>) target(%dma_start3A_964 : memref<8x128xf32, #tpu.memory_space<vmem>>) target_semaphore(%arg15 : memref<!tpu.dma_semaphore, #tpu.memory_space<semaphore_mem>>)
    %dma_start3A_966 = arith.constant 248 : i32
    %dma_start3A_967 = arith.constant 0 : i32
    %dma_start3A_968 = tpu.memref_slice %arg10[%dma_start3A_966, %dma_start3A_967] : memref<384x128xf32, #tpu.memory_space<vmem>> -> memref<8x128xf32, #tpu.memory_space<vmem>>
    %dma_start3A_969 = tpu.memref_slice %arg5[%multiple_of3A, %multiple_of3A_957] : memref<16x1000000xf32, #tpu.memory_space<hbm>> -> memref<8x128xf32, #tpu.memory_space<hbm>>
    %dma_start3A_970 = arith.constant 248 : i32
    %dma_start3A_971 = arith.constant 0 : i32
    %dma_start3A_972 = tpu.memref_slice %arg10[%dma_start3A_970, %dma_start3A_971] : memref<384x128xf32, #tpu.memory_space<vmem>> -> memref<8x128xf32, #tpu.memory_space<vmem>>
    %dma_start3A_973 = tpu.memref_slice %arg5[%multiple_of3A, %multiple_of3A_957] : memref<16x1000000xf32, #tpu.memory_space<hbm>> -> memref<8x128xf32, #tpu.memory_space<hbm>>
    tpu.enqueue_dma source(%dma_start3A_973 : memref<8x128xf32, #tpu.memory_space<hbm>>) target(%dma_start3A_972 : memref<8x128xf32, #tpu.memory_space<vmem>>) target_semaphore(%arg15 : memref<!tpu.dma_semaphore, #tpu.memory_space<semaphore_mem>>)
    %scan3A = arith.constant 0 : i32
    %scan3A_974 = arith.constant 0 : i32
    %scan3A_975 = arith.constant 64 : i32
    %scan3A_976 = arith.addi %scan3A_974, %scan3A_975 : i32
    %scan3A_977 = arith.constant 1 : i32
    scf.for %scan3A_2453 = %scan3A_974 to %scan3A_976 step %scan3A_977  : i32 {
      %dma_wait3A = arith.constant 0 : i32
      %dma_wait3A_2454 = arith.constant 0 : i32
      %dma_wait3A_2455 = tpu.memref_slice %arg9[%dma_wait3A, %dma_wait3A_2454] : memref<384x128xf32, #tpu.memory_space<vmem>> -> memref<128x128xf32, #tpu.memory_space<vmem>>
      %dma_wait3A_2456 = arith.constant 0 : i32
      %dma_wait3A_2457 = arith.constant 0 : i32
      %dma_wait3A_2458 = tpu.memref_slice %arg4[%dma_wait3A_2456, %dma_wait3A_2457] : memref<16x1000000xf32, #tpu.memory_space<hbm>> -> memref<16x1024xf32, #tpu.memory_space<hbm>>
      %dma_wait3A_2459 = arith.constant 0 : i32
      %dma_wait3A_2460 = arith.constant 0 : i32
      %dma_wait3A_2461 = tpu.memref_slice %arg9[%dma_wait3A_2459, %dma_wait3A_2460] : memref<384x128xf32, #tpu.memory_space<vmem>> -> memref<128x128xf32, #tpu.memory_space<vmem>>
      %dma_wait3A_2462 = arith.constant 0 : i32
      %dma_wait3A_2463 = arith.constant 0 : i32
      %dma_wait3A_2464 = tpu.memref_slice %arg4[%dma_wait3A_2462, %dma_wait3A_2463] : memref<16x1000000xf32, #tpu.memory_space<hbm>> -> memref<16x1024xf32, #tpu.memory_space<hbm>>
      tpu.wait_dma2 semaphore(%arg15 : memref<!tpu.dma_semaphore, #tpu.memory_space<semaphore_mem>>) src(%dma_wait3A_2464 : memref<16x1024xf32, #tpu.memory_space<hbm>>) dst(%dma_wait3A_2461 : memref<128x128xf32, #tpu.memory_space<vmem>>)
      %dma_wait3A_2465 = arith.constant 0 : i32
      %dma_wait3A_2466 = arith.constant 0 : i32
      %dma_wait3A_2467 = tpu.memref_slice %arg10[%dma_wait3A_2465, %dma_wait3A_2466] : memref<384x128xf32, #tpu.memory_space<vmem>> -> memref<128x128xf32, #tpu.memory_space<vmem>>
      %dma_wait3A_2468 = arith.constant 0 : i32
      %dma_wait3A_2469 = arith.constant 0 : i32
      %dma_wait3A_2470 = tpu.memref_slice %arg5[%dma_wait3A_2468, %dma_wait3A_2469] : memref<16x1000000xf32, #tpu.memory_space<hbm>> -> memref<16x1024xf32, #tpu.memory_space<hbm>>
      %dma_wait3A_2471 = arith.constant 0 : i32
      %dma_wait3A_2472 = arith.constant 0 : i32
      %dma_wait3A_2473 = tpu.memref_slice %arg10[%dma_wait3A_2471, %dma_wait3A_2472] : memref<384x128xf32, #tpu.memory_space<vmem>> -> memref<128x128xf32, #tpu.memory_space<vmem>>
      %dma_wait3A_2474 = arith.constant 0 : i32
      %dma_wait3A_2475 = arith.constant 0 : i32
      %dma_wait3A_2476 = tpu.memref_slice %arg5[%dma_wait3A_2474, %dma_wait3A_2475] : memref<16x1000000xf32, #tpu.memory_space<hbm>> -> memref<16x1024xf32, #tpu.memory_space<hbm>>
      tpu.wait_dma2 semaphore(%arg15 : memref<!tpu.dma_semaphore, #tpu.memory_space<semaphore_mem>>) src(%dma_wait3A_2476 : memref<16x1024xf32, #tpu.memory_space<hbm>>) dst(%dma_wait3A_2473 : memref<128x128xf32, #tpu.memory_space<vmem>>)
      %add3A_2477 = arith.constant 2 : i32
      %add3A_2478 = arith.addi %scan3A_2453, %add3A_2477 : i32
      %lt3A = arith.constant 64 : i32
      %lt3A_2479 = arith.cmpi slt, %add3A_2478, %lt3A : i32
      %convert_element_type3A = arith.extui %lt3A_2479 : i1 to i32
      %cond3A = arith.constant 0 : i32
      %cond3A_2480 = arith.cmpi ne, %convert_element_type3A, %cond3A : i32
      scf.if %cond3A_2480 {
        %add3A_2584 = arith.constant 2 : i32
        %add3A_2585 = arith.addi %scan3A_2453, %add3A_2584 : i32
        %add3A_2586 = arith.constant 2 : i32
        %add3A_2587 = arith.addi %scan3A_2453, %add3A_2586 : i32
        %rem3A_2588 = arith.constant 3 : i32
        %rem3A_2589 = arith.remsi %add3A_2587, %rem3A_2588 : i32
        %mul3A_2590 = arith.constant 16 : i32
        %mul3A_2591 = arith.muli %add3A_2585, %mul3A_2590 : i32
        %multiple_of3A_2592 = tpu.assume_multiple %mul3A_2591, 16 : i32
        %get3A_2593 = arith.index_cast %multiple_of3A_2592 : i32 to index
        %get3A_2594 = tpu.vector_load %arg7[%get3A_2593] {strides = array<i32>} : memref<1024xi32, #tpu.memory_space<vmem>>, vector<16xi32>,
        %get3A_2595 = arith.index_cast %multiple_of3A_2592 : i32 to index
        %get3A_2596 = tpu.vector_load %arg8[%get3A_2595] {strides = array<i32>} : memref<1024xi32, #tpu.memory_space<vmem>>, vector<16xi32>,
        %mul3A_2597 = arith.constant 16 : i32
        %mul3A_2598 = arith.muli %rem3A_2589, %mul3A_2597 : i32
        %slice3A_2599 = vector.extract_strided_slice %get3A_2594 {offsets = [0], sizes = [1], strides = [1]} : vector<16xi32> to vector<1xi32>
        %squeeze3A_2600 = vector.extract %slice3A_2599[0] : i32 from vector<1xi32>
        %shift_right_arithmetic3A_2601 = arith.constant 7 : i32
        %shift_right_arithmetic3A_2602 = arith.shrsi %squeeze3A_2600, %shift_right_arithmetic3A_2601 : i32
        %shift_left3A_2603 = arith.constant 7 : i32
        %shift_left3A_2604 = arith.shli %shift_right_arithmetic3A_2602, %shift_left3A_2603 : i32
        %multiple_of3A_2605 = tpu.assume_multiple %shift_left3A_2604, 128 : i32
        %slice3A_2606 = vector.extract_strided_slice %get3A_2596 {offsets = [0], sizes = [1], strides = [1]} : vector<16xi32> to vector<1xi32>
        %squeeze3A_2607 = vector.extract %slice3A_2606[0] : i32 from vector<1xi32>
        %shift_right_arithmetic3A_2608 = arith.constant 7 : i32
        %shift_right_arithmetic3A_2609 = arith.shrsi %squeeze3A_2607, %shift_right_arithmetic3A_2608 : i32
        %shift_left3A_2610 = arith.constant 7 : i32
        %shift_left3A_2611 = arith.shli %shift_right_arithmetic3A_2609, %shift_left3A_2610 : i32
        %multiple_of3A_2612 = tpu.assume_multiple %shift_left3A_2611, 128 : i32
        %add3A_2613 = arith.constant 0 : i32
        %add3A_2614 = arith.addi %mul3A_2598, %add3A_2613 : i32
        %mul3A_2615 = arith.constant 8 : i32
        %mul3A_2616 = arith.muli %add3A_2614, %mul3A_2615 : i32
        %dma_start3A_2617 = arith.constant 0 : i32
        %dma_start3A_2618 = tpu.memref_slice %arg9[%mul3A_2616, %dma_start3A_2617] : memref<384x128xf32, #tpu.memory_space<vmem>> -> memref<8x128xf32, #tpu.memory_space<vmem>>
        %dma_start3A_2619 = tpu.memref_slice %arg4[%multiple_of3A, %multiple_of3A_2605] : memref<16x1000000xf32, #tpu.memory_space<hbm>> -> memref<8x128xf32, #tpu.memory_space<hbm>>
        %dma_start3A_2620 = arith.constant 0 : i32
        %dma_start3A_2621 = tpu.memref_slice %arg9[%mul3A_2616, %dma_start3A_2620] : memref<384x128xf32, #tpu.memory_space<vmem>> -> memref<8x128xf32, #tpu.memory_space<vmem>>
        %dma_start3A_2622 = tpu.memref_slice %arg4[%multiple_of3A, %multiple_of3A_2605] : memref<16x1000000xf32, #tpu.memory_space<hbm>> -> memref<8x128xf32, #tpu.memory_space<hbm>>
        tpu.enqueue_dma source(%dma_start3A_2622 : memref<8x128xf32, #tpu.memory_space<hbm>>) target(%dma_start3A_2621 : memref<8x128xf32, #tpu.memory_space<vmem>>) target_semaphore(%arg15 : memref<!tpu.dma_semaphore, #tpu.memory_space<semaphore_mem>>)
        %add3A_2623 = arith.constant 0 : i32
        %add3A_2624 = arith.addi %mul3A_2598, %add3A_2623 : i32
        %mul3A_2625 = arith.constant 8 : i32
        %mul3A_2626 = arith.muli %add3A_2624, %mul3A_2625 : i32
        %dma_start3A_2627 = arith.constant 0 : i32
        %dma_start3A_2628 = tpu.memref_slice %arg10[%mul3A_2626, %dma_start3A_2627] : memref<384x128xf32, #tpu.memory_space<vmem>> -> memref<8x128xf32, #tpu.memory_space<vmem>>
        %dma_start3A_2629 = tpu.memref_slice %arg5[%multiple_of3A, %multiple_of3A_2612] : memref<16x1000000xf32, #tpu.memory_space<hbm>> -> memref<8x128xf32, #tpu.memory_space<hbm>>
        %dma_start3A_2630 = arith.constant 0 : i32
        %dma_start3A_2631 = tpu.memref_slice %arg10[%mul3A_2626, %dma_start3A_2630] : memref<384x128xf32, #tpu.memory_space<vmem>> -> memref<8x128xf32, #tpu.memory_space<vmem>>
        %dma_start3A_2632 = tpu.memref_slice %arg5[%multiple_of3A, %multiple_of3A_2612] : memref<16x1000000xf32, #tpu.memory_space<hbm>> -> memref<8x128xf32, #tpu.memory_space<hbm>>
        tpu.enqueue_dma source(%dma_start3A_2632 : memref<8x128xf32, #tpu.memory_space<hbm>>) target(%dma_start3A_2631 : memref<8x128xf32, #tpu.memory_space<vmem>>) target_semaphore(%arg15 : memref<!tpu.dma_semaphore, #tpu.memory_space<semaphore_mem>>)
        %slice3A_2633 = vector.extract_strided_slice %get3A_2594 {offsets = [1], sizes = [1], strides = [1]} : vector<16xi32> to vector<1xi32>
        %squeeze3A_2634 = vector.extract %slice3A_2633[0] : i32 from vector<1xi32>
        %shift_right_arithmetic3A_2635 = arith.constant 7 : i32
        %shift_right_arithmetic3A_2636 = arith.shrsi %squeeze3A_2634, %shift_right_arithmetic3A_2635 : i32
        %shift_left3A_2637 = arith.constant 7 : i32
        %shift_left3A_2638 = arith.shli %shift_right_arithmetic3A_2636, %shift_left3A_2637 : i32
        %multiple_of3A_2639 = tpu.assume_multiple %shift_left3A_2638, 128 : i32
        %slice3A_2640 = vector.extract_strided_slice %get3A_2596 {offsets = [1], sizes = [1], strides = [1]} : vector<16xi32> to vector<1xi32>
        %squeeze3A_2641 = vector.extract %slice3A_2640[0] : i32 from vector<1xi32>
        %shift_right_arithmetic3A_2642 = arith.constant 7 : i32
        %shift_right_arithmetic3A_2643 = arith.shrsi %squeeze3A_2641, %shift_right_arithmetic3A_2642 : i32
        %shift_left3A_2644 = arith.constant 7 : i32
        %shift_left3A_2645 = arith.shli %shift_right_arithmetic3A_2643, %shift_left3A_2644 : i32
        %multiple_of3A_2646 = tpu.assume_multiple %shift_left3A_2645, 128 : i32
        %add3A_2647 = arith.constant 1 : i32
        %add3A_2648 = arith.addi %mul3A_2598, %add3A_2647 : i32
        %mul3A_2649 = arith.constant 8 : i32
        %mul3A_2650 = arith.muli %add3A_2648, %mul3A_2649 : i32
        %dma_start3A_2651 = arith.constant 0 : i32
        %dma_start3A_2652 = tpu.memref_slice %arg9[%mul3A_2650, %dma_start3A_2651] : memref<384x128xf32, #tpu.memory_space<vmem>> -> memref<8x128xf32, #tpu.memory_space<vmem>>
        %dma_start3A_2653 = tpu.memref_slice %arg4[%multiple_of3A, %multiple_of3A_2639] : memref<16x1000000xf32, #tpu.memory_space<hbm>> -> memref<8x128xf32, #tpu.memory_space<hbm>>
        %dma_start3A_2654 = arith.constant 0 : i32
        %dma_start3A_2655 = tpu.memref_slice %arg9[%mul3A_2650, %dma_start3A_2654] : memref<384x128xf32, #tpu.memory_space<vmem>> -> memref<8x128xf32, #tpu.memory_space<vmem>>
        %dma_start3A_2656 = tpu.memref_slice %arg4[%multiple_of3A, %multiple_of3A_2639] : memref<16x1000000xf32, #tpu.memory_space<hbm>> -> memref<8x128xf32, #tpu.memory_space<hbm>>
        tpu.enqueue_dma source(%dma_start3A_2656 : memref<8x128xf32, #tpu.memory_space<hbm>>) target(%dma_start3A_2655 : memref<8x128xf32, #tpu.memory_space<vmem>>) target_semaphore(%arg15 : memref<!tpu.dma_semaphore, #tpu.memory_space<semaphore_mem>>)
        %add3A_2657 = arith.constant 1 : i32
        %add3A_2658 = arith.addi %mul3A_2598, %add3A_2657 : i32
        %mul3A_2659 = arith.constant 8 : i32
        %mul3A_2660 = arith.muli %add3A_2658, %mul3A_2659 : i32
        %dma_start3A_2661 = arith.constant 0 : i32
        %dma_start3A_2662 = tpu.memref_slice %arg10[%mul3A_2660, %dma_start3A_2661] : memref<384x128xf32, #tpu.memory_space<vmem>> -> memref<8x128xf32, #tpu.memory_space<vmem>>
        %dma_start3A_2663 = tpu.memref_slice %arg5[%multiple_of3A, %multiple_of3A_2646] : memref<16x1000000xf32, #tpu.memory_space<hbm>> -> memref<8x128xf32, #tpu.memory_space<hbm>>
        %dma_start3A_2664 = arith.constant 0 : i32
        %dma_start3A_2665 = tpu.memref_slice %arg10[%mul3A_2660, %dma_start3A_2664] : memref<384x128xf32, #tpu.memory_space<vmem>> -> memref<8x128xf32, #tpu.memory_space<vmem>>
        %dma_start3A_2666 = tpu.memref_slice %arg5[%multiple_of3A, %multiple_of3A_2646] : memref<16x1000000xf32, #tpu.memory_space<hbm>> -> memref<8x128xf32, #tpu.memory_space<hbm>>
        tpu.enqueue_dma source(%dma_start3A_2666 : memref<8x128xf32, #tpu.memory_space<hbm>>) target(%dma_start3A_2665 : memref<8x128xf32, #tpu.memory_space<vmem>>) target_semaphore(%arg15 : memref<!tpu.dma_semaphore, #tpu.memory_space<semaphore_mem>>)
        %slice3A_2667 = vector.extract_strided_slice %get3A_2594 {offsets = [2], sizes = [1], strides = [1]} : vector<16xi32> to vector<1xi32>
        %squeeze3A_2668 = vector.extract %slice3A_2667[0] : i32 from vector<1xi32>
        %shift_right_arithmetic3A_2669 = arith.constant 7 : i32
        %shift_right_arithmetic3A_2670 = arith.shrsi %squeeze3A_2668, %shift_right_arithmetic3A_2669 : i32
        %shift_left3A_2671 = arith.constant 7 : i32
        %shift_left3A_2672 = arith.shli %shift_right_arithmetic3A_2670, %shift_left3A_2671 : i32
        %multiple_of3A_2673 = tpu.assume_multiple %shift_left3A_2672, 128 : i32
        %slice3A_2674 = vector.extract_strided_slice %get3A_2596 {offsets = [2], sizes = [1], strides = [1]} : vector<16xi32> to vector<1xi32>
        %squeeze3A_2675 = vector.extract %slice3A_2674[0] : i32 from vector<1xi32>
        %shift_right_arithmetic3A_2676 = arith.constant 7 : i32
        %shift_right_arithmetic3A_2677 = arith.shrsi %squeeze3A_2675, %shift_right_arithmetic3A_2676 : i32
        %shift_left3A_2678 = arith.constant 7 : i32
        %shift_left3A_2679 = arith.shli %shift_right_arithmetic3A_2677, %shift_left3A_2678 : i32
        %multiple_of3A_2680 = tpu.assume_multiple %shift_left3A_2679, 128 : i32
        %add3A_2681 = arith.constant 2 : i32
        %add3A_2682 = arith.addi %mul3A_2598, %add3A_2681 : i32
        %mul3A_2683 = arith.constant 8 : i32
        %mul3A_2684 = arith.muli %add3A_2682, %mul3A_2683 : i32
        %dma_start3A_2685 = arith.constant 0 : i32
        %dma_start3A_2686 = tpu.memref_slice %arg9[%mul3A_2684, %dma_start3A_2685] : memref<384x128xf32, #tpu.memory_space<vmem>> -> memref<8x128xf32, #tpu.memory_space<vmem>>
        %dma_start3A_2687 = tpu.memref_slice %arg4[%multiple_of3A, %multiple_of3A_2673] : memref<16x1000000xf32, #tpu.memory_space<hbm>> -> memref<8x128xf32, #tpu.memory_space<hbm>>
        %dma_start3A_2688 = arith.constant 0 : i32
        %dma_start3A_2689 = tpu.memref_slice %arg9[%mul3A_2684, %dma_start3A_2688] : memref<384x128xf32, #tpu.memory_space<vmem>> -> memref<8x128xf32, #tpu.memory_space<vmem>>
        %dma_start3A_2690 = tpu.memref_slice %arg4[%multiple_of3A, %multiple_of3A_2673] : memref<16x1000000xf32, #tpu.memory_space<hbm>> -> memref<8x128xf32, #tpu.memory_space<hbm>>
        tpu.enqueue_dma source(%dma_start3A_2690 : memref<8x128xf32, #tpu.memory_space<hbm>>) target(%dma_start3A_2689 : memref<8x128xf32, #tpu.memory_space<vmem>>) target_semaphore(%arg15 : memref<!tpu.dma_semaphore, #tpu.memory_space<semaphore_mem>>)
        %add3A_2691 = arith.constant 2 : i32
        %add3A_2692 = arith.addi %mul3A_2598, %add3A_2691 : i32
        %mul3A_2693 = arith.constant 8 : i32
        %mul3A_2694 = arith.muli %add3A_2692, %mul3A_2693 : i32
        %dma_start3A_2695 = arith.constant 0 : i32
        %dma_start3A_2696 = tpu.memref_slice %arg10[%mul3A_2694, %dma_start3A_2695] : memref<384x128xf32, #tpu.memory_space<vmem>> -> memref<8x128xf32, #tpu.memory_space<vmem>>
        %dma_start3A_2697 = tpu.memref_slice %arg5[%multiple_of3A, %multiple_of3A_2680] : memref<16x1000000xf32, #tpu.memory_space<hbm>> -> memref<8x128xf32, #tpu.memory_space<hbm>>
        %dma_start3A_2698 = arith.constant 0 : i32
        %dma_start3A_2699 = tpu.memref_slice %arg10[%mul3A_2694, %dma_start3A_2698] : memref<384x128xf32, #tpu.memory_space<vmem>> -> memref<8x128xf32, #tpu.memory_space<vmem>>
        %dma_start3A_2700 = tpu.memref_slice %arg5[%multiple_of3A, %multiple_of3A_2680] : memref<16x1000000xf32, #tpu.memory_space<hbm>> -> memref<8x128xf32, #tpu.memory_space<hbm>>
        tpu.enqueue_dma source(%dma_start3A_2700 : memref<8x128xf32, #tpu.memory_space<hbm>>) target(%dma_start3A_2699 : memref<8x128xf32, #tpu.memory_space<vmem>>) target_semaphore(%arg15 : memref<!tpu.dma_semaphore, #tpu.memory_space<semaphore_mem>>)
        %slice3A_2701 = vector.extract_strided_slice %get3A_2594 {offsets = [3], sizes = [1], strides = [1]} : vector<16xi32> to vector<1xi32>
        %squeeze3A_2702 = vector.extract %slice3A_2701[0] : i32 from vector<1xi32>
        %shift_right_arithmetic3A_2703 = arith.constant 7 : i32
        %shift_right_arithmetic3A_2704 = arith.shrsi %squeeze3A_2702, %shift_right_arithmetic3A_2703 : i32
        %shift_left3A_2705 = arith.constant 7 : i32
        %shift_left3A_2706 = arith.shli %shift_right_arithmetic3A_2704, %shift_left3A_2705 : i32
        %multiple_of3A_2707 = tpu.assume_multiple %shift_left3A_2706, 128 : i32
        %slice3A_2708 = vector.extract_strided_slice %get3A_2596 {offsets = [3], sizes = [1], strides = [1]} : vector<16xi32> to vector<1xi32>
        %squeeze3A_2709 = vector.extract %slice3A_2708[0] : i32 from vector<1xi32>
        %shift_right_arithmetic3A_2710 = arith.constant 7 : i32
        %shift_right_arithmetic3A_2711 = arith.shrsi %squeeze3A_2709, %shift_right_arithmetic3A_2710 : i32
        %shift_left3A_2712 = arith.constant 7 : i32
        %shift_left3A_2713 = arith.shli %shift_right_arithmetic3A_2711, %shift_left3A_2712 : i32
        %multiple_of3A_2714 = tpu.assume_multiple %shift_left3A_2713, 128 : i32
        %add3A_2715 = arith.constant 3 : i32
        %add3A_2716 = arith.addi %mul3A_2598, %add3A_2715 : i32
        %mul3A_2717 = arith.constant 8 : i32
        %mul3A_2718 = arith.muli %add3A_2716, %mul3A_2717 : i32
        %dma_start3A_2719 = arith.constant 0 : i32
        %dma_start3A_2720 = tpu.memref_slice %arg9[%mul3A_2718, %dma_start3A_2719] : memref<384x128xf32, #tpu.memory_space<vmem>> -> memref<8x128xf32, #tpu.memory_space<vmem>>
        %dma_start3A_2721 = tpu.memref_slice %arg4[%multiple_of3A, %multiple_of3A_2707] : memref<16x1000000xf32, #tpu.memory_space<hbm>> -> memref<8x128xf32, #tpu.memory_space<hbm>>
        %dma_start3A_2722 = arith.constant 0 : i32
        %dma_start3A_2723 = tpu.memref_slice %arg9[%mul3A_2718, %dma_start3A_2722] : memref<384x128xf32, #tpu.memory_space<vmem>> -> memref<8x128xf32, #tpu.memory_space<vmem>>
        %dma_start3A_2724 = tpu.memref_slice %arg4[%multiple_of3A, %multiple_of3A_2707] : memref<16x1000000xf32, #tpu.memory_space<hbm>> -> memref<8x128xf32, #tpu.memory_space<hbm>>
        tpu.enqueue_dma source(%dma_start3A_2724 : memref<8x128xf32, #tpu.memory_space<hbm>>) target(%dma_start3A_2723 : memref<8x128xf32, #tpu.memory_space<vmem>>) target_semaphore(%arg15 : memref<!tpu.dma_semaphore, #tpu.memory_space<semaphore_mem>>)
        %add3A_2725 = arith.constant 3 : i32
        %add3A_2726 = arith.addi %mul3A_2598, %add3A_2725 : i32
        %mul3A_2727 = arith.constant 8 : i32
        %mul3A_2728 = arith.muli %add3A_2726, %mul3A_2727 : i32
        %dma_start3A_2729 = arith.constant 0 : i32
        %dma_start3A_2730 = tpu.memref_slice %arg10[%mul3A_2728, %dma_start3A_2729] : memref<384x128xf32, #tpu.memory_space<vmem>> -> memref<8x128xf32, #tpu.memory_space<vmem>>
        %dma_start3A_2731 = tpu.memref_slice %arg5[%multiple_of3A, %multiple_of3A_2714] : memref<16x1000000xf32, #tpu.memory_space<hbm>> -> memref<8x128xf32, #tpu.memory_space<hbm>>
        %dma_start3A_2732 = arith.constant 0 : i32
        %dma_start3A_2733 = tpu.memref_slice %arg10[%mul3A_2728, %dma_start3A_2732] : memref<384x128xf32, #tpu.memory_space<vmem>> -> memref<8x128xf32, #tpu.memory_space<vmem>>
        %dma_start3A_2734 = tpu.memref_slice %arg5[%multiple_of3A, %multiple_of3A_2714] : memref<16x1000000xf32, #tpu.memory_space<hbm>> -> memref<8x128xf32, #tpu.memory_space<hbm>>
        tpu.enqueue_dma source(%dma_start3A_2734 : memref<8x128xf32, #tpu.memory_space<hbm>>) target(%dma_start3A_2733 : memref<8x128xf32, #tpu.memory_space<vmem>>) target_semaphore(%arg15 : memref<!tpu.dma_semaphore, #tpu.memory_space<semaphore_mem>>)
        %slice3A_2735 = vector.extract_strided_slice %get3A_2594 {offsets = [4], sizes = [1], strides = [1]} : vector<16xi32> to vector<1xi32>
        %squeeze3A_2736 = vector.extract %slice3A_2735[0] : i32 from vector<1xi32>
        %shift_right_arithmetic3A_2737 = arith.constant 7 : i32
        %shift_right_arithmetic3A_2738 = arith.shrsi %squeeze3A_2736, %shift_right_arithmetic3A_2737 : i32
        %shift_left3A_2739 = arith.constant 7 : i32
        %shift_left3A_2740 = arith.shli %shift_right_arithmetic3A_2738, %shift_left3A_2739 : i32
        %multiple_of3A_2741 = tpu.assume_multiple %shift_left3A_2740, 128 : i32
        %slice3A_2742 = vector.extract_strided_slice %get3A_2596 {offsets = [4], sizes = [1], strides = [1]} : vector<16xi32> to vector<1xi32>
        %squeeze3A_2743 = vector.extract %slice3A_2742[0] : i32 from vector<1xi32>
        %shift_right_arithmetic3A_2744 = arith.constant 7 : i32
        %shift_right_arithmetic3A_2745 = arith.shrsi %squeeze3A_2743, %shift_right_arithmetic3A_2744 : i32
        %shift_left3A_2746 = arith.constant 7 : i32
        %shift_left3A_2747 = arith.shli %shift_right_arithmetic3A_2745, %shift_left3A_2746 : i32
        %multiple_of3A_2748 = tpu.assume_multiple %shift_left3A_2747, 128 : i32
        %add3A_2749 = arith.constant 4 : i32
        %add3A_2750 = arith.addi %mul3A_2598, %add3A_2749 : i32
        %mul3A_2751 = arith.constant 8 : i32
        %mul3A_2752 = arith.muli %add3A_2750, %mul3A_2751 : i32
        %dma_start3A_2753 = arith.constant 0 : i32
        %dma_start3A_2754 = tpu.memref_slice %arg9[%mul3A_2752, %dma_start3A_2753] : memref<384x128xf32, #tpu.memory_space<vmem>> -> memref<8x128xf32, #tpu.memory_space<vmem>>
        %dma_start3A_2755 = tpu.memref_slice %arg4[%multiple_of3A, %multiple_of3A_2741] : memref<16x1000000xf32, #tpu.memory_space<hbm>> -> memref<8x128xf32, #tpu.memory_space<hbm>>
        %dma_start3A_2756 = arith.constant 0 : i32
        %dma_start3A_2757 = tpu.memref_slice %arg9[%mul3A_2752, %dma_start3A_2756] : memref<384x128xf32, #tpu.memory_space<vmem>> -> memref<8x128xf32, #tpu.memory_space<vmem>>
        %dma_start3A_2758 = tpu.memref_slice %arg4[%multiple_of3A, %multiple_of3A_2741] : memref<16x1000000xf32, #tpu.memory_space<hbm>> -> memref<8x128xf32, #tpu.memory_space<hbm>>
        tpu.enqueue_dma source(%dma_start3A_2758 : memref<8x128xf32, #tpu.memory_space<hbm>>) target(%dma_start3A_2757 : memref<8x128xf32, #tpu.memory_space<vmem>>) target_semaphore(%arg15 : memref<!tpu.dma_semaphore, #tpu.memory_space<semaphore_mem>>)
        %add3A_2759 = arith.constant 4 : i32
        %add3A_2760 = arith.addi %mul3A_2598, %add3A_2759 : i32
        %mul3A_2761 = arith.constant 8 : i32
        %mul3A_2762 = arith.muli %add3A_2760, %mul3A_2761 : i32
        %dma_start3A_2763 = arith.constant 0 : i32
        %dma_start3A_2764 = tpu.memref_slice %arg10[%mul3A_2762, %dma_start3A_2763] : memref<384x128xf32, #tpu.memory_space<vmem>> -> memref<8x128xf32, #tpu.memory_space<vmem>>
        %dma_start3A_2765 = tpu.memref_slice %arg5[%multiple_of3A, %multiple_of3A_2748] : memref<16x1000000xf32, #tpu.memory_space<hbm>> -> memref<8x128xf32, #tpu.memory_space<hbm>>
        %dma_start3A_2766 = arith.constant 0 : i32
        %dma_start3A_2767 = tpu.memref_slice %arg10[%mul3A_2762, %dma_start3A_2766] : memref<384x128xf32, #tpu.memory_space<vmem>> -> memref<8x128xf32, #tpu.memory_space<vmem>>
        %dma_start3A_2768 = tpu.memref_slice %arg5[%multiple_of3A, %multiple_of3A_2748] : memref<16x1000000xf32, #tpu.memory_space<hbm>> -> memref<8x128xf32, #tpu.memory_space<hbm>>
        tpu.enqueue_dma source(%dma_start3A_2768 : memref<8x128xf32, #tpu.memory_space<hbm>>) target(%dma_start3A_2767 : memref<8x128xf32, #tpu.memory_space<vmem>>) target_semaphore(%arg15 : memref<!tpu.dma_semaphore, #tpu.memory_space<semaphore_mem>>)
        %slice3A_2769 = vector.extract_strided_slice %get3A_2594 {offsets = [5], sizes = [1], strides = [1]} : vector<16xi32> to vector<1xi32>
        %squeeze3A_2770 = vector.extract %slice3A_2769[0] : i32 from vector<1xi32>
        %shift_right_arithmetic3A_2771 = arith.constant 7 : i32
        %shift_right_arithmetic3A_2772 = arith.shrsi %squeeze3A_2770, %shift_right_arithmetic3A_2771 : i32
        %shift_left3A_2773 = arith.constant 7 : i32
        %shift_left3A_2774 = arith.shli %shift_right_arithmetic3A_2772, %shift_left3A_2773 : i32
        %multiple_of3A_2775 = tpu.assume_multiple %shift_left3A_2774, 128 : i32
        %slice3A_2776 = vector.extract_strided_slice %get3A_2596 {offsets = [5], sizes = [1], strides = [1]} : vector<16xi32> to vector<1xi32>
        %squeeze3A_2777 = vector.extract %slice3A_2776[0] : i32 from vector<1xi32>
        %shift_right_arithmetic3A_2778 = arith.constant 7 : i32
        %shift_right_arithmetic3A_2779 = arith.shrsi %squeeze3A_2777, %shift_right_arithmetic3A_2778 : i32
        %shift_left3A_2780 = arith.constant 7 : i32
        %shift_left3A_2781 = arith.shli %shift_right_arithmetic3A_2779, %shift_left3A_2780 : i32
        %multiple_of3A_2782 = tpu.assume_multiple %shift_left3A_2781, 128 : i32
        %add3A_2783 = arith.constant 5 : i32
        %add3A_2784 = arith.addi %mul3A_2598, %add3A_2783 : i32
        %mul3A_2785 = arith.constant 8 : i32
        %mul3A_2786 = arith.muli %add3A_2784, %mul3A_2785 : i32
        %dma_start3A_2787 = arith.constant 0 : i32
        %dma_start3A_2788 = tpu.memref_slice %arg9[%mul3A_2786, %dma_start3A_2787] : memref<384x128xf32, #tpu.memory_space<vmem>> -> memref<8x128xf32, #tpu.memory_space<vmem>>
        %dma_start3A_2789 = tpu.memref_slice %arg4[%multiple_of3A, %multiple_of3A_2775] : memref<16x1000000xf32, #tpu.memory_space<hbm>> -> memref<8x128xf32, #tpu.memory_space<hbm>>
        %dma_start3A_2790 = arith.constant 0 : i32
        %dma_start3A_2791 = tpu.memref_slice %arg9[%mul3A_2786, %dma_start3A_2790] : memref<384x128xf32, #tpu.memory_space<vmem>> -> memref<8x128xf32, #tpu.memory_space<vmem>>
        %dma_start3A_2792 = tpu.memref_slice %arg4[%multiple_of3A, %multiple_of3A_2775] : memref<16x1000000xf32, #tpu.memory_space<hbm>> -> memref<8x128xf32, #tpu.memory_space<hbm>>
        tpu.enqueue_dma source(%dma_start3A_2792 : memref<8x128xf32, #tpu.memory_space<hbm>>) target(%dma_start3A_2791 : memref<8x128xf32, #tpu.memory_space<vmem>>) target_semaphore(%arg15 : memref<!tpu.dma_semaphore, #tpu.memory_space<semaphore_mem>>)
        %add3A_2793 = arith.constant 5 : i32
        %add3A_2794 = arith.addi %mul3A_2598, %add3A_2793 : i32
        %mul3A_2795 = arith.constant 8 : i32
        %mul3A_2796 = arith.muli %add3A_2794, %mul3A_2795 : i32
        %dma_start3A_2797 = arith.constant 0 : i32
        %dma_start3A_2798 = tpu.memref_slice %arg10[%mul3A_2796, %dma_start3A_2797] : memref<384x128xf32, #tpu.memory_space<vmem>> -> memref<8x128xf32, #tpu.memory_space<vmem>>
        %dma_start3A_2799 = tpu.memref_slice %arg5[%multiple_of3A, %multiple_of3A_2782] : memref<16x1000000xf32, #tpu.memory_space<hbm>> -> memref<8x128xf32, #tpu.memory_space<hbm>>
        %dma_start3A_2800 = arith.constant 0 : i32
        %dma_start3A_2801 = tpu.memref_slice %arg10[%mul3A_2796, %dma_start3A_2800] : memref<384x128xf32, #tpu.memory_space<vmem>> -> memref<8x128xf32, #tpu.memory_space<vmem>>
        %dma_start3A_2802 = tpu.memref_slice %arg5[%multiple_of3A, %multiple_of3A_2782] : memref<16x1000000xf32, #tpu.memory_space<hbm>> -> memref<8x128xf32, #tpu.memory_space<hbm>>
        tpu.enqueue_dma source(%dma_start3A_2802 : memref<8x128xf32, #tpu.memory_space<hbm>>) target(%dma_start3A_2801 : memref<8x128xf32, #tpu.memory_space<vmem>>) target_semaphore(%arg15 : memref<!tpu.dma_semaphore, #tpu.memory_space<semaphore_mem>>)
        %slice3A_2803 = vector.extract_strided_slice %get3A_2594 {offsets = [6], sizes = [1], strides = [1]} : vector<16xi32> to vector<1xi32>
        %squeeze3A_2804 = vector.extract %slice3A_2803[0] : i32 from vector<1xi32>
        %shift_right_arithmetic3A_2805 = arith.constant 7 : i32
        %shift_right_arithmetic3A_2806 = arith.shrsi %squeeze3A_2804, %shift_right_arithmetic3A_2805 : i32
        %shift_left3A_2807 = arith.constant 7 : i32
        %shift_left3A_2808 = arith.shli %shift_right_arithmetic3A_2806, %shift_left3A_2807 : i32
        %multiple_of3A_2809 = tpu.assume_multiple %shift_left3A_2808, 128 : i32
        %slice3A_2810 = vector.extract_strided_slice %get3A_2596 {offsets = [6], sizes = [1], strides = [1]} : vector<16xi32> to vector<1xi32>
        %squeeze3A_2811 = vector.extract %slice3A_2810[0] : i32 from vector<1xi32>
        %shift_right_arithmetic3A_2812 = arith.constant 7 : i32
        %shift_right_arithmetic3A_2813 = arith.shrsi %squeeze3A_2811, %shift_right_arithmetic3A_2812 : i32
        %shift_left3A_2814 = arith.constant 7 : i32
        %shift_left3A_2815 = arith.shli %shift_right_arithmetic3A_2813, %shift_left3A_2814 : i32
        %multiple_of3A_2816 = tpu.assume_multiple %shift_left3A_2815, 128 : i32
        %add3A_2817 = arith.constant 6 : i32
        %add3A_2818 = arith.addi %mul3A_2598, %add3A_2817 : i32
        %mul3A_2819 = arith.constant 8 : i32
        %mul3A_2820 = arith.muli %add3A_2818, %mul3A_2819 : i32
        %dma_start3A_2821 = arith.constant 0 : i32
        %dma_start3A_2822 = tpu.memref_slice %arg9[%mul3A_2820, %dma_start3A_2821] : memref<384x128xf32, #tpu.memory_space<vmem>> -> memref<8x128xf32, #tpu.memory_space<vmem>>
        %dma_start3A_2823 = tpu.memref_slice %arg4[%multiple_of3A, %multiple_of3A_2809] : memref<16x1000000xf32, #tpu.memory_space<hbm>> -> memref<8x128xf32, #tpu.memory_space<hbm>>
        %dma_start3A_2824 = arith.constant 0 : i32
        %dma_start3A_2825 = tpu.memref_slice %arg9[%mul3A_2820, %dma_start3A_2824] : memref<384x128xf32, #tpu.memory_space<vmem>> -> memref<8x128xf32, #tpu.memory_space<vmem>>
        %dma_start3A_2826 = tpu.memref_slice %arg4[%multiple_of3A, %multiple_of3A_2809] : memref<16x1000000xf32, #tpu.memory_space<hbm>> -> memref<8x128xf32, #tpu.memory_space<hbm>>
        tpu.enqueue_dma source(%dma_start3A_2826 : memref<8x128xf32, #tpu.memory_space<hbm>>) target(%dma_start3A_2825 : memref<8x128xf32, #tpu.memory_space<vmem>>) target_semaphore(%arg15 : memref<!tpu.dma_semaphore, #tpu.memory_space<semaphore_mem>>)
        %add3A_2827 = arith.constant 6 : i32
        %add3A_2828 = arith.addi %mul3A_2598, %add3A_2827 : i32
        %mul3A_2829 = arith.constant 8 : i32
        %mul3A_2830 = arith.muli %add3A_2828, %mul3A_2829 : i32
        %dma_start3A_2831 = arith.constant 0 : i32
        %dma_start3A_2832 = tpu.memref_slice %arg10[%mul3A_2830, %dma_start3A_2831] : memref<384x128xf32, #tpu.memory_space<vmem>> -> memref<8x128xf32, #tpu.memory_space<vmem>>
        %dma_start3A_2833 = tpu.memref_slice %arg5[%multiple_of3A, %multiple_of3A_2816] : memref<16x1000000xf32, #tpu.memory_space<hbm>> -> memref<8x128xf32, #tpu.memory_space<hbm>>
        %dma_start3A_2834 = arith.constant 0 : i32
        %dma_start3A_2835 = tpu.memref_slice %arg10[%mul3A_2830, %dma_start3A_2834] : memref<384x128xf32, #tpu.memory_space<vmem>> -> memref<8x128xf32, #tpu.memory_space<vmem>>
        %dma_start3A_2836 = tpu.memref_slice %arg5[%multiple_of3A, %multiple_of3A_2816] : memref<16x1000000xf32, #tpu.memory_space<hbm>> -> memref<8x128xf32, #tpu.memory_space<hbm>>
        tpu.enqueue_dma source(%dma_start3A_2836 : memref<8x128xf32, #tpu.memory_space<hbm>>) target(%dma_start3A_2835 : memref<8x128xf32, #tpu.memory_space<vmem>>) target_semaphore(%arg15 : memref<!tpu.dma_semaphore, #tpu.memory_space<semaphore_mem>>)
        %slice3A_2837 = vector.extract_strided_slice %get3A_2594 {offsets = [7], sizes = [1], strides = [1]} : vector<16xi32> to vector<1xi32>
        %squeeze3A_2838 = vector.extract %slice3A_2837[0] : i32 from vector<1xi32>
        %shift_right_arithmetic3A_2839 = arith.constant 7 : i32
        %shift_right_arithmetic3A_2840 = arith.shrsi %squeeze3A_2838, %shift_right_arithmetic3A_2839 : i32
        %shift_left3A_2841 = arith.constant 7 : i32
        %shift_left3A_2842 = arith.shli %shift_right_arithmetic3A_2840, %shift_left3A_2841 : i32
        %multiple_of3A_2843 = tpu.assume_multiple %shift_left3A_2842, 128 : i32
        %slice3A_2844 = vector.extract_strided_slice %get3A_2596 {offsets = [7], sizes = [1], strides = [1]} : vector<16xi32> to vector<1xi32>
        %squeeze3A_2845 = vector.extract %slice3A_2844[0] : i32 from vector<1xi32>
        %shift_right_arithmetic3A_2846 = arith.constant 7 : i32
        %shift_right_arithmetic3A_2847 = arith.shrsi %squeeze3A_2845, %shift_right_arithmetic3A_2846 : i32
        %shift_left3A_2848 = arith.constant 7 : i32
        %shift_left3A_2849 = arith.shli %shift_right_arithmetic3A_2847, %shift_left3A_2848 : i32
        %multiple_of3A_2850 = tpu.assume_multiple %shift_left3A_2849, 128 : i32
        %add3A_2851 = arith.constant 7 : i32
        %add3A_2852 = arith.addi %mul3A_2598, %add3A_2851 : i32
        %mul3A_2853 = arith.constant 8 : i32
        %mul3A_2854 = arith.muli %add3A_2852, %mul3A_2853 : i32
        %dma_start3A_2855 = arith.constant 0 : i32
        %dma_start3A_2856 = tpu.memref_slice %arg9[%mul3A_2854, %dma_start3A_2855] : memref<384x128xf32, #tpu.memory_space<vmem>> -> memref<8x128xf32, #tpu.memory_space<vmem>>
        %dma_start3A_2857 = tpu.memref_slice %arg4[%multiple_of3A, %multiple_of3A_2843] : memref<16x1000000xf32, #tpu.memory_space<hbm>> -> memref<8x128xf32, #tpu.memory_space<hbm>>
        %dma_start3A_2858 = arith.constant 0 : i32
        %dma_start3A_2859 = tpu.memref_slice %arg9[%mul3A_2854, %dma_start3A_2858] : memref<384x128xf32, #tpu.memory_space<vmem>> -> memref<8x128xf32, #tpu.memory_space<vmem>>
        %dma_start3A_2860 = tpu.memref_slice %arg4[%multiple_of3A, %multiple_of3A_2843] : memref<16x1000000xf32, #tpu.memory_space<hbm>> -> memref<8x128xf32, #tpu.memory_space<hbm>>
        tpu.enqueue_dma source(%dma_start3A_2860 : memref<8x128xf32, #tpu.memory_space<hbm>>) target(%dma_start3A_2859 : memref<8x128xf32, #tpu.memory_space<vmem>>) target_semaphore(%arg15 : memref<!tpu.dma_semaphore, #tpu.memory_space<semaphore_mem>>)
        %add3A_2861 = arith.constant 7 : i32
        %add3A_2862 = arith.addi %mul3A_2598, %add3A_2861 : i32
        %mul3A_2863 = arith.constant 8 : i32
        %mul3A_2864 = arith.muli %add3A_2862, %mul3A_2863 : i32
        %dma_start3A_2865 = arith.constant 0 : i32
        %dma_start3A_2866 = tpu.memref_slice %arg10[%mul3A_2864, %dma_start3A_2865] : memref<384x128xf32, #tpu.memory_space<vmem>> -> memref<8x128xf32, #tpu.memory_space<vmem>>
        %dma_start3A_2867 = tpu.memref_slice %arg5[%multiple_of3A, %multiple_of3A_2850] : memref<16x1000000xf32, #tpu.memory_space<hbm>> -> memref<8x128xf32, #tpu.memory_space<hbm>>
        %dma_start3A_2868 = arith.constant 0 : i32
        %dma_start3A_2869 = tpu.memref_slice %arg10[%mul3A_2864, %dma_start3A_2868] : memref<384x128xf32, #tpu.memory_space<vmem>> -> memref<8x128xf32, #tpu.memory_space<vmem>>
        %dma_start3A_2870 = tpu.memref_slice %arg5[%multiple_of3A, %multiple_of3A_2850] : memref<16x1000000xf32, #tpu.memory_space<hbm>> -> memref<8x128xf32, #tpu.memory_space<hbm>>
        tpu.enqueue_dma source(%dma_start3A_2870 : memref<8x128xf32, #tpu.memory_space<hbm>>) target(%dma_start3A_2869 : memref<8x128xf32, #tpu.memory_space<vmem>>) target_semaphore(%arg15 : memref<!tpu.dma_semaphore, #tpu.memory_space<semaphore_mem>>)
        %slice3A_2871 = vector.extract_strided_slice %get3A_2594 {offsets = [8], sizes = [1], strides = [1]} : vector<16xi32> to vector<1xi32>
        %squeeze3A_2872 = vector.extract %slice3A_2871[0] : i32 from vector<1xi32>
        %shift_right_arithmetic3A_2873 = arith.constant 7 : i32
        %shift_right_arithmetic3A_2874 = arith.shrsi %squeeze3A_2872, %shift_right_arithmetic3A_2873 : i32
        %shift_left3A_2875 = arith.constant 7 : i32
        %shift_left3A_2876 = arith.shli %shift_right_arithmetic3A_2874, %shift_left3A_2875 : i32
        %multiple_of3A_2877 = tpu.assume_multiple %shift_left3A_2876, 128 : i32
        %slice3A_2878 = vector.extract_strided_slice %get3A_2596 {offsets = [8], sizes = [1], strides = [1]} : vector<16xi32> to vector<1xi32>
        %squeeze3A_2879 = vector.extract %slice3A_2878[0] : i32 from vector<1xi32>
        %shift_right_arithmetic3A_2880 = arith.constant 7 : i32
        %shift_right_arithmetic3A_2881 = arith.shrsi %squeeze3A_2879, %shift_right_arithmetic3A_2880 : i32
        %shift_left3A_2882 = arith.constant 7 : i32
        %shift_left3A_2883 = arith.shli %shift_right_arithmetic3A_2881, %shift_left3A_2882 : i32
        %multiple_of3A_2884 = tpu.assume_multiple %shift_left3A_2883, 128 : i32
        %add3A_2885 = arith.constant 8 : i32
        %add3A_2886 = arith.addi %mul3A_2598, %add3A_2885 : i32
        %mul3A_2887 = arith.constant 8 : i32
        %mul3A_2888 = arith.muli %add3A_2886, %mul3A_2887 : i32
        %dma_start3A_2889 = arith.constant 0 : i32
        %dma_start3A_2890 = tpu.memref_slice %arg9[%mul3A_2888, %dma_start3A_2889] : memref<384x128xf32, #tpu.memory_space<vmem>> -> memref<8x128xf32, #tpu.memory_space<vmem>>
        %dma_start3A_2891 = tpu.memref_slice %arg4[%multiple_of3A, %multiple_of3A_2877] : memref<16x1000000xf32, #tpu.memory_space<hbm>> -> memref<8x128xf32, #tpu.memory_space<hbm>>
        %dma_start3A_2892 = arith.constant 0 : i32
        %dma_start3A_2893 = tpu.memref_slice %arg9[%mul3A_2888, %dma_start3A_2892] : memref<384x128xf32, #tpu.memory_space<vmem>> -> memref<8x128xf32, #tpu.memory_space<vmem>>
        %dma_start3A_2894 = tpu.memref_slice %arg4[%multiple_of3A, %multiple_of3A_2877] : memref<16x1000000xf32, #tpu.memory_space<hbm>> -> memref<8x128xf32, #tpu.memory_space<hbm>>
        tpu.enqueue_dma source(%dma_start3A_2894 : memref<8x128xf32, #tpu.memory_space<hbm>>) target(%dma_start3A_2893 : memref<8x128xf32, #tpu.memory_space<vmem>>) target_semaphore(%arg15 : memref<!tpu.dma_semaphore, #tpu.memory_space<semaphore_mem>>)
        %add3A_2895 = arith.constant 8 : i32
        %add3A_2896 = arith.addi %mul3A_2598, %add3A_2895 : i32
        %mul3A_2897 = arith.constant 8 : i32
        %mul3A_2898 = arith.muli %add3A_2896, %mul3A_2897 : i32
        %dma_start3A_2899 = arith.constant 0 : i32
        %dma_start3A_2900 = tpu.memref_slice %arg10[%mul3A_2898, %dma_start3A_2899] : memref<384x128xf32, #tpu.memory_space<vmem>> -> memref<8x128xf32, #tpu.memory_space<vmem>>
        %dma_start3A_2901 = tpu.memref_slice %arg5[%multiple_of3A, %multiple_of3A_2884] : memref<16x1000000xf32, #tpu.memory_space<hbm>> -> memref<8x128xf32, #tpu.memory_space<hbm>>
        %dma_start3A_2902 = arith.constant 0 : i32
        %dma_start3A_2903 = tpu.memref_slice %arg10[%mul3A_2898, %dma_start3A_2902] : memref<384x128xf32, #tpu.memory_space<vmem>> -> memref<8x128xf32, #tpu.memory_space<vmem>>
        %dma_start3A_2904 = tpu.memref_slice %arg5[%multiple_of3A, %multiple_of3A_2884] : memref<16x1000000xf32, #tpu.memory_space<hbm>> -> memref<8x128xf32, #tpu.memory_space<hbm>>
        tpu.enqueue_dma source(%dma_start3A_2904 : memref<8x128xf32, #tpu.memory_space<hbm>>) target(%dma_start3A_2903 : memref<8x128xf32, #tpu.memory_space<vmem>>) target_semaphore(%arg15 : memref<!tpu.dma_semaphore, #tpu.memory_space<semaphore_mem>>)
        %slice3A_2905 = vector.extract_strided_slice %get3A_2594 {offsets = [9], sizes = [1], strides = [1]} : vector<16xi32> to vector<1xi32>
        %squeeze3A_2906 = vector.extract %slice3A_2905[0] : i32 from vector<1xi32>
        %shift_right_arithmetic3A_2907 = arith.constant 7 : i32
        %shift_right_arithmetic3A_2908 = arith.shrsi %squeeze3A_2906, %shift_right_arithmetic3A_2907 : i32
        %shift_left3A_2909 = arith.constant 7 : i32
        %shift_left3A_2910 = arith.shli %shift_right_arithmetic3A_2908, %shift_left3A_2909 : i32
        %multiple_of3A_2911 = tpu.assume_multiple %shift_left3A_2910, 128 : i32
        %slice3A_2912 = vector.extract_strided_slice %get3A_2596 {offsets = [9], sizes = [1], strides = [1]} : vector<16xi32> to vector<1xi32>
        %squeeze3A_2913 = vector.extract %slice3A_2912[0] : i32 from vector<1xi32>
        %shift_right_arithmetic3A_2914 = arith.constant 7 : i32
        %shift_right_arithmetic3A_2915 = arith.shrsi %squeeze3A_2913, %shift_right_arithmetic3A_2914 : i32
        %shift_left3A_2916 = arith.constant 7 : i32
        %shift_left3A_2917 = arith.shli %shift_right_arithmetic3A_2915, %shift_left3A_2916 : i32
        %multiple_of3A_2918 = tpu.assume_multiple %shift_left3A_2917, 128 : i32
        %add3A_2919 = arith.constant 9 : i32
        %add3A_2920 = arith.addi %mul3A_2598, %add3A_2919 : i32
        %mul3A_2921 = arith.constant 8 : i32
        %mul3A_2922 = arith.muli %add3A_2920, %mul3A_2921 : i32
        %dma_start3A_2923 = arith.constant 0 : i32
        %dma_start3A_2924 = tpu.memref_slice %arg9[%mul3A_2922, %dma_start3A_2923] : memref<384x128xf32, #tpu.memory_space<vmem>> -> memref<8x128xf32, #tpu.memory_space<vmem>>
        %dma_start3A_2925 = tpu.memref_slice %arg4[%multiple_of3A, %multiple_of3A_2911] : memref<16x1000000xf32, #tpu.memory_space<hbm>> -> memref<8x128xf32, #tpu.memory_space<hbm>>
        %dma_start3A_2926 = arith.constant 0 : i32
        %dma_start3A_2927 = tpu.memref_slice %arg9[%mul3A_2922, %dma_start3A_2926] : memref<384x128xf32, #tpu.memory_space<vmem>> -> memref<8x128xf32, #tpu.memory_space<vmem>>
        %dma_start3A_2928 = tpu.memref_slice %arg4[%multiple_of3A, %multiple_of3A_2911] : memref<16x1000000xf32, #tpu.memory_space<hbm>> -> memref<8x128xf32, #tpu.memory_space<hbm>>
        tpu.enqueue_dma source(%dma_start3A_2928 : memref<8x128xf32, #tpu.memory_space<hbm>>) target(%dma_start3A_2927 : memref<8x128xf32, #tpu.memory_space<vmem>>) target_semaphore(%arg15 : memref<!tpu.dma_semaphore, #tpu.memory_space<semaphore_mem>>)
        %add3A_2929 = arith.constant 9 : i32
        %add3A_2930 = arith.addi %mul3A_2598, %add3A_2929 : i32
        %mul3A_2931 = arith.constant 8 : i32
        %mul3A_2932 = arith.muli %add3A_2930, %mul3A_2931 : i32
        %dma_start3A_2933 = arith.constant 0 : i32
        %dma_start3A_2934 = tpu.memref_slice %arg10[%mul3A_2932, %dma_start3A_2933] : memref<384x128xf32, #tpu.memory_space<vmem>> -> memref<8x128xf32, #tpu.memory_space<vmem>>
        %dma_start3A_2935 = tpu.memref_slice %arg5[%multiple_of3A, %multiple_of3A_2918] : memref<16x1000000xf32, #tpu.memory_space<hbm>> -> memref<8x128xf32, #tpu.memory_space<hbm>>
        %dma_start3A_2936 = arith.constant 0 : i32
        %dma_start3A_2937 = tpu.memref_slice %arg10[%mul3A_2932, %dma_start3A_2936] : memref<384x128xf32, #tpu.memory_space<vmem>> -> memref<8x128xf32, #tpu.memory_space<vmem>>
        %dma_start3A_2938 = tpu.memref_slice %arg5[%multiple_of3A, %multiple_of3A_2918] : memref<16x1000000xf32, #tpu.memory_space<hbm>> -> memref<8x128xf32, #tpu.memory_space<hbm>>
        tpu.enqueue_dma source(%dma_start3A_2938 : memref<8x128xf32, #tpu.memory_space<hbm>>) target(%dma_start3A_2937 : memref<8x128xf32, #tpu.memory_space<vmem>>) target_semaphore(%arg15 : memref<!tpu.dma_semaphore, #tpu.memory_space<semaphore_mem>>)
        %slice3A_2939 = vector.extract_strided_slice %get3A_2594 {offsets = [10], sizes = [1], strides = [1]} : vector<16xi32> to vector<1xi32>
        %squeeze3A_2940 = vector.extract %slice3A_2939[0] : i32 from vector<1xi32>
        %shift_right_arithmetic3A_2941 = arith.constant 7 : i32
        %shift_right_arithmetic3A_2942 = arith.shrsi %squeeze3A_2940, %shift_right_arithmetic3A_2941 : i32
        %shift_left3A_2943 = arith.constant 7 : i32
        %shift_left3A_2944 = arith.shli %shift_right_arithmetic3A_2942, %shift_left3A_2943 : i32
        %multiple_of3A_2945 = tpu.assume_multiple %shift_left3A_2944, 128 : i32
        %slice3A_2946 = vector.extract_strided_slice %get3A_2596 {offsets = [10], sizes = [1], strides = [1]} : vector<16xi32> to vector<1xi32>
        %squeeze3A_2947 = vector.extract %slice3A_2946[0] : i32 from vector<1xi32>
        %shift_right_arithmetic3A_2948 = arith.constant 7 : i32
        %shift_right_arithmetic3A_2949 = arith.shrsi %squeeze3A_2947, %shift_right_arithmetic3A_2948 : i32
        %shift_left3A_2950 = arith.constant 7 : i32
        %shift_left3A_2951 = arith.shli %shift_right_arithmetic3A_2949, %shift_left3A_2950 : i32
        %multiple_of3A_2952 = tpu.assume_multiple %shift_left3A_2951, 128 : i32
        %add3A_2953 = arith.constant 10 : i32
        %add3A_2954 = arith.addi %mul3A_2598, %add3A_2953 : i32
        %mul3A_2955 = arith.constant 8 : i32
        %mul3A_2956 = arith.muli %add3A_2954, %mul3A_2955 : i32
        %dma_start3A_2957 = arith.constant 0 : i32
        %dma_start3A_2958 = tpu.memref_slice %arg9[%mul3A_2956, %dma_start3A_2957] : memref<384x128xf32, #tpu.memory_space<vmem>> -> memref<8x128xf32, #tpu.memory_space<vmem>>
        %dma_start3A_2959 = tpu.memref_slice %arg4[%multiple_of3A, %multiple_of3A_2945] : memref<16x1000000xf32, #tpu.memory_space<hbm>> -> memref<8x128xf32, #tpu.memory_space<hbm>>
        %dma_start3A_2960 = arith.constant 0 : i32
        %dma_start3A_2961 = tpu.memref_slice %arg9[%mul3A_2956, %dma_start3A_2960] : memref<384x128xf32, #tpu.memory_space<vmem>> -> memref<8x128xf32, #tpu.memory_space<vmem>>
        %dma_start3A_2962 = tpu.memref_slice %arg4[%multiple_of3A, %multiple_of3A_2945] : memref<16x1000000xf32, #tpu.memory_space<hbm>> -> memref<8x128xf32, #tpu.memory_space<hbm>>
        tpu.enqueue_dma source(%dma_start3A_2962 : memref<8x128xf32, #tpu.memory_space<hbm>>) target(%dma_start3A_2961 : memref<8x128xf32, #tpu.memory_space<vmem>>) target_semaphore(%arg15 : memref<!tpu.dma_semaphore, #tpu.memory_space<semaphore_mem>>)
        %add3A_2963 = arith.constant 10 : i32
        %add3A_2964 = arith.addi %mul3A_2598, %add3A_2963 : i32
        %mul3A_2965 = arith.constant 8 : i32
        %mul3A_2966 = arith.muli %add3A_2964, %mul3A_2965 : i32
        %dma_start3A_2967 = arith.constant 0 : i32
        %dma_start3A_2968 = tpu.memref_slice %arg10[%mul3A_2966, %dma_start3A_2967] : memref<384x128xf32, #tpu.memory_space<vmem>> -> memref<8x128xf32, #tpu.memory_space<vmem>>
        %dma_start3A_2969 = tpu.memref_slice %arg5[%multiple_of3A, %multiple_of3A_2952] : memref<16x1000000xf32, #tpu.memory_space<hbm>> -> memref<8x128xf32, #tpu.memory_space<hbm>>
        %dma_start3A_2970 = arith.constant 0 : i32
        %dma_start3A_2971 = tpu.memref_slice %arg10[%mul3A_2966, %dma_start3A_2970] : memref<384x128xf32, #tpu.memory_space<vmem>> -> memref<8x128xf32, #tpu.memory_space<vmem>>
        %dma_start3A_2972 = tpu.memref_slice %arg5[%multiple_of3A, %multiple_of3A_2952] : memref<16x1000000xf32, #tpu.memory_space<hbm>> -> memref<8x128xf32, #tpu.memory_space<hbm>>
        tpu.enqueue_dma source(%dma_start3A_2972 : memref<8x128xf32, #tpu.memory_space<hbm>>) target(%dma_start3A_2971 : memref<8x128xf32, #tpu.memory_space<vmem>>) target_semaphore(%arg15 : memref<!tpu.dma_semaphore, #tpu.memory_space<semaphore_mem>>)
        %slice3A_2973 = vector.extract_strided_slice %get3A_2594 {offsets = [11], sizes = [1], strides = [1]} : vector<16xi32> to vector<1xi32>
        %squeeze3A_2974 = vector.extract %slice3A_2973[0] : i32 from vector<1xi32>
        %shift_right_arithmetic3A_2975 = arith.constant 7 : i32
        %shift_right_arithmetic3A_2976 = arith.shrsi %squeeze3A_2974, %shift_right_arithmetic3A_2975 : i32
        %shift_left3A_2977 = arith.constant 7 : i32
        %shift_left3A_2978 = arith.shli %shift_right_arithmetic3A_2976, %shift_left3A_2977 : i32
        %multiple_of3A_2979 = tpu.assume_multiple %shift_left3A_2978, 128 : i32
        %slice3A_2980 = vector.extract_strided_slice %get3A_2596 {offsets = [11], sizes = [1], strides = [1]} : vector<16xi32> to vector<1xi32>
        %squeeze3A_2981 = vector.extract %slice3A_2980[0] : i32 from vector<1xi32>
        %shift_right_arithmetic3A_2982 = arith.constant 7 : i32
        %shift_right_arithmetic3A_2983 = arith.shrsi %squeeze3A_2981, %shift_right_arithmetic3A_2982 : i32
        %shift_left3A_2984 = arith.constant 7 : i32
        %shift_left3A_2985 = arith.shli %shift_right_arithmetic3A_2983, %shift_left3A_2984 : i32
        %multiple_of3A_2986 = tpu.assume_multiple %shift_left3A_2985, 128 : i32
        %add3A_2987 = arith.constant 11 : i32
        %add3A_2988 = arith.addi %mul3A_2598, %add3A_2987 : i32
        %mul3A_2989 = arith.constant 8 : i32
        %mul3A_2990 = arith.muli %add3A_2988, %mul3A_2989 : i32
        %dma_start3A_2991 = arith.constant 0 : i32
        %dma_start3A_2992 = tpu.memref_slice %arg9[%mul3A_2990, %dma_start3A_2991] : memref<384x128xf32, #tpu.memory_space<vmem>> -> memref<8x128xf32, #tpu.memory_space<vmem>>
        %dma_start3A_2993 = tpu.memref_slice %arg4[%multiple_of3A, %multiple_of3A_2979] : memref<16x1000000xf32, #tpu.memory_space<hbm>> -> memref<8x128xf32, #tpu.memory_space<hbm>>
        %dma_start3A_2994 = arith.constant 0 : i32
        %dma_start3A_2995 = tpu.memref_slice %arg9[%mul3A_2990, %dma_start3A_2994] : memref<384x128xf32, #tpu.memory_space<vmem>> -> memref<8x128xf32, #tpu.memory_space<vmem>>
        %dma_start3A_2996 = tpu.memref_slice %arg4[%multiple_of3A, %multiple_of3A_2979] : memref<16x1000000xf32, #tpu.memory_space<hbm>> -> memref<8x128xf32, #tpu.memory_space<hbm>>
        tpu.enqueue_dma source(%dma_start3A_2996 : memref<8x128xf32, #tpu.memory_space<hbm>>) target(%dma_start3A_2995 : memref<8x128xf32, #tpu.memory_space<vmem>>) target_semaphore(%arg15 : memref<!tpu.dma_semaphore, #tpu.memory_space<semaphore_mem>>)
        %add3A_2997 = arith.constant 11 : i32
        %add3A_2998 = arith.addi %mul3A_2598, %add3A_2997 : i32
        %mul3A_2999 = arith.constant 8 : i32
        %mul3A_3000 = arith.muli %add3A_2998, %mul3A_2999 : i32
        %dma_start3A_3001 = arith.constant 0 : i32
        %dma_start3A_3002 = tpu.memref_slice %arg10[%mul3A_3000, %dma_start3A_3001] : memref<384x128xf32, #tpu.memory_space<vmem>> -> memref<8x128xf32, #tpu.memory_space<vmem>>
        %dma_start3A_3003 = tpu.memref_slice %arg5[%multiple_of3A, %multiple_of3A_2986] : memref<16x1000000xf32, #tpu.memory_space<hbm>> -> memref<8x128xf32, #tpu.memory_space<hbm>>
        %dma_start3A_3004 = arith.constant 0 : i32
        %dma_start3A_3005 = tpu.memref_slice %arg10[%mul3A_3000, %dma_start3A_3004] : memref<384x128xf32, #tpu.memory_space<vmem>> -> memref<8x128xf32, #tpu.memory_space<vmem>>
        %dma_start3A_3006 = tpu.memref_slice %arg5[%multiple_of3A, %multiple_of3A_2986] : memref<16x1000000xf32, #tpu.memory_space<hbm>> -> memref<8x128xf32, #tpu.memory_space<hbm>>
        tpu.enqueue_dma source(%dma_start3A_3006 : memref<8x128xf32, #tpu.memory_space<hbm>>) target(%dma_start3A_3005 : memref<8x128xf32, #tpu.memory_space<vmem>>) target_semaphore(%arg15 : memref<!tpu.dma_semaphore, #tpu.memory_space<semaphore_mem>>)
        %slice3A_3007 = vector.extract_strided_slice %get3A_2594 {offsets = [12], sizes = [1], strides = [1]} : vector<16xi32> to vector<1xi32>
        %squeeze3A_3008 = vector.extract %slice3A_3007[0] : i32 from vector<1xi32>
        %shift_right_arithmetic3A_3009 = arith.constant 7 : i32
        %shift_right_arithmetic3A_3010 = arith.shrsi %squeeze3A_3008, %shift_right_arithmetic3A_3009 : i32
        %shift_left3A_3011 = arith.constant 7 : i32
        %shift_left3A_3012 = arith.shli %shift_right_arithmetic3A_3010, %shift_left3A_3011 : i32
        %multiple_of3A_3013 = tpu.assume_multiple %shift_left3A_3012, 128 : i32
        %slice3A_3014 = vector.extract_strided_slice %get3A_2596 {offsets = [12], sizes = [1], strides = [1]} : vector<16xi32> to vector<1xi32>
        %squeeze3A_3015 = vector.extract %slice3A_3014[0] : i32 from vector<1xi32>
        %shift_right_arithmetic3A_3016 = arith.constant 7 : i32
        %shift_right_arithmetic3A_3017 = arith.shrsi %squeeze3A_3015, %shift_right_arithmetic3A_3016 : i32
        %shift_left3A_3018 = arith.constant 7 : i32
        %shift_left3A_3019 = arith.shli %shift_right_arithmetic3A_3017, %shift_left3A_3018 : i32
        %multiple_of3A_3020 = tpu.assume_multiple %shift_left3A_3019, 128 : i32
        %add3A_3021 = arith.constant 12 : i32
        %add3A_3022 = arith.addi %mul3A_2598, %add3A_3021 : i32
        %mul3A_3023 = arith.constant 8 : i32
        %mul3A_3024 = arith.muli %add3A_3022, %mul3A_3023 : i32
        %dma_start3A_3025 = arith.constant 0 : i32
        %dma_start3A_3026 = tpu.memref_slice %arg9[%mul3A_3024, %dma_start3A_3025] : memref<384x128xf32, #tpu.memory_space<vmem>> -> memref<8x128xf32, #tpu.memory_space<vmem>>
        %dma_start3A_3027 = tpu.memref_slice %arg4[%multiple_of3A, %multiple_of3A_3013] : memref<16x1000000xf32, #tpu.memory_space<hbm>> -> memref<8x128xf32, #tpu.memory_space<hbm>>
        %dma_start3A_3028 = arith.constant 0 : i32
        %dma_start3A_3029 = tpu.memref_slice %arg9[%mul3A_3024, %dma_start3A_3028] : memref<384x128xf32, #tpu.memory_space<vmem>> -> memref<8x128xf32, #tpu.memory_space<vmem>>
        %dma_start3A_3030 = tpu.memref_slice %arg4[%multiple_of3A, %multiple_of3A_3013] : memref<16x1000000xf32, #tpu.memory_space<hbm>> -> memref<8x128xf32, #tpu.memory_space<hbm>>
        tpu.enqueue_dma source(%dma_start3A_3030 : memref<8x128xf32, #tpu.memory_space<hbm>>) target(%dma_start3A_3029 : memref<8x128xf32, #tpu.memory_space<vmem>>) target_semaphore(%arg15 : memref<!tpu.dma_semaphore, #tpu.memory_space<semaphore_mem>>)
        %add3A_3031 = arith.constant 12 : i32
        %add3A_3032 = arith.addi %mul3A_2598, %add3A_3031 : i32
        %mul3A_3033 = arith.constant 8 : i32
        %mul3A_3034 = arith.muli %add3A_3032, %mul3A_3033 : i32
        %dma_start3A_3035 = arith.constant 0 : i32
        %dma_start3A_3036 = tpu.memref_slice %arg10[%mul3A_3034, %dma_start3A_3035] : memref<384x128xf32, #tpu.memory_space<vmem>> -> memref<8x128xf32, #tpu.memory_space<vmem>>
        %dma_start3A_3037 = tpu.memref_slice %arg5[%multiple_of3A, %multiple_of3A_3020] : memref<16x1000000xf32, #tpu.memory_space<hbm>> -> memref<8x128xf32, #tpu.memory_space<hbm>>
        %dma_start3A_3038 = arith.constant 0 : i32
        %dma_start3A_3039 = tpu.memref_slice %arg10[%mul3A_3034, %dma_start3A_3038] : memref<384x128xf32, #tpu.memory_space<vmem>> -> memref<8x128xf32, #tpu.memory_space<vmem>>
        %dma_start3A_3040 = tpu.memref_slice %arg5[%multiple_of3A, %multiple_of3A_3020] : memref<16x1000000xf32, #tpu.memory_space<hbm>> -> memref<8x128xf32, #tpu.memory_space<hbm>>
        tpu.enqueue_dma source(%dma_start3A_3040 : memref<8x128xf32, #tpu.memory_space<hbm>>) target(%dma_start3A_3039 : memref<8x128xf32, #tpu.memory_space<vmem>>) target_semaphore(%arg15 : memref<!tpu.dma_semaphore, #tpu.memory_space<semaphore_mem>>)
        %slice3A_3041 = vector.extract_strided_slice %get3A_2594 {offsets = [13], sizes = [1], strides = [1]} : vector<16xi32> to vector<1xi32>
        %squeeze3A_3042 = vector.extract %slice3A_3041[0] : i32 from vector<1xi32>
        %shift_right_arithmetic3A_3043 = arith.constant 7 : i32
        %shift_right_arithmetic3A_3044 = arith.shrsi %squeeze3A_3042, %shift_right_arithmetic3A_3043 : i32
        %shift_left3A_3045 = arith.constant 7 : i32
        %shift_left3A_3046 = arith.shli %shift_right_arithmetic3A_3044, %shift_left3A_3045 : i32
        %multiple_of3A_3047 = tpu.assume_multiple %shift_left3A_3046, 128 : i32
        %slice3A_3048 = vector.extract_strided_slice %get3A_2596 {offsets = [13], sizes = [1], strides = [1]} : vector<16xi32> to vector<1xi32>
        %squeeze3A_3049 = vector.extract %slice3A_3048[0] : i32 from vector<1xi32>
        %shift_right_arithmetic3A_3050 = arith.constant 7 : i32
        %shift_right_arithmetic3A_3051 = arith.shrsi %squeeze3A_3049, %shift_right_arithmetic3A_3050 : i32
        %shift_left3A_3052 = arith.constant 7 : i32
        %shift_left3A_3053 = arith.shli %shift_right_arithmetic3A_3051, %shift_left3A_3052 : i32
        %multiple_of3A_3054 = tpu.assume_multiple %shift_left3A_3053, 128 : i32
        %add3A_3055 = arith.constant 13 : i32
        %add3A_3056 = arith.addi %mul3A_2598, %add3A_3055 : i32
        %mul3A_3057 = arith.constant 8 : i32
        %mul3A_3058 = arith.muli %add3A_3056, %mul3A_3057 : i32
        %dma_start3A_3059 = arith.constant 0 : i32
        %dma_start3A_3060 = tpu.memref_slice %arg9[%mul3A_3058, %dma_start3A_3059] : memref<384x128xf32, #tpu.memory_space<vmem>> -> memref<8x128xf32, #tpu.memory_space<vmem>>
        %dma_start3A_3061 = tpu.memref_slice %arg4[%multiple_of3A, %multiple_of3A_3047] : memref<16x1000000xf32, #tpu.memory_space<hbm>> -> memref<8x128xf32, #tpu.memory_space<hbm>>
        %dma_start3A_3062 = arith.constant 0 : i32
        %dma_start3A_3063 = tpu.memref_slice %arg9[%mul3A_3058, %dma_start3A_3062] : memref<384x128xf32, #tpu.memory_space<vmem>> -> memref<8x128xf32, #tpu.memory_space<vmem>>
        %dma_start3A_3064 = tpu.memref_slice %arg4[%multiple_of3A, %multiple_of3A_3047] : memref<16x1000000xf32, #tpu.memory_space<hbm>> -> memref<8x128xf32, #tpu.memory_space<hbm>>
        tpu.enqueue_dma source(%dma_start3A_3064 : memref<8x128xf32, #tpu.memory_space<hbm>>) target(%dma_start3A_3063 : memref<8x128xf32, #tpu.memory_space<vmem>>) target_semaphore(%arg15 : memref<!tpu.dma_semaphore, #tpu.memory_space<semaphore_mem>>)
        %add3A_3065 = arith.constant 13 : i32
        %add3A_3066 = arith.addi %mul3A_2598, %add3A_3065 : i32
        %mul3A_3067 = arith.constant 8 : i32
        %mul3A_3068 = arith.muli %add3A_3066, %mul3A_3067 : i32
        %dma_start3A_3069 = arith.constant 0 : i32
        %dma_start3A_3070 = tpu.memref_slice %arg10[%mul3A_3068, %dma_start3A_3069] : memref<384x128xf32, #tpu.memory_space<vmem>> -> memref<8x128xf32, #tpu.memory_space<vmem>>
        %dma_start3A_3071 = tpu.memref_slice %arg5[%multiple_of3A, %multiple_of3A_3054] : memref<16x1000000xf32, #tpu.memory_space<hbm>> -> memref<8x128xf32, #tpu.memory_space<hbm>>
        %dma_start3A_3072 = arith.constant 0 : i32
        %dma_start3A_3073 = tpu.memref_slice %arg10[%mul3A_3068, %dma_start3A_3072] : memref<384x128xf32, #tpu.memory_space<vmem>> -> memref<8x128xf32, #tpu.memory_space<vmem>>
        %dma_start3A_3074 = tpu.memref_slice %arg5[%multiple_of3A, %multiple_of3A_3054] : memref<16x1000000xf32, #tpu.memory_space<hbm>> -> memref<8x128xf32, #tpu.memory_space<hbm>>
        tpu.enqueue_dma source(%dma_start3A_3074 : memref<8x128xf32, #tpu.memory_space<hbm>>) target(%dma_start3A_3073 : memref<8x128xf32, #tpu.memory_space<vmem>>) target_semaphore(%arg15 : memref<!tpu.dma_semaphore, #tpu.memory_space<semaphore_mem>>)
        %slice3A_3075 = vector.extract_strided_slice %get3A_2594 {offsets = [14], sizes = [1], strides = [1]} : vector<16xi32> to vector<1xi32>
        %squeeze3A_3076 = vector.extract %slice3A_3075[0] : i32 from vector<1xi32>
        %shift_right_arithmetic3A_3077 = arith.constant 7 : i32
        %shift_right_arithmetic3A_3078 = arith.shrsi %squeeze3A_3076, %shift_right_arithmetic3A_3077 : i32
        %shift_left3A_3079 = arith.constant 7 : i32
        %shift_left3A_3080 = arith.shli %shift_right_arithmetic3A_3078, %shift_left3A_3079 : i32
        %multiple_of3A_3081 = tpu.assume_multiple %shift_left3A_3080, 128 : i32
        %slice3A_3082 = vector.extract_strided_slice %get3A_2596 {offsets = [14], sizes = [1], strides = [1]} : vector<16xi32> to vector<1xi32>
        %squeeze3A_3083 = vector.extract %slice3A_3082[0] : i32 from vector<1xi32>
        %shift_right_arithmetic3A_3084 = arith.constant 7 : i32
        %shift_right_arithmetic3A_3085 = arith.shrsi %squeeze3A_3083, %shift_right_arithmetic3A_3084 : i32
        %shift_left3A_3086 = arith.constant 7 : i32
        %shift_left3A_3087 = arith.shli %shift_right_arithmetic3A_3085, %shift_left3A_3086 : i32
        %multiple_of3A_3088 = tpu.assume_multiple %shift_left3A_3087, 128 : i32
        %add3A_3089 = arith.constant 14 : i32
        %add3A_3090 = arith.addi %mul3A_2598, %add3A_3089 : i32
        %mul3A_3091 = arith.constant 8 : i32
        %mul3A_3092 = arith.muli %add3A_3090, %mul3A_3091 : i32
        %dma_start3A_3093 = arith.constant 0 : i32
        %dma_start3A_3094 = tpu.memref_slice %arg9[%mul3A_3092, %dma_start3A_3093] : memref<384x128xf32, #tpu.memory_space<vmem>> -> memref<8x128xf32, #tpu.memory_space<vmem>>
        %dma_start3A_3095 = tpu.memref_slice %arg4[%multiple_of3A, %multiple_of3A_3081] : memref<16x1000000xf32, #tpu.memory_space<hbm>> -> memref<8x128xf32, #tpu.memory_space<hbm>>
        %dma_start3A_3096 = arith.constant 0 : i32
        %dma_start3A_3097 = tpu.memref_slice %arg9[%mul3A_3092, %dma_start3A_3096] : memref<384x128xf32, #tpu.memory_space<vmem>> -> memref<8x128xf32, #tpu.memory_space<vmem>>
        %dma_start3A_3098 = tpu.memref_slice %arg4[%multiple_of3A, %multiple_of3A_3081] : memref<16x1000000xf32, #tpu.memory_space<hbm>> -> memref<8x128xf32, #tpu.memory_space<hbm>>
        tpu.enqueue_dma source(%dma_start3A_3098 : memref<8x128xf32, #tpu.memory_space<hbm>>) target(%dma_start3A_3097 : memref<8x128xf32, #tpu.memory_space<vmem>>) target_semaphore(%arg15 : memref<!tpu.dma_semaphore, #tpu.memory_space<semaphore_mem>>)
        %add3A_3099 = arith.constant 14 : i32
        %add3A_3100 = arith.addi %mul3A_2598, %add3A_3099 : i32
        %mul3A_3101 = arith.constant 8 : i32
        %mul3A_3102 = arith.muli %add3A_3100, %mul3A_3101 : i32
        %dma_start3A_3103 = arith.constant 0 : i32
        %dma_start3A_3104 = tpu.memref_slice %arg10[%mul3A_3102, %dma_start3A_3103] : memref<384x128xf32, #tpu.memory_space<vmem>> -> memref<8x128xf32, #tpu.memory_space<vmem>>
        %dma_start3A_3105 = tpu.memref_slice %arg5[%multiple_of3A, %multiple_of3A_3088] : memref<16x1000000xf32, #tpu.memory_space<hbm>> -> memref<8x128xf32, #tpu.memory_space<hbm>>
        %dma_start3A_3106 = arith.constant 0 : i32
        %dma_start3A_3107 = tpu.memref_slice %arg10[%mul3A_3102, %dma_start3A_3106] : memref<384x128xf32, #tpu.memory_space<vmem>> -> memref<8x128xf32, #tpu.memory_space<vmem>>
        %dma_start3A_3108 = tpu.memref_slice %arg5[%multiple_of3A, %multiple_of3A_3088] : memref<16x1000000xf32, #tpu.memory_space<hbm>> -> memref<8x128xf32, #tpu.memory_space<hbm>>
        tpu.enqueue_dma source(%dma_start3A_3108 : memref<8x128xf32, #tpu.memory_space<hbm>>) target(%dma_start3A_3107 : memref<8x128xf32, #tpu.memory_space<vmem>>) target_semaphore(%arg15 : memref<!tpu.dma_semaphore, #tpu.memory_space<semaphore_mem>>)
        %slice3A_3109 = vector.extract_strided_slice %get3A_2594 {offsets = [15], sizes = [1], strides = [1]} : vector<16xi32> to vector<1xi32>
        %squeeze3A_3110 = vector.extract %slice3A_3109[0] : i32 from vector<1xi32>
        %shift_right_arithmetic3A_3111 = arith.constant 7 : i32
        %shift_right_arithmetic3A_3112 = arith.shrsi %squeeze3A_3110, %shift_right_arithmetic3A_3111 : i32
        %shift_left3A_3113 = arith.constant 7 : i32
        %shift_left3A_3114 = arith.shli %shift_right_arithmetic3A_3112, %shift_left3A_3113 : i32
        %multiple_of3A_3115 = tpu.assume_multiple %shift_left3A_3114, 128 : i32
        %slice3A_3116 = vector.extract_strided_slice %get3A_2596 {offsets = [15], sizes = [1], strides = [1]} : vector<16xi32> to vector<1xi32>
        %squeeze3A_3117 = vector.extract %slice3A_3116[0] : i32 from vector<1xi32>
        %shift_right_arithmetic3A_3118 = arith.constant 7 : i32
        %shift_right_arithmetic3A_3119 = arith.shrsi %squeeze3A_3117, %shift_right_arithmetic3A_3118 : i32
        %shift_left3A_3120 = arith.constant 7 : i32
        %shift_left3A_3121 = arith.shli %shift_right_arithmetic3A_3119, %shift_left3A_3120 : i32
        %multiple_of3A_3122 = tpu.assume_multiple %shift_left3A_3121, 128 : i32
        %add3A_3123 = arith.constant 15 : i32
        %add3A_3124 = arith.addi %mul3A_2598, %add3A_3123 : i32
        %mul3A_3125 = arith.constant 8 : i32
        %mul3A_3126 = arith.muli %add3A_3124, %mul3A_3125 : i32
        %dma_start3A_3127 = arith.constant 0 : i32
        %dma_start3A_3128 = tpu.memref_slice %arg9[%mul3A_3126, %dma_start3A_3127] : memref<384x128xf32, #tpu.memory_space<vmem>> -> memref<8x128xf32, #tpu.memory_space<vmem>>
        %dma_start3A_3129 = tpu.memref_slice %arg4[%multiple_of3A, %multiple_of3A_3115] : memref<16x1000000xf32, #tpu.memory_space<hbm>> -> memref<8x128xf32, #tpu.memory_space<hbm>>
        %dma_start3A_3130 = arith.constant 0 : i32
        %dma_start3A_3131 = tpu.memref_slice %arg9[%mul3A_3126, %dma_start3A_3130] : memref<384x128xf32, #tpu.memory_space<vmem>> -> memref<8x128xf32, #tpu.memory_space<vmem>>
        %dma_start3A_3132 = tpu.memref_slice %arg4[%multiple_of3A, %multiple_of3A_3115] : memref<16x1000000xf32, #tpu.memory_space<hbm>> -> memref<8x128xf32, #tpu.memory_space<hbm>>
        tpu.enqueue_dma source(%dma_start3A_3132 : memref<8x128xf32, #tpu.memory_space<hbm>>) target(%dma_start3A_3131 : memref<8x128xf32, #tpu.memory_space<vmem>>) target_semaphore(%arg15 : memref<!tpu.dma_semaphore, #tpu.memory_space<semaphore_mem>>)
        %add3A_3133 = arith.constant 15 : i32
        %add3A_3134 = arith.addi %mul3A_2598, %add3A_3133 : i32
        %mul3A_3135 = arith.constant 8 : i32
        %mul3A_3136 = arith.muli %add3A_3134, %mul3A_3135 : i32
        %dma_start3A_3137 = arith.constant 0 : i32
        %dma_start3A_3138 = tpu.memref_slice %arg10[%mul3A_3136, %dma_start3A_3137] : memref<384x128xf32, #tpu.memory_space<vmem>> -> memref<8x128xf32, #tpu.memory_space<vmem>>
        %dma_start3A_3139 = tpu.memref_slice %arg5[%multiple_of3A, %multiple_of3A_3122] : memref<16x1000000xf32, #tpu.memory_space<hbm>> -> memref<8x128xf32, #tpu.memory_space<hbm>>
        %dma_start3A_3140 = arith.constant 0 : i32
        %dma_start3A_3141 = tpu.memref_slice %arg10[%mul3A_3136, %dma_start3A_3140] : memref<384x128xf32, #tpu.memory_space<vmem>> -> memref<8x128xf32, #tpu.memory_space<vmem>>
        %dma_start3A_3142 = tpu.memref_slice %arg5[%multiple_of3A, %multiple_of3A_3122] : memref<16x1000000xf32, #tpu.memory_space<hbm>> -> memref<8x128xf32, #tpu.memory_space<hbm>>
        tpu.enqueue_dma source(%dma_start3A_3142 : memref<8x128xf32, #tpu.memory_space<hbm>>) target(%dma_start3A_3141 : memref<8x128xf32, #tpu.memory_space<vmem>>) target_semaphore(%arg15 : memref<!tpu.dma_semaphore, #tpu.memory_space<semaphore_mem>>)
      } else {
      }
      %rem3A = arith.constant 3 : i32
      %rem3A_2481 = arith.remsi %scan3A_2453, %rem3A : i32
      %mul3A_2482 = arith.constant 16 : i32
      %mul3A_2483 = arith.muli %scan3A_2453, %mul3A_2482 : i32
      %multiple_of3A_2484 = tpu.assume_multiple %mul3A_2483, 16 : i32
      %get3A_2485 = arith.index_cast %multiple_of3A_2484 : i32 to index
      %get3A_2486 = tpu.vector_load %arg7[%get3A_2485] {strides = array<i32>} : memref<1024xi32, #tpu.memory_space<vmem>>, vector<16xi32>,
      %get3A_2487 = arith.index_cast %multiple_of3A_2484 : i32 to index
      %get3A_2488 = tpu.vector_load %arg8[%get3A_2487] {strides = array<i32>} : memref<1024xi32, #tpu.memory_space<vmem>>, vector<16xi32>,
      %mul3A_2489 = arith.constant 16 : i32
      %mul3A_2490 = arith.muli %rem3A_2481, %mul3A_2489 : i32
      %add3A_2491 = vector.broadcast %mul3A_2490 : i32 to vector<16xi32>
      %add3A_2492 = arith.addi %add3A_2491, %iota3A : vector<16xi32>
      %mul3A_2493 = arith.constant 8 : i32
      %mul3A_2494 = vector.broadcast %mul3A_2493 : i32 to vector<16xi32>
      %mul3A_2495 = arith.muli %add3A_2492, %mul3A_2494 : vector<16xi32>
      %and3A_2496 = arith.constant 127 : i32
      %and3A_2497 = vector.broadcast %and3A_2496 : i32 to vector<16xi32>
      %and3A_2498 = arith.andi %get3A_2486, %and3A_2497 : vector<16xi32>
      %and3A_2499 = arith.constant 127 : i32
      %and3A_2500 = vector.broadcast %and3A_2499 : i32 to vector<16xi32>
      %and3A_2501 = arith.andi %get3A_2488, %and3A_2500 : vector<16xi32>
      %broadcast_in_dim3A = arith.constant 0.000000e+00 : f32
      %broadcast_in_dim3A_2502 = vector.broadcast %broadcast_in_dim3A : f32 to vector<16xf32>
      %add3A_2503 = arith.constant 0 : i32
      %add3A_2504 = vector.broadcast %add3A_2503 : i32 to vector<16xi32>
      %add3A_2505 = arith.addi %mul3A_2495, %add3A_2504 : vector<16xi32>
      %gather3A = tpu.vector_load_idx %arg9[%add3A_2505, %and3A_2498] : memref<384x128xf32, #tpu.memory_space<vmem>>[vector<16xi32>, vector<16xi32>], vector<16xf32>,
      %add3A_2506 = arith.constant 0 : i32
      %add3A_2507 = vector.broadcast %add3A_2506 : i32 to vector<16xi32>
      %add3A_2508 = arith.addi %mul3A_2495, %add3A_2507 : vector<16xi32>
      %gather3A_2509 = tpu.vector_load_idx %arg10[%add3A_2508, %and3A_2501] : memref<384x128xf32, #tpu.memory_space<vmem>>[vector<16xi32>, vector<16xi32>], vector<16xf32>,
      %mul3A_2510 = arith.mulf %gather3A, %gather3A_2509 : vector<16xf32>
      %add3A_2511 = arith.addf %broadcast_in_dim3A_2502, %mul3A_2510 : vector<16xf32>
      %add3A_2512 = arith.constant 1 : i32
      %add3A_2513 = vector.broadcast %add3A_2512 : i32 to vector<16xi32>
      %add3A_2514 = arith.addi %mul3A_2495, %add3A_2513 : vector<16xi32>
      %gather3A_2515 = tpu.vector_load_idx %arg9[%add3A_2514, %and3A_2498] : memref<384x128xf32, #tpu.memory_space<vmem>>[vector<16xi32>, vector<16xi32>], vector<16xf32>,
      %add3A_2516 = arith.constant 1 : i32
      %add3A_2517 = vector.broadcast %add3A_2516 : i32 to vector<16xi32>
      %add3A_2518 = arith.addi %mul3A_2495, %add3A_2517 : vector<16xi32>
      %gather3A_2519 = tpu.vector_load_idx %arg10[%add3A_2518, %and3A_2501] : memref<384x128xf32, #tpu.memory_space<vmem>>[vector<16xi32>, vector<16xi32>], vector<16xf32>,
      %mul3A_2520 = arith.mulf %gather3A_2515, %gather3A_2519 : vector<16xf32>
      %add3A_2521 = arith.addf %add3A_2511, %mul3A_2520 : vector<16xf32>
      %add3A_2522 = arith.constant 2 : i32
      %add3A_2523 = vector.broadcast %add3A_2522 : i32 to vector<16xi32>
      %add3A_2524 = arith.addi %mul3A_2495, %add3A_2523 : vector<16xi32>
      %gather3A_2525 = tpu.vector_load_idx %arg9[%add3A_2524, %and3A_2498] : memref<384x128xf32, #tpu.memory_space<vmem>>[vector<16xi32>, vector<16xi32>], vector<16xf32>,
      %add3A_2526 = arith.constant 2 : i32
      %add3A_2527 = vector.broadcast %add3A_2526 : i32 to vector<16xi32>
      %add3A_2528 = arith.addi %mul3A_2495, %add3A_2527 : vector<16xi32>
      %gather3A_2529 = tpu.vector_load_idx %arg10[%add3A_2528, %and3A_2501] : memref<384x128xf32, #tpu.memory_space<vmem>>[vector<16xi32>, vector<16xi32>], vector<16xf32>,
      %mul3A_2530 = arith.mulf %gather3A_2525, %gather3A_2529 : vector<16xf32>
      %add3A_2531 = arith.addf %add3A_2521, %mul3A_2530 : vector<16xf32>
      %add3A_2532 = arith.constant 3 : i32
      %add3A_2533 = vector.broadcast %add3A_2532 : i32 to vector<16xi32>
      %add3A_2534 = arith.addi %mul3A_2495, %add3A_2533 : vector<16xi32>
      %gather3A_2535 = tpu.vector_load_idx %arg9[%add3A_2534, %and3A_2498] : memref<384x128xf32, #tpu.memory_space<vmem>>[vector<16xi32>, vector<16xi32>], vector<16xf32>,
      %add3A_2536 = arith.constant 3 : i32
      %add3A_2537 = vector.broadcast %add3A_2536 : i32 to vector<16xi32>
      %add3A_2538 = arith.addi %mul3A_2495, %add3A_2537 : vector<16xi32>
      %gather3A_2539 = tpu.vector_load_idx %arg10[%add3A_2538, %and3A_2501] : memref<384x128xf32, #tpu.memory_space<vmem>>[vector<16xi32>, vector<16xi32>], vector<16xf32>,
      %mul3A_2540 = arith.mulf %gather3A_2535, %gather3A_2539 : vector<16xf32>
      %add3A_2541 = arith.addf %add3A_2531, %mul3A_2540 : vector<16xf32>
      %add3A_2542 = arith.constant 4 : i32
      %add3A_2543 = vector.broadcast %add3A_2542 : i32 to vector<16xi32>
      %add3A_2544 = arith.addi %mul3A_2495, %add3A_2543 : vector<16xi32>
      %gather3A_2545 = tpu.vector_load_idx %arg9[%add3A_2544, %and3A_2498] : memref<384x128xf32, #tpu.memory_space<vmem>>[vector<16xi32>, vector<16xi32>], vector<16xf32>,
      %add3A_2546 = arith.constant 4 : i32
      %add3A_2547 = vector.broadcast %add3A_2546 : i32 to vector<16xi32>
      %add3A_2548 = arith.addi %mul3A_2495, %add3A_2547 : vector<16xi32>
      %gather3A_2549 = tpu.vector_load_idx %arg10[%add3A_2548, %and3A_2501] : memref<384x128xf32, #tpu.memory_space<vmem>>[vector<16xi32>, vector<16xi32>], vector<16xf32>,
      %mul3A_2550 = arith.mulf %gather3A_2545, %gather3A_2549 : vector<16xf32>
      %add3A_2551 = arith.addf %add3A_2541, %mul3A_2550 : vector<16xf32>
      %add3A_2552 = arith.constant 5 : i32
      %add3A_2553 = vector.broadcast %add3A_2552 : i32 to vector<16xi32>
      %add3A_2554 = arith.addi %mul3A_2495, %add3A_2553 : vector<16xi32>
      %gather3A_2555 = tpu.vector_load_idx %arg9[%add3A_2554, %and3A_2498] : memref<384x128xf32, #tpu.memory_space<vmem>>[vector<16xi32>, vector<16xi32>], vector<16xf32>,
      %add3A_2556 = arith.constant 5 : i32
      %add3A_2557 = vector.broadcast %add3A_2556 : i32 to vector<16xi32>
      %add3A_2558 = arith.addi %mul3A_2495, %add3A_2557 : vector<16xi32>
      %gather3A_2559 = tpu.vector_load_idx %arg10[%add3A_2558, %and3A_2501] : memref<384x128xf32, #tpu.memory_space<vmem>>[vector<16xi32>, vector<16xi32>], vector<16xf32>,
      %mul3A_2560 = arith.mulf %gather3A_2555, %gather3A_2559 : vector<16xf32>
      %add3A_2561 = arith.addf %add3A_2551, %mul3A_2560 : vector<16xf32>
      %add3A_2562 = arith.constant 6 : i32
      %add3A_2563 = vector.broadcast %add3A_2562 : i32 to vector<16xi32>
      %add3A_2564 = arith.addi %mul3A_2495, %add3A_2563 : vector<16xi32>
      %gather3A_2565 = tpu.vector_load_idx %arg9[%add3A_2564, %and3A_2498] : memref<384x128xf32, #tpu.memory_space<vmem>>[vector<16xi32>, vector<16xi32>], vector<16xf32>,
      %add3A_2566 = arith.constant 6 : i32
      %add3A_2567 = vector.broadcast %add3A_2566 : i32 to vector<16xi32>
      %add3A_2568 = arith.addi %mul3A_2495, %add3A_2567 : vector<16xi32>
      %gather3A_2569 = tpu.vector_load_idx %arg10[%add3A_2568, %and3A_2501] : memref<384x128xf32, #tpu.memory_space<vmem>>[vector<16xi32>, vector<16xi32>], vector<16xf32>,
      %mul3A_2570 = arith.mulf %gather3A_2565, %gather3A_2569 : vector<16xf32>
      %add3A_2571 = arith.addf %add3A_2561, %mul3A_2570 : vector<16xf32>
      %add3A_2572 = arith.constant 7 : i32
      %add3A_2573 = vector.broadcast %add3A_2572 : i32 to vector<16xi32>
      %add3A_2574 = arith.addi %mul3A_2495, %add3A_2573 : vector<16xi32>
      %gather3A_2575 = tpu.vector_load_idx %arg9[%add3A_2574, %and3A_2498] : memref<384x128xf32, #tpu.memory_space<vmem>>[vector<16xi32>, vector<16xi32>], vector<16xf32>,
      %add3A_2576 = arith.constant 7 : i32
      %add3A_2577 = vector.broadcast %add3A_2576 : i32 to vector<16xi32>
      %add3A_2578 = arith.addi %mul3A_2495, %add3A_2577 : vector<16xi32>
      %gather3A_2579 = tpu.vector_load_idx %arg10[%add3A_2578, %and3A_2501] : memref<384x128xf32, #tpu.memory_space<vmem>>[vector<16xi32>, vector<16xi32>], vector<16xf32>,
      %mul3A_2580 = arith.mulf %gather3A_2575, %gather3A_2579 : vector<16xf32>
      %add3A_2581 = arith.addf %add3A_2571, %mul3A_2580 : vector<16xf32>
      %swap3A_2582 = arith.index_cast %multiple_of3A_2484 : i32 to index
      %swap3A_2583 = tpu.vector_load %arg11[%swap3A_2582] {strides = array<i32>} : memref<1024xf32, #tpu.memory_space<vmem>>, vector<16xf32>,
      tpu.vector_store %arg11[%swap3A_2582], %add3A_2581 {strides = array<i32>} : memref<1024xf32, #tpu.memory_space<vmem>>, vector<16xf32>,
    }
    %scan3A_978 = arith.constant 64 : i32
    %mul3A_979 = arith.constant 1024 : i32
    %mul3A_980 = arith.muli %arg1, %mul3A_979 : i32
    "tpu.region"() ({
      %run_scoped3A = tpu.sem_alloc : memref<!tpu.dma_semaphore, #tpu.memory_space<semaphore_mem>>
      %dma_start3A_2453 = tpu.memref_slice %arg14[%mul3A_980] : memref<16384xf32, #tpu.memory_space<vmem_shared>> -> memref<1024xf32, #tpu.memory_space<vmem_shared>>
      %dma_start3A_2454 = tpu.memref_slice %arg14[%mul3A_980] : memref<16384xf32, #tpu.memory_space<vmem_shared>> -> memref<1024xf32, #tpu.memory_space<vmem_shared>>
      tpu.enqueue_dma source(%arg11 : memref<1024xf32, #tpu.memory_space<vmem>>) target(%dma_start3A_2454 : memref<1024xf32, #tpu.memory_space<vmem_shared>>) target_semaphore(%run_scoped3A : memref<!tpu.dma_semaphore, #tpu.memory_space<semaphore_mem>>)
      %dma_wait3A = tpu.memref_slice %arg14[%mul3A_980] : memref<16384xf32, #tpu.memory_space<vmem_shared>> -> memref<1024xf32, #tpu.memory_space<vmem_shared>>
      %dma_wait3A_2455 = tpu.memref_slice %arg14[%mul3A_980] : memref<16384xf32, #tpu.memory_space<vmem_shared>> -> memref<1024xf32, #tpu.memory_space<vmem_shared>>
      tpu.wait_dma2 semaphore(%run_scoped3A : memref<!tpu.dma_semaphore, #tpu.memory_space<semaphore_mem>>) src(%arg11 : memref<1024xf32, #tpu.memory_space<vmem>>) dst(%dma_wait3A_2455 : memref<1024xf32, #tpu.memory_space<vmem_shared>>)
      tpu.yield
    }) : () -> ()
    %barrier3A = arith.constant 0 : index
    tpu.barrier barrier_id(%barrier3A)
    %xor3A = arith.constant 1 : i32
    %xor3A_981 = arith.xori %arg1, %xor3A : i32
    %mul3A_982 = arith.constant 1024 : i32
    %mul3A_983 = arith.muli %xor3A_981, %mul3A_982 : i32
    "tpu.region"() ({
      %run_scoped3A = tpu.sem_alloc : memref<!tpu.dma_semaphore, #tpu.memory_space<semaphore_mem>>
      %dma_start3A_2453 = tpu.memref_slice %arg14[%mul3A_983] : memref<16384xf32, #tpu.memory_space<vmem_shared>> -> memref<1024xf32, #tpu.memory_space<vmem_shared>>
      %dma_start3A_2454 = tpu.memref_slice %arg14[%mul3A_983] : memref<16384xf32, #tpu.memory_space<vmem_shared>> -> memref<1024xf32, #tpu.memory_space<vmem_shared>>
      tpu.enqueue_dma source(%dma_start3A_2454 : memref<1024xf32, #tpu.memory_space<vmem_shared>>) target(%arg12 : memref<1024xf32, #tpu.memory_space<vmem>>) target_semaphore(%run_scoped3A : memref<!tpu.dma_semaphore, #tpu.memory_space<semaphore_mem>>)
      %dma_wait3A = tpu.memref_slice %arg14[%mul3A_983] : memref<16384xf32, #tpu.memory_space<vmem_shared>> -> memref<1024xf32, #tpu.memory_space<vmem_shared>>
      %dma_wait3A_2455 = tpu.memref_slice %arg14[%mul3A_983] : memref<16384xf32, #tpu.memory_space<vmem_shared>> -> memref<1024xf32, #tpu.memory_space<vmem_shared>>
      tpu.wait_dma2 semaphore(%run_scoped3A : memref<!tpu.dma_semaphore, #tpu.memory_space<semaphore_mem>>) src(%dma_wait3A_2455 : memref<1024xf32, #tpu.memory_space<vmem_shared>>) dst(%arg12 : memref<1024xf32, #tpu.memory_space<vmem>>)
      tpu.yield
    }) : () -> ()
    %mul3A_984 = arith.constant 512 : i32
    %mul3A_985 = arith.muli %and3A_0, %mul3A_984 : i32
    %multiple_of3A_986 = tpu.assume_multiple %mul3A_985, 512 : i32
    %add3A_987 = arith.constant 0 : i32
    %add3A_988 = arith.addi %multiple_of3A_986, %add3A_987 : i32
    %multiple_of3A_989 = tpu.assume_multiple %add3A_988, 16 : i32
    %get3A_990 = arith.index_cast %multiple_of3A_989 : i32 to index
    %get3A_991 = tpu.vector_load %arg11[%get3A_990] {strides = array<i32>} : memref<1024xf32, #tpu.memory_space<vmem>>, vector<16xf32>,
    %get3A_992 = arith.index_cast %multiple_of3A_989 : i32 to index
    %get3A_993 = tpu.vector_load %arg12[%get3A_992] {strides = array<i32>} : memref<1024xf32, #tpu.memory_space<vmem>>, vector<16xf32>,
    %add3A_994 = arith.addf %get3A_991, %get3A_993 : vector<16xf32>
    %abs3A = math.absf %add3A_994 : vector<16xf32>
    %neg3A = arith.constant 0.000000e+00 : f32
    %neg3A_995 = vector.broadcast %neg3A : f32 to vector<16xf32>
    %neg3A_996 = arith.subf %neg3A_995, %abs3A : vector<16xf32>
    %exp3A = math.exp %neg3A_996 : vector<16xf32>
    %add3A_997 = arith.constant 2.000000e+00 : f32
    %add3A_998 = vector.broadcast %add3A_997 : f32 to vector<16xf32>
    %add3A_999 = arith.addf %add3A_998, %exp3A : vector<16xf32>
    %div3A = arith.divf %exp3A, %add3A_999 : vector<16xf32>
    %mul3A_1000 = arith.mulf %div3A, %div3A : vector<16xf32>
    %mul3A_1001 = arith.constant 0.111111112 : f32
    %mul3A_1002 = vector.broadcast %mul3A_1001 : f32 to vector<16xf32>
    %mul3A_1003 = arith.mulf %mul3A_1000, %mul3A_1002 : vector<16xf32>
    %add3A_1004 = arith.constant 0.142857149 : f32
    %add3A_1005 = vector.broadcast %add3A_1004 : f32 to vector<16xf32>
    %add3A_1006 = arith.addf %add3A_1005, %mul3A_1003 : vector<16xf32>
    %mul3A_1007 = arith.mulf %mul3A_1000, %add3A_1006 : vector<16xf32>
    %add3A_1008 = arith.constant 2.000000e-01 : f32
    %add3A_1009 = vector.broadcast %add3A_1008 : f32 to vector<16xf32>
    %add3A_1010 = arith.addf %add3A_1009, %mul3A_1007 : vector<16xf32>
    %mul3A_1011 = arith.mulf %mul3A_1000, %add3A_1010 : vector<16xf32>
    %add3A_1012 = arith.constant 0.333333343 : f32
    %add3A_1013 = vector.broadcast %add3A_1012 : f32 to vector<16xf32>
    %add3A_1014 = arith.addf %add3A_1013, %mul3A_1011 : vector<16xf32>
    %mul3A_1015 = arith.mulf %mul3A_1000, %add3A_1014 : vector<16xf32>
    %add3A_1016 = arith.constant 1.000000e+00 : f32
    %add3A_1017 = vector.broadcast %add3A_1016 : f32 to vector<16xf32>
    %add3A_1018 = arith.addf %add3A_1017, %mul3A_1015 : vector<16xf32>
    %min3A = arith.constant 0.000000e+00 : f32
    %min3A_1019 = vector.broadcast %min3A : f32 to vector<16xf32>
    %min3A_1020 = arith.minimumf %add3A_994, %min3A_1019 : vector<16xf32>
    %mul3A_1021 = arith.constant 2.000000e+00 : f32
    %mul3A_1022 = vector.broadcast %mul3A_1021 : f32 to vector<16xf32>
    %mul3A_1023 = arith.mulf %mul3A_1022, %div3A : vector<16xf32>
    %mul3A_1024 = arith.mulf %mul3A_1023, %add3A_1018 : vector<16xf32>
    %sub3A = arith.subf %min3A_1020, %mul3A_1024 : vector<16xf32>
    %swap3A = arith.constant 0 : index
    %swap3A_1025 = tpu.vector_load %arg13[%swap3A] {strides = array<i32>} : memref<512xf32, #tpu.memory_space<vmem>>, vector<16xf32>,
    tpu.vector_store %arg13[%swap3A], %sub3A {strides = array<i32>} : memref<512xf32, #tpu.memory_space<vmem>>, vector<16xf32>,
    %add3A_1026 = arith.constant 16 : i32
    %add3A_1027 = arith.addi %multiple_of3A_986, %add3A_1026 : i32
    %multiple_of3A_1028 = tpu.assume_multiple %add3A_1027, 16 : i32
    %get3A_1029 = arith.index_cast %multiple_of3A_1028 : i32 to index
    %get3A_1030 = tpu.vector_load %arg11[%get3A_1029] {strides = array<i32>} : memref<1024xf32, #tpu.memory_space<vmem>>, vector<16xf32>,
    %get3A_1031 = arith.index_cast %multiple_of3A_1028 : i32 to index
    %get3A_1032 = tpu.vector_load %arg12[%get3A_1031] {strides = array<i32>} : memref<1024xf32, #tpu.memory_space<vmem>>, vector<16xf32>,
    %add3A_1033 = arith.addf %get3A_1030, %get3A_1032 : vector<16xf32>
    %abs3A_1034 = math.absf %add3A_1033 : vector<16xf32>
    %neg3A_1035 = arith.constant 0.000000e+00 : f32
    %neg3A_1036 = vector.broadcast %neg3A_1035 : f32 to vector<16xf32>
    %neg3A_1037 = arith.subf %neg3A_1036, %abs3A_1034 : vector<16xf32>
    %exp3A_1038 = math.exp %neg3A_1037 : vector<16xf32>
    %add3A_1039 = arith.constant 2.000000e+00 : f32
    %add3A_1040 = vector.broadcast %add3A_1039 : f32 to vector<16xf32>
    %add3A_1041 = arith.addf %add3A_1040, %exp3A_1038 : vector<16xf32>
    %div3A_1042 = arith.divf %exp3A_1038, %add3A_1041 : vector<16xf32>
    %mul3A_1043 = arith.mulf %div3A_1042, %div3A_1042 : vector<16xf32>
    %mul3A_1044 = arith.constant 0.111111112 : f32
    %mul3A_1045 = vector.broadcast %mul3A_1044 : f32 to vector<16xf32>
    %mul3A_1046 = arith.mulf %mul3A_1043, %mul3A_1045 : vector<16xf32>
    %add3A_1047 = arith.constant 0.142857149 : f32
    %add3A_1048 = vector.broadcast %add3A_1047 : f32 to vector<16xf32>
    %add3A_1049 = arith.addf %add3A_1048, %mul3A_1046 : vector<16xf32>
    %mul3A_1050 = arith.mulf %mul3A_1043, %add3A_1049 : vector<16xf32>
    %add3A_1051 = arith.constant 2.000000e-01 : f32
    %add3A_1052 = vector.broadcast %add3A_1051 : f32 to vector<16xf32>
    %add3A_1053 = arith.addf %add3A_1052, %mul3A_1050 : vector<16xf32>
    %mul3A_1054 = arith.mulf %mul3A_1043, %add3A_1053 : vector<16xf32>
    %add3A_1055 = arith.constant 0.333333343 : f32
    %add3A_1056 = vector.broadcast %add3A_1055 : f32 to vector<16xf32>
    %add3A_1057 = arith.addf %add3A_1056, %mul3A_1054 : vector<16xf32>
    %mul3A_1058 = arith.mulf %mul3A_1043, %add3A_1057 : vector<16xf32>
    %add3A_1059 = arith.constant 1.000000e+00 : f32
    %add3A_1060 = vector.broadcast %add3A_1059 : f32 to vector<16xf32>
    %add3A_1061 = arith.addf %add3A_1060, %mul3A_1058 : vector<16xf32>
    %min3A_1062 = arith.constant 0.000000e+00 : f32
    %min3A_1063 = vector.broadcast %min3A_1062 : f32 to vector<16xf32>
    %min3A_1064 = arith.minimumf %add3A_1033, %min3A_1063 : vector<16xf32>
    %mul3A_1065 = arith.constant 2.000000e+00 : f32
    %mul3A_1066 = vector.broadcast %mul3A_1065 : f32 to vector<16xf32>
    %mul3A_1067 = arith.mulf %mul3A_1066, %div3A_1042 : vector<16xf32>
    %mul3A_1068 = arith.mulf %mul3A_1067, %add3A_1061 : vector<16xf32>
    %sub3A_1069 = arith.subf %min3A_1064, %mul3A_1068 : vector<16xf32>
    %swap3A_1070 = arith.constant 16 : index
    %swap3A_1071 = tpu.vector_load %arg13[%swap3A_1070] {strides = array<i32>} : memref<512xf32, #tpu.memory_space<vmem>>, vector<16xf32>,
    tpu.vector_store %arg13[%swap3A_1070], %sub3A_1069 {strides = array<i32>} : memref<512xf32, #tpu.memory_space<vmem>>, vector<16xf32>,
    %add3A_1072 = arith.constant 32 : i32
    %add3A_1073 = arith.addi %multiple_of3A_986, %add3A_1072 : i32
    %multiple_of3A_1074 = tpu.assume_multiple %add3A_1073, 16 : i32
    %get3A_1075 = arith.index_cast %multiple_of3A_1074 : i32 to index
    %get3A_1076 = tpu.vector_load %arg11[%get3A_1075] {strides = array<i32>} : memref<1024xf32, #tpu.memory_space<vmem>>, vector<16xf32>,
    %get3A_1077 = arith.index_cast %multiple_of3A_1074 : i32 to index
    %get3A_1078 = tpu.vector_load %arg12[%get3A_1077] {strides = array<i32>} : memref<1024xf32, #tpu.memory_space<vmem>>, vector<16xf32>,
    %add3A_1079 = arith.addf %get3A_1076, %get3A_1078 : vector<16xf32>
    %abs3A_1080 = math.absf %add3A_1079 : vector<16xf32>
    %neg3A_1081 = arith.constant 0.000000e+00 : f32
    %neg3A_1082 = vector.broadcast %neg3A_1081 : f32 to vector<16xf32>
    %neg3A_1083 = arith.subf %neg3A_1082, %abs3A_1080 : vector<16xf32>
    %exp3A_1084 = math.exp %neg3A_1083 : vector<16xf32>
    %add3A_1085 = arith.constant 2.000000e+00 : f32
    %add3A_1086 = vector.broadcast %add3A_1085 : f32 to vector<16xf32>
    %add3A_1087 = arith.addf %add3A_1086, %exp3A_1084 : vector<16xf32>
    %div3A_1088 = arith.divf %exp3A_1084, %add3A_1087 : vector<16xf32>
    %mul3A_1089 = arith.mulf %div3A_1088, %div3A_1088 : vector<16xf32>
    %mul3A_1090 = arith.constant 0.111111112 : f32
    %mul3A_1091 = vector.broadcast %mul3A_1090 : f32 to vector<16xf32>
    %mul3A_1092 = arith.mulf %mul3A_1089, %mul3A_1091 : vector<16xf32>
    %add3A_1093 = arith.constant 0.142857149 : f32
    %add3A_1094 = vector.broadcast %add3A_1093 : f32 to vector<16xf32>
    %add3A_1095 = arith.addf %add3A_1094, %mul3A_1092 : vector<16xf32>
    %mul3A_1096 = arith.mulf %mul3A_1089, %add3A_1095 : vector<16xf32>
    %add3A_1097 = arith.constant 2.000000e-01 : f32
    %add3A_1098 = vector.broadcast %add3A_1097 : f32 to vector<16xf32>
    %add3A_1099 = arith.addf %add3A_1098, %mul3A_1096 : vector<16xf32>
    %mul3A_1100 = arith.mulf %mul3A_1089, %add3A_1099 : vector<16xf32>
    %add3A_1101 = arith.constant 0.333333343 : f32
    %add3A_1102 = vector.broadcast %add3A_1101 : f32 to vector<16xf32>
    %add3A_1103 = arith.addf %add3A_1102, %mul3A_1100 : vector<16xf32>
    %mul3A_1104 = arith.mulf %mul3A_1089, %add3A_1103 : vector<16xf32>
    %add3A_1105 = arith.constant 1.000000e+00 : f32
    %add3A_1106 = vector.broadcast %add3A_1105 : f32 to vector<16xf32>
    %add3A_1107 = arith.addf %add3A_1106, %mul3A_1104 : vector<16xf32>
    %min3A_1108 = arith.constant 0.000000e+00 : f32
    %min3A_1109 = vector.broadcast %min3A_1108 : f32 to vector<16xf32>
    %min3A_1110 = arith.minimumf %add3A_1079, %min3A_1109 : vector<16xf32>
    %mul3A_1111 = arith.constant 2.000000e+00 : f32
    %mul3A_1112 = vector.broadcast %mul3A_1111 : f32 to vector<16xf32>
    %mul3A_1113 = arith.mulf %mul3A_1112, %div3A_1088 : vector<16xf32>
    %mul3A_1114 = arith.mulf %mul3A_1113, %add3A_1107 : vector<16xf32>
    %sub3A_1115 = arith.subf %min3A_1110, %mul3A_1114 : vector<16xf32>
    %swap3A_1116 = arith.constant 32 : index
    %swap3A_1117 = tpu.vector_load %arg13[%swap3A_1116] {strides = array<i32>} : memref<512xf32, #tpu.memory_space<vmem>>, vector<16xf32>,
    tpu.vector_store %arg13[%swap3A_1116], %sub3A_1115 {strides = array<i32>} : memref<512xf32, #tpu.memory_space<vmem>>, vector<16xf32>,
    %add3A_1118 = arith.constant 48 : i32
    %add3A_1119 = arith.addi %multiple_of3A_986, %add3A_1118 : i32
    %multiple_of3A_1120 = tpu.assume_multiple %add3A_1119, 16 : i32
    %get3A_1121 = arith.index_cast %multiple_of3A_1120 : i32 to index
    %get3A_1122 = tpu.vector_load %arg11[%get3A_1121] {strides = array<i32>} : memref<1024xf32, #tpu.memory_space<vmem>>, vector<16xf32>,
    %get3A_1123 = arith.index_cast %multiple_of3A_1120 : i32 to index
    %get3A_1124 = tpu.vector_load %arg12[%get3A_1123] {strides = array<i32>} : memref<1024xf32, #tpu.memory_space<vmem>>, vector<16xf32>,
    %add3A_1125 = arith.addf %get3A_1122, %get3A_1124 : vector<16xf32>
    %abs3A_1126 = math.absf %add3A_1125 : vector<16xf32>
    %neg3A_1127 = arith.constant 0.000000e+00 : f32
    %neg3A_1128 = vector.broadcast %neg3A_1127 : f32 to vector<16xf32>
    %neg3A_1129 = arith.subf %neg3A_1128, %abs3A_1126 : vector<16xf32>
    %exp3A_1130 = math.exp %neg3A_1129 : vector<16xf32>
    %add3A_1131 = arith.constant 2.000000e+00 : f32
    %add3A_1132 = vector.broadcast %add3A_1131 : f32 to vector<16xf32>
    %add3A_1133 = arith.addf %add3A_1132, %exp3A_1130 : vector<16xf32>
    %div3A_1134 = arith.divf %exp3A_1130, %add3A_1133 : vector<16xf32>
    %mul3A_1135 = arith.mulf %div3A_1134, %div3A_1134 : vector<16xf32>
    %mul3A_1136 = arith.constant 0.111111112 : f32
    %mul3A_1137 = vector.broadcast %mul3A_1136 : f32 to vector<16xf32>
    %mul3A_1138 = arith.mulf %mul3A_1135, %mul3A_1137 : vector<16xf32>
    %add3A_1139 = arith.constant 0.142857149 : f32
    %add3A_1140 = vector.broadcast %add3A_1139 : f32 to vector<16xf32>
    %add3A_1141 = arith.addf %add3A_1140, %mul3A_1138 : vector<16xf32>
    %mul3A_1142 = arith.mulf %mul3A_1135, %add3A_1141 : vector<16xf32>
    %add3A_1143 = arith.constant 2.000000e-01 : f32
    %add3A_1144 = vector.broadcast %add3A_1143 : f32 to vector<16xf32>
    %add3A_1145 = arith.addf %add3A_1144, %mul3A_1142 : vector<16xf32>
    %mul3A_1146 = arith.mulf %mul3A_1135, %add3A_1145 : vector<16xf32>
    %add3A_1147 = arith.constant 0.333333343 : f32
    %add3A_1148 = vector.broadcast %add3A_1147 : f32 to vector<16xf32>
    %add3A_1149 = arith.addf %add3A_1148, %mul3A_1146 : vector<16xf32>
    %mul3A_1150 = arith.mulf %mul3A_1135, %add3A_1149 : vector<16xf32>
    %add3A_1151 = arith.constant 1.000000e+00 : f32
    %add3A_1152 = vector.broadcast %add3A_1151 : f32 to vector<16xf32>
    %add3A_1153 = arith.addf %add3A_1152, %mul3A_1150 : vector<16xf32>
    %min3A_1154 = arith.constant 0.000000e+00 : f32
    %min3A_1155 = vector.broadcast %min3A_1154 : f32 to vector<16xf32>
    %min3A_1156 = arith.minimumf %add3A_1125, %min3A_1155 : vector<16xf32>
    %mul3A_1157 = arith.constant 2.000000e+00 : f32
    %mul3A_1158 = vector.broadcast %mul3A_1157 : f32 to vector<16xf32>
    %mul3A_1159 = arith.mulf %mul3A_1158, %div3A_1134 : vector<16xf32>
    %mul3A_1160 = arith.mulf %mul3A_1159, %add3A_1153 : vector<16xf32>
    %sub3A_1161 = arith.subf %min3A_1156, %mul3A_1160 : vector<16xf32>
    %swap3A_1162 = arith.constant 48 : index
    %swap3A_1163 = tpu.vector_load %arg13[%swap3A_1162] {strides = array<i32>} : memref<512xf32, #tpu.memory_space<vmem>>, vector<16xf32>,
    tpu.vector_store %arg13[%swap3A_1162], %sub3A_1161 {strides = array<i32>} : memref<512xf32, #tpu.memory_space<vmem>>, vector<16xf32>,
    %add3A_1164 = arith.constant 64 : i32
    %add3A_1165 = arith.addi %multiple_of3A_986, %add3A_1164 : i32
    %multiple_of3A_1166 = tpu.assume_multiple %add3A_1165, 16 : i32
    %get3A_1167 = arith.index_cast %multiple_of3A_1166 : i32 to index
    %get3A_1168 = tpu.vector_load %arg11[%get3A_1167] {strides = array<i32>} : memref<1024xf32, #tpu.memory_space<vmem>>, vector<16xf32>,
    %get3A_1169 = arith.index_cast %multiple_of3A_1166 : i32 to index
    %get3A_1170 = tpu.vector_load %arg12[%get3A_1169] {strides = array<i32>} : memref<1024xf32, #tpu.memory_space<vmem>>, vector<16xf32>,
    %add3A_1171 = arith.addf %get3A_1168, %get3A_1170 : vector<16xf32>
    %abs3A_1172 = math.absf %add3A_1171 : vector<16xf32>
    %neg3A_1173 = arith.constant 0.000000e+00 : f32
    %neg3A_1174 = vector.broadcast %neg3A_1173 : f32 to vector<16xf32>
    %neg3A_1175 = arith.subf %neg3A_1174, %abs3A_1172 : vector<16xf32>
    %exp3A_1176 = math.exp %neg3A_1175 : vector<16xf32>
    %add3A_1177 = arith.constant 2.000000e+00 : f32
    %add3A_1178 = vector.broadcast %add3A_1177 : f32 to vector<16xf32>
    %add3A_1179 = arith.addf %add3A_1178, %exp3A_1176 : vector<16xf32>
    %div3A_1180 = arith.divf %exp3A_1176, %add3A_1179 : vector<16xf32>
    %mul3A_1181 = arith.mulf %div3A_1180, %div3A_1180 : vector<16xf32>
    %mul3A_1182 = arith.constant 0.111111112 : f32
    %mul3A_1183 = vector.broadcast %mul3A_1182 : f32 to vector<16xf32>
    %mul3A_1184 = arith.mulf %mul3A_1181, %mul3A_1183 : vector<16xf32>
    %add3A_1185 = arith.constant 0.142857149 : f32
    %add3A_1186 = vector.broadcast %add3A_1185 : f32 to vector<16xf32>
    %add3A_1187 = arith.addf %add3A_1186, %mul3A_1184 : vector<16xf32>
    %mul3A_1188 = arith.mulf %mul3A_1181, %add3A_1187 : vector<16xf32>
    %add3A_1189 = arith.constant 2.000000e-01 : f32
    %add3A_1190 = vector.broadcast %add3A_1189 : f32 to vector<16xf32>
    %add3A_1191 = arith.addf %add3A_1190, %mul3A_1188 : vector<16xf32>
    %mul3A_1192 = arith.mulf %mul3A_1181, %add3A_1191 : vector<16xf32>
    %add3A_1193 = arith.constant 0.333333343 : f32
    %add3A_1194 = vector.broadcast %add3A_1193 : f32 to vector<16xf32>
    %add3A_1195 = arith.addf %add3A_1194, %mul3A_1192 : vector<16xf32>
    %mul3A_1196 = arith.mulf %mul3A_1181, %add3A_1195 : vector<16xf32>
    %add3A_1197 = arith.constant 1.000000e+00 : f32
    %add3A_1198 = vector.broadcast %add3A_1197 : f32 to vector<16xf32>
    %add3A_1199 = arith.addf %add3A_1198, %mul3A_1196 : vector<16xf32>
    %min3A_1200 = arith.constant 0.000000e+00 : f32
    %min3A_1201 = vector.broadcast %min3A_1200 : f32 to vector<16xf32>
    %min3A_1202 = arith.minimumf %add3A_1171, %min3A_1201 : vector<16xf32>
    %mul3A_1203 = arith.constant 2.000000e+00 : f32
    %mul3A_1204 = vector.broadcast %mul3A_1203 : f32 to vector<16xf32>
    %mul3A_1205 = arith.mulf %mul3A_1204, %div3A_1180 : vector<16xf32>
    %mul3A_1206 = arith.mulf %mul3A_1205, %add3A_1199 : vector<16xf32>
    %sub3A_1207 = arith.subf %min3A_1202, %mul3A_1206 : vector<16xf32>
    %swap3A_1208 = arith.constant 64 : index
    %swap3A_1209 = tpu.vector_load %arg13[%swap3A_1208] {strides = array<i32>} : memref<512xf32, #tpu.memory_space<vmem>>, vector<16xf32>,
    tpu.vector_store %arg13[%swap3A_1208], %sub3A_1207 {strides = array<i32>} : memref<512xf32, #tpu.memory_space<vmem>>, vector<16xf32>,
    %add3A_1210 = arith.constant 80 : i32
    %add3A_1211 = arith.addi %multiple_of3A_986, %add3A_1210 : i32
    %multiple_of3A_1212 = tpu.assume_multiple %add3A_1211, 16 : i32
    %get3A_1213 = arith.index_cast %multiple_of3A_1212 : i32 to index
    %get3A_1214 = tpu.vector_load %arg11[%get3A_1213] {strides = array<i32>} : memref<1024xf32, #tpu.memory_space<vmem>>, vector<16xf32>,
    %get3A_1215 = arith.index_cast %multiple_of3A_1212 : i32 to index
    %get3A_1216 = tpu.vector_load %arg12[%get3A_1215] {strides = array<i32>} : memref<1024xf32, #tpu.memory_space<vmem>>, vector<16xf32>,
    %add3A_1217 = arith.addf %get3A_1214, %get3A_1216 : vector<16xf32>
    %abs3A_1218 = math.absf %add3A_1217 : vector<16xf32>
    %neg3A_1219 = arith.constant 0.000000e+00 : f32
    %neg3A_1220 = vector.broadcast %neg3A_1219 : f32 to vector<16xf32>
    %neg3A_1221 = arith.subf %neg3A_1220, %abs3A_1218 : vector<16xf32>
    %exp3A_1222 = math.exp %neg3A_1221 : vector<16xf32>
    %add3A_1223 = arith.constant 2.000000e+00 : f32
    %add3A_1224 = vector.broadcast %add3A_1223 : f32 to vector<16xf32>
    %add3A_1225 = arith.addf %add3A_1224, %exp3A_1222 : vector<16xf32>
    %div3A_1226 = arith.divf %exp3A_1222, %add3A_1225 : vector<16xf32>
    %mul3A_1227 = arith.mulf %div3A_1226, %div3A_1226 : vector<16xf32>
    %mul3A_1228 = arith.constant 0.111111112 : f32
    %mul3A_1229 = vector.broadcast %mul3A_1228 : f32 to vector<16xf32>
    %mul3A_1230 = arith.mulf %mul3A_1227, %mul3A_1229 : vector<16xf32>
    %add3A_1231 = arith.constant 0.142857149 : f32
    %add3A_1232 = vector.broadcast %add3A_1231 : f32 to vector<16xf32>
    %add3A_1233 = arith.addf %add3A_1232, %mul3A_1230 : vector<16xf32>
    %mul3A_1234 = arith.mulf %mul3A_1227, %add3A_1233 : vector<16xf32>
    %add3A_1235 = arith.constant 2.000000e-01 : f32
    %add3A_1236 = vector.broadcast %add3A_1235 : f32 to vector<16xf32>
    %add3A_1237 = arith.addf %add3A_1236, %mul3A_1234 : vector<16xf32>
    %mul3A_1238 = arith.mulf %mul3A_1227, %add3A_1237 : vector<16xf32>
    %add3A_1239 = arith.constant 0.333333343 : f32
    %add3A_1240 = vector.broadcast %add3A_1239 : f32 to vector<16xf32>
    %add3A_1241 = arith.addf %add3A_1240, %mul3A_1238 : vector<16xf32>
    %mul3A_1242 = arith.mulf %mul3A_1227, %add3A_1241 : vector<16xf32>
    %add3A_1243 = arith.constant 1.000000e+00 : f32
    %add3A_1244 = vector.broadcast %add3A_1243 : f32 to vector<16xf32>
    %add3A_1245 = arith.addf %add3A_1244, %mul3A_1242 : vector<16xf32>
    %min3A_1246 = arith.constant 0.000000e+00 : f32
    %min3A_1247 = vector.broadcast %min3A_1246 : f32 to vector<16xf32>
    %min3A_1248 = arith.minimumf %add3A_1217, %min3A_1247 : vector<16xf32>
    %mul3A_1249 = arith.constant 2.000000e+00 : f32
    %mul3A_1250 = vector.broadcast %mul3A_1249 : f32 to vector<16xf32>
    %mul3A_1251 = arith.mulf %mul3A_1250, %div3A_1226 : vector<16xf32>
    %mul3A_1252 = arith.mulf %mul3A_1251, %add3A_1245 : vector<16xf32>
    %sub3A_1253 = arith.subf %min3A_1248, %mul3A_1252 : vector<16xf32>
    %swap3A_1254 = arith.constant 80 : index
    %swap3A_1255 = tpu.vector_load %arg13[%swap3A_1254] {strides = array<i32>} : memref<512xf32, #tpu.memory_space<vmem>>, vector<16xf32>,
    tpu.vector_store %arg13[%swap3A_1254], %sub3A_1253 {strides = array<i32>} : memref<512xf32, #tpu.memory_space<vmem>>, vector<16xf32>,
    %add3A_1256 = arith.constant 96 : i32
    %add3A_1257 = arith.addi %multiple_of3A_986, %add3A_1256 : i32
    %multiple_of3A_1258 = tpu.assume_multiple %add3A_1257, 16 : i32
    %get3A_1259 = arith.index_cast %multiple_of3A_1258 : i32 to index
    %get3A_1260 = tpu.vector_load %arg11[%get3A_1259] {strides = array<i32>} : memref<1024xf32, #tpu.memory_space<vmem>>, vector<16xf32>,
    %get3A_1261 = arith.index_cast %multiple_of3A_1258 : i32 to index
    %get3A_1262 = tpu.vector_load %arg12[%get3A_1261] {strides = array<i32>} : memref<1024xf32, #tpu.memory_space<vmem>>, vector<16xf32>,
    %add3A_1263 = arith.addf %get3A_1260, %get3A_1262 : vector<16xf32>
    %abs3A_1264 = math.absf %add3A_1263 : vector<16xf32>
    %neg3A_1265 = arith.constant 0.000000e+00 : f32
    %neg3A_1266 = vector.broadcast %neg3A_1265 : f32 to vector<16xf32>
    %neg3A_1267 = arith.subf %neg3A_1266, %abs3A_1264 : vector<16xf32>
    %exp3A_1268 = math.exp %neg3A_1267 : vector<16xf32>
    %add3A_1269 = arith.constant 2.000000e+00 : f32
    %add3A_1270 = vector.broadcast %add3A_1269 : f32 to vector<16xf32>
    %add3A_1271 = arith.addf %add3A_1270, %exp3A_1268 : vector<16xf32>
    %div3A_1272 = arith.divf %exp3A_1268, %add3A_1271 : vector<16xf32>
    %mul3A_1273 = arith.mulf %div3A_1272, %div3A_1272 : vector<16xf32>
    %mul3A_1274 = arith.constant 0.111111112 : f32
    %mul3A_1275 = vector.broadcast %mul3A_1274 : f32 to vector<16xf32>
    %mul3A_1276 = arith.mulf %mul3A_1273, %mul3A_1275 : vector<16xf32>
    %add3A_1277 = arith.constant 0.142857149 : f32
    %add3A_1278 = vector.broadcast %add3A_1277 : f32 to vector<16xf32>
    %add3A_1279 = arith.addf %add3A_1278, %mul3A_1276 : vector<16xf32>
    %mul3A_1280 = arith.mulf %mul3A_1273, %add3A_1279 : vector<16xf32>
    %add3A_1281 = arith.constant 2.000000e-01 : f32
    %add3A_1282 = vector.broadcast %add3A_1281 : f32 to vector<16xf32>
    %add3A_1283 = arith.addf %add3A_1282, %mul3A_1280 : vector<16xf32>
    %mul3A_1284 = arith.mulf %mul3A_1273, %add3A_1283 : vector<16xf32>
    %add3A_1285 = arith.constant 0.333333343 : f32
    %add3A_1286 = vector.broadcast %add3A_1285 : f32 to vector<16xf32>
    %add3A_1287 = arith.addf %add3A_1286, %mul3A_1284 : vector<16xf32>
    %mul3A_1288 = arith.mulf %mul3A_1273, %add3A_1287 : vector<16xf32>
    %add3A_1289 = arith.constant 1.000000e+00 : f32
    %add3A_1290 = vector.broadcast %add3A_1289 : f32 to vector<16xf32>
    %add3A_1291 = arith.addf %add3A_1290, %mul3A_1288 : vector<16xf32>
    %min3A_1292 = arith.constant 0.000000e+00 : f32
    %min3A_1293 = vector.broadcast %min3A_1292 : f32 to vector<16xf32>
    %min3A_1294 = arith.minimumf %add3A_1263, %min3A_1293 : vector<16xf32>
    %mul3A_1295 = arith.constant 2.000000e+00 : f32
    %mul3A_1296 = vector.broadcast %mul3A_1295 : f32 to vector<16xf32>
    %mul3A_1297 = arith.mulf %mul3A_1296, %div3A_1272 : vector<16xf32>
    %mul3A_1298 = arith.mulf %mul3A_1297, %add3A_1291 : vector<16xf32>
    %sub3A_1299 = arith.subf %min3A_1294, %mul3A_1298 : vector<16xf32>
    %swap3A_1300 = arith.constant 96 : index
    %swap3A_1301 = tpu.vector_load %arg13[%swap3A_1300] {strides = array<i32>} : memref<512xf32, #tpu.memory_space<vmem>>, vector<16xf32>,
    tpu.vector_store %arg13[%swap3A_1300], %sub3A_1299 {strides = array<i32>} : memref<512xf32, #tpu.memory_space<vmem>>, vector<16xf32>,
    %add3A_1302 = arith.constant 112 : i32
    %add3A_1303 = arith.addi %multiple_of3A_986, %add3A_1302 : i32
    %multiple_of3A_1304 = tpu.assume_multiple %add3A_1303, 16 : i32
    %get3A_1305 = arith.index_cast %multiple_of3A_1304 : i32 to index
    %get3A_1306 = tpu.vector_load %arg11[%get3A_1305] {strides = array<i32>} : memref<1024xf32, #tpu.memory_space<vmem>>, vector<16xf32>,
    %get3A_1307 = arith.index_cast %multiple_of3A_1304 : i32 to index
    %get3A_1308 = tpu.vector_load %arg12[%get3A_1307] {strides = array<i32>} : memref<1024xf32, #tpu.memory_space<vmem>>, vector<16xf32>,
    %add3A_1309 = arith.addf %get3A_1306, %get3A_1308 : vector<16xf32>
    %abs3A_1310 = math.absf %add3A_1309 : vector<16xf32>
    %neg3A_1311 = arith.constant 0.000000e+00 : f32
    %neg3A_1312 = vector.broadcast %neg3A_1311 : f32 to vector<16xf32>
    %neg3A_1313 = arith.subf %neg3A_1312, %abs3A_1310 : vector<16xf32>
    %exp3A_1314 = math.exp %neg3A_1313 : vector<16xf32>
    %add3A_1315 = arith.constant 2.000000e+00 : f32
    %add3A_1316 = vector.broadcast %add3A_1315 : f32 to vector<16xf32>
    %add3A_1317 = arith.addf %add3A_1316, %exp3A_1314 : vector<16xf32>
    %div3A_1318 = arith.divf %exp3A_1314, %add3A_1317 : vector<16xf32>
    %mul3A_1319 = arith.mulf %div3A_1318, %div3A_1318 : vector<16xf32>
    %mul3A_1320 = arith.constant 0.111111112 : f32
    %mul3A_1321 = vector.broadcast %mul3A_1320 : f32 to vector<16xf32>
    %mul3A_1322 = arith.mulf %mul3A_1319, %mul3A_1321 : vector<16xf32>
    %add3A_1323 = arith.constant 0.142857149 : f32
    %add3A_1324 = vector.broadcast %add3A_1323 : f32 to vector<16xf32>
    %add3A_1325 = arith.addf %add3A_1324, %mul3A_1322 : vector<16xf32>
    %mul3A_1326 = arith.mulf %mul3A_1319, %add3A_1325 : vector<16xf32>
    %add3A_1327 = arith.constant 2.000000e-01 : f32
    %add3A_1328 = vector.broadcast %add3A_1327 : f32 to vector<16xf32>
    %add3A_1329 = arith.addf %add3A_1328, %mul3A_1326 : vector<16xf32>
    %mul3A_1330 = arith.mulf %mul3A_1319, %add3A_1329 : vector<16xf32>
    %add3A_1331 = arith.constant 0.333333343 : f32
    %add3A_1332 = vector.broadcast %add3A_1331 : f32 to vector<16xf32>
    %add3A_1333 = arith.addf %add3A_1332, %mul3A_1330 : vector<16xf32>
    %mul3A_1334 = arith.mulf %mul3A_1319, %add3A_1333 : vector<16xf32>
    %add3A_1335 = arith.constant 1.000000e+00 : f32
    %add3A_1336 = vector.broadcast %add3A_1335 : f32 to vector<16xf32>
    %add3A_1337 = arith.addf %add3A_1336, %mul3A_1334 : vector<16xf32>
    %min3A_1338 = arith.constant 0.000000e+00 : f32
    %min3A_1339 = vector.broadcast %min3A_1338 : f32 to vector<16xf32>
    %min3A_1340 = arith.minimumf %add3A_1309, %min3A_1339 : vector<16xf32>
    %mul3A_1341 = arith.constant 2.000000e+00 : f32
    %mul3A_1342 = vector.broadcast %mul3A_1341 : f32 to vector<16xf32>
    %mul3A_1343 = arith.mulf %mul3A_1342, %div3A_1318 : vector<16xf32>
    %mul3A_1344 = arith.mulf %mul3A_1343, %add3A_1337 : vector<16xf32>
    %sub3A_1345 = arith.subf %min3A_1340, %mul3A_1344 : vector<16xf32>
    %swap3A_1346 = arith.constant 112 : index
    %swap3A_1347 = tpu.vector_load %arg13[%swap3A_1346] {strides = array<i32>} : memref<512xf32, #tpu.memory_space<vmem>>, vector<16xf32>,
    tpu.vector_store %arg13[%swap3A_1346], %sub3A_1345 {strides = array<i32>} : memref<512xf32, #tpu.memory_space<vmem>>, vector<16xf32>,
    %add3A_1348 = arith.constant 128 : i32
    %add3A_1349 = arith.addi %multiple_of3A_986, %add3A_1348 : i32
    %multiple_of3A_1350 = tpu.assume_multiple %add3A_1349, 16 : i32
    %get3A_1351 = arith.index_cast %multiple_of3A_1350 : i32 to index
    %get3A_1352 = tpu.vector_load %arg11[%get3A_1351] {strides = array<i32>} : memref<1024xf32, #tpu.memory_space<vmem>>, vector<16xf32>,
    %get3A_1353 = arith.index_cast %multiple_of3A_1350 : i32 to index
    %get3A_1354 = tpu.vector_load %arg12[%get3A_1353] {strides = array<i32>} : memref<1024xf32, #tpu.memory_space<vmem>>, vector<16xf32>,
    %add3A_1355 = arith.addf %get3A_1352, %get3A_1354 : vector<16xf32>
    %abs3A_1356 = math.absf %add3A_1355 : vector<16xf32>
    %neg3A_1357 = arith.constant 0.000000e+00 : f32
    %neg3A_1358 = vector.broadcast %neg3A_1357 : f32 to vector<16xf32>
    %neg3A_1359 = arith.subf %neg3A_1358, %abs3A_1356 : vector<16xf32>
    %exp3A_1360 = math.exp %neg3A_1359 : vector<16xf32>
    %add3A_1361 = arith.constant 2.000000e+00 : f32
    %add3A_1362 = vector.broadcast %add3A_1361 : f32 to vector<16xf32>
    %add3A_1363 = arith.addf %add3A_1362, %exp3A_1360 : vector<16xf32>
    %div3A_1364 = arith.divf %exp3A_1360, %add3A_1363 : vector<16xf32>
    %mul3A_1365 = arith.mulf %div3A_1364, %div3A_1364 : vector<16xf32>
    %mul3A_1366 = arith.constant 0.111111112 : f32
    %mul3A_1367 = vector.broadcast %mul3A_1366 : f32 to vector<16xf32>
    %mul3A_1368 = arith.mulf %mul3A_1365, %mul3A_1367 : vector<16xf32>
    %add3A_1369 = arith.constant 0.142857149 : f32
    %add3A_1370 = vector.broadcast %add3A_1369 : f32 to vector<16xf32>
    %add3A_1371 = arith.addf %add3A_1370, %mul3A_1368 : vector<16xf32>
    %mul3A_1372 = arith.mulf %mul3A_1365, %add3A_1371 : vector<16xf32>
    %add3A_1373 = arith.constant 2.000000e-01 : f32
    %add3A_1374 = vector.broadcast %add3A_1373 : f32 to vector<16xf32>
    %add3A_1375 = arith.addf %add3A_1374, %mul3A_1372 : vector<16xf32>
    %mul3A_1376 = arith.mulf %mul3A_1365, %add3A_1375 : vector<16xf32>
    %add3A_1377 = arith.constant 0.333333343 : f32
    %add3A_1378 = vector.broadcast %add3A_1377 : f32 to vector<16xf32>
    %add3A_1379 = arith.addf %add3A_1378, %mul3A_1376 : vector<16xf32>
    %mul3A_1380 = arith.mulf %mul3A_1365, %add3A_1379 : vector<16xf32>
    %add3A_1381 = arith.constant 1.000000e+00 : f32
    %add3A_1382 = vector.broadcast %add3A_1381 : f32 to vector<16xf32>
    %add3A_1383 = arith.addf %add3A_1382, %mul3A_1380 : vector<16xf32>
    %min3A_1384 = arith.constant 0.000000e+00 : f32
    %min3A_1385 = vector.broadcast %min3A_1384 : f32 to vector<16xf32>
    %min3A_1386 = arith.minimumf %add3A_1355, %min3A_1385 : vector<16xf32>
    %mul3A_1387 = arith.constant 2.000000e+00 : f32
    %mul3A_1388 = vector.broadcast %mul3A_1387 : f32 to vector<16xf32>
    %mul3A_1389 = arith.mulf %mul3A_1388, %div3A_1364 : vector<16xf32>
    %mul3A_1390 = arith.mulf %mul3A_1389, %add3A_1383 : vector<16xf32>
    %sub3A_1391 = arith.subf %min3A_1386, %mul3A_1390 : vector<16xf32>
    %swap3A_1392 = arith.constant 128 : index
    %swap3A_1393 = tpu.vector_load %arg13[%swap3A_1392] {strides = array<i32>} : memref<512xf32, #tpu.memory_space<vmem>>, vector<16xf32>,
    tpu.vector_store %arg13[%swap3A_1392], %sub3A_1391 {strides = array<i32>} : memref<512xf32, #tpu.memory_space<vmem>>, vector<16xf32>,
    %add3A_1394 = arith.constant 144 : i32
    %add3A_1395 = arith.addi %multiple_of3A_986, %add3A_1394 : i32
    %multiple_of3A_1396 = tpu.assume_multiple %add3A_1395, 16 : i32
    %get3A_1397 = arith.index_cast %multiple_of3A_1396 : i32 to index
    %get3A_1398 = tpu.vector_load %arg11[%get3A_1397] {strides = array<i32>} : memref<1024xf32, #tpu.memory_space<vmem>>, vector<16xf32>,
    %get3A_1399 = arith.index_cast %multiple_of3A_1396 : i32 to index
    %get3A_1400 = tpu.vector_load %arg12[%get3A_1399] {strides = array<i32>} : memref<1024xf32, #tpu.memory_space<vmem>>, vector<16xf32>,
    %add3A_1401 = arith.addf %get3A_1398, %get3A_1400 : vector<16xf32>
    %abs3A_1402 = math.absf %add3A_1401 : vector<16xf32>
    %neg3A_1403 = arith.constant 0.000000e+00 : f32
    %neg3A_1404 = vector.broadcast %neg3A_1403 : f32 to vector<16xf32>
    %neg3A_1405 = arith.subf %neg3A_1404, %abs3A_1402 : vector<16xf32>
    %exp3A_1406 = math.exp %neg3A_1405 : vector<16xf32>
    %add3A_1407 = arith.constant 2.000000e+00 : f32
    %add3A_1408 = vector.broadcast %add3A_1407 : f32 to vector<16xf32>
    %add3A_1409 = arith.addf %add3A_1408, %exp3A_1406 : vector<16xf32>
    %div3A_1410 = arith.divf %exp3A_1406, %add3A_1409 : vector<16xf32>
    %mul3A_1411 = arith.mulf %div3A_1410, %div3A_1410 : vector<16xf32>
    %mul3A_1412 = arith.constant 0.111111112 : f32
    %mul3A_1413 = vector.broadcast %mul3A_1412 : f32 to vector<16xf32>
    %mul3A_1414 = arith.mulf %mul3A_1411, %mul3A_1413 : vector<16xf32>
    %add3A_1415 = arith.constant 0.142857149 : f32
    %add3A_1416 = vector.broadcast %add3A_1415 : f32 to vector<16xf32>
    %add3A_1417 = arith.addf %add3A_1416, %mul3A_1414 : vector<16xf32>
    %mul3A_1418 = arith.mulf %mul3A_1411, %add3A_1417 : vector<16xf32>
    %add3A_1419 = arith.constant 2.000000e-01 : f32
    %add3A_1420 = vector.broadcast %add3A_1419 : f32 to vector<16xf32>
    %add3A_1421 = arith.addf %add3A_1420, %mul3A_1418 : vector<16xf32>
    %mul3A_1422 = arith.mulf %mul3A_1411, %add3A_1421 : vector<16xf32>
    %add3A_1423 = arith.constant 0.333333343 : f32
    %add3A_1424 = vector.broadcast %add3A_1423 : f32 to vector<16xf32>
    %add3A_1425 = arith.addf %add3A_1424, %mul3A_1422 : vector<16xf32>
    %mul3A_1426 = arith.mulf %mul3A_1411, %add3A_1425 : vector<16xf32>
    %add3A_1427 = arith.constant 1.000000e+00 : f32
    %add3A_1428 = vector.broadcast %add3A_1427 : f32 to vector<16xf32>
    %add3A_1429 = arith.addf %add3A_1428, %mul3A_1426 : vector<16xf32>
    %min3A_1430 = arith.constant 0.000000e+00 : f32
    %min3A_1431 = vector.broadcast %min3A_1430 : f32 to vector<16xf32>
    %min3A_1432 = arith.minimumf %add3A_1401, %min3A_1431 : vector<16xf32>
    %mul3A_1433 = arith.constant 2.000000e+00 : f32
    %mul3A_1434 = vector.broadcast %mul3A_1433 : f32 to vector<16xf32>
    %mul3A_1435 = arith.mulf %mul3A_1434, %div3A_1410 : vector<16xf32>
    %mul3A_1436 = arith.mulf %mul3A_1435, %add3A_1429 : vector<16xf32>
    %sub3A_1437 = arith.subf %min3A_1432, %mul3A_1436 : vector<16xf32>
    %swap3A_1438 = arith.constant 144 : index
    %swap3A_1439 = tpu.vector_load %arg13[%swap3A_1438] {strides = array<i32>} : memref<512xf32, #tpu.memory_space<vmem>>, vector<16xf32>,
    tpu.vector_store %arg13[%swap3A_1438], %sub3A_1437 {strides = array<i32>} : memref<512xf32, #tpu.memory_space<vmem>>, vector<16xf32>,
    %add3A_1440 = arith.constant 160 : i32
    %add3A_1441 = arith.addi %multiple_of3A_986, %add3A_1440 : i32
    %multiple_of3A_1442 = tpu.assume_multiple %add3A_1441, 16 : i32
    %get3A_1443 = arith.index_cast %multiple_of3A_1442 : i32 to index
    %get3A_1444 = tpu.vector_load %arg11[%get3A_1443] {strides = array<i32>} : memref<1024xf32, #tpu.memory_space<vmem>>, vector<16xf32>,
    %get3A_1445 = arith.index_cast %multiple_of3A_1442 : i32 to index
    %get3A_1446 = tpu.vector_load %arg12[%get3A_1445] {strides = array<i32>} : memref<1024xf32, #tpu.memory_space<vmem>>, vector<16xf32>,
    %add3A_1447 = arith.addf %get3A_1444, %get3A_1446 : vector<16xf32>
    %abs3A_1448 = math.absf %add3A_1447 : vector<16xf32>
    %neg3A_1449 = arith.constant 0.000000e+00 : f32
    %neg3A_1450 = vector.broadcast %neg3A_1449 : f32 to vector<16xf32>
    %neg3A_1451 = arith.subf %neg3A_1450, %abs3A_1448 : vector<16xf32>
    %exp3A_1452 = math.exp %neg3A_1451 : vector<16xf32>
    %add3A_1453 = arith.constant 2.000000e+00 : f32
    %add3A_1454 = vector.broadcast %add3A_1453 : f32 to vector<16xf32>
    %add3A_1455 = arith.addf %add3A_1454, %exp3A_1452 : vector<16xf32>
    %div3A_1456 = arith.divf %exp3A_1452, %add3A_1455 : vector<16xf32>
    %mul3A_1457 = arith.mulf %div3A_1456, %div3A_1456 : vector<16xf32>
    %mul3A_1458 = arith.constant 0.111111112 : f32
    %mul3A_1459 = vector.broadcast %mul3A_1458 : f32 to vector<16xf32>
    %mul3A_1460 = arith.mulf %mul3A_1457, %mul3A_1459 : vector<16xf32>
    %add3A_1461 = arith.constant 0.142857149 : f32
    %add3A_1462 = vector.broadcast %add3A_1461 : f32 to vector<16xf32>
    %add3A_1463 = arith.addf %add3A_1462, %mul3A_1460 : vector<16xf32>
    %mul3A_1464 = arith.mulf %mul3A_1457, %add3A_1463 : vector<16xf32>
    %add3A_1465 = arith.constant 2.000000e-01 : f32
    %add3A_1466 = vector.broadcast %add3A_1465 : f32 to vector<16xf32>
    %add3A_1467 = arith.addf %add3A_1466, %mul3A_1464 : vector<16xf32>
    %mul3A_1468 = arith.mulf %mul3A_1457, %add3A_1467 : vector<16xf32>
    %add3A_1469 = arith.constant 0.333333343 : f32
    %add3A_1470 = vector.broadcast %add3A_1469 : f32 to vector<16xf32>
    %add3A_1471 = arith.addf %add3A_1470, %mul3A_1468 : vector<16xf32>
    %mul3A_1472 = arith.mulf %mul3A_1457, %add3A_1471 : vector<16xf32>
    %add3A_1473 = arith.constant 1.000000e+00 : f32
    %add3A_1474 = vector.broadcast %add3A_1473 : f32 to vector<16xf32>
    %add3A_1475 = arith.addf %add3A_1474, %mul3A_1472 : vector<16xf32>
    %min3A_1476 = arith.constant 0.000000e+00 : f32
    %min3A_1477 = vector.broadcast %min3A_1476 : f32 to vector<16xf32>
    %min3A_1478 = arith.minimumf %add3A_1447, %min3A_1477 : vector<16xf32>
    %mul3A_1479 = arith.constant 2.000000e+00 : f32
    %mul3A_1480 = vector.broadcast %mul3A_1479 : f32 to vector<16xf32>
    %mul3A_1481 = arith.mulf %mul3A_1480, %div3A_1456 : vector<16xf32>
    %mul3A_1482 = arith.mulf %mul3A_1481, %add3A_1475 : vector<16xf32>
    %sub3A_1483 = arith.subf %min3A_1478, %mul3A_1482 : vector<16xf32>
    %swap3A_1484 = arith.constant 160 : index
    %swap3A_1485 = tpu.vector_load %arg13[%swap3A_1484] {strides = array<i32>} : memref<512xf32, #tpu.memory_space<vmem>>, vector<16xf32>,
    tpu.vector_store %arg13[%swap3A_1484], %sub3A_1483 {strides = array<i32>} : memref<512xf32, #tpu.memory_space<vmem>>, vector<16xf32>,
    %add3A_1486 = arith.constant 176 : i32
    %add3A_1487 = arith.addi %multiple_of3A_986, %add3A_1486 : i32
    %multiple_of3A_1488 = tpu.assume_multiple %add3A_1487, 16 : i32
    %get3A_1489 = arith.index_cast %multiple_of3A_1488 : i32 to index
    %get3A_1490 = tpu.vector_load %arg11[%get3A_1489] {strides = array<i32>} : memref<1024xf32, #tpu.memory_space<vmem>>, vector<16xf32>,
    %get3A_1491 = arith.index_cast %multiple_of3A_1488 : i32 to index
    %get3A_1492 = tpu.vector_load %arg12[%get3A_1491] {strides = array<i32>} : memref<1024xf32, #tpu.memory_space<vmem>>, vector<16xf32>,
    %add3A_1493 = arith.addf %get3A_1490, %get3A_1492 : vector<16xf32>
    %abs3A_1494 = math.absf %add3A_1493 : vector<16xf32>
    %neg3A_1495 = arith.constant 0.000000e+00 : f32
    %neg3A_1496 = vector.broadcast %neg3A_1495 : f32 to vector<16xf32>
    %neg3A_1497 = arith.subf %neg3A_1496, %abs3A_1494 : vector<16xf32>
    %exp3A_1498 = math.exp %neg3A_1497 : vector<16xf32>
    %add3A_1499 = arith.constant 2.000000e+00 : f32
    %add3A_1500 = vector.broadcast %add3A_1499 : f32 to vector<16xf32>
    %add3A_1501 = arith.addf %add3A_1500, %exp3A_1498 : vector<16xf32>
    %div3A_1502 = arith.divf %exp3A_1498, %add3A_1501 : vector<16xf32>
    %mul3A_1503 = arith.mulf %div3A_1502, %div3A_1502 : vector<16xf32>
    %mul3A_1504 = arith.constant 0.111111112 : f32
    %mul3A_1505 = vector.broadcast %mul3A_1504 : f32 to vector<16xf32>
    %mul3A_1506 = arith.mulf %mul3A_1503, %mul3A_1505 : vector<16xf32>
    %add3A_1507 = arith.constant 0.142857149 : f32
    %add3A_1508 = vector.broadcast %add3A_1507 : f32 to vector<16xf32>
    %add3A_1509 = arith.addf %add3A_1508, %mul3A_1506 : vector<16xf32>
    %mul3A_1510 = arith.mulf %mul3A_1503, %add3A_1509 : vector<16xf32>
    %add3A_1511 = arith.constant 2.000000e-01 : f32
    %add3A_1512 = vector.broadcast %add3A_1511 : f32 to vector<16xf32>
    %add3A_1513 = arith.addf %add3A_1512, %mul3A_1510 : vector<16xf32>
    %mul3A_1514 = arith.mulf %mul3A_1503, %add3A_1513 : vector<16xf32>
    %add3A_1515 = arith.constant 0.333333343 : f32
    %add3A_1516 = vector.broadcast %add3A_1515 : f32 to vector<16xf32>
    %add3A_1517 = arith.addf %add3A_1516, %mul3A_1514 : vector<16xf32>
    %mul3A_1518 = arith.mulf %mul3A_1503, %add3A_1517 : vector<16xf32>
    %add3A_1519 = arith.constant 1.000000e+00 : f32
    %add3A_1520 = vector.broadcast %add3A_1519 : f32 to vector<16xf32>
    %add3A_1521 = arith.addf %add3A_1520, %mul3A_1518 : vector<16xf32>
    %min3A_1522 = arith.constant 0.000000e+00 : f32
    %min3A_1523 = vector.broadcast %min3A_1522 : f32 to vector<16xf32>
    %min3A_1524 = arith.minimumf %add3A_1493, %min3A_1523 : vector<16xf32>
    %mul3A_1525 = arith.constant 2.000000e+00 : f32
    %mul3A_1526 = vector.broadcast %mul3A_1525 : f32 to vector<16xf32>
    %mul3A_1527 = arith.mulf %mul3A_1526, %div3A_1502 : vector<16xf32>
    %mul3A_1528 = arith.mulf %mul3A_1527, %add3A_1521 : vector<16xf32>
    %sub3A_1529 = arith.subf %min3A_1524, %mul3A_1528 : vector<16xf32>
    %swap3A_1530 = arith.constant 176 : index
    %swap3A_1531 = tpu.vector_load %arg13[%swap3A_1530] {strides = array<i32>} : memref<512xf32, #tpu.memory_space<vmem>>, vector<16xf32>,
    tpu.vector_store %arg13[%swap3A_1530], %sub3A_1529 {strides = array<i32>} : memref<512xf32, #tpu.memory_space<vmem>>, vector<16xf32>,
    %add3A_1532 = arith.constant 192 : i32
    %add3A_1533 = arith.addi %multiple_of3A_986, %add3A_1532 : i32
    %multiple_of3A_1534 = tpu.assume_multiple %add3A_1533, 16 : i32
    %get3A_1535 = arith.index_cast %multiple_of3A_1534 : i32 to index
    %get3A_1536 = tpu.vector_load %arg11[%get3A_1535] {strides = array<i32>} : memref<1024xf32, #tpu.memory_space<vmem>>, vector<16xf32>,
    %get3A_1537 = arith.index_cast %multiple_of3A_1534 : i32 to index
    %get3A_1538 = tpu.vector_load %arg12[%get3A_1537] {strides = array<i32>} : memref<1024xf32, #tpu.memory_space<vmem>>, vector<16xf32>,
    %add3A_1539 = arith.addf %get3A_1536, %get3A_1538 : vector<16xf32>
    %abs3A_1540 = math.absf %add3A_1539 : vector<16xf32>
    %neg3A_1541 = arith.constant 0.000000e+00 : f32
    %neg3A_1542 = vector.broadcast %neg3A_1541 : f32 to vector<16xf32>
    %neg3A_1543 = arith.subf %neg3A_1542, %abs3A_1540 : vector<16xf32>
    %exp3A_1544 = math.exp %neg3A_1543 : vector<16xf32>
    %add3A_1545 = arith.constant 2.000000e+00 : f32
    %add3A_1546 = vector.broadcast %add3A_1545 : f32 to vector<16xf32>
    %add3A_1547 = arith.addf %add3A_1546, %exp3A_1544 : vector<16xf32>
    %div3A_1548 = arith.divf %exp3A_1544, %add3A_1547 : vector<16xf32>
    %mul3A_1549 = arith.mulf %div3A_1548, %div3A_1548 : vector<16xf32>
    %mul3A_1550 = arith.constant 0.111111112 : f32
    %mul3A_1551 = vector.broadcast %mul3A_1550 : f32 to vector<16xf32>
    %mul3A_1552 = arith.mulf %mul3A_1549, %mul3A_1551 : vector<16xf32>
    %add3A_1553 = arith.constant 0.142857149 : f32
    %add3A_1554 = vector.broadcast %add3A_1553 : f32 to vector<16xf32>
    %add3A_1555 = arith.addf %add3A_1554, %mul3A_1552 : vector<16xf32>
    %mul3A_1556 = arith.mulf %mul3A_1549, %add3A_1555 : vector<16xf32>
    %add3A_1557 = arith.constant 2.000000e-01 : f32
    %add3A_1558 = vector.broadcast %add3A_1557 : f32 to vector<16xf32>
    %add3A_1559 = arith.addf %add3A_1558, %mul3A_1556 : vector<16xf32>
    %mul3A_1560 = arith.mulf %mul3A_1549, %add3A_1559 : vector<16xf32>
    %add3A_1561 = arith.constant 0.333333343 : f32
    %add3A_1562 = vector.broadcast %add3A_1561 : f32 to vector<16xf32>
    %add3A_1563 = arith.addf %add3A_1562, %mul3A_1560 : vector<16xf32>
    %mul3A_1564 = arith.mulf %mul3A_1549, %add3A_1563 : vector<16xf32>
    %add3A_1565 = arith.constant 1.000000e+00 : f32
    %add3A_1566 = vector.broadcast %add3A_1565 : f32 to vector<16xf32>
    %add3A_1567 = arith.addf %add3A_1566, %mul3A_1564 : vector<16xf32>
    %min3A_1568 = arith.constant 0.000000e+00 : f32
    %min3A_1569 = vector.broadcast %min3A_1568 : f32 to vector<16xf32>
    %min3A_1570 = arith.minimumf %add3A_1539, %min3A_1569 : vector<16xf32>
    %mul3A_1571 = arith.constant 2.000000e+00 : f32
    %mul3A_1572 = vector.broadcast %mul3A_1571 : f32 to vector<16xf32>
    %mul3A_1573 = arith.mulf %mul3A_1572, %div3A_1548 : vector<16xf32>
    %mul3A_1574 = arith.mulf %mul3A_1573, %add3A_1567 : vector<16xf32>
    %sub3A_1575 = arith.subf %min3A_1570, %mul3A_1574 : vector<16xf32>
    %swap3A_1576 = arith.constant 192 : index
    %swap3A_1577 = tpu.vector_load %arg13[%swap3A_1576] {strides = array<i32>} : memref<512xf32, #tpu.memory_space<vmem>>, vector<16xf32>,
    tpu.vector_store %arg13[%swap3A_1576], %sub3A_1575 {strides = array<i32>} : memref<512xf32, #tpu.memory_space<vmem>>, vector<16xf32>,
    %add3A_1578 = arith.constant 208 : i32
    %add3A_1579 = arith.addi %multiple_of3A_986, %add3A_1578 : i32
    %multiple_of3A_1580 = tpu.assume_multiple %add3A_1579, 16 : i32
    %get3A_1581 = arith.index_cast %multiple_of3A_1580 : i32 to index
    %get3A_1582 = tpu.vector_load %arg11[%get3A_1581] {strides = array<i32>} : memref<1024xf32, #tpu.memory_space<vmem>>, vector<16xf32>,
    %get3A_1583 = arith.index_cast %multiple_of3A_1580 : i32 to index
    %get3A_1584 = tpu.vector_load %arg12[%get3A_1583] {strides = array<i32>} : memref<1024xf32, #tpu.memory_space<vmem>>, vector<16xf32>,
    %add3A_1585 = arith.addf %get3A_1582, %get3A_1584 : vector<16xf32>
    %abs3A_1586 = math.absf %add3A_1585 : vector<16xf32>
    %neg3A_1587 = arith.constant 0.000000e+00 : f32
    %neg3A_1588 = vector.broadcast %neg3A_1587 : f32 to vector<16xf32>
    %neg3A_1589 = arith.subf %neg3A_1588, %abs3A_1586 : vector<16xf32>
    %exp3A_1590 = math.exp %neg3A_1589 : vector<16xf32>
    %add3A_1591 = arith.constant 2.000000e+00 : f32
    %add3A_1592 = vector.broadcast %add3A_1591 : f32 to vector<16xf32>
    %add3A_1593 = arith.addf %add3A_1592, %exp3A_1590 : vector<16xf32>
    %div3A_1594 = arith.divf %exp3A_1590, %add3A_1593 : vector<16xf32>
    %mul3A_1595 = arith.mulf %div3A_1594, %div3A_1594 : vector<16xf32>
    %mul3A_1596 = arith.constant 0.111111112 : f32
    %mul3A_1597 = vector.broadcast %mul3A_1596 : f32 to vector<16xf32>
    %mul3A_1598 = arith.mulf %mul3A_1595, %mul3A_1597 : vector<16xf32>
    %add3A_1599 = arith.constant 0.142857149 : f32
    %add3A_1600 = vector.broadcast %add3A_1599 : f32 to vector<16xf32>
    %add3A_1601 = arith.addf %add3A_1600, %mul3A_1598 : vector<16xf32>
    %mul3A_1602 = arith.mulf %mul3A_1595, %add3A_1601 : vector<16xf32>
    %add3A_1603 = arith.constant 2.000000e-01 : f32
    %add3A_1604 = vector.broadcast %add3A_1603 : f32 to vector<16xf32>
    %add3A_1605 = arith.addf %add3A_1604, %mul3A_1602 : vector<16xf32>
    %mul3A_1606 = arith.mulf %mul3A_1595, %add3A_1605 : vector<16xf32>
    %add3A_1607 = arith.constant 0.333333343 : f32
    %add3A_1608 = vector.broadcast %add3A_1607 : f32 to vector<16xf32>
    %add3A_1609 = arith.addf %add3A_1608, %mul3A_1606 : vector<16xf32>
    %mul3A_1610 = arith.mulf %mul3A_1595, %add3A_1609 : vector<16xf32>
    %add3A_1611 = arith.constant 1.000000e+00 : f32
    %add3A_1612 = vector.broadcast %add3A_1611 : f32 to vector<16xf32>
    %add3A_1613 = arith.addf %add3A_1612, %mul3A_1610 : vector<16xf32>
    %min3A_1614 = arith.constant 0.000000e+00 : f32
    %min3A_1615 = vector.broadcast %min3A_1614 : f32 to vector<16xf32>
    %min3A_1616 = arith.minimumf %add3A_1585, %min3A_1615 : vector<16xf32>
    %mul3A_1617 = arith.constant 2.000000e+00 : f32
    %mul3A_1618 = vector.broadcast %mul3A_1617 : f32 to vector<16xf32>
    %mul3A_1619 = arith.mulf %mul3A_1618, %div3A_1594 : vector<16xf32>
    %mul3A_1620 = arith.mulf %mul3A_1619, %add3A_1613 : vector<16xf32>
    %sub3A_1621 = arith.subf %min3A_1616, %mul3A_1620 : vector<16xf32>
    %swap3A_1622 = arith.constant 208 : index
    %swap3A_1623 = tpu.vector_load %arg13[%swap3A_1622] {strides = array<i32>} : memref<512xf32, #tpu.memory_space<vmem>>, vector<16xf32>,
    tpu.vector_store %arg13[%swap3A_1622], %sub3A_1621 {strides = array<i32>} : memref<512xf32, #tpu.memory_space<vmem>>, vector<16xf32>,
    %add3A_1624 = arith.constant 224 : i32
    %add3A_1625 = arith.addi %multiple_of3A_986, %add3A_1624 : i32
    %multiple_of3A_1626 = tpu.assume_multiple %add3A_1625, 16 : i32
    %get3A_1627 = arith.index_cast %multiple_of3A_1626 : i32 to index
    %get3A_1628 = tpu.vector_load %arg11[%get3A_1627] {strides = array<i32>} : memref<1024xf32, #tpu.memory_space<vmem>>, vector<16xf32>,
    %get3A_1629 = arith.index_cast %multiple_of3A_1626 : i32 to index
    %get3A_1630 = tpu.vector_load %arg12[%get3A_1629] {strides = array<i32>} : memref<1024xf32, #tpu.memory_space<vmem>>, vector<16xf32>,
    %add3A_1631 = arith.addf %get3A_1628, %get3A_1630 : vector<16xf32>
    %abs3A_1632 = math.absf %add3A_1631 : vector<16xf32>
    %neg3A_1633 = arith.constant 0.000000e+00 : f32
    %neg3A_1634 = vector.broadcast %neg3A_1633 : f32 to vector<16xf32>
    %neg3A_1635 = arith.subf %neg3A_1634, %abs3A_1632 : vector<16xf32>
    %exp3A_1636 = math.exp %neg3A_1635 : vector<16xf32>
    %add3A_1637 = arith.constant 2.000000e+00 : f32
    %add3A_1638 = vector.broadcast %add3A_1637 : f32 to vector<16xf32>
    %add3A_1639 = arith.addf %add3A_1638, %exp3A_1636 : vector<16xf32>
    %div3A_1640 = arith.divf %exp3A_1636, %add3A_1639 : vector<16xf32>
    %mul3A_1641 = arith.mulf %div3A_1640, %div3A_1640 : vector<16xf32>
    %mul3A_1642 = arith.constant 0.111111112 : f32
    %mul3A_1643 = vector.broadcast %mul3A_1642 : f32 to vector<16xf32>
    %mul3A_1644 = arith.mulf %mul3A_1641, %mul3A_1643 : vector<16xf32>
    %add3A_1645 = arith.constant 0.142857149 : f32
    %add3A_1646 = vector.broadcast %add3A_1645 : f32 to vector<16xf32>
    %add3A_1647 = arith.addf %add3A_1646, %mul3A_1644 : vector<16xf32>
    %mul3A_1648 = arith.mulf %mul3A_1641, %add3A_1647 : vector<16xf32>
    %add3A_1649 = arith.constant 2.000000e-01 : f32
    %add3A_1650 = vector.broadcast %add3A_1649 : f32 to vector<16xf32>
    %add3A_1651 = arith.addf %add3A_1650, %mul3A_1648 : vector<16xf32>
    %mul3A_1652 = arith.mulf %mul3A_1641, %add3A_1651 : vector<16xf32>
    %add3A_1653 = arith.constant 0.333333343 : f32
    %add3A_1654 = vector.broadcast %add3A_1653 : f32 to vector<16xf32>
    %add3A_1655 = arith.addf %add3A_1654, %mul3A_1652 : vector<16xf32>
    %mul3A_1656 = arith.mulf %mul3A_1641, %add3A_1655 : vector<16xf32>
    %add3A_1657 = arith.constant 1.000000e+00 : f32
    %add3A_1658 = vector.broadcast %add3A_1657 : f32 to vector<16xf32>
    %add3A_1659 = arith.addf %add3A_1658, %mul3A_1656 : vector<16xf32>
    %min3A_1660 = arith.constant 0.000000e+00 : f32
    %min3A_1661 = vector.broadcast %min3A_1660 : f32 to vector<16xf32>
    %min3A_1662 = arith.minimumf %add3A_1631, %min3A_1661 : vector<16xf32>
    %mul3A_1663 = arith.constant 2.000000e+00 : f32
    %mul3A_1664 = vector.broadcast %mul3A_1663 : f32 to vector<16xf32>
    %mul3A_1665 = arith.mulf %mul3A_1664, %div3A_1640 : vector<16xf32>
    %mul3A_1666 = arith.mulf %mul3A_1665, %add3A_1659 : vector<16xf32>
    %sub3A_1667 = arith.subf %min3A_1662, %mul3A_1666 : vector<16xf32>
    %swap3A_1668 = arith.constant 224 : index
    %swap3A_1669 = tpu.vector_load %arg13[%swap3A_1668] {strides = array<i32>} : memref<512xf32, #tpu.memory_space<vmem>>, vector<16xf32>,
    tpu.vector_store %arg13[%swap3A_1668], %sub3A_1667 {strides = array<i32>} : memref<512xf32, #tpu.memory_space<vmem>>, vector<16xf32>,
    %add3A_1670 = arith.constant 240 : i32
    %add3A_1671 = arith.addi %multiple_of3A_986, %add3A_1670 : i32
    %multiple_of3A_1672 = tpu.assume_multiple %add3A_1671, 16 : i32
    %get3A_1673 = arith.index_cast %multiple_of3A_1672 : i32 to index
    %get3A_1674 = tpu.vector_load %arg11[%get3A_1673] {strides = array<i32>} : memref<1024xf32, #tpu.memory_space<vmem>>, vector<16xf32>,
    %get3A_1675 = arith.index_cast %multiple_of3A_1672 : i32 to index
    %get3A_1676 = tpu.vector_load %arg12[%get3A_1675] {strides = array<i32>} : memref<1024xf32, #tpu.memory_space<vmem>>, vector<16xf32>,
    %add3A_1677 = arith.addf %get3A_1674, %get3A_1676 : vector<16xf32>
    %abs3A_1678 = math.absf %add3A_1677 : vector<16xf32>
    %neg3A_1679 = arith.constant 0.000000e+00 : f32
    %neg3A_1680 = vector.broadcast %neg3A_1679 : f32 to vector<16xf32>
    %neg3A_1681 = arith.subf %neg3A_1680, %abs3A_1678 : vector<16xf32>
    %exp3A_1682 = math.exp %neg3A_1681 : vector<16xf32>
    %add3A_1683 = arith.constant 2.000000e+00 : f32
    %add3A_1684 = vector.broadcast %add3A_1683 : f32 to vector<16xf32>
    %add3A_1685 = arith.addf %add3A_1684, %exp3A_1682 : vector<16xf32>
    %div3A_1686 = arith.divf %exp3A_1682, %add3A_1685 : vector<16xf32>
    %mul3A_1687 = arith.mulf %div3A_1686, %div3A_1686 : vector<16xf32>
    %mul3A_1688 = arith.constant 0.111111112 : f32
    %mul3A_1689 = vector.broadcast %mul3A_1688 : f32 to vector<16xf32>
    %mul3A_1690 = arith.mulf %mul3A_1687, %mul3A_1689 : vector<16xf32>
    %add3A_1691 = arith.constant 0.142857149 : f32
    %add3A_1692 = vector.broadcast %add3A_1691 : f32 to vector<16xf32>
    %add3A_1693 = arith.addf %add3A_1692, %mul3A_1690 : vector<16xf32>
    %mul3A_1694 = arith.mulf %mul3A_1687, %add3A_1693 : vector<16xf32>
    %add3A_1695 = arith.constant 2.000000e-01 : f32
    %add3A_1696 = vector.broadcast %add3A_1695 : f32 to vector<16xf32>
    %add3A_1697 = arith.addf %add3A_1696, %mul3A_1694 : vector<16xf32>
    %mul3A_1698 = arith.mulf %mul3A_1687, %add3A_1697 : vector<16xf32>
    %add3A_1699 = arith.constant 0.333333343 : f32
    %add3A_1700 = vector.broadcast %add3A_1699 : f32 to vector<16xf32>
    %add3A_1701 = arith.addf %add3A_1700, %mul3A_1698 : vector<16xf32>
    %mul3A_1702 = arith.mulf %mul3A_1687, %add3A_1701 : vector<16xf32>
    %add3A_1703 = arith.constant 1.000000e+00 : f32
    %add3A_1704 = vector.broadcast %add3A_1703 : f32 to vector<16xf32>
    %add3A_1705 = arith.addf %add3A_1704, %mul3A_1702 : vector<16xf32>
    %min3A_1706 = arith.constant 0.000000e+00 : f32
    %min3A_1707 = vector.broadcast %min3A_1706 : f32 to vector<16xf32>
    %min3A_1708 = arith.minimumf %add3A_1677, %min3A_1707 : vector<16xf32>
    %mul3A_1709 = arith.constant 2.000000e+00 : f32
    %mul3A_1710 = vector.broadcast %mul3A_1709 : f32 to vector<16xf32>
    %mul3A_1711 = arith.mulf %mul3A_1710, %div3A_1686 : vector<16xf32>
    %mul3A_1712 = arith.mulf %mul3A_1711, %add3A_1705 : vector<16xf32>
    %sub3A_1713 = arith.subf %min3A_1708, %mul3A_1712 : vector<16xf32>
    %swap3A_1714 = arith.constant 240 : index
    %swap3A_1715 = tpu.vector_load %arg13[%swap3A_1714] {strides = array<i32>} : memref<512xf32, #tpu.memory_space<vmem>>, vector<16xf32>,
    tpu.vector_store %arg13[%swap3A_1714], %sub3A_1713 {strides = array<i32>} : memref<512xf32, #tpu.memory_space<vmem>>, vector<16xf32>,
    %add3A_1716 = arith.constant 256 : i32
    %add3A_1717 = arith.addi %multiple_of3A_986, %add3A_1716 : i32
    %multiple_of3A_1718 = tpu.assume_multiple %add3A_1717, 16 : i32
    %get3A_1719 = arith.index_cast %multiple_of3A_1718 : i32 to index
    %get3A_1720 = tpu.vector_load %arg11[%get3A_1719] {strides = array<i32>} : memref<1024xf32, #tpu.memory_space<vmem>>, vector<16xf32>,
    %get3A_1721 = arith.index_cast %multiple_of3A_1718 : i32 to index
    %get3A_1722 = tpu.vector_load %arg12[%get3A_1721] {strides = array<i32>} : memref<1024xf32, #tpu.memory_space<vmem>>, vector<16xf32>,
    %add3A_1723 = arith.addf %get3A_1720, %get3A_1722 : vector<16xf32>
    %abs3A_1724 = math.absf %add3A_1723 : vector<16xf32>
    %neg3A_1725 = arith.constant 0.000000e+00 : f32
    %neg3A_1726 = vector.broadcast %neg3A_1725 : f32 to vector<16xf32>
    %neg3A_1727 = arith.subf %neg3A_1726, %abs3A_1724 : vector<16xf32>
    %exp3A_1728 = math.exp %neg3A_1727 : vector<16xf32>
    %add3A_1729 = arith.constant 2.000000e+00 : f32
    %add3A_1730 = vector.broadcast %add3A_1729 : f32 to vector<16xf32>
    %add3A_1731 = arith.addf %add3A_1730, %exp3A_1728 : vector<16xf32>
    %div3A_1732 = arith.divf %exp3A_1728, %add3A_1731 : vector<16xf32>
    %mul3A_1733 = arith.mulf %div3A_1732, %div3A_1732 : vector<16xf32>
    %mul3A_1734 = arith.constant 0.111111112 : f32
    %mul3A_1735 = vector.broadcast %mul3A_1734 : f32 to vector<16xf32>
    %mul3A_1736 = arith.mulf %mul3A_1733, %mul3A_1735 : vector<16xf32>
    %add3A_1737 = arith.constant 0.142857149 : f32
    %add3A_1738 = vector.broadcast %add3A_1737 : f32 to vector<16xf32>
    %add3A_1739 = arith.addf %add3A_1738, %mul3A_1736 : vector<16xf32>
    %mul3A_1740 = arith.mulf %mul3A_1733, %add3A_1739 : vector<16xf32>
    %add3A_1741 = arith.constant 2.000000e-01 : f32
    %add3A_1742 = vector.broadcast %add3A_1741 : f32 to vector<16xf32>
    %add3A_1743 = arith.addf %add3A_1742, %mul3A_1740 : vector<16xf32>
    %mul3A_1744 = arith.mulf %mul3A_1733, %add3A_1743 : vector<16xf32>
    %add3A_1745 = arith.constant 0.333333343 : f32
    %add3A_1746 = vector.broadcast %add3A_1745 : f32 to vector<16xf32>
    %add3A_1747 = arith.addf %add3A_1746, %mul3A_1744 : vector<16xf32>
    %mul3A_1748 = arith.mulf %mul3A_1733, %add3A_1747 : vector<16xf32>
    %add3A_1749 = arith.constant 1.000000e+00 : f32
    %add3A_1750 = vector.broadcast %add3A_1749 : f32 to vector<16xf32>
    %add3A_1751 = arith.addf %add3A_1750, %mul3A_1748 : vector<16xf32>
    %min3A_1752 = arith.constant 0.000000e+00 : f32
    %min3A_1753 = vector.broadcast %min3A_1752 : f32 to vector<16xf32>
    %min3A_1754 = arith.minimumf %add3A_1723, %min3A_1753 : vector<16xf32>
    %mul3A_1755 = arith.constant 2.000000e+00 : f32
    %mul3A_1756 = vector.broadcast %mul3A_1755 : f32 to vector<16xf32>
    %mul3A_1757 = arith.mulf %mul3A_1756, %div3A_1732 : vector<16xf32>
    %mul3A_1758 = arith.mulf %mul3A_1757, %add3A_1751 : vector<16xf32>
    %sub3A_1759 = arith.subf %min3A_1754, %mul3A_1758 : vector<16xf32>
    %swap3A_1760 = arith.constant 256 : index
    %swap3A_1761 = tpu.vector_load %arg13[%swap3A_1760] {strides = array<i32>} : memref<512xf32, #tpu.memory_space<vmem>>, vector<16xf32>,
    tpu.vector_store %arg13[%swap3A_1760], %sub3A_1759 {strides = array<i32>} : memref<512xf32, #tpu.memory_space<vmem>>, vector<16xf32>,
    %add3A_1762 = arith.constant 272 : i32
    %add3A_1763 = arith.addi %multiple_of3A_986, %add3A_1762 : i32
    %multiple_of3A_1764 = tpu.assume_multiple %add3A_1763, 16 : i32
    %get3A_1765 = arith.index_cast %multiple_of3A_1764 : i32 to index
    %get3A_1766 = tpu.vector_load %arg11[%get3A_1765] {strides = array<i32>} : memref<1024xf32, #tpu.memory_space<vmem>>, vector<16xf32>,
    %get3A_1767 = arith.index_cast %multiple_of3A_1764 : i32 to index
    %get3A_1768 = tpu.vector_load %arg12[%get3A_1767] {strides = array<i32>} : memref<1024xf32, #tpu.memory_space<vmem>>, vector<16xf32>,
    %add3A_1769 = arith.addf %get3A_1766, %get3A_1768 : vector<16xf32>
    %abs3A_1770 = math.absf %add3A_1769 : vector<16xf32>
    %neg3A_1771 = arith.constant 0.000000e+00 : f32
    %neg3A_1772 = vector.broadcast %neg3A_1771 : f32 to vector<16xf32>
    %neg3A_1773 = arith.subf %neg3A_1772, %abs3A_1770 : vector<16xf32>
    %exp3A_1774 = math.exp %neg3A_1773 : vector<16xf32>
    %add3A_1775 = arith.constant 2.000000e+00 : f32
    %add3A_1776 = vector.broadcast %add3A_1775 : f32 to vector<16xf32>
    %add3A_1777 = arith.addf %add3A_1776, %exp3A_1774 : vector<16xf32>
    %div3A_1778 = arith.divf %exp3A_1774, %add3A_1777 : vector<16xf32>
    %mul3A_1779 = arith.mulf %div3A_1778, %div3A_1778 : vector<16xf32>
    %mul3A_1780 = arith.constant 0.111111112 : f32
    %mul3A_1781 = vector.broadcast %mul3A_1780 : f32 to vector<16xf32>
    %mul3A_1782 = arith.mulf %mul3A_1779, %mul3A_1781 : vector<16xf32>
    %add3A_1783 = arith.constant 0.142857149 : f32
    %add3A_1784 = vector.broadcast %add3A_1783 : f32 to vector<16xf32>
    %add3A_1785 = arith.addf %add3A_1784, %mul3A_1782 : vector<16xf32>
    %mul3A_1786 = arith.mulf %mul3A_1779, %add3A_1785 : vector<16xf32>
    %add3A_1787 = arith.constant 2.000000e-01 : f32
    %add3A_1788 = vector.broadcast %add3A_1787 : f32 to vector<16xf32>
    %add3A_1789 = arith.addf %add3A_1788, %mul3A_1786 : vector<16xf32>
    %mul3A_1790 = arith.mulf %mul3A_1779, %add3A_1789 : vector<16xf32>
    %add3A_1791 = arith.constant 0.333333343 : f32
    %add3A_1792 = vector.broadcast %add3A_1791 : f32 to vector<16xf32>
    %add3A_1793 = arith.addf %add3A_1792, %mul3A_1790 : vector<16xf32>
    %mul3A_1794 = arith.mulf %mul3A_1779, %add3A_1793 : vector<16xf32>
    %add3A_1795 = arith.constant 1.000000e+00 : f32
    %add3A_1796 = vector.broadcast %add3A_1795 : f32 to vector<16xf32>
    %add3A_1797 = arith.addf %add3A_1796, %mul3A_1794 : vector<16xf32>
    %min3A_1798 = arith.constant 0.000000e+00 : f32
    %min3A_1799 = vector.broadcast %min3A_1798 : f32 to vector<16xf32>
    %min3A_1800 = arith.minimumf %add3A_1769, %min3A_1799 : vector<16xf32>
    %mul3A_1801 = arith.constant 2.000000e+00 : f32
    %mul3A_1802 = vector.broadcast %mul3A_1801 : f32 to vector<16xf32>
    %mul3A_1803 = arith.mulf %mul3A_1802, %div3A_1778 : vector<16xf32>
    %mul3A_1804 = arith.mulf %mul3A_1803, %add3A_1797 : vector<16xf32>
    %sub3A_1805 = arith.subf %min3A_1800, %mul3A_1804 : vector<16xf32>
    %swap3A_1806 = arith.constant 272 : index
    %swap3A_1807 = tpu.vector_load %arg13[%swap3A_1806] {strides = array<i32>} : memref<512xf32, #tpu.memory_space<vmem>>, vector<16xf32>,
    tpu.vector_store %arg13[%swap3A_1806], %sub3A_1805 {strides = array<i32>} : memref<512xf32, #tpu.memory_space<vmem>>, vector<16xf32>,
    %add3A_1808 = arith.constant 288 : i32
    %add3A_1809 = arith.addi %multiple_of3A_986, %add3A_1808 : i32
    %multiple_of3A_1810 = tpu.assume_multiple %add3A_1809, 16 : i32
    %get3A_1811 = arith.index_cast %multiple_of3A_1810 : i32 to index
    %get3A_1812 = tpu.vector_load %arg11[%get3A_1811] {strides = array<i32>} : memref<1024xf32, #tpu.memory_space<vmem>>, vector<16xf32>,
    %get3A_1813 = arith.index_cast %multiple_of3A_1810 : i32 to index
    %get3A_1814 = tpu.vector_load %arg12[%get3A_1813] {strides = array<i32>} : memref<1024xf32, #tpu.memory_space<vmem>>, vector<16xf32>,
    %add3A_1815 = arith.addf %get3A_1812, %get3A_1814 : vector<16xf32>
    %abs3A_1816 = math.absf %add3A_1815 : vector<16xf32>
    %neg3A_1817 = arith.constant 0.000000e+00 : f32
    %neg3A_1818 = vector.broadcast %neg3A_1817 : f32 to vector<16xf32>
    %neg3A_1819 = arith.subf %neg3A_1818, %abs3A_1816 : vector<16xf32>
    %exp3A_1820 = math.exp %neg3A_1819 : vector<16xf32>
    %add3A_1821 = arith.constant 2.000000e+00 : f32
    %add3A_1822 = vector.broadcast %add3A_1821 : f32 to vector<16xf32>
    %add3A_1823 = arith.addf %add3A_1822, %exp3A_1820 : vector<16xf32>
    %div3A_1824 = arith.divf %exp3A_1820, %add3A_1823 : vector<16xf32>
    %mul3A_1825 = arith.mulf %div3A_1824, %div3A_1824 : vector<16xf32>
    %mul3A_1826 = arith.constant 0.111111112 : f32
    %mul3A_1827 = vector.broadcast %mul3A_1826 : f32 to vector<16xf32>
    %mul3A_1828 = arith.mulf %mul3A_1825, %mul3A_1827 : vector<16xf32>
    %add3A_1829 = arith.constant 0.142857149 : f32
    %add3A_1830 = vector.broadcast %add3A_1829 : f32 to vector<16xf32>
    %add3A_1831 = arith.addf %add3A_1830, %mul3A_1828 : vector<16xf32>
    %mul3A_1832 = arith.mulf %mul3A_1825, %add3A_1831 : vector<16xf32>
    %add3A_1833 = arith.constant 2.000000e-01 : f32
    %add3A_1834 = vector.broadcast %add3A_1833 : f32 to vector<16xf32>
    %add3A_1835 = arith.addf %add3A_1834, %mul3A_1832 : vector<16xf32>
    %mul3A_1836 = arith.mulf %mul3A_1825, %add3A_1835 : vector<16xf32>
    %add3A_1837 = arith.constant 0.333333343 : f32
    %add3A_1838 = vector.broadcast %add3A_1837 : f32 to vector<16xf32>
    %add3A_1839 = arith.addf %add3A_1838, %mul3A_1836 : vector<16xf32>
    %mul3A_1840 = arith.mulf %mul3A_1825, %add3A_1839 : vector<16xf32>
    %add3A_1841 = arith.constant 1.000000e+00 : f32
    %add3A_1842 = vector.broadcast %add3A_1841 : f32 to vector<16xf32>
    %add3A_1843 = arith.addf %add3A_1842, %mul3A_1840 : vector<16xf32>
    %min3A_1844 = arith.constant 0.000000e+00 : f32
    %min3A_1845 = vector.broadcast %min3A_1844 : f32 to vector<16xf32>
    %min3A_1846 = arith.minimumf %add3A_1815, %min3A_1845 : vector<16xf32>
    %mul3A_1847 = arith.constant 2.000000e+00 : f32
    %mul3A_1848 = vector.broadcast %mul3A_1847 : f32 to vector<16xf32>
    %mul3A_1849 = arith.mulf %mul3A_1848, %div3A_1824 : vector<16xf32>
    %mul3A_1850 = arith.mulf %mul3A_1849, %add3A_1843 : vector<16xf32>
    %sub3A_1851 = arith.subf %min3A_1846, %mul3A_1850 : vector<16xf32>
    %swap3A_1852 = arith.constant 288 : index
    %swap3A_1853 = tpu.vector_load %arg13[%swap3A_1852] {strides = array<i32>} : memref<512xf32, #tpu.memory_space<vmem>>, vector<16xf32>,
    tpu.vector_store %arg13[%swap3A_1852], %sub3A_1851 {strides = array<i32>} : memref<512xf32, #tpu.memory_space<vmem>>, vector<16xf32>,
    %add3A_1854 = arith.constant 304 : i32
    %add3A_1855 = arith.addi %multiple_of3A_986, %add3A_1854 : i32
    %multiple_of3A_1856 = tpu.assume_multiple %add3A_1855, 16 : i32
    %get3A_1857 = arith.index_cast %multiple_of3A_1856 : i32 to index
    %get3A_1858 = tpu.vector_load %arg11[%get3A_1857] {strides = array<i32>} : memref<1024xf32, #tpu.memory_space<vmem>>, vector<16xf32>,
    %get3A_1859 = arith.index_cast %multiple_of3A_1856 : i32 to index
    %get3A_1860 = tpu.vector_load %arg12[%get3A_1859] {strides = array<i32>} : memref<1024xf32, #tpu.memory_space<vmem>>, vector<16xf32>,
    %add3A_1861 = arith.addf %get3A_1858, %get3A_1860 : vector<16xf32>
    %abs3A_1862 = math.absf %add3A_1861 : vector<16xf32>
    %neg3A_1863 = arith.constant 0.000000e+00 : f32
    %neg3A_1864 = vector.broadcast %neg3A_1863 : f32 to vector<16xf32>
    %neg3A_1865 = arith.subf %neg3A_1864, %abs3A_1862 : vector<16xf32>
    %exp3A_1866 = math.exp %neg3A_1865 : vector<16xf32>
    %add3A_1867 = arith.constant 2.000000e+00 : f32
    %add3A_1868 = vector.broadcast %add3A_1867 : f32 to vector<16xf32>
    %add3A_1869 = arith.addf %add3A_1868, %exp3A_1866 : vector<16xf32>
    %div3A_1870 = arith.divf %exp3A_1866, %add3A_1869 : vector<16xf32>
    %mul3A_1871 = arith.mulf %div3A_1870, %div3A_1870 : vector<16xf32>
    %mul3A_1872 = arith.constant 0.111111112 : f32
    %mul3A_1873 = vector.broadcast %mul3A_1872 : f32 to vector<16xf32>
    %mul3A_1874 = arith.mulf %mul3A_1871, %mul3A_1873 : vector<16xf32>
    %add3A_1875 = arith.constant 0.142857149 : f32
    %add3A_1876 = vector.broadcast %add3A_1875 : f32 to vector<16xf32>
    %add3A_1877 = arith.addf %add3A_1876, %mul3A_1874 : vector<16xf32>
    %mul3A_1878 = arith.mulf %mul3A_1871, %add3A_1877 : vector<16xf32>
    %add3A_1879 = arith.constant 2.000000e-01 : f32
    %add3A_1880 = vector.broadcast %add3A_1879 : f32 to vector<16xf32>
    %add3A_1881 = arith.addf %add3A_1880, %mul3A_1878 : vector<16xf32>
    %mul3A_1882 = arith.mulf %mul3A_1871, %add3A_1881 : vector<16xf32>
    %add3A_1883 = arith.constant 0.333333343 : f32
    %add3A_1884 = vector.broadcast %add3A_1883 : f32 to vector<16xf32>
    %add3A_1885 = arith.addf %add3A_1884, %mul3A_1882 : vector<16xf32>
    %mul3A_1886 = arith.mulf %mul3A_1871, %add3A_1885 : vector<16xf32>
    %add3A_1887 = arith.constant 1.000000e+00 : f32
    %add3A_1888 = vector.broadcast %add3A_1887 : f32 to vector<16xf32>
    %add3A_1889 = arith.addf %add3A_1888, %mul3A_1886 : vector<16xf32>
    %min3A_1890 = arith.constant 0.000000e+00 : f32
    %min3A_1891 = vector.broadcast %min3A_1890 : f32 to vector<16xf32>
    %min3A_1892 = arith.minimumf %add3A_1861, %min3A_1891 : vector<16xf32>
    %mul3A_1893 = arith.constant 2.000000e+00 : f32
    %mul3A_1894 = vector.broadcast %mul3A_1893 : f32 to vector<16xf32>
    %mul3A_1895 = arith.mulf %mul3A_1894, %div3A_1870 : vector<16xf32>
    %mul3A_1896 = arith.mulf %mul3A_1895, %add3A_1889 : vector<16xf32>
    %sub3A_1897 = arith.subf %min3A_1892, %mul3A_1896 : vector<16xf32>
    %swap3A_1898 = arith.constant 304 : index
    %swap3A_1899 = tpu.vector_load %arg13[%swap3A_1898] {strides = array<i32>} : memref<512xf32, #tpu.memory_space<vmem>>, vector<16xf32>,
    tpu.vector_store %arg13[%swap3A_1898], %sub3A_1897 {strides = array<i32>} : memref<512xf32, #tpu.memory_space<vmem>>, vector<16xf32>,
    %add3A_1900 = arith.constant 320 : i32
    %add3A_1901 = arith.addi %multiple_of3A_986, %add3A_1900 : i32
    %multiple_of3A_1902 = tpu.assume_multiple %add3A_1901, 16 : i32
    %get3A_1903 = arith.index_cast %multiple_of3A_1902 : i32 to index
    %get3A_1904 = tpu.vector_load %arg11[%get3A_1903] {strides = array<i32>} : memref<1024xf32, #tpu.memory_space<vmem>>, vector<16xf32>,
    %get3A_1905 = arith.index_cast %multiple_of3A_1902 : i32 to index
    %get3A_1906 = tpu.vector_load %arg12[%get3A_1905] {strides = array<i32>} : memref<1024xf32, #tpu.memory_space<vmem>>, vector<16xf32>,
    %add3A_1907 = arith.addf %get3A_1904, %get3A_1906 : vector<16xf32>
    %abs3A_1908 = math.absf %add3A_1907 : vector<16xf32>
    %neg3A_1909 = arith.constant 0.000000e+00 : f32
    %neg3A_1910 = vector.broadcast %neg3A_1909 : f32 to vector<16xf32>
    %neg3A_1911 = arith.subf %neg3A_1910, %abs3A_1908 : vector<16xf32>
    %exp3A_1912 = math.exp %neg3A_1911 : vector<16xf32>
    %add3A_1913 = arith.constant 2.000000e+00 : f32
    %add3A_1914 = vector.broadcast %add3A_1913 : f32 to vector<16xf32>
    %add3A_1915 = arith.addf %add3A_1914, %exp3A_1912 : vector<16xf32>
    %div3A_1916 = arith.divf %exp3A_1912, %add3A_1915 : vector<16xf32>
    %mul3A_1917 = arith.mulf %div3A_1916, %div3A_1916 : vector<16xf32>
    %mul3A_1918 = arith.constant 0.111111112 : f32
    %mul3A_1919 = vector.broadcast %mul3A_1918 : f32 to vector<16xf32>
    %mul3A_1920 = arith.mulf %mul3A_1917, %mul3A_1919 : vector<16xf32>
    %add3A_1921 = arith.constant 0.142857149 : f32
    %add3A_1922 = vector.broadcast %add3A_1921 : f32 to vector<16xf32>
    %add3A_1923 = arith.addf %add3A_1922, %mul3A_1920 : vector<16xf32>
    %mul3A_1924 = arith.mulf %mul3A_1917, %add3A_1923 : vector<16xf32>
    %add3A_1925 = arith.constant 2.000000e-01 : f32
    %add3A_1926 = vector.broadcast %add3A_1925 : f32 to vector<16xf32>
    %add3A_1927 = arith.addf %add3A_1926, %mul3A_1924 : vector<16xf32>
    %mul3A_1928 = arith.mulf %mul3A_1917, %add3A_1927 : vector<16xf32>
    %add3A_1929 = arith.constant 0.333333343 : f32
    %add3A_1930 = vector.broadcast %add3A_1929 : f32 to vector<16xf32>
    %add3A_1931 = arith.addf %add3A_1930, %mul3A_1928 : vector<16xf32>
    %mul3A_1932 = arith.mulf %mul3A_1917, %add3A_1931 : vector<16xf32>
    %add3A_1933 = arith.constant 1.000000e+00 : f32
    %add3A_1934 = vector.broadcast %add3A_1933 : f32 to vector<16xf32>
    %add3A_1935 = arith.addf %add3A_1934, %mul3A_1932 : vector<16xf32>
    %min3A_1936 = arith.constant 0.000000e+00 : f32
    %min3A_1937 = vector.broadcast %min3A_1936 : f32 to vector<16xf32>
    %min3A_1938 = arith.minimumf %add3A_1907, %min3A_1937 : vector<16xf32>
    %mul3A_1939 = arith.constant 2.000000e+00 : f32
    %mul3A_1940 = vector.broadcast %mul3A_1939 : f32 to vector<16xf32>
    %mul3A_1941 = arith.mulf %mul3A_1940, %div3A_1916 : vector<16xf32>
    %mul3A_1942 = arith.mulf %mul3A_1941, %add3A_1935 : vector<16xf32>
    %sub3A_1943 = arith.subf %min3A_1938, %mul3A_1942 : vector<16xf32>
    %swap3A_1944 = arith.constant 320 : index
    %swap3A_1945 = tpu.vector_load %arg13[%swap3A_1944] {strides = array<i32>} : memref<512xf32, #tpu.memory_space<vmem>>, vector<16xf32>,
    tpu.vector_store %arg13[%swap3A_1944], %sub3A_1943 {strides = array<i32>} : memref<512xf32, #tpu.memory_space<vmem>>, vector<16xf32>,
    %add3A_1946 = arith.constant 336 : i32
    %add3A_1947 = arith.addi %multiple_of3A_986, %add3A_1946 : i32
    %multiple_of3A_1948 = tpu.assume_multiple %add3A_1947, 16 : i32
    %get3A_1949 = arith.index_cast %multiple_of3A_1948 : i32 to index
    %get3A_1950 = tpu.vector_load %arg11[%get3A_1949] {strides = array<i32>} : memref<1024xf32, #tpu.memory_space<vmem>>, vector<16xf32>,
    %get3A_1951 = arith.index_cast %multiple_of3A_1948 : i32 to index
    %get3A_1952 = tpu.vector_load %arg12[%get3A_1951] {strides = array<i32>} : memref<1024xf32, #tpu.memory_space<vmem>>, vector<16xf32>,
    %add3A_1953 = arith.addf %get3A_1950, %get3A_1952 : vector<16xf32>
    %abs3A_1954 = math.absf %add3A_1953 : vector<16xf32>
    %neg3A_1955 = arith.constant 0.000000e+00 : f32
    %neg3A_1956 = vector.broadcast %neg3A_1955 : f32 to vector<16xf32>
    %neg3A_1957 = arith.subf %neg3A_1956, %abs3A_1954 : vector<16xf32>
    %exp3A_1958 = math.exp %neg3A_1957 : vector<16xf32>
    %add3A_1959 = arith.constant 2.000000e+00 : f32
    %add3A_1960 = vector.broadcast %add3A_1959 : f32 to vector<16xf32>
    %add3A_1961 = arith.addf %add3A_1960, %exp3A_1958 : vector<16xf32>
    %div3A_1962 = arith.divf %exp3A_1958, %add3A_1961 : vector<16xf32>
    %mul3A_1963 = arith.mulf %div3A_1962, %div3A_1962 : vector<16xf32>
    %mul3A_1964 = arith.constant 0.111111112 : f32
    %mul3A_1965 = vector.broadcast %mul3A_1964 : f32 to vector<16xf32>
    %mul3A_1966 = arith.mulf %mul3A_1963, %mul3A_1965 : vector<16xf32>
    %add3A_1967 = arith.constant 0.142857149 : f32
    %add3A_1968 = vector.broadcast %add3A_1967 : f32 to vector<16xf32>
    %add3A_1969 = arith.addf %add3A_1968, %mul3A_1966 : vector<16xf32>
    %mul3A_1970 = arith.mulf %mul3A_1963, %add3A_1969 : vector<16xf32>
    %add3A_1971 = arith.constant 2.000000e-01 : f32
    %add3A_1972 = vector.broadcast %add3A_1971 : f32 to vector<16xf32>
    %add3A_1973 = arith.addf %add3A_1972, %mul3A_1970 : vector<16xf32>
    %mul3A_1974 = arith.mulf %mul3A_1963, %add3A_1973 : vector<16xf32>
    %add3A_1975 = arith.constant 0.333333343 : f32
    %add3A_1976 = vector.broadcast %add3A_1975 : f32 to vector<16xf32>
    %add3A_1977 = arith.addf %add3A_1976, %mul3A_1974 : vector<16xf32>
    %mul3A_1978 = arith.mulf %mul3A_1963, %add3A_1977 : vector<16xf32>
    %add3A_1979 = arith.constant 1.000000e+00 : f32
    %add3A_1980 = vector.broadcast %add3A_1979 : f32 to vector<16xf32>
    %add3A_1981 = arith.addf %add3A_1980, %mul3A_1978 : vector<16xf32>
    %min3A_1982 = arith.constant 0.000000e+00 : f32
    %min3A_1983 = vector.broadcast %min3A_1982 : f32 to vector<16xf32>
    %min3A_1984 = arith.minimumf %add3A_1953, %min3A_1983 : vector<16xf32>
    %mul3A_1985 = arith.constant 2.000000e+00 : f32
    %mul3A_1986 = vector.broadcast %mul3A_1985 : f32 to vector<16xf32>
    %mul3A_1987 = arith.mulf %mul3A_1986, %div3A_1962 : vector<16xf32>
    %mul3A_1988 = arith.mulf %mul3A_1987, %add3A_1981 : vector<16xf32>
    %sub3A_1989 = arith.subf %min3A_1984, %mul3A_1988 : vector<16xf32>
    %swap3A_1990 = arith.constant 336 : index
    %swap3A_1991 = tpu.vector_load %arg13[%swap3A_1990] {strides = array<i32>} : memref<512xf32, #tpu.memory_space<vmem>>, vector<16xf32>,
    tpu.vector_store %arg13[%swap3A_1990], %sub3A_1989 {strides = array<i32>} : memref<512xf32, #tpu.memory_space<vmem>>, vector<16xf32>,
    %add3A_1992 = arith.constant 352 : i32
    %add3A_1993 = arith.addi %multiple_of3A_986, %add3A_1992 : i32
    %multiple_of3A_1994 = tpu.assume_multiple %add3A_1993, 16 : i32
    %get3A_1995 = arith.index_cast %multiple_of3A_1994 : i32 to index
    %get3A_1996 = tpu.vector_load %arg11[%get3A_1995] {strides = array<i32>} : memref<1024xf32, #tpu.memory_space<vmem>>, vector<16xf32>,
    %get3A_1997 = arith.index_cast %multiple_of3A_1994 : i32 to index
    %get3A_1998 = tpu.vector_load %arg12[%get3A_1997] {strides = array<i32>} : memref<1024xf32, #tpu.memory_space<vmem>>, vector<16xf32>,
    %add3A_1999 = arith.addf %get3A_1996, %get3A_1998 : vector<16xf32>
    %abs3A_2000 = math.absf %add3A_1999 : vector<16xf32>
    %neg3A_2001 = arith.constant 0.000000e+00 : f32
    %neg3A_2002 = vector.broadcast %neg3A_2001 : f32 to vector<16xf32>
    %neg3A_2003 = arith.subf %neg3A_2002, %abs3A_2000 : vector<16xf32>
    %exp3A_2004 = math.exp %neg3A_2003 : vector<16xf32>
    %add3A_2005 = arith.constant 2.000000e+00 : f32
    %add3A_2006 = vector.broadcast %add3A_2005 : f32 to vector<16xf32>
    %add3A_2007 = arith.addf %add3A_2006, %exp3A_2004 : vector<16xf32>
    %div3A_2008 = arith.divf %exp3A_2004, %add3A_2007 : vector<16xf32>
    %mul3A_2009 = arith.mulf %div3A_2008, %div3A_2008 : vector<16xf32>
    %mul3A_2010 = arith.constant 0.111111112 : f32
    %mul3A_2011 = vector.broadcast %mul3A_2010 : f32 to vector<16xf32>
    %mul3A_2012 = arith.mulf %mul3A_2009, %mul3A_2011 : vector<16xf32>
    %add3A_2013 = arith.constant 0.142857149 : f32
    %add3A_2014 = vector.broadcast %add3A_2013 : f32 to vector<16xf32>
    %add3A_2015 = arith.addf %add3A_2014, %mul3A_2012 : vector<16xf32>
    %mul3A_2016 = arith.mulf %mul3A_2009, %add3A_2015 : vector<16xf32>
    %add3A_2017 = arith.constant 2.000000e-01 : f32
    %add3A_2018 = vector.broadcast %add3A_2017 : f32 to vector<16xf32>
    %add3A_2019 = arith.addf %add3A_2018, %mul3A_2016 : vector<16xf32>
    %mul3A_2020 = arith.mulf %mul3A_2009, %add3A_2019 : vector<16xf32>
    %add3A_2021 = arith.constant 0.333333343 : f32
    %add3A_2022 = vector.broadcast %add3A_2021 : f32 to vector<16xf32>
    %add3A_2023 = arith.addf %add3A_2022, %mul3A_2020 : vector<16xf32>
    %mul3A_2024 = arith.mulf %mul3A_2009, %add3A_2023 : vector<16xf32>
    %add3A_2025 = arith.constant 1.000000e+00 : f32
    %add3A_2026 = vector.broadcast %add3A_2025 : f32 to vector<16xf32>
    %add3A_2027 = arith.addf %add3A_2026, %mul3A_2024 : vector<16xf32>
    %min3A_2028 = arith.constant 0.000000e+00 : f32
    %min3A_2029 = vector.broadcast %min3A_2028 : f32 to vector<16xf32>
    %min3A_2030 = arith.minimumf %add3A_1999, %min3A_2029 : vector<16xf32>
    %mul3A_2031 = arith.constant 2.000000e+00 : f32
    %mul3A_2032 = vector.broadcast %mul3A_2031 : f32 to vector<16xf32>
    %mul3A_2033 = arith.mulf %mul3A_2032, %div3A_2008 : vector<16xf32>
    %mul3A_2034 = arith.mulf %mul3A_2033, %add3A_2027 : vector<16xf32>
    %sub3A_2035 = arith.subf %min3A_2030, %mul3A_2034 : vector<16xf32>
    %swap3A_2036 = arith.constant 352 : index
    %swap3A_2037 = tpu.vector_load %arg13[%swap3A_2036] {strides = array<i32>} : memref<512xf32, #tpu.memory_space<vmem>>, vector<16xf32>,
    tpu.vector_store %arg13[%swap3A_2036], %sub3A_2035 {strides = array<i32>} : memref<512xf32, #tpu.memory_space<vmem>>, vector<16xf32>,
    %add3A_2038 = arith.constant 368 : i32
    %add3A_2039 = arith.addi %multiple_of3A_986, %add3A_2038 : i32
    %multiple_of3A_2040 = tpu.assume_multiple %add3A_2039, 16 : i32
    %get3A_2041 = arith.index_cast %multiple_of3A_2040 : i32 to index
    %get3A_2042 = tpu.vector_load %arg11[%get3A_2041] {strides = array<i32>} : memref<1024xf32, #tpu.memory_space<vmem>>, vector<16xf32>,
    %get3A_2043 = arith.index_cast %multiple_of3A_2040 : i32 to index
    %get3A_2044 = tpu.vector_load %arg12[%get3A_2043] {strides = array<i32>} : memref<1024xf32, #tpu.memory_space<vmem>>, vector<16xf32>,
    %add3A_2045 = arith.addf %get3A_2042, %get3A_2044 : vector<16xf32>
    %abs3A_2046 = math.absf %add3A_2045 : vector<16xf32>
    %neg3A_2047 = arith.constant 0.000000e+00 : f32
    %neg3A_2048 = vector.broadcast %neg3A_2047 : f32 to vector<16xf32>
    %neg3A_2049 = arith.subf %neg3A_2048, %abs3A_2046 : vector<16xf32>
    %exp3A_2050 = math.exp %neg3A_2049 : vector<16xf32>
    %add3A_2051 = arith.constant 2.000000e+00 : f32
    %add3A_2052 = vector.broadcast %add3A_2051 : f32 to vector<16xf32>
    %add3A_2053 = arith.addf %add3A_2052, %exp3A_2050 : vector<16xf32>
    %div3A_2054 = arith.divf %exp3A_2050, %add3A_2053 : vector<16xf32>
    %mul3A_2055 = arith.mulf %div3A_2054, %div3A_2054 : vector<16xf32>
    %mul3A_2056 = arith.constant 0.111111112 : f32
    %mul3A_2057 = vector.broadcast %mul3A_2056 : f32 to vector<16xf32>
    %mul3A_2058 = arith.mulf %mul3A_2055, %mul3A_2057 : vector<16xf32>
    %add3A_2059 = arith.constant 0.142857149 : f32
    %add3A_2060 = vector.broadcast %add3A_2059 : f32 to vector<16xf32>
    %add3A_2061 = arith.addf %add3A_2060, %mul3A_2058 : vector<16xf32>
    %mul3A_2062 = arith.mulf %mul3A_2055, %add3A_2061 : vector<16xf32>
    %add3A_2063 = arith.constant 2.000000e-01 : f32
    %add3A_2064 = vector.broadcast %add3A_2063 : f32 to vector<16xf32>
    %add3A_2065 = arith.addf %add3A_2064, %mul3A_2062 : vector<16xf32>
    %mul3A_2066 = arith.mulf %mul3A_2055, %add3A_2065 : vector<16xf32>
    %add3A_2067 = arith.constant 0.333333343 : f32
    %add3A_2068 = vector.broadcast %add3A_2067 : f32 to vector<16xf32>
    %add3A_2069 = arith.addf %add3A_2068, %mul3A_2066 : vector<16xf32>
    %mul3A_2070 = arith.mulf %mul3A_2055, %add3A_2069 : vector<16xf32>
    %add3A_2071 = arith.constant 1.000000e+00 : f32
    %add3A_2072 = vector.broadcast %add3A_2071 : f32 to vector<16xf32>
    %add3A_2073 = arith.addf %add3A_2072, %mul3A_2070 : vector<16xf32>
    %min3A_2074 = arith.constant 0.000000e+00 : f32
    %min3A_2075 = vector.broadcast %min3A_2074 : f32 to vector<16xf32>
    %min3A_2076 = arith.minimumf %add3A_2045, %min3A_2075 : vector<16xf32>
    %mul3A_2077 = arith.constant 2.000000e+00 : f32
    %mul3A_2078 = vector.broadcast %mul3A_2077 : f32 to vector<16xf32>
    %mul3A_2079 = arith.mulf %mul3A_2078, %div3A_2054 : vector<16xf32>
    %mul3A_2080 = arith.mulf %mul3A_2079, %add3A_2073 : vector<16xf32>
    %sub3A_2081 = arith.subf %min3A_2076, %mul3A_2080 : vector<16xf32>
    %swap3A_2082 = arith.constant 368 : index
    %swap3A_2083 = tpu.vector_load %arg13[%swap3A_2082] {strides = array<i32>} : memref<512xf32, #tpu.memory_space<vmem>>, vector<16xf32>,
    tpu.vector_store %arg13[%swap3A_2082], %sub3A_2081 {strides = array<i32>} : memref<512xf32, #tpu.memory_space<vmem>>, vector<16xf32>,
    %add3A_2084 = arith.constant 384 : i32
    %add3A_2085 = arith.addi %multiple_of3A_986, %add3A_2084 : i32
    %multiple_of3A_2086 = tpu.assume_multiple %add3A_2085, 16 : i32
    %get3A_2087 = arith.index_cast %multiple_of3A_2086 : i32 to index
    %get3A_2088 = tpu.vector_load %arg11[%get3A_2087] {strides = array<i32>} : memref<1024xf32, #tpu.memory_space<vmem>>, vector<16xf32>,
    %get3A_2089 = arith.index_cast %multiple_of3A_2086 : i32 to index
    %get3A_2090 = tpu.vector_load %arg12[%get3A_2089] {strides = array<i32>} : memref<1024xf32, #tpu.memory_space<vmem>>, vector<16xf32>,
    %add3A_2091 = arith.addf %get3A_2088, %get3A_2090 : vector<16xf32>
    %abs3A_2092 = math.absf %add3A_2091 : vector<16xf32>
    %neg3A_2093 = arith.constant 0.000000e+00 : f32
    %neg3A_2094 = vector.broadcast %neg3A_2093 : f32 to vector<16xf32>
    %neg3A_2095 = arith.subf %neg3A_2094, %abs3A_2092 : vector<16xf32>
    %exp3A_2096 = math.exp %neg3A_2095 : vector<16xf32>
    %add3A_2097 = arith.constant 2.000000e+00 : f32
    %add3A_2098 = vector.broadcast %add3A_2097 : f32 to vector<16xf32>
    %add3A_2099 = arith.addf %add3A_2098, %exp3A_2096 : vector<16xf32>
    %div3A_2100 = arith.divf %exp3A_2096, %add3A_2099 : vector<16xf32>
    %mul3A_2101 = arith.mulf %div3A_2100, %div3A_2100 : vector<16xf32>
    %mul3A_2102 = arith.constant 0.111111112 : f32
    %mul3A_2103 = vector.broadcast %mul3A_2102 : f32 to vector<16xf32>
    %mul3A_2104 = arith.mulf %mul3A_2101, %mul3A_2103 : vector<16xf32>
    %add3A_2105 = arith.constant 0.142857149 : f32
    %add3A_2106 = vector.broadcast %add3A_2105 : f32 to vector<16xf32>
    %add3A_2107 = arith.addf %add3A_2106, %mul3A_2104 : vector<16xf32>
    %mul3A_2108 = arith.mulf %mul3A_2101, %add3A_2107 : vector<16xf32>
    %add3A_2109 = arith.constant 2.000000e-01 : f32
    %add3A_2110 = vector.broadcast %add3A_2109 : f32 to vector<16xf32>
    %add3A_2111 = arith.addf %add3A_2110, %mul3A_2108 : vector<16xf32>
    %mul3A_2112 = arith.mulf %mul3A_2101, %add3A_2111 : vector<16xf32>
    %add3A_2113 = arith.constant 0.333333343 : f32
    %add3A_2114 = vector.broadcast %add3A_2113 : f32 to vector<16xf32>
    %add3A_2115 = arith.addf %add3A_2114, %mul3A_2112 : vector<16xf32>
    %mul3A_2116 = arith.mulf %mul3A_2101, %add3A_2115 : vector<16xf32>
    %add3A_2117 = arith.constant 1.000000e+00 : f32
    %add3A_2118 = vector.broadcast %add3A_2117 : f32 to vector<16xf32>
    %add3A_2119 = arith.addf %add3A_2118, %mul3A_2116 : vector<16xf32>
    %min3A_2120 = arith.constant 0.000000e+00 : f32
    %min3A_2121 = vector.broadcast %min3A_2120 : f32 to vector<16xf32>
    %min3A_2122 = arith.minimumf %add3A_2091, %min3A_2121 : vector<16xf32>
    %mul3A_2123 = arith.constant 2.000000e+00 : f32
    %mul3A_2124 = vector.broadcast %mul3A_2123 : f32 to vector<16xf32>
    %mul3A_2125 = arith.mulf %mul3A_2124, %div3A_2100 : vector<16xf32>
    %mul3A_2126 = arith.mulf %mul3A_2125, %add3A_2119 : vector<16xf32>
    %sub3A_2127 = arith.subf %min3A_2122, %mul3A_2126 : vector<16xf32>
    %swap3A_2128 = arith.constant 384 : index
    %swap3A_2129 = tpu.vector_load %arg13[%swap3A_2128] {strides = array<i32>} : memref<512xf32, #tpu.memory_space<vmem>>, vector<16xf32>,
    tpu.vector_store %arg13[%swap3A_2128], %sub3A_2127 {strides = array<i32>} : memref<512xf32, #tpu.memory_space<vmem>>, vector<16xf32>,
    %add3A_2130 = arith.constant 400 : i32
    %add3A_2131 = arith.addi %multiple_of3A_986, %add3A_2130 : i32
    %multiple_of3A_2132 = tpu.assume_multiple %add3A_2131, 16 : i32
    %get3A_2133 = arith.index_cast %multiple_of3A_2132 : i32 to index
    %get3A_2134 = tpu.vector_load %arg11[%get3A_2133] {strides = array<i32>} : memref<1024xf32, #tpu.memory_space<vmem>>, vector<16xf32>,
    %get3A_2135 = arith.index_cast %multiple_of3A_2132 : i32 to index
    %get3A_2136 = tpu.vector_load %arg12[%get3A_2135] {strides = array<i32>} : memref<1024xf32, #tpu.memory_space<vmem>>, vector<16xf32>,
    %add3A_2137 = arith.addf %get3A_2134, %get3A_2136 : vector<16xf32>
    %abs3A_2138 = math.absf %add3A_2137 : vector<16xf32>
    %neg3A_2139 = arith.constant 0.000000e+00 : f32
    %neg3A_2140 = vector.broadcast %neg3A_2139 : f32 to vector<16xf32>
    %neg3A_2141 = arith.subf %neg3A_2140, %abs3A_2138 : vector<16xf32>
    %exp3A_2142 = math.exp %neg3A_2141 : vector<16xf32>
    %add3A_2143 = arith.constant 2.000000e+00 : f32
    %add3A_2144 = vector.broadcast %add3A_2143 : f32 to vector<16xf32>
    %add3A_2145 = arith.addf %add3A_2144, %exp3A_2142 : vector<16xf32>
    %div3A_2146 = arith.divf %exp3A_2142, %add3A_2145 : vector<16xf32>
    %mul3A_2147 = arith.mulf %div3A_2146, %div3A_2146 : vector<16xf32>
    %mul3A_2148 = arith.constant 0.111111112 : f32
    %mul3A_2149 = vector.broadcast %mul3A_2148 : f32 to vector<16xf32>
    %mul3A_2150 = arith.mulf %mul3A_2147, %mul3A_2149 : vector<16xf32>
    %add3A_2151 = arith.constant 0.142857149 : f32
    %add3A_2152 = vector.broadcast %add3A_2151 : f32 to vector<16xf32>
    %add3A_2153 = arith.addf %add3A_2152, %mul3A_2150 : vector<16xf32>
    %mul3A_2154 = arith.mulf %mul3A_2147, %add3A_2153 : vector<16xf32>
    %add3A_2155 = arith.constant 2.000000e-01 : f32
    %add3A_2156 = vector.broadcast %add3A_2155 : f32 to vector<16xf32>
    %add3A_2157 = arith.addf %add3A_2156, %mul3A_2154 : vector<16xf32>
    %mul3A_2158 = arith.mulf %mul3A_2147, %add3A_2157 : vector<16xf32>
    %add3A_2159 = arith.constant 0.333333343 : f32
    %add3A_2160 = vector.broadcast %add3A_2159 : f32 to vector<16xf32>
    %add3A_2161 = arith.addf %add3A_2160, %mul3A_2158 : vector<16xf32>
    %mul3A_2162 = arith.mulf %mul3A_2147, %add3A_2161 : vector<16xf32>
    %add3A_2163 = arith.constant 1.000000e+00 : f32
    %add3A_2164 = vector.broadcast %add3A_2163 : f32 to vector<16xf32>
    %add3A_2165 = arith.addf %add3A_2164, %mul3A_2162 : vector<16xf32>
    %min3A_2166 = arith.constant 0.000000e+00 : f32
    %min3A_2167 = vector.broadcast %min3A_2166 : f32 to vector<16xf32>
    %min3A_2168 = arith.minimumf %add3A_2137, %min3A_2167 : vector<16xf32>
    %mul3A_2169 = arith.constant 2.000000e+00 : f32
    %mul3A_2170 = vector.broadcast %mul3A_2169 : f32 to vector<16xf32>
    %mul3A_2171 = arith.mulf %mul3A_2170, %div3A_2146 : vector<16xf32>
    %mul3A_2172 = arith.mulf %mul3A_2171, %add3A_2165 : vector<16xf32>
    %sub3A_2173 = arith.subf %min3A_2168, %mul3A_2172 : vector<16xf32>
    %swap3A_2174 = arith.constant 400 : index
    %swap3A_2175 = tpu.vector_load %arg13[%swap3A_2174] {strides = array<i32>} : memref<512xf32, #tpu.memory_space<vmem>>, vector<16xf32>,
    tpu.vector_store %arg13[%swap3A_2174], %sub3A_2173 {strides = array<i32>} : memref<512xf32, #tpu.memory_space<vmem>>, vector<16xf32>,
    %add3A_2176 = arith.constant 416 : i32
    %add3A_2177 = arith.addi %multiple_of3A_986, %add3A_2176 : i32
    %multiple_of3A_2178 = tpu.assume_multiple %add3A_2177, 16 : i32
    %get3A_2179 = arith.index_cast %multiple_of3A_2178 : i32 to index
    %get3A_2180 = tpu.vector_load %arg11[%get3A_2179] {strides = array<i32>} : memref<1024xf32, #tpu.memory_space<vmem>>, vector<16xf32>,
    %get3A_2181 = arith.index_cast %multiple_of3A_2178 : i32 to index
    %get3A_2182 = tpu.vector_load %arg12[%get3A_2181] {strides = array<i32>} : memref<1024xf32, #tpu.memory_space<vmem>>, vector<16xf32>,
    %add3A_2183 = arith.addf %get3A_2180, %get3A_2182 : vector<16xf32>
    %abs3A_2184 = math.absf %add3A_2183 : vector<16xf32>
    %neg3A_2185 = arith.constant 0.000000e+00 : f32
    %neg3A_2186 = vector.broadcast %neg3A_2185 : f32 to vector<16xf32>
    %neg3A_2187 = arith.subf %neg3A_2186, %abs3A_2184 : vector<16xf32>
    %exp3A_2188 = math.exp %neg3A_2187 : vector<16xf32>
    %add3A_2189 = arith.constant 2.000000e+00 : f32
    %add3A_2190 = vector.broadcast %add3A_2189 : f32 to vector<16xf32>
    %add3A_2191 = arith.addf %add3A_2190, %exp3A_2188 : vector<16xf32>
    %div3A_2192 = arith.divf %exp3A_2188, %add3A_2191 : vector<16xf32>
    %mul3A_2193 = arith.mulf %div3A_2192, %div3A_2192 : vector<16xf32>
    %mul3A_2194 = arith.constant 0.111111112 : f32
    %mul3A_2195 = vector.broadcast %mul3A_2194 : f32 to vector<16xf32>
    %mul3A_2196 = arith.mulf %mul3A_2193, %mul3A_2195 : vector<16xf32>
    %add3A_2197 = arith.constant 0.142857149 : f32
    %add3A_2198 = vector.broadcast %add3A_2197 : f32 to vector<16xf32>
    %add3A_2199 = arith.addf %add3A_2198, %mul3A_2196 : vector<16xf32>
    %mul3A_2200 = arith.mulf %mul3A_2193, %add3A_2199 : vector<16xf32>
    %add3A_2201 = arith.constant 2.000000e-01 : f32
    %add3A_2202 = vector.broadcast %add3A_2201 : f32 to vector<16xf32>
    %add3A_2203 = arith.addf %add3A_2202, %mul3A_2200 : vector<16xf32>
    %mul3A_2204 = arith.mulf %mul3A_2193, %add3A_2203 : vector<16xf32>
    %add3A_2205 = arith.constant 0.333333343 : f32
    %add3A_2206 = vector.broadcast %add3A_2205 : f32 to vector<16xf32>
    %add3A_2207 = arith.addf %add3A_2206, %mul3A_2204 : vector<16xf32>
    %mul3A_2208 = arith.mulf %mul3A_2193, %add3A_2207 : vector<16xf32>
    %add3A_2209 = arith.constant 1.000000e+00 : f32
    %add3A_2210 = vector.broadcast %add3A_2209 : f32 to vector<16xf32>
    %add3A_2211 = arith.addf %add3A_2210, %mul3A_2208 : vector<16xf32>
    %min3A_2212 = arith.constant 0.000000e+00 : f32
    %min3A_2213 = vector.broadcast %min3A_2212 : f32 to vector<16xf32>
    %min3A_2214 = arith.minimumf %add3A_2183, %min3A_2213 : vector<16xf32>
    %mul3A_2215 = arith.constant 2.000000e+00 : f32
    %mul3A_2216 = vector.broadcast %mul3A_2215 : f32 to vector<16xf32>
    %mul3A_2217 = arith.mulf %mul3A_2216, %div3A_2192 : vector<16xf32>
    %mul3A_2218 = arith.mulf %mul3A_2217, %add3A_2211 : vector<16xf32>
    %sub3A_2219 = arith.subf %min3A_2214, %mul3A_2218 : vector<16xf32>
    %swap3A_2220 = arith.constant 416 : index
    %swap3A_2221 = tpu.vector_load %arg13[%swap3A_2220] {strides = array<i32>} : memref<512xf32, #tpu.memory_space<vmem>>, vector<16xf32>,
    tpu.vector_store %arg13[%swap3A_2220], %sub3A_2219 {strides = array<i32>} : memref<512xf32, #tpu.memory_space<vmem>>, vector<16xf32>,
    %add3A_2222 = arith.constant 432 : i32
    %add3A_2223 = arith.addi %multiple_of3A_986, %add3A_2222 : i32
    %multiple_of3A_2224 = tpu.assume_multiple %add3A_2223, 16 : i32
    %get3A_2225 = arith.index_cast %multiple_of3A_2224 : i32 to index
    %get3A_2226 = tpu.vector_load %arg11[%get3A_2225] {strides = array<i32>} : memref<1024xf32, #tpu.memory_space<vmem>>, vector<16xf32>,
    %get3A_2227 = arith.index_cast %multiple_of3A_2224 : i32 to index
    %get3A_2228 = tpu.vector_load %arg12[%get3A_2227] {strides = array<i32>} : memref<1024xf32, #tpu.memory_space<vmem>>, vector<16xf32>,
    %add3A_2229 = arith.addf %get3A_2226, %get3A_2228 : vector<16xf32>
    %abs3A_2230 = math.absf %add3A_2229 : vector<16xf32>
    %neg3A_2231 = arith.constant 0.000000e+00 : f32
    %neg3A_2232 = vector.broadcast %neg3A_2231 : f32 to vector<16xf32>
    %neg3A_2233 = arith.subf %neg3A_2232, %abs3A_2230 : vector<16xf32>
    %exp3A_2234 = math.exp %neg3A_2233 : vector<16xf32>
    %add3A_2235 = arith.constant 2.000000e+00 : f32
    %add3A_2236 = vector.broadcast %add3A_2235 : f32 to vector<16xf32>
    %add3A_2237 = arith.addf %add3A_2236, %exp3A_2234 : vector<16xf32>
    %div3A_2238 = arith.divf %exp3A_2234, %add3A_2237 : vector<16xf32>
    %mul3A_2239 = arith.mulf %div3A_2238, %div3A_2238 : vector<16xf32>
    %mul3A_2240 = arith.constant 0.111111112 : f32
    %mul3A_2241 = vector.broadcast %mul3A_2240 : f32 to vector<16xf32>
    %mul3A_2242 = arith.mulf %mul3A_2239, %mul3A_2241 : vector<16xf32>
    %add3A_2243 = arith.constant 0.142857149 : f32
    %add3A_2244 = vector.broadcast %add3A_2243 : f32 to vector<16xf32>
    %add3A_2245 = arith.addf %add3A_2244, %mul3A_2242 : vector<16xf32>
    %mul3A_2246 = arith.mulf %mul3A_2239, %add3A_2245 : vector<16xf32>
    %add3A_2247 = arith.constant 2.000000e-01 : f32
    %add3A_2248 = vector.broadcast %add3A_2247 : f32 to vector<16xf32>
    %add3A_2249 = arith.addf %add3A_2248, %mul3A_2246 : vector<16xf32>
    %mul3A_2250 = arith.mulf %mul3A_2239, %add3A_2249 : vector<16xf32>
    %add3A_2251 = arith.constant 0.333333343 : f32
    %add3A_2252 = vector.broadcast %add3A_2251 : f32 to vector<16xf32>
    %add3A_2253 = arith.addf %add3A_2252, %mul3A_2250 : vector<16xf32>
    %mul3A_2254 = arith.mulf %mul3A_2239, %add3A_2253 : vector<16xf32>
    %add3A_2255 = arith.constant 1.000000e+00 : f32
    %add3A_2256 = vector.broadcast %add3A_2255 : f32 to vector<16xf32>
    %add3A_2257 = arith.addf %add3A_2256, %mul3A_2254 : vector<16xf32>
    %min3A_2258 = arith.constant 0.000000e+00 : f32
    %min3A_2259 = vector.broadcast %min3A_2258 : f32 to vector<16xf32>
    %min3A_2260 = arith.minimumf %add3A_2229, %min3A_2259 : vector<16xf32>
    %mul3A_2261 = arith.constant 2.000000e+00 : f32
    %mul3A_2262 = vector.broadcast %mul3A_2261 : f32 to vector<16xf32>
    %mul3A_2263 = arith.mulf %mul3A_2262, %div3A_2238 : vector<16xf32>
    %mul3A_2264 = arith.mulf %mul3A_2263, %add3A_2257 : vector<16xf32>
    %sub3A_2265 = arith.subf %min3A_2260, %mul3A_2264 : vector<16xf32>
    %swap3A_2266 = arith.constant 432 : index
    %swap3A_2267 = tpu.vector_load %arg13[%swap3A_2266] {strides = array<i32>} : memref<512xf32, #tpu.memory_space<vmem>>, vector<16xf32>,
    tpu.vector_store %arg13[%swap3A_2266], %sub3A_2265 {strides = array<i32>} : memref<512xf32, #tpu.memory_space<vmem>>, vector<16xf32>,
    %add3A_2268 = arith.constant 448 : i32
    %add3A_2269 = arith.addi %multiple_of3A_986, %add3A_2268 : i32
    %multiple_of3A_2270 = tpu.assume_multiple %add3A_2269, 16 : i32
    %get3A_2271 = arith.index_cast %multiple_of3A_2270 : i32 to index
    %get3A_2272 = tpu.vector_load %arg11[%get3A_2271] {strides = array<i32>} : memref<1024xf32, #tpu.memory_space<vmem>>, vector<16xf32>,
    %get3A_2273 = arith.index_cast %multiple_of3A_2270 : i32 to index
    %get3A_2274 = tpu.vector_load %arg12[%get3A_2273] {strides = array<i32>} : memref<1024xf32, #tpu.memory_space<vmem>>, vector<16xf32>,
    %add3A_2275 = arith.addf %get3A_2272, %get3A_2274 : vector<16xf32>
    %abs3A_2276 = math.absf %add3A_2275 : vector<16xf32>
    %neg3A_2277 = arith.constant 0.000000e+00 : f32
    %neg3A_2278 = vector.broadcast %neg3A_2277 : f32 to vector<16xf32>
    %neg3A_2279 = arith.subf %neg3A_2278, %abs3A_2276 : vector<16xf32>
    %exp3A_2280 = math.exp %neg3A_2279 : vector<16xf32>
    %add3A_2281 = arith.constant 2.000000e+00 : f32
    %add3A_2282 = vector.broadcast %add3A_2281 : f32 to vector<16xf32>
    %add3A_2283 = arith.addf %add3A_2282, %exp3A_2280 : vector<16xf32>
    %div3A_2284 = arith.divf %exp3A_2280, %add3A_2283 : vector<16xf32>
    %mul3A_2285 = arith.mulf %div3A_2284, %div3A_2284 : vector<16xf32>
    %mul3A_2286 = arith.constant 0.111111112 : f32
    %mul3A_2287 = vector.broadcast %mul3A_2286 : f32 to vector<16xf32>
    %mul3A_2288 = arith.mulf %mul3A_2285, %mul3A_2287 : vector<16xf32>
    %add3A_2289 = arith.constant 0.142857149 : f32
    %add3A_2290 = vector.broadcast %add3A_2289 : f32 to vector<16xf32>
    %add3A_2291 = arith.addf %add3A_2290, %mul3A_2288 : vector<16xf32>
    %mul3A_2292 = arith.mulf %mul3A_2285, %add3A_2291 : vector<16xf32>
    %add3A_2293 = arith.constant 2.000000e-01 : f32
    %add3A_2294 = vector.broadcast %add3A_2293 : f32 to vector<16xf32>
    %add3A_2295 = arith.addf %add3A_2294, %mul3A_2292 : vector<16xf32>
    %mul3A_2296 = arith.mulf %mul3A_2285, %add3A_2295 : vector<16xf32>
    %add3A_2297 = arith.constant 0.333333343 : f32
    %add3A_2298 = vector.broadcast %add3A_2297 : f32 to vector<16xf32>
    %add3A_2299 = arith.addf %add3A_2298, %mul3A_2296 : vector<16xf32>
    %mul3A_2300 = arith.mulf %mul3A_2285, %add3A_2299 : vector<16xf32>
    %add3A_2301 = arith.constant 1.000000e+00 : f32
    %add3A_2302 = vector.broadcast %add3A_2301 : f32 to vector<16xf32>
    %add3A_2303 = arith.addf %add3A_2302, %mul3A_2300 : vector<16xf32>
    %min3A_2304 = arith.constant 0.000000e+00 : f32
    %min3A_2305 = vector.broadcast %min3A_2304 : f32 to vector<16xf32>
    %min3A_2306 = arith.minimumf %add3A_2275, %min3A_2305 : vector<16xf32>
    %mul3A_2307 = arith.constant 2.000000e+00 : f32
    %mul3A_2308 = vector.broadcast %mul3A_2307 : f32 to vector<16xf32>
    %mul3A_2309 = arith.mulf %mul3A_2308, %div3A_2284 : vector<16xf32>
    %mul3A_2310 = arith.mulf %mul3A_2309, %add3A_2303 : vector<16xf32>
    %sub3A_2311 = arith.subf %min3A_2306, %mul3A_2310 : vector<16xf32>
    %swap3A_2312 = arith.constant 448 : index
    %swap3A_2313 = tpu.vector_load %arg13[%swap3A_2312] {strides = array<i32>} : memref<512xf32, #tpu.memory_space<vmem>>, vector<16xf32>,
    tpu.vector_store %arg13[%swap3A_2312], %sub3A_2311 {strides = array<i32>} : memref<512xf32, #tpu.memory_space<vmem>>, vector<16xf32>,
    %add3A_2314 = arith.constant 464 : i32
    %add3A_2315 = arith.addi %multiple_of3A_986, %add3A_2314 : i32
    %multiple_of3A_2316 = tpu.assume_multiple %add3A_2315, 16 : i32
    %get3A_2317 = arith.index_cast %multiple_of3A_2316 : i32 to index
    %get3A_2318 = tpu.vector_load %arg11[%get3A_2317] {strides = array<i32>} : memref<1024xf32, #tpu.memory_space<vmem>>, vector<16xf32>,
    %get3A_2319 = arith.index_cast %multiple_of3A_2316 : i32 to index
    %get3A_2320 = tpu.vector_load %arg12[%get3A_2319] {strides = array<i32>} : memref<1024xf32, #tpu.memory_space<vmem>>, vector<16xf32>,
    %add3A_2321 = arith.addf %get3A_2318, %get3A_2320 : vector<16xf32>
    %abs3A_2322 = math.absf %add3A_2321 : vector<16xf32>
    %neg3A_2323 = arith.constant 0.000000e+00 : f32
    %neg3A_2324 = vector.broadcast %neg3A_2323 : f32 to vector<16xf32>
    %neg3A_2325 = arith.subf %neg3A_2324, %abs3A_2322 : vector<16xf32>
    %exp3A_2326 = math.exp %neg3A_2325 : vector<16xf32>
    %add3A_2327 = arith.constant 2.000000e+00 : f32
    %add3A_2328 = vector.broadcast %add3A_2327 : f32 to vector<16xf32>
    %add3A_2329 = arith.addf %add3A_2328, %exp3A_2326 : vector<16xf32>
    %div3A_2330 = arith.divf %exp3A_2326, %add3A_2329 : vector<16xf32>
    %mul3A_2331 = arith.mulf %div3A_2330, %div3A_2330 : vector<16xf32>
    %mul3A_2332 = arith.constant 0.111111112 : f32
    %mul3A_2333 = vector.broadcast %mul3A_2332 : f32 to vector<16xf32>
    %mul3A_2334 = arith.mulf %mul3A_2331, %mul3A_2333 : vector<16xf32>
    %add3A_2335 = arith.constant 0.142857149 : f32
    %add3A_2336 = vector.broadcast %add3A_2335 : f32 to vector<16xf32>
    %add3A_2337 = arith.addf %add3A_2336, %mul3A_2334 : vector<16xf32>
    %mul3A_2338 = arith.mulf %mul3A_2331, %add3A_2337 : vector<16xf32>
    %add3A_2339 = arith.constant 2.000000e-01 : f32
    %add3A_2340 = vector.broadcast %add3A_2339 : f32 to vector<16xf32>
    %add3A_2341 = arith.addf %add3A_2340, %mul3A_2338 : vector<16xf32>
    %mul3A_2342 = arith.mulf %mul3A_2331, %add3A_2341 : vector<16xf32>
    %add3A_2343 = arith.constant 0.333333343 : f32
    %add3A_2344 = vector.broadcast %add3A_2343 : f32 to vector<16xf32>
    %add3A_2345 = arith.addf %add3A_2344, %mul3A_2342 : vector<16xf32>
    %mul3A_2346 = arith.mulf %mul3A_2331, %add3A_2345 : vector<16xf32>
    %add3A_2347 = arith.constant 1.000000e+00 : f32
    %add3A_2348 = vector.broadcast %add3A_2347 : f32 to vector<16xf32>
    %add3A_2349 = arith.addf %add3A_2348, %mul3A_2346 : vector<16xf32>
    %min3A_2350 = arith.constant 0.000000e+00 : f32
    %min3A_2351 = vector.broadcast %min3A_2350 : f32 to vector<16xf32>
    %min3A_2352 = arith.minimumf %add3A_2321, %min3A_2351 : vector<16xf32>
    %mul3A_2353 = arith.constant 2.000000e+00 : f32
    %mul3A_2354 = vector.broadcast %mul3A_2353 : f32 to vector<16xf32>
    %mul3A_2355 = arith.mulf %mul3A_2354, %div3A_2330 : vector<16xf32>
    %mul3A_2356 = arith.mulf %mul3A_2355, %add3A_2349 : vector<16xf32>
    %sub3A_2357 = arith.subf %min3A_2352, %mul3A_2356 : vector<16xf32>
    %swap3A_2358 = arith.constant 464 : index
    %swap3A_2359 = tpu.vector_load %arg13[%swap3A_2358] {strides = array<i32>} : memref<512xf32, #tpu.memory_space<vmem>>, vector<16xf32>,
    tpu.vector_store %arg13[%swap3A_2358], %sub3A_2357 {strides = array<i32>} : memref<512xf32, #tpu.memory_space<vmem>>, vector<16xf32>,
    %add3A_2360 = arith.constant 480 : i32
    %add3A_2361 = arith.addi %multiple_of3A_986, %add3A_2360 : i32
    %multiple_of3A_2362 = tpu.assume_multiple %add3A_2361, 16 : i32
    %get3A_2363 = arith.index_cast %multiple_of3A_2362 : i32 to index
    %get3A_2364 = tpu.vector_load %arg11[%get3A_2363] {strides = array<i32>} : memref<1024xf32, #tpu.memory_space<vmem>>, vector<16xf32>,
    %get3A_2365 = arith.index_cast %multiple_of3A_2362 : i32 to index
    %get3A_2366 = tpu.vector_load %arg12[%get3A_2365] {strides = array<i32>} : memref<1024xf32, #tpu.memory_space<vmem>>, vector<16xf32>,
    %add3A_2367 = arith.addf %get3A_2364, %get3A_2366 : vector<16xf32>
    %abs3A_2368 = math.absf %add3A_2367 : vector<16xf32>
    %neg3A_2369 = arith.constant 0.000000e+00 : f32
    %neg3A_2370 = vector.broadcast %neg3A_2369 : f32 to vector<16xf32>
    %neg3A_2371 = arith.subf %neg3A_2370, %abs3A_2368 : vector<16xf32>
    %exp3A_2372 = math.exp %neg3A_2371 : vector<16xf32>
    %add3A_2373 = arith.constant 2.000000e+00 : f32
    %add3A_2374 = vector.broadcast %add3A_2373 : f32 to vector<16xf32>
    %add3A_2375 = arith.addf %add3A_2374, %exp3A_2372 : vector<16xf32>
    %div3A_2376 = arith.divf %exp3A_2372, %add3A_2375 : vector<16xf32>
    %mul3A_2377 = arith.mulf %div3A_2376, %div3A_2376 : vector<16xf32>
    %mul3A_2378 = arith.constant 0.111111112 : f32
    %mul3A_2379 = vector.broadcast %mul3A_2378 : f32 to vector<16xf32>
    %mul3A_2380 = arith.mulf %mul3A_2377, %mul3A_2379 : vector<16xf32>
    %add3A_2381 = arith.constant 0.142857149 : f32
    %add3A_2382 = vector.broadcast %add3A_2381 : f32 to vector<16xf32>
    %add3A_2383 = arith.addf %add3A_2382, %mul3A_2380 : vector<16xf32>
    %mul3A_2384 = arith.mulf %mul3A_2377, %add3A_2383 : vector<16xf32>
    %add3A_2385 = arith.constant 2.000000e-01 : f32
    %add3A_2386 = vector.broadcast %add3A_2385 : f32 to vector<16xf32>
    %add3A_2387 = arith.addf %add3A_2386, %mul3A_2384 : vector<16xf32>
    %mul3A_2388 = arith.mulf %mul3A_2377, %add3A_2387 : vector<16xf32>
    %add3A_2389 = arith.constant 0.333333343 : f32
    %add3A_2390 = vector.broadcast %add3A_2389 : f32 to vector<16xf32>
    %add3A_2391 = arith.addf %add3A_2390, %mul3A_2388 : vector<16xf32>
    %mul3A_2392 = arith.mulf %mul3A_2377, %add3A_2391 : vector<16xf32>
    %add3A_2393 = arith.constant 1.000000e+00 : f32
    %add3A_2394 = vector.broadcast %add3A_2393 : f32 to vector<16xf32>
    %add3A_2395 = arith.addf %add3A_2394, %mul3A_2392 : vector<16xf32>
    %min3A_2396 = arith.constant 0.000000e+00 : f32
    %min3A_2397 = vector.broadcast %min3A_2396 : f32 to vector<16xf32>
    %min3A_2398 = arith.minimumf %add3A_2367, %min3A_2397 : vector<16xf32>
    %mul3A_2399 = arith.constant 2.000000e+00 : f32
    %mul3A_2400 = vector.broadcast %mul3A_2399 : f32 to vector<16xf32>
    %mul3A_2401 = arith.mulf %mul3A_2400, %div3A_2376 : vector<16xf32>
    %mul3A_2402 = arith.mulf %mul3A_2401, %add3A_2395 : vector<16xf32>
    %sub3A_2403 = arith.subf %min3A_2398, %mul3A_2402 : vector<16xf32>
    %swap3A_2404 = arith.constant 480 : index
    %swap3A_2405 = tpu.vector_load %arg13[%swap3A_2404] {strides = array<i32>} : memref<512xf32, #tpu.memory_space<vmem>>, vector<16xf32>,
    tpu.vector_store %arg13[%swap3A_2404], %sub3A_2403 {strides = array<i32>} : memref<512xf32, #tpu.memory_space<vmem>>, vector<16xf32>,
    %add3A_2406 = arith.constant 496 : i32
    %add3A_2407 = arith.addi %multiple_of3A_986, %add3A_2406 : i32
    %multiple_of3A_2408 = tpu.assume_multiple %add3A_2407, 16 : i32
    %get3A_2409 = arith.index_cast %multiple_of3A_2408 : i32 to index
    %get3A_2410 = tpu.vector_load %arg11[%get3A_2409] {strides = array<i32>} : memref<1024xf32, #tpu.memory_space<vmem>>, vector<16xf32>,
    %get3A_2411 = arith.index_cast %multiple_of3A_2408 : i32 to index
    %get3A_2412 = tpu.vector_load %arg12[%get3A_2411] {strides = array<i32>} : memref<1024xf32, #tpu.memory_space<vmem>>, vector<16xf32>,
    %add3A_2413 = arith.addf %get3A_2410, %get3A_2412 : vector<16xf32>
    %abs3A_2414 = math.absf %add3A_2413 : vector<16xf32>
    %neg3A_2415 = arith.constant 0.000000e+00 : f32
    %neg3A_2416 = vector.broadcast %neg3A_2415 : f32 to vector<16xf32>
    %neg3A_2417 = arith.subf %neg3A_2416, %abs3A_2414 : vector<16xf32>
    %exp3A_2418 = math.exp %neg3A_2417 : vector<16xf32>
    %add3A_2419 = arith.constant 2.000000e+00 : f32
    %add3A_2420 = vector.broadcast %add3A_2419 : f32 to vector<16xf32>
    %add3A_2421 = arith.addf %add3A_2420, %exp3A_2418 : vector<16xf32>
    %div3A_2422 = arith.divf %exp3A_2418, %add3A_2421 : vector<16xf32>
    %mul3A_2423 = arith.mulf %div3A_2422, %div3A_2422 : vector<16xf32>
    %mul3A_2424 = arith.constant 0.111111112 : f32
    %mul3A_2425 = vector.broadcast %mul3A_2424 : f32 to vector<16xf32>
    %mul3A_2426 = arith.mulf %mul3A_2423, %mul3A_2425 : vector<16xf32>
    %add3A_2427 = arith.constant 0.142857149 : f32
    %add3A_2428 = vector.broadcast %add3A_2427 : f32 to vector<16xf32>
    %add3A_2429 = arith.addf %add3A_2428, %mul3A_2426 : vector<16xf32>
    %mul3A_2430 = arith.mulf %mul3A_2423, %add3A_2429 : vector<16xf32>
    %add3A_2431 = arith.constant 2.000000e-01 : f32
    %add3A_2432 = vector.broadcast %add3A_2431 : f32 to vector<16xf32>
    %add3A_2433 = arith.addf %add3A_2432, %mul3A_2430 : vector<16xf32>
    %mul3A_2434 = arith.mulf %mul3A_2423, %add3A_2433 : vector<16xf32>
    %add3A_2435 = arith.constant 0.333333343 : f32
    %add3A_2436 = vector.broadcast %add3A_2435 : f32 to vector<16xf32>
    %add3A_2437 = arith.addf %add3A_2436, %mul3A_2434 : vector<16xf32>
    %mul3A_2438 = arith.mulf %mul3A_2423, %add3A_2437 : vector<16xf32>
    %add3A_2439 = arith.constant 1.000000e+00 : f32
    %add3A_2440 = vector.broadcast %add3A_2439 : f32 to vector<16xf32>
    %add3A_2441 = arith.addf %add3A_2440, %mul3A_2438 : vector<16xf32>
    %min3A_2442 = arith.constant 0.000000e+00 : f32
    %min3A_2443 = vector.broadcast %min3A_2442 : f32 to vector<16xf32>
    %min3A_2444 = arith.minimumf %add3A_2413, %min3A_2443 : vector<16xf32>
    %mul3A_2445 = arith.constant 2.000000e+00 : f32
    %mul3A_2446 = vector.broadcast %mul3A_2445 : f32 to vector<16xf32>
    %mul3A_2447 = arith.mulf %mul3A_2446, %div3A_2422 : vector<16xf32>
    %mul3A_2448 = arith.mulf %mul3A_2447, %add3A_2441 : vector<16xf32>
    %sub3A_2449 = arith.subf %min3A_2444, %mul3A_2448 : vector<16xf32>
    %swap3A_2450 = arith.constant 496 : index
    %swap3A_2451 = tpu.vector_load %arg13[%swap3A_2450] {strides = array<i32>} : memref<512xf32, #tpu.memory_space<vmem>>, vector<16xf32>,
    tpu.vector_store %arg13[%swap3A_2450], %sub3A_2449 {strides = array<i32>} : memref<512xf32, #tpu.memory_space<vmem>>, vector<16xf32>,
    %add3A_2452 = arith.addi %mul3A_4, %multiple_of3A_986 : i32
    "tpu.region"() ({
      %run_scoped3A = tpu.sem_alloc : memref<!tpu.dma_semaphore, #tpu.memory_space<semaphore_mem>>
      %dma_start3A_2453 = tpu.memref_slice %arg6[%add3A_2452] : memref<16384xf32, #tpu.memory_space<hbm>> -> memref<512xf32, #tpu.memory_space<hbm>>
      %dma_start3A_2454 = tpu.memref_slice %arg6[%add3A_2452] : memref<16384xf32, #tpu.memory_space<hbm>> -> memref<512xf32, #tpu.memory_space<hbm>>
      tpu.enqueue_dma source(%arg13 : memref<512xf32, #tpu.memory_space<vmem>>) target(%dma_start3A_2454 : memref<512xf32, #tpu.memory_space<hbm>>) target_semaphore(%run_scoped3A : memref<!tpu.dma_semaphore, #tpu.memory_space<semaphore_mem>>)
      %dma_wait3A = tpu.memref_slice %arg6[%add3A_2452] : memref<16384xf32, #tpu.memory_space<hbm>> -> memref<512xf32, #tpu.memory_space<hbm>>
      %dma_wait3A_2455 = tpu.memref_slice %arg6[%add3A_2452] : memref<16384xf32, #tpu.memory_space<hbm>> -> memref<512xf32, #tpu.memory_space<hbm>>
      tpu.wait_dma2 semaphore(%run_scoped3A : memref<!tpu.dma_semaphore, #tpu.memory_space<semaphore_mem>>) src(%arg13 : memref<512xf32, #tpu.memory_space<vmem>>) dst(%dma_wait3A_2455 : memref<512xf32, #tpu.memory_space<hbm>>)
      tpu.yield
    }) : () -> ()
    return
  }
}

</mosaic_0001>

<sc_bundles>
// kernel: kernel.3.cloned.1.call-start
scs
__scs_entry_jumppad:
0x0: {  	(pc) =	sbr.rel $0x88, $3  }
0x1: {  	(tag) =	ssettag $0x0;
	lr =	simm.s32 $0x1  }
0x2: {  	[smem:$0x3F9D] =	sst lr;
	_ =	strace $0xD0000000  }
0x3: {  	_ = 	snop  }
0x4: {  	_ = 	snop  }
0x5: {  	_ = 	snop  }
0x6: {  	_ = 	snop  }
0x7: {  	_ = 	snop  }
__scs_overlays_trampoline_lowered:
0x8: {  	[smem:$0x3FAC] =	sst s0  }
0x9: {  	[smem:$0x3FAD] =	sst s1  }
0xa: {  	[smem:$0x3FAE] =	sst s2  }
0xb: {  	[smem:$0x3FAF] =	sst s3  }
0xc: {  	[smem:$0x3FB0] =	sst s4  }
0xd: {  	[smem:$0x3FB1] =	sst s5  }
0xe: {  	[smem:$0x3FB2] =	sst s6  }
0xf: {  	[smem:$0x3FB3] =	sst s7  }
0x10: {  	[smem:$0x3FB4] =	sst s8  }
0x11: {  	[smem:$0x3FB5] =	sst s9;
	s0 =	simm.s32 @!p0 $0x0  }
0x12: {  	s1 =	sld [smem:$0x3F9B];
	s0 =	simm.s32 @p0 $0x1  }
0x13: {  	[smem:$0x3FB6] =	sst s0;
	s0 =	simm.s32 @!p1 $0x0  }
0x14: {  	s2 =	sld [smem:$0x3F9A];
	s0 =	simm.s32 @p1 $0x1  }
0x15: {  	[smem:$0x3FB7] =	sst s0;
	s0 =	simm.s32 @!p2 $0x0  }
0x16: {  	s3 =	sld [smem:$0x3FDB];
	s0 =	simm.s32 @p2 $0x1  }
0x17: {  	s4 =	simm.s32 $0x1BF5;
	[smem:$0x3FB9] =	sst s0  }
0x18: {  	s0 =	sld [smem:$0x3F9C];
	_ =	swait.ge [sflag:s4], $0x0  }
0x19: {  	s7 =	sld [smem:$0x3F9D]  }
0x1a: {  	s8 =	sadd.s32 $0xFFFFE003, lr  }
0x1b: {  	s9 =	sadd.s32 $0xFFFFFEF7, lr;
	s5 =	simm.s32 $0xFFFFFFFF;
	p2 =	slt.u32 s8, $0xFFFFF086  }
0x1c: {  	p1 =	slt.u32 s9, $0xF7A;
	s5 =	simm.s32 @!p2 $0x0  }
0x1d: {  	s5 =	simm.s32 @p1 $0x1;
	p0 =	seq.s32 s7, s2  }
0x1e: {  	s7 =	smul.u32 @!p0 $0xF7A, s2;
	p2 =	seq.s32 @!p0 s5, $0x0  }
0x1f: {  	s9 =	smul.u32 $0xF7A, s1;
	s8 =	simm.s32 @!p0 $0x1BF5;
	p2 =	por !p2, p0  }
0x20: {  	[sflag:s8] =	ssyncset.s32 @!p0 $0xFFFFF086;
	s6 =	sadd.s32 @!p0 s3, s7;
	s7 =	simm.s32 @!p0 $0x108  }
0x21: {  	s3 =	sadd.s32 s3, s9;
	s6 =	sadd.s32 @!p0 $0x88, s6;
	s7 =	simm.s32 @p2 $0x1082  }
0x22: {  	[simem:s7], [sflag:s8] =	dma.local @!p0 [hbm:s6], $0xF7A  }
0x23: {  	s9 =	sor.u32 $0xD0000000, s2;
	s6 =	simm.s32 $0x108;
	_ =	swait.ge @!p0 [sflag:s8], $0x0  }
0x24: {  	s3 =	sadd.s32 $0x88, s3;
	s6 =	simm.s32 @!p1 $0x1082;
	[sflag:s4] =	ssyncset.s32 $0xFFFFF086  }
0x25: {  	[simem:s6], [sflag:s4] =	dma.local [hbm:s3], $0xF7A  }
0x26: {  	[smem:$0x3F9D] =	sst s1;
	(tag) =	ssettag s2;
	_ =	strace s9  }
0x27: {  	s1 =	sld [smem:$0x3FAD]  }
0x28: {  	s2 =	sld [smem:$0x3FAE]  }
0x29: {  	s4 =	sld [smem:$0x3FB0]  }
0x2a: {  	p0 =	seq.s32 s5, $0x0;
	s5 =	sld [smem:$0x3FB1]  }
0x2b: {  	s6 =	sld [smem:$0x3FB2]  }
0x2c: {  	s7 =	sld [smem:$0x3FB3]  }
0x2d: {  	s3 =	simm.s32 $0x108;
	s8 =	sld [smem:$0x3FB4]  }
0x2e: {  	s3 =	simm.s32 @!p0 $0x1082;
	s9 =	sld [smem:$0x3FB5]  }
0x2f: {  	lr =	sadd.s32 s0, s3;
	s0 =	sld [smem:$0x3FAC]  }
0x30: {  	s3 =	sld [smem:$0x3FAF]  }
0x31: {  	[smem:$0x3FB8] =	sst s10  }
0x32: {  	s10 =	sld [smem:$0x3FB6];
	_ =	sdelay $0x3  }
0x33: {  	p0 =	seq.s32 s10, $0x1;
	s10 =	sld [smem:$0x3FB8];
	_ =	sdelay $0x3  }
0x34: {  	[smem:$0x3FB8] =	sst s10  }
0x35: {  	s10 =	sld [smem:$0x3FB7];
	_ =	sdelay $0x3  }
0x36: {  	p1 =	seq.s32 s10, $0x1;
	s10 =	sld [smem:$0x3FB8];
	_ =	sdelay $0x3  }
0x37: {  	[smem:$0x3FB8] =	sst s10  }
0x38: {  	s10 =	sld [smem:$0x3FB9]  }
0x39: {  	_ = 	snop;
	(pc) =	sbr.ind lr, $3  }
0x3a: {  	_ = 	snop  }
0x3b: {  	_ = 	snop  }
0x3c: {  	p2 =	seq.s32 s10, $0x1;
	s10 =	sld [smem:$0x3FB8]  }
0x3d: {  	_ =	shalt  }
0x3e: {  	_ =	shalt  }
0x3f: {  	_ =	shalt  }
0x40: {  	_ =	shalt  }
0x41: {  	_ =	shalt  }
0x42: {  	_ =	shalt  }
0x43: {  	_ =	shalt  }
0x44: {  	_ =	shalt  }
0x45: {  	_ =	shalt  }
0x46: {  	_ =	shalt  }
0x47: {  	_ =	shalt  }
0x48: {  	_ =	shalt  }
0x49: {  	_ =	shalt  }
0x4a: {  	_ =	shalt  }
0x4b: {  	_ =	shalt  }
0x4c: {  	_ =	shalt  }
0x4d: {  	_ =	shalt  }
0x4e: {  	_ =	shalt  }
0x4f: {  	_ =	shalt  }
0x50: {  	_ =	shalt  }
0x51: {  	_ =	shalt  }
0x52: {  	_ =	shalt  }
0x53: {  	_ =	shalt  }
0x54: {  	_ =	shalt  }
0x55: {  	_ =	shalt  }
0x56: {  	_ =	shalt  }
0x57: {  	_ =	shalt  }
0x58: {  	_ =	shalt  }
0x59: {  	_ =	shalt  }
0x5a: {  	_ =	shalt  }
0x5b: {  	_ =	shalt  }
0x5c: {  	_ =	shalt  }
0x5d: {  	_ =	shalt  }
0x5e: {  	_ =	shalt  }
0x5f: {  	_ =	shalt  }
0x60: {  	_ =	shalt  }
0x61: {  	_ =	shalt  }
0x62: {  	_ =	shalt  }
0x63: {  	_ =	shalt  }
0x64: {  	_ =	shalt  }
0x65: {  	_ =	shalt  }
0x66: {  	_ =	shalt  }
0x67: {  	_ =	shalt  }
0x68: {  	_ =	shalt  }
0x69: {  	_ =	shalt  }
0x6a: {  	_ =	shalt  }
0x6b: {  	_ =	shalt  }
0x6c: {  	_ =	shalt  }
0x6d: {  	_ =	shalt  }
0x6e: {  	_ =	shalt  }
0x6f: {  	_ =	shalt  }
0x70: {  	_ =	shalt  }
0x71: {  	_ =	shalt  }
0x72: {  	_ =	shalt  }
0x73: {  	_ =	shalt  }
0x74: {  	_ =	shalt  }
0x75: {  	_ =	shalt  }
0x76: {  	_ =	shalt  }
0x77: {  	_ =	shalt  }
0x78: {  	_ =	shalt  }
0x79: {  	_ =	shalt  }
0x7a: {  	_ =	shalt  }
0x7b: {  	_ =	shalt  }
0x7c: {  	_ =	shalt  }
0x7d: {  	_ =	shalt  }
0x7e: {  	_ =	shalt  }
0x7f: {  	_ =	shalt  }
0x80: {  	_ =	shalt  }
0x81: {  	_ =	shalt  }
0x82: {  	_ =	shalt  }
0x83: {  	_ =	shalt  }
0x84: {  	_ =	shalt  }
0x85: {  	_ =	shalt  }
0x86: {  	_ =	shalt  }
0x87: {  	_ =	shalt  }
.Lfunc_end0:
.L_simem_size_0:
called_computation_lowered:
.L_overlay_start_0:
0x88: {  	s2 =	sld [smem:$0x3FD9]  }
0x89: {  	s3 =	sld [smem:$0x3FFE];
	_ =	sdelay $0x1  }
0x8a: {  	s1 =	srdreg.scid  }
0x8b: {  	s0 =	sand.u32 $0x1, s1  }
0x8c: {  	s18 =	sshll.u32 s0, $0xA;
	s2 =	sadd.s32 s3, s2  }
0x8d: {  	s2 =	sadd.s32 s2, s18  }
0x8e: {  	[smem:$0x3FC4] =	sst s2  }
0x8f: {  	_ = 	snop  }
0x90: {  	s2 =	sld [smem:$0x3FC9]  }
0x91: {  	s19 =	sld [smem:$0x3FC8]  }
0x92: {  	s4 =	sld [smem:$0x3FC7]  }
0x93: {  	s5 =	sld [smem:$0x3FC6]  }
0x94: {  	s6 =	sld [smem:$0x3FD0];
	(tm) =	ssettm $0x1  }
0x95: {  	s7 =	sld [smem:$0x3FFB];
	_ =	sdelay $0x3  }
0x96: {  	_ =	strace s7  }
0x97: {  	s7 =	sld [smem:$0x3FFC];
	_ =	sdelay $0x3  }
0x98: {  	_ =	strace s7  }
0x99: {  	s7 =	sld [smem:$0x3FFD];
	_ =	sdelay $0x3  }
0x9a: {  	_ =	strace s7  }
0x9b: {  	_ =	strace $0x8FFFFFFF  }
0x9c: {  	s20 =	sld [smem:$0x3FDB];
	_ =	sdelay $0x1  }
0x9d: {  	s8 =	simm.s32 $_scs_section_size  }
0x9e: {  	s9 =	simm.s32 $_size__tile_overlayer_lowered;
	s10 =	simm.s32 $_tile_overlayer_lowered  }
0x9f: {  	s23 =	simm.s32 $0x1BFF;
	s22 =	sshll.u32 s10, $0x1;
	s7 =	sadd.s32 s8, s20  }
0xa0: {  	s11 =	simm.s32 $0x0;
	s21 =	sshll.u32 s9, $0x1;
	s9 =	sadd.s32 s22, s7  }
0xa1: {  	[timem:s11], [sflag:s23] =	dma.local [hbm:s9], s21  }
0xa2: {  	_ =	swait.ge [sflag:s23], s21  }
0xa3: {  	s8 =	ssub.s32 $0x0, s21;
	[sflag:s23] =	ssyncset.done $0x0  }
0xa4: {  	[sflag:s23] =	ssyncadd.s32 s8;
	_ =	sdelay $0x1  }
0xa5: {  	s24 =	simm.s32 $0x1B8B  }
0xa6: {  	_ =	swait.ge [sflag:s24], $0x1  }
0xa7: {  	[sflag:s24] =	ssyncset.done $0x0  }
0xa8: {  	s25 =	simm.s32 $0x1B8E;
	[sflag:s24] =	ssyncadd.s32 $0xFFFFFFFF  }
0xa9: {  	s26 =	simm.s32 $execute0_lowered;
	[smem:$0x3FD2] =	sst s25  }
0xaa: {  	s8 =	sshll.u32 s26, $0x1;
	_ =	strace $0x80000046;
	[dreg:$0x1] =	wrdreg $0xFFFFFFFF  }
0xab: {  	s28 =	simm.s32 $_size_execute0_lowered;
	s7 =	sadd.s32 s7, s8;
	[dreg:$0x0] =	wrdreg $0x0  }
0xac: {  	s8 =	sshll.u32 s28, $0x1;
	[dreg:$0x2] =	wrdreg s7  }
0xad: {  	[dreg:$0x3] =	wrdreg s8  }
0xae: {  	[dreg:$0x4] =	wrdreg $0xC0  }
0xaf: {  	_ =	task [dreg:s11], $0x5FFFF  }
0xb0: {  	[dreg:$0x1] =	wrdreg $0xFFFFFFFF  }
0xb1: {  	[dreg:$0x0] =	wrdreg $0x60  }
0xb2: {  	[dreg:$0x2] =	wrdreg s2  }
0xb3: {  	[dreg:$0x3] =	wrdreg s19  }
0xb4: {  	[dreg:$0x4] =	wrdreg s4  }
0xb5: {  	[dreg:$0x5] =	wrdreg s5  }
0xb6: {  	[dreg:$0x6] =	wrdreg s6  }
0xb7: {  	[dreg:$0x7] =	wrdreg $0x192000  }
0xb8: {  	[dreg:$0x8] =	wrdreg $0x9  }
0xb9: {  	_ =	task.clear_ibuf [dreg:s11], $0x9FFFF;
	_ =	strace $0x90000046  }
0xba: {  	s29 =	simm.s32 $0x9;
	_ =	strace $0x80000048  }
0xbb: {  	_ =	swait.ge [sflag:s29], $0x1  }
0xbc: {  	[sflag:s29] =	ssyncadd.s32 $0xFFFFFFFF  }
0xbd: {  	_ =	strace $0x90000048  }
0xbe: {  	_ =	sfence  }
0xbf: {  	s30 =	sld [smem:$0x0];
	_ =	sdelay $0x2  }
0xc0: {  	s31 =	sshll.u32 s1, $0xD;
	s1 =	sshrl.u32 s1, $0x2  }
0xc1: {  	s3 =	sand.u32 $0x4000, s31;
	s1 =	sadd.s32 s1, s30  }
0xc2: {  	s0 =	sor.u32 s3, s0;
	s1 =	sshll.u32 s1, $0x11  }
0xc3: {  	s0 =	sor.u32 s1, s0  }
0xc4: {  	s0 =	sadd.s32 $0x8F2B, s0  }
0xc5: {  	[sflag:s0] =	ssyncadd.remote.s32 $0x1  }
0xc6: {  	_ =	sfence.sel $0xFFFF  }
0xc7: {  	[dreg:$0x0] =	wrdreg $0xFFFFFFFF;
	(pc) =	sbr.abs _section_cstart, $3  }
0xc8: {  	[dreg:$0x1] =	wrdreg $0xFFFFFFFF  }
0xc9: {  	_ =	task.clear_ibuf [dreg:s11], $0x2FFFF;
	_ =	strace $0x9FFFFFFF  }
0xca: {  	(tm) =	ssettm $0x7FFFFFFF  }
0xcb: {  	_ =	shalt  }
tec
execute0_lowered:
.L_overlay_start_1:
0x0: {  	(tag) =	ssettag $0x1  }
0x1: {  	s0 =	rddreg [dreg:$0x0]  }
0x2: {  	s3 =	rddreg [dreg:$0x1]  }
0x3: {  	s1 =	rddreg [dreg:$0x2]  }
0x4: {  	s2 =	rddreg [dreg:$0x3]  }
0x5: {  	s5 =	rddreg [dreg:$0x4]  }
0x6: {  	s6 =	rddreg [dreg:$0x5];
	s4 =	simm.s32 $0x0;
	s7 =	srdreg.scid  }
0x7: {  	s12 =	stileid.u32;
	[smem:$0x7FF] =	sst s4  }
0x8: {  	s7 =	sand.u32 $0x1, s7;
	s8 =	sshll.u32 s12, $0x9;
	s26 =	sand.u32 $0x1, s12  }
0x9: {  	s9 =	ssub.s32 $0x2, s7;
	s7 =	sshll.u32 s7, $0xD;
	s8 =	sand.u32 $0x1C00, s8  }
0xa: {  	s10 =	sshrl.u32 s9, $0x1;
	s11 =	sor.u32 s7, s8;
	s8 =	sshll.u32 s26, $0x9  }
0xb: {  	s29 =	sshll.u32 s12, $0xA;
	s9 =	ssub.s32 s9, s10;
	s10 =	sor.u32 $0x10, s8  }
0xc: {  	_ =	strace $0x80000047;
	s12 =	sor.u32 $0x20, s8;
	[dreg:$0xb] =	wrdreg s10  }
0xd: {  	s13 =	sor.u32 $0x30, s8;
	[dreg:$0xc] =	wrdreg s12  }
0xe: {  	s14 =	sor.u32 $0x40, s8;
	[dreg:$0xd] =	wrdreg s13  }
0xf: {  	s15 =	sor.u32 $0x50, s8;
	[dreg:$0xe] =	wrdreg s14  }
0x10: {  	s16 =	sor.u32 $0x60, s8;
	[dreg:$0xf] =	wrdreg s15  }
0x11: {  	s30 =	sxor.u32 $0x400, s29;
	s17 =	sor.u32 $0x70, s8;
	[dreg:$0x10] =	wrdreg s16  }
0x12: {  	s7 =	sshrl.u32 s11, $0x3;
	s18 =	sor.u32 $0x80, s8;
	[dreg:$0x11] =	wrdreg s17  }
0x13: {  	s19 =	sor.u32 $0x90, s8;
	s20 =	sor.u32 s8, s11;
	[dreg:$0x12] =	wrdreg s18  }
0x14: {  	s21 =	sor.u32 $0xA0, s8;
	s22 =	sor.u32 $0xB0, s8;
	[dreg:$0x13] =	wrdreg s19  }
0x15: {  	s23 =	sor.u32 $0xC0, s8;
	s24 =	sor.u32 $0xD0, s8;
	[dreg:$0x14] =	wrdreg s21  }
0x16: {  	s31 =	sor.u32 $0x120, s8;
	s11 =	sor.u32 $0x1B0, s8;
	[dreg:$0x15] =	wrdreg s22  }
0x17: {  	s0 =	sadd.s32 s0, s7;
	s28 =	sadd.s32 s3, s7;
	[dreg:$0x16] =	wrdreg s23  }
0x18: {  	s7 =	smul.u32 $0x7A1400, s26;
	[dreg:$0x18] =	wrdreg s24;
	s25 =	smax.u32 s9, $0x1  }
0x19: {  	s26 =	sor.u32 $0xE0, s8;
	s3 =	sor.u32 $0x140, s8;
	s9 =	sor.u32 $0x170, s8  }
0x1a: {  	s10 =	sor.u32 $0x180, s8;
	s23 =	sor.u32 $0x190, s8;
	[dreg:$0x7] =	wrdreg s0  }
0x1b: {  	s12 =	sor.u32 $0x1C0, s8;
	s13 =	sor.u32 $0x1D0, s8;
	[dreg:$0x8] =	wrdreg s28  }
0x1c: {  	s14 =	sor.u32 $0x1E0, s8;
	s15 =	sor.u32 $0x1F0, s8;
	[dreg:$0x19] =	wrdreg s25  }
0x1d: {  	s16 =	simm.s32 $0x2;
	s0 =	sadd.s32 s29, s6;
	[dreg:$0x1a] =	wrdreg s26  }
0x1e: {  	s17 =	simm.s32 $0x800;
	s6 =	sadd.s32 s30, s6;
	[dreg:$0x9] =	wrdreg s0  }
0x1f: {  	s18 =	simm.s32 $0xC800;
	s28 =	sor.u32 $0xF0, s8;
	[dreg:$0xa] =	wrdreg s6  }
.Ltmp0:
0x20: {  	s29 =	sor.u32 $0x100, s8;
	[dreg:$0x1b] =	wrdreg s28;
	(pc) =	sbr.rel .LBB2_1-.Ltmp0, $4  }
0x21: {  	s19 =	simm.s32 $0x1;
	s30 =	sor.u32 $0x110, s8;
	[dreg:$0x1c] =	wrdreg s29  }
0x22: {  	s25 =	sor.u32 $0x1A0, s8;
	s0 =	sshrl.u32 s20, $0x3;
	[dreg:$0x1d] =	wrdreg s30  }
0x23: {  	v0 =	vlaneseq.u32;
	s6 =	sor.u32 $0x160, s8;
	s20 =	simm.s32 $0x0;
	s0 =	sadd.s32 s5, s0  }
0x24: {  	v0 =	vmul.u32 $0x400, v0;
	s5 =	sor.u32 $0x150, s8;
	[dreg:$0x17] =	wrdreg s0;
	s0 =	sor.u32 $0x130, s8  }
.LBB2_5:
0x25: {  	s21 =	rddreg [dreg:$0x9];
	s22 =	simm.s32 $0x18800  }
0x26: {  	[spmem:s21] =	stream.linear.scatter [tilespmem:s22], [sflag:$0x2], $0x400, $0x38;
	[tilespmem:$0x19600] =	vst v63  }
0x27: {  	_ =	swait.ge [sflag:s16], $0x400  }
0x28: {  	[sflag:s16] =	ssyncset.done $0x0  }
0x29: {  	[sflag:s16] =	ssyncadd.s32 $0xFFFFFC00  }
0x2a: {  	[bflag:$0x0] =	sbarrier.arrive $0xFFFF  }
0x2b: {  	s28 =	simm.s32 $0x18C00;
	s26 =	rddreg [dreg:$0xa]  }
0x2c: {  	[tilespmem:s28], [sflag:$0x2] =	stream.linear.gather [spmem:s26], $0x400, $0x38;
	[tilespmem:$0x19600] =	vst v63  }
0x2d: {  	_ =	swait.ge [sflag:s16], $0x400  }
0x2e: {  	[sflag:s16] =	ssyncset.done $0x0  }
0x2f: {  	[sflag:s16] =	ssyncadd.s32 $0xFFFFFC00  }
0x30: {  	v1 =	vld [tilespmem:s8+$0x18800]  }
0x31: {  	v2 =	vld [tilespmem:s8+$0x18C00];
	_ =	sdelay $0x4  }
0x32: {  	v1 =	vadd.f32 v2, v1;
	_ =	sdelay $0x1  }
0x33: {  	v2 =	vand.u32 $0x7FFFFFFF, v1  }
0x34: {  	v2 =	vsub.f32 $0.0e+00, v2;
	_ =	sdelay $0x1  }
0x35: {  	v2 =	vmul.f32 $1.442695020e+00, v2;
	_ =	sdelay $0x1  }
0x36: {  	(erf) = vpow2.f32 v2;
	_ =	sdelay $0x8  }
0x37: {  	v2 =	vpop (erf)  }
0x38: {  	v3 =	vadd.f32 $2.000000000e+00, v2;
	_ =	sdelay $0x1  }
0x39: {  	(erf) = vrcp.f32 v3;
	_ =	sdelay $0x8  }
0x3a: {  	v3 =	vpop (erf)  }
0x3b: {  	v2 =	vmul.f32 v3, v2;
	_ =	sdelay $0x1  }
0x3c: {  	v3 =	vmul.f32 v2, v2;
	_ =	sdelay $0x1  }
0x3d: {  	v4 =	vmul.f32 $1.111111120e-01, v3;
	_ =	sdelay $0x1  }
0x3e: {  	v4 =	vadd.f32 $1.428571490e-01, v4;
	_ =	sdelay $0x1  }
0x3f: {  	v4 =	vmul.f32 v4, v3;
	_ =	sdelay $0x1  }
0x40: {  	v4 =	vadd.f32 $2.000000030e-01, v4;
	_ =	sdelay $0x1  }
0x41: {  	v4 =	vmul.f32 v4, v3;
	_ =	sdelay $0x1  }
0x42: {  	v4 =	vadd.f32 $3.333333430e-01, v4;
	_ =	sdelay $0x1  }
0x43: {  	v3 =	vmul.f32 v4, v3;
	_ =	sdelay $0x1  }
0x44: {  	v2 =	vadd.f32 v2, v2;
	v3 =	vadd.f32 $1.000000000e+00, v3;
	_ =	sdelay $0x1  }
0x45: {  	v2 =	vmul.f32 v3, v2  }
0x46: {  	v1 =	vmin.f32 v1, $0.0e+00  }
0x47: {  	v1 =	vsub.f32 v1, v2;
	_ =	sdelay $0x1  }
0x48: {  	s29 =	rddreg [dreg:$0xb];
	[tilespmem:$0x19000] =	vst v1  }
0x49: {  	v1 =	vld [tilespmem:s29+$0x18800]  }
0x4a: {  	v2 =	vld [tilespmem:s29+$0x18C00];
	_ =	sdelay $0x4  }
0x4b: {  	v1 =	vadd.f32 v2, v1;
	_ =	sdelay $0x1  }
0x4c: {  	v2 =	vand.u32 $0x7FFFFFFF, v1  }
0x4d: {  	v2 =	vsub.f32 $0.0e+00, v2;
	_ =	sdelay $0x1  }
0x4e: {  	v2 =	vmul.f32 $1.442695020e+00, v2;
	_ =	sdelay $0x1  }
0x4f: {  	(erf) = vpow2.f32 v2;
	_ =	sdelay $0x8  }
0x50: {  	v2 =	vpop (erf)  }
0x51: {  	v3 =	vadd.f32 $2.000000000e+00, v2;
	_ =	sdelay $0x1  }
0x52: {  	(erf) = vrcp.f32 v3;
	_ =	sdelay $0x8  }
0x53: {  	v3 =	vpop (erf)  }
0x54: {  	v2 =	vmul.f32 v3, v2;
	_ =	sdelay $0x1  }
0x55: {  	v3 =	vmul.f32 v2, v2;
	_ =	sdelay $0x1  }
0x56: {  	v33 =	vmul.f32 $1.111111120e-01, v3;
	_ =	sdelay $0x1  }
0x57: {  	v4 =	vadd.f32 $1.428571490e-01, v33;
	_ =	sdelay $0x1  }
0x58: {  	v4 =	vmul.f32 v4, v3;
	_ =	sdelay $0x1  }
0x59: {  	v4 =	vadd.f32 $2.000000030e-01, v4;
	_ =	sdelay $0x1  }
0x5a: {  	v4 =	vmul.f32 v4, v3;
	_ =	sdelay $0x1  }
0x5b: {  	v4 =	vadd.f32 $3.333333430e-01, v4;
	_ =	sdelay $0x1  }
0x5c: {  	v3 =	vmul.f32 v4, v3;
	_ =	sdelay $0x1  }
0x5d: {  	v2 =	vadd.f32 v2, v2;
	v3 =	vadd.f32 $1.000000000e+00, v3;
	_ =	sdelay $0x1  }
0x5e: {  	v2 =	vmul.f32 v3, v2  }
0x5f: {  	v1 =	vmin.f32 v1, $0.0e+00  }
0x60: {  	v1 =	vsub.f32 v1, v2;
	_ =	sdelay $0x1  }
0x61: {  	s30 =	rddreg [dreg:$0xc];
	[tilespmem:$0x19010] =	vst v1  }
0x62: {  	v1 =	vld [tilespmem:s30+$0x18800]  }
0x63: {  	v2 =	vld [tilespmem:s30+$0x18C00];
	_ =	sdelay $0x4  }
0x64: {  	v1 =	vadd.f32 v2, v1;
	_ =	sdelay $0x1  }
0x65: {  	v2 =	vand.u32 $0x7FFFFFFF, v1  }
0x66: {  	v2 =	vsub.f32 $0.0e+00, v2;
	_ =	sdelay $0x1  }
0x67: {  	v2 =	vmul.f32 $1.442695020e+00, v2;
	_ =	sdelay $0x1  }
0x68: {  	(erf) = vpow2.f32 v2;
	_ =	sdelay $0x8  }
0x69: {  	v2 =	vpop (erf)  }
0x6a: {  	v3 =	vadd.f32 $2.000000000e+00, v2;
	_ =	sdelay $0x1  }
0x6b: {  	(erf) = vrcp.f32 v3;
	_ =	sdelay $0x8  }
0x6c: {  	v3 =	vpop (erf)  }
0x6d: {  	v2 =	vmul.f32 v3, v2;
	_ =	sdelay $0x1  }
0x6e: {  	v3 =	vmul.f32 v2, v2;
	_ =	sdelay $0x1  }
0x6f: {  	v34 =	vmul.f32 $1.111111120e-01, v3;
	_ =	sdelay $0x1  }
0x70: {  	v4 =	vadd.f32 $1.428571490e-01, v34;
	_ =	sdelay $0x1  }
0x71: {  	v4 =	vmul.f32 v4, v3;
	_ =	sdelay $0x1  }
0x72: {  	v4 =	vadd.f32 $2.000000030e-01, v4;
	_ =	sdelay $0x1  }
0x73: {  	v4 =	vmul.f32 v4, v3;
	_ =	sdelay $0x1  }
0x74: {  	v4 =	vadd.f32 $3.333333430e-01, v4;
	_ =	sdelay $0x1  }
0x75: {  	v3 =	vmul.f32 v4, v3;
	_ =	sdelay $0x1  }
0x76: {  	v2 =	vadd.f32 v2, v2;
	v3 =	vadd.f32 $1.000000000e+00, v3;
	_ =	sdelay $0x1  }
0x77: {  	v2 =	vmul.f32 v3, v2  }
0x78: {  	v1 =	vmin.f32 v1, $0.0e+00  }
0x79: {  	v1 =	vsub.f32 v1, v2;
	_ =	sdelay $0x1  }
0x7a: {  	s22 =	rddreg [dreg:$0xd];
	[tilespmem:$0x19020] =	vst v1  }
0x7b: {  	v1 =	vld [tilespmem:s22+$0x18800]  }
0x7c: {  	v2 =	vld [tilespmem:s22+$0x18C00];
	_ =	sdelay $0x4  }
0x7d: {  	v1 =	vadd.f32 v2, v1;
	_ =	sdelay $0x1  }
0x7e: {  	v2 =	vand.u32 $0x7FFFFFFF, v1  }
0x7f: {  	v2 =	vsub.f32 $0.0e+00, v2;
	_ =	sdelay $0x1  }
0x80: {  	v2 =	vmul.f32 $1.442695020e+00, v2;
	_ =	sdelay $0x1  }
0x81: {  	(erf) = vpow2.f32 v2;
	_ =	sdelay $0x8  }
0x82: {  	v2 =	vpop (erf)  }
0x83: {  	v3 =	vadd.f32 $2.000000000e+00, v2;
	_ =	sdelay $0x1  }
0x84: {  	(erf) = vrcp.f32 v3;
	_ =	sdelay $0x8  }
0x85: {  	v3 =	vpop (erf)  }
0x86: {  	v2 =	vmul.f32 v3, v2;
	_ =	sdelay $0x1  }
0x87: {  	v3 =	vmul.f32 v2, v2;
	_ =	sdelay $0x1  }
0x88: {  	v35 =	vmul.f32 $1.111111120e-01, v3;
	_ =	sdelay $0x1  }
0x89: {  	v4 =	vadd.f32 $1.428571490e-01, v35;
	_ =	sdelay $0x1  }
0x8a: {  	v4 =	vmul.f32 v4, v3;
	_ =	sdelay $0x1  }
0x8b: {  	v4 =	vadd.f32 $2.000000030e-01, v4;
	_ =	sdelay $0x1  }
0x8c: {  	v4 =	vmul.f32 v4, v3;
	_ =	sdelay $0x1  }
0x8d: {  	v4 =	vadd.f32 $3.333333430e-01, v4;
	_ =	sdelay $0x1  }
0x8e: {  	v3 =	vmul.f32 v4, v3;
	_ =	sdelay $0x1  }
0x8f: {  	v2 =	vadd.f32 v2, v2;
	v3 =	vadd.f32 $1.000000000e+00, v3;
	_ =	sdelay $0x1  }
0x90: {  	v2 =	vmul.f32 v3, v2  }
0x91: {  	v1 =	vmin.f32 v1, $0.0e+00  }
0x92: {  	v1 =	vsub.f32 v1, v2;
	_ =	sdelay $0x1  }
0x93: {  	s24 =	rddreg [dreg:$0xe];
	[tilespmem:$0x19030] =	vst v1  }
0x94: {  	v1 =	vld [tilespmem:s24+$0x18800]  }
0x95: {  	v2 =	vld [tilespmem:s24+$0x18C00];
	_ =	sdelay $0x4  }
0x96: {  	v1 =	vadd.f32 v2, v1;
	_ =	sdelay $0x1  }
0x97: {  	v2 =	vand.u32 $0x7FFFFFFF, v1  }
0x98: {  	v2 =	vsub.f32 $0.0e+00, v2;
	_ =	sdelay $0x1  }
0x99: {  	v2 =	vmul.f32 $1.442695020e+00, v2;
	_ =	sdelay $0x1  }
0x9a: {  	(erf) = vpow2.f32 v2;
	_ =	sdelay $0x8  }
0x9b: {  	v2 =	vpop (erf)  }
0x9c: {  	v3 =	vadd.f32 $2.000000000e+00, v2;
	_ =	sdelay $0x1  }
0x9d: {  	(erf) = vrcp.f32 v3;
	_ =	sdelay $0x8  }
0x9e: {  	v3 =	vpop (erf)  }
0x9f: {  	v2 =	vmul.f32 v3, v2;
	_ =	sdelay $0x1  }
0xa0: {  	v3 =	vmul.f32 v2, v2;
	_ =	sdelay $0x1  }
0xa1: {  	v36 =	vmul.f32 $1.111111120e-01, v3;
	_ =	sdelay $0x1  }
0xa2: {  	v4 =	vadd.f32 $1.428571490e-01, v36;
	_ =	sdelay $0x1  }
0xa3: {  	v4 =	vmul.f32 v4, v3;
	_ =	sdelay $0x1  }
0xa4: {  	v4 =	vadd.f32 $2.000000030e-01, v4;
	_ =	sdelay $0x1  }
0xa5: {  	v4 =	vmul.f32 v4, v3;
	_ =	sdelay $0x1  }
0xa6: {  	v4 =	vadd.f32 $3.333333430e-01, v4;
	_ =	sdelay $0x1  }
0xa7: {  	v3 =	vmul.f32 v4, v3;
	_ =	sdelay $0x1  }
0xa8: {  	v2 =	vadd.f32 v2, v2;
	v3 =	vadd.f32 $1.000000000e+00, v3;
	_ =	sdelay $0x1  }
0xa9: {  	v2 =	vmul.f32 v3, v2  }
0xaa: {  	v1 =	vmin.f32 v1, $0.0e+00  }
0xab: {  	v1 =	vsub.f32 v1, v2;
	_ =	sdelay $0x1  }
0xac: {  	s26 =	rddreg [dreg:$0xf];
	[tilespmem:$0x19040] =	vst v1  }
0xad: {  	v1 =	vld [tilespmem:s26+$0x18800]  }
0xae: {  	v2 =	vld [tilespmem:s26+$0x18C00];
	_ =	sdelay $0x4  }
0xaf: {  	v1 =	vadd.f32 v2, v1;
	_ =	sdelay $0x1  }
0xb0: {  	v2 =	vand.u32 $0x7FFFFFFF, v1  }
0xb1: {  	v2 =	vsub.f32 $0.0e+00, v2;
	_ =	sdelay $0x1  }
0xb2: {  	v2 =	vmul.f32 $1.442695020e+00, v2;
	_ =	sdelay $0x1  }
0xb3: {  	(erf) = vpow2.f32 v2;
	_ =	sdelay $0x8  }
0xb4: {  	v2 =	vpop (erf)  }
0xb5: {  	v3 =	vadd.f32 $2.000000000e+00, v2;
	_ =	sdelay $0x1  }
0xb6: {  	(erf) = vrcp.f32 v3;
	_ =	sdelay $0x8  }
0xb7: {  	v3 =	vpop (erf)  }
0xb8: {  	v2 =	vmul.f32 v3, v2;
	_ =	sdelay $0x1  }
0xb9: {  	v3 =	vmul.f32 v2, v2;
	_ =	sdelay $0x1  }
0xba: {  	v37 =	vmul.f32 $1.111111120e-01, v3;
	_ =	sdelay $0x1  }
0xbb: {  	v4 =	vadd.f32 $1.428571490e-01, v37;
	_ =	sdelay $0x1  }
0xbc: {  	v4 =	vmul.f32 v4, v3;
	_ =	sdelay $0x1  }
0xbd: {  	v4 =	vadd.f32 $2.000000030e-01, v4;
	_ =	sdelay $0x1  }
0xbe: {  	v4 =	vmul.f32 v4, v3;
	_ =	sdelay $0x1  }
0xbf: {  	v4 =	vadd.f32 $3.333333430e-01, v4;
	_ =	sdelay $0x1  }
0xc0: {  	v3 =	vmul.f32 v4, v3;
	_ =	sdelay $0x1  }
0xc1: {  	v2 =	vadd.f32 v2, v2;
	v3 =	vadd.f32 $1.000000000e+00, v3;
	_ =	sdelay $0x1  }
0xc2: {  	v2 =	vmul.f32 v3, v2  }
0xc3: {  	v1 =	vmin.f32 v1, $0.0e+00  }
0xc4: {  	v1 =	vsub.f32 v1, v2;
	_ =	sdelay $0x1  }
0xc5: {  	s28 =	rddreg [dreg:$0x10];
	[tilespmem:$0x19050] =	vst v1  }
0xc6: {  	v1 =	vld [tilespmem:s28+$0x18800]  }
0xc7: {  	v2 =	vld [tilespmem:s28+$0x18C00];
	_ =	sdelay $0x4  }
0xc8: {  	v1 =	vadd.f32 v2, v1;
	_ =	sdelay $0x1  }
0xc9: {  	v2 =	vand.u32 $0x7FFFFFFF, v1  }
0xca: {  	v2 =	vsub.f32 $0.0e+00, v2;
	_ =	sdelay $0x1  }
0xcb: {  	v2 =	vmul.f32 $1.442695020e+00, v2;
	_ =	sdelay $0x1  }
0xcc: {  	(erf) = vpow2.f32 v2;
	_ =	sdelay $0x8  }
0xcd: {  	v2 =	vpop (erf)  }
0xce: {  	v3 =	vadd.f32 $2.000000000e+00, v2;
	_ =	sdelay $0x1  }
0xcf: {  	(erf) = vrcp.f32 v3;
	_ =	sdelay $0x8  }
0xd0: {  	v3 =	vpop (erf)  }
0xd1: {  	v2 =	vmul.f32 v3, v2;
	_ =	sdelay $0x1  }
0xd2: {  	v3 =	vmul.f32 v2, v2;
	_ =	sdelay $0x1  }
0xd3: {  	v38 =	vmul.f32 $1.111111120e-01, v3;
	_ =	sdelay $0x1  }
0xd4: {  	v4 =	vadd.f32 $1.428571490e-01, v38;
	_ =	sdelay $0x1  }
0xd5: {  	v4 =	vmul.f32 v4, v3;
	_ =	sdelay $0x1  }
0xd6: {  	v4 =	vadd.f32 $2.000000030e-01, v4;
	_ =	sdelay $0x1  }
0xd7: {  	v4 =	vmul.f32 v4, v3;
	_ =	sdelay $0x1  }
0xd8: {  	v4 =	vadd.f32 $3.333333430e-01, v4;
	_ =	sdelay $0x1  }
0xd9: {  	v3 =	vmul.f32 v4, v3;
	_ =	sdelay $0x1  }
0xda: {  	v2 =	vadd.f32 v2, v2;
	v3 =	vadd.f32 $1.000000000e+00, v3;
	_ =	sdelay $0x1  }
0xdb: {  	v2 =	vmul.f32 v3, v2  }
0xdc: {  	v1 =	vmin.f32 v1, $0.0e+00  }
0xdd: {  	v1 =	vsub.f32 v1, v2;
	_ =	sdelay $0x1  }
0xde: {  	s29 =	rddreg [dreg:$0x11];
	[tilespmem:$0x19060] =	vst v1  }
0xdf: {  	v1 =	vld [tilespmem:s29+$0x18800]  }
0xe0: {  	v2 =	vld [tilespmem:s29+$0x18C00];
	_ =	sdelay $0x4  }
0xe1: {  	v1 =	vadd.f32 v2, v1;
	_ =	sdelay $0x1  }
0xe2: {  	v2 =	vand.u32 $0x7FFFFFFF, v1  }
0xe3: {  	v2 =	vsub.f32 $0.0e+00, v2;
	_ =	sdelay $0x1  }
0xe4: {  	v2 =	vmul.f32 $1.442695020e+00, v2;
	_ =	sdelay $0x1  }
0xe5: {  	(erf) = vpow2.f32 v2;
	_ =	sdelay $0x8  }
0xe6: {  	v2 =	vpop (erf)  }
0xe7: {  	v3 =	vadd.f32 $2.000000000e+00, v2;
	_ =	sdelay $0x1  }
0xe8: {  	(erf) = vrcp.f32 v3;
	_ =	sdelay $0x8  }
0xe9: {  	v3 =	vpop (erf)  }
0xea: {  	v2 =	vmul.f32 v3, v2;
	_ =	sdelay $0x1  }
0xeb: {  	v3 =	vmul.f32 v2, v2;
	_ =	sdelay $0x1  }
0xec: {  	v39 =	vmul.f32 $1.111111120e-01, v3;
	_ =	sdelay $0x1  }
0xed: {  	v4 =	vadd.f32 $1.428571490e-01, v39;
	_ =	sdelay $0x1  }
0xee: {  	v4 =	vmul.f32 v4, v3;
	_ =	sdelay $0x1  }
0xef: {  	v4 =	vadd.f32 $2.000000030e-01, v4;
	_ =	sdelay $0x1  }
0xf0: {  	v4 =	vmul.f32 v4, v3;
	_ =	sdelay $0x1  }
0xf1: {  	v4 =	vadd.f32 $3.333333430e-01, v4;
	_ =	sdelay $0x1  }
0xf2: {  	v3 =	vmul.f32 v4, v3;
	_ =	sdelay $0x1  }
0xf3: {  	v2 =	vadd.f32 v2, v2;
	v3 =	vadd.f32 $1.000000000e+00, v3;
	_ =	sdelay $0x1  }
0xf4: {  	v2 =	vmul.f32 v3, v2  }
0xf5: {  	v1 =	vmin.f32 v1, $0.0e+00  }
0xf6: {  	v1 =	vsub.f32 v1, v2;
	_ =	sdelay $0x1  }
0xf7: {  	s30 =	rddreg [dreg:$0x12];
	[tilespmem:$0x19070] =	vst v1  }
0xf8: {  	v1 =	vld [tilespmem:s30+$0x18800]  }
0xf9: {  	v2 =	vld [tilespmem:s30+$0x18C00];
	_ =	sdelay $0x4  }
0xfa: {  	v1 =	vadd.f32 v2, v1;
	_ =	sdelay $0x1  }
0xfb: {  	v2 =	vand.u32 $0x7FFFFFFF, v1  }
0xfc: {  	v2 =	vsub.f32 $0.0e+00, v2;
	_ =	sdelay $0x1  }
0xfd: {  	v2 =	vmul.f32 $1.442695020e+00, v2;
	_ =	sdelay $0x1  }
0xfe: {  	(erf) = vpow2.f32 v2;
	_ =	sdelay $0x8  }
0xff: {  	v2 =	vpop (erf)  }
0x100: {  	v3 =	vadd.f32 $2.000000000e+00, v2;
	_ =	sdelay $0x1  }
0x101: {  	(erf) = vrcp.f32 v3;
	_ =	sdelay $0x8  }
0x102: {  	v3 =	vpop (erf)  }
0x103: {  	v2 =	vmul.f32 v3, v2;
	_ =	sdelay $0x1  }
0x104: {  	v3 =	vmul.f32 v2, v2;
	_ =	sdelay $0x1  }
0x105: {  	v40 =	vmul.f32 $1.111111120e-01, v3;
	_ =	sdelay $0x1  }
0x106: {  	v4 =	vadd.f32 $1.428571490e-01, v40;
	_ =	sdelay $0x1  }
0x107: {  	v4 =	vmul.f32 v4, v3;
	_ =	sdelay $0x1  }
0x108: {  	v4 =	vadd.f32 $2.000000030e-01, v4;
	_ =	sdelay $0x1  }
0x109: {  	v4 =	vmul.f32 v4, v3;
	_ =	sdelay $0x1  }
0x10a: {  	v4 =	vadd.f32 $3.333333430e-01, v4;
	_ =	sdelay $0x1  }
0x10b: {  	v3 =	vmul.f32 v4, v3;
	_ =	sdelay $0x1  }
0x10c: {  	v2 =	vadd.f32 v2, v2;
	v3 =	vadd.f32 $1.000000000e+00, v3;
	_ =	sdelay $0x1  }
0x10d: {  	v2 =	vmul.f32 v3, v2  }
0x10e: {  	v1 =	vmin.f32 v1, $0.0e+00  }
0x10f: {  	v1 =	vsub.f32 v1, v2;
	_ =	sdelay $0x1  }
0x110: {  	s22 =	rddreg [dreg:$0x13];
	[tilespmem:$0x19080] =	vst v1  }
0x111: {  	v1 =	vld [tilespmem:s22+$0x18800]  }
0x112: {  	v2 =	vld [tilespmem:s22+$0x18C00];
	_ =	sdelay $0x4  }
0x113: {  	v1 =	vadd.f32 v2, v1;
	_ =	sdelay $0x1  }
0x114: {  	v2 =	vand.u32 $0x7FFFFFFF, v1  }
0x115: {  	v2 =	vsub.f32 $0.0e+00, v2;
	_ =	sdelay $0x1  }
0x116: {  	v2 =	vmul.f32 $1.442695020e+00, v2;
	_ =	sdelay $0x1  }
0x117: {  	(erf) = vpow2.f32 v2;
	_ =	sdelay $0x8  }
0x118: {  	v2 =	vpop (erf)  }
0x119: {  	v3 =	vadd.f32 $2.000000000e+00, v2;
	_ =	sdelay $0x1  }
0x11a: {  	(erf) = vrcp.f32 v3;
	_ =	sdelay $0x8  }
0x11b: {  	v3 =	vpop (erf)  }
0x11c: {  	v2 =	vmul.f32 v3, v2;
	_ =	sdelay $0x1  }
0x11d: {  	v3 =	vmul.f32 v2, v2;
	_ =	sdelay $0x1  }
0x11e: {  	v41 =	vmul.f32 $1.111111120e-01, v3;
	_ =	sdelay $0x1  }
0x11f: {  	v4 =	vadd.f32 $1.428571490e-01, v41;
	_ =	sdelay $0x1  }
0x120: {  	v4 =	vmul.f32 v4, v3;
	_ =	sdelay $0x1  }
0x121: {  	v4 =	vadd.f32 $2.000000030e-01, v4;
	_ =	sdelay $0x1  }
0x122: {  	v4 =	vmul.f32 v4, v3;
	_ =	sdelay $0x1  }
0x123: {  	v4 =	vadd.f32 $3.333333430e-01, v4;
	_ =	sdelay $0x1  }
0x124: {  	v3 =	vmul.f32 v4, v3;
	_ =	sdelay $0x1  }
0x125: {  	v2 =	vadd.f32 v2, v2;
	v3 =	vadd.f32 $1.000000000e+00, v3;
	_ =	sdelay $0x1  }
0x126: {  	v2 =	vmul.f32 v3, v2  }
0x127: {  	v1 =	vmin.f32 v1, $0.0e+00  }
0x128: {  	v1 =	vsub.f32 v1, v2;
	_ =	sdelay $0x1  }
0x129: {  	s24 =	rddreg [dreg:$0x14];
	[tilespmem:$0x19090] =	vst v1  }
0x12a: {  	v1 =	vld [tilespmem:s24+$0x18800]  }
0x12b: {  	v2 =	vld [tilespmem:s24+$0x18C00];
	_ =	sdelay $0x4  }
0x12c: {  	v1 =	vadd.f32 v2, v1;
	_ =	sdelay $0x1  }
0x12d: {  	v2 =	vand.u32 $0x7FFFFFFF, v1  }
0x12e: {  	v2 =	vsub.f32 $0.0e+00, v2;
	_ =	sdelay $0x1  }
0x12f: {  	v2 =	vmul.f32 $1.442695020e+00, v2;
	_ =	sdelay $0x1  }
0x130: {  	(erf) = vpow2.f32 v2;
	_ =	sdelay $0x8  }
0x131: {  	v2 =	vpop (erf)  }
0x132: {  	v3 =	vadd.f32 $2.000000000e+00, v2;
	_ =	sdelay $0x1  }
0x133: {  	(erf) = vrcp.f32 v3;
	_ =	sdelay $0x8  }
0x134: {  	v3 =	vpop (erf)  }
0x135: {  	v2 =	vmul.f32 v3, v2;
	_ =	sdelay $0x1  }
0x136: {  	v3 =	vmul.f32 v2, v2;
	_ =	sdelay $0x1  }
0x137: {  	v42 =	vmul.f32 $1.111111120e-01, v3;
	_ =	sdelay $0x1  }
0x138: {  	v4 =	vadd.f32 $1.428571490e-01, v42;
	_ =	sdelay $0x1  }
0x139: {  	v4 =	vmul.f32 v4, v3;
	_ =	sdelay $0x1  }
0x13a: {  	v4 =	vadd.f32 $2.000000030e-01, v4;
	_ =	sdelay $0x1  }
0x13b: {  	v4 =	vmul.f32 v4, v3;
	_ =	sdelay $0x1  }
0x13c: {  	v4 =	vadd.f32 $3.333333430e-01, v4;
	_ =	sdelay $0x1  }
0x13d: {  	v3 =	vmul.f32 v4, v3;
	_ =	sdelay $0x1  }
0x13e: {  	v2 =	vadd.f32 v2, v2;
	v3 =	vadd.f32 $1.000000000e+00, v3;
	_ =	sdelay $0x1  }
0x13f: {  	v2 =	vmul.f32 v3, v2  }
0x140: {  	v1 =	vmin.f32 v1, $0.0e+00  }
0x141: {  	v1 =	vsub.f32 v1, v2;
	_ =	sdelay $0x1  }
0x142: {  	s26 =	rddreg [dreg:$0x15];
	[tilespmem:$0x190A0] =	vst v1  }
0x143: {  	v1 =	vld [tilespmem:s26+$0x18800]  }
0x144: {  	v2 =	vld [tilespmem:s26+$0x18C00];
	_ =	sdelay $0x4  }
0x145: {  	v1 =	vadd.f32 v2, v1;
	_ =	sdelay $0x1  }
0x146: {  	v2 =	vand.u32 $0x7FFFFFFF, v1  }
0x147: {  	v2 =	vsub.f32 $0.0e+00, v2;
	_ =	sdelay $0x1  }
0x148: {  	v2 =	vmul.f32 $1.442695020e+00, v2;
	_ =	sdelay $0x1  }
0x149: {  	(erf) = vpow2.f32 v2;
	_ =	sdelay $0x8  }
0x14a: {  	v2 =	vpop (erf)  }
0x14b: {  	v3 =	vadd.f32 $2.000000000e+00, v2;
	_ =	sdelay $0x1  }
0x14c: {  	(erf) = vrcp.f32 v3;
	_ =	sdelay $0x8  }
0x14d: {  	v3 =	vpop (erf)  }
0x14e: {  	v2 =	vmul.f32 v3, v2;
	_ =	sdelay $0x1  }
0x14f: {  	v3 =	vmul.f32 v2, v2;
	_ =	sdelay $0x1  }
0x150: {  	v43 =	vmul.f32 $1.111111120e-01, v3;
	_ =	sdelay $0x1  }
0x151: {  	v4 =	vadd.f32 $1.428571490e-01, v43;
	_ =	sdelay $0x1  }
0x152: {  	v4 =	vmul.f32 v4, v3;
	_ =	sdelay $0x1  }
0x153: {  	v4 =	vadd.f32 $2.000000030e-01, v4;
	_ =	sdelay $0x1  }
0x154: {  	v4 =	vmul.f32 v4, v3;
	_ =	sdelay $0x1  }
0x155: {  	v4 =	vadd.f32 $3.333333430e-01, v4;
	_ =	sdelay $0x1  }
0x156: {  	v3 =	vmul.f32 v4, v3;
	_ =	sdelay $0x1  }
0x157: {  	v2 =	vadd.f32 v2, v2;
	v3 =	vadd.f32 $1.000000000e+00, v3;
	_ =	sdelay $0x1  }
0x158: {  	v2 =	vmul.f32 v3, v2  }
0x159: {  	v1 =	vmin.f32 v1, $0.0e+00  }
0x15a: {  	v1 =	vsub.f32 v1, v2;
	_ =	sdelay $0x1  }
0x15b: {  	s28 =	rddreg [dreg:$0x16];
	[tilespmem:$0x190B0] =	vst v1  }
0x15c: {  	v1 =	vld [tilespmem:s28+$0x18800]  }
0x15d: {  	v2 =	vld [tilespmem:s28+$0x18C00];
	_ =	sdelay $0x4  }
0x15e: {  	v1 =	vadd.f32 v2, v1;
	_ =	sdelay $0x1  }
0x15f: {  	v2 =	vand.u32 $0x7FFFFFFF, v1  }
0x160: {  	v2 =	vsub.f32 $0.0e+00, v2;
	_ =	sdelay $0x1  }
0x161: {  	v2 =	vmul.f32 $1.442695020e+00, v2;
	_ =	sdelay $0x1  }
0x162: {  	(erf) = vpow2.f32 v2;
	_ =	sdelay $0x8  }
0x163: {  	v2 =	vpop (erf)  }
0x164: {  	v3 =	vadd.f32 $2.000000000e+00, v2;
	_ =	sdelay $0x1  }
0x165: {  	(erf) = vrcp.f32 v3;
	_ =	sdelay $0x8  }
0x166: {  	v3 =	vpop (erf)  }
0x167: {  	v2 =	vmul.f32 v3, v2;
	_ =	sdelay $0x1  }
0x168: {  	v3 =	vmul.f32 v2, v2;
	_ =	sdelay $0x1  }
0x169: {  	v44 =	vmul.f32 $1.111111120e-01, v3;
	_ =	sdelay $0x1  }
0x16a: {  	v4 =	vadd.f32 $1.428571490e-01, v44;
	_ =	sdelay $0x1  }
0x16b: {  	v4 =	vmul.f32 v4, v3;
	_ =	sdelay $0x1  }
0x16c: {  	v4 =	vadd.f32 $2.000000030e-01, v4;
	_ =	sdelay $0x1  }
0x16d: {  	v4 =	vmul.f32 v4, v3;
	_ =	sdelay $0x1  }
0x16e: {  	v4 =	vadd.f32 $3.333333430e-01, v4;
	_ =	sdelay $0x1  }
0x16f: {  	v3 =	vmul.f32 v4, v3;
	_ =	sdelay $0x1  }
0x170: {  	v2 =	vadd.f32 v2, v2;
	v3 =	vadd.f32 $1.000000000e+00, v3;
	_ =	sdelay $0x1  }
0x171: {  	v2 =	vmul.f32 v3, v2  }
0x172: {  	v1 =	vmin.f32 v1, $0.0e+00  }
0x173: {  	v1 =	vsub.f32 v1, v2;
	_ =	sdelay $0x1  }
0x174: {  	s29 =	rddreg [dreg:$0x18];
	[tilespmem:$0x190C0] =	vst v1  }
0x175: {  	v1 =	vld [tilespmem:s29+$0x18800]  }
0x176: {  	v2 =	vld [tilespmem:s29+$0x18C00];
	_ =	sdelay $0x4  }
0x177: {  	v1 =	vadd.f32 v2, v1;
	_ =	sdelay $0x1  }
0x178: {  	v2 =	vand.u32 $0x7FFFFFFF, v1  }
0x179: {  	v2 =	vsub.f32 $0.0e+00, v2;
	_ =	sdelay $0x1  }
0x17a: {  	v2 =	vmul.f32 $1.442695020e+00, v2;
	_ =	sdelay $0x1  }
0x17b: {  	(erf) = vpow2.f32 v2;
	_ =	sdelay $0x8  }
0x17c: {  	v2 =	vpop (erf)  }
0x17d: {  	v3 =	vadd.f32 $2.000000000e+00, v2;
	_ =	sdelay $0x1  }
0x17e: {  	(erf) = vrcp.f32 v3;
	_ =	sdelay $0x8  }
0x17f: {  	v3 =	vpop (erf)  }
0x180: {  	v2 =	vmul.f32 v3, v2;
	_ =	sdelay $0x1  }
0x181: {  	v3 =	vmul.f32 v2, v2;
	_ =	sdelay $0x1  }
0x182: {  	v45 =	vmul.f32 $1.111111120e-01, v3;
	_ =	sdelay $0x1  }
0x183: {  	v4 =	vadd.f32 $1.428571490e-01, v45;
	_ =	sdelay $0x1  }
0x184: {  	v4 =	vmul.f32 v4, v3;
	_ =	sdelay $0x1  }
0x185: {  	v4 =	vadd.f32 $2.000000030e-01, v4;
	_ =	sdelay $0x1  }
0x186: {  	v4 =	vmul.f32 v4, v3;
	_ =	sdelay $0x1  }
0x187: {  	v4 =	vadd.f32 $3.333333430e-01, v4;
	_ =	sdelay $0x1  }
0x188: {  	v3 =	vmul.f32 v4, v3;
	_ =	sdelay $0x1  }
0x189: {  	v2 =	vadd.f32 v2, v2;
	v3 =	vadd.f32 $1.000000000e+00, v3;
	_ =	sdelay $0x1  }
0x18a: {  	v2 =	vmul.f32 v3, v2  }
0x18b: {  	v1 =	vmin.f32 v1, $0.0e+00  }
0x18c: {  	v1 =	vsub.f32 v1, v2;
	_ =	sdelay $0x1  }
0x18d: {  	s30 =	rddreg [dreg:$0x1a];
	[tilespmem:$0x190D0] =	vst v1  }
0x18e: {  	v1 =	vld [tilespmem:s30+$0x18800]  }
0x18f: {  	v2 =	vld [tilespmem:s30+$0x18C00];
	_ =	sdelay $0x4  }
0x190: {  	v1 =	vadd.f32 v2, v1;
	_ =	sdelay $0x1  }
0x191: {  	v2 =	vand.u32 $0x7FFFFFFF, v1  }
0x192: {  	v2 =	vsub.f32 $0.0e+00, v2;
	_ =	sdelay $0x1  }
0x193: {  	v2 =	vmul.f32 $1.442695020e+00, v2;
	_ =	sdelay $0x1  }
0x194: {  	(erf) = vpow2.f32 v2;
	_ =	sdelay $0x8  }
0x195: {  	v2 =	vpop (erf)  }
0x196: {  	v3 =	vadd.f32 $2.000000000e+00, v2;
	_ =	sdelay $0x1  }
0x197: {  	(erf) = vrcp.f32 v3;
	_ =	sdelay $0x8  }
0x198: {  	v3 =	vpop (erf)  }
0x199: {  	v2 =	vmul.f32 v3, v2;
	_ =	sdelay $0x1  }
0x19a: {  	v3 =	vmul.f32 v2, v2;
	_ =	sdelay $0x1  }
0x19b: {  	v46 =	vmul.f32 $1.111111120e-01, v3;
	_ =	sdelay $0x1  }
0x19c: {  	v4 =	vadd.f32 $1.428571490e-01, v46;
	_ =	sdelay $0x1  }
0x19d: {  	v4 =	vmul.f32 v4, v3;
	_ =	sdelay $0x1  }
0x19e: {  	v4 =	vadd.f32 $2.000000030e-01, v4;
	_ =	sdelay $0x1  }
0x19f: {  	v4 =	vmul.f32 v4, v3;
	_ =	sdelay $0x1  }
0x1a0: {  	v4 =	vadd.f32 $3.333333430e-01, v4;
	_ =	sdelay $0x1  }
0x1a1: {  	v3 =	vmul.f32 v4, v3;
	_ =	sdelay $0x1  }
0x1a2: {  	v2 =	vadd.f32 v2, v2;
	v3 =	vadd.f32 $1.000000000e+00, v3;
	_ =	sdelay $0x1  }
0x1a3: {  	v2 =	vmul.f32 v3, v2  }
0x1a4: {  	v1 =	vmin.f32 v1, $0.0e+00  }
0x1a5: {  	v1 =	vsub.f32 v1, v2;
	_ =	sdelay $0x1  }
0x1a6: {  	s22 =	rddreg [dreg:$0x1b];
	[tilespmem:$0x190E0] =	vst v1  }
0x1a7: {  	v1 =	vld [tilespmem:s22+$0x18800]  }
0x1a8: {  	v2 =	vld [tilespmem:s22+$0x18C00];
	_ =	sdelay $0x4  }
0x1a9: {  	v1 =	vadd.f32 v2, v1;
	_ =	sdelay $0x1  }
0x1aa: {  	v2 =	vand.u32 $0x7FFFFFFF, v1  }
0x1ab: {  	v2 =	vsub.f32 $0.0e+00, v2;
	_ =	sdelay $0x1  }
0x1ac: {  	v2 =	vmul.f32 $1.442695020e+00, v2;
	_ =	sdelay $0x1  }
0x1ad: {  	(erf) = vpow2.f32 v2;
	_ =	sdelay $0x8  }
0x1ae: {  	v2 =	vpop (erf)  }
0x1af: {  	v3 =	vadd.f32 $2.000000000e+00, v2;
	_ =	sdelay $0x1  }
0x1b0: {  	(erf) = vrcp.f32 v3;
	_ =	sdelay $0x8  }
0x1b1: {  	v3 =	vpop (erf)  }
0x1b2: {  	v2 =	vmul.f32 v3, v2;
	_ =	sdelay $0x1  }
0x1b3: {  	v3 =	vmul.f32 v2, v2;
	_ =	sdelay $0x1  }
0x1b4: {  	v47 =	vmul.f32 $1.111111120e-01, v3;
	_ =	sdelay $0x1  }
0x1b5: {  	v4 =	vadd.f32 $1.428571490e-01, v47;
	_ =	sdelay $0x1  }
0x1b6: {  	v4 =	vmul.f32 v4, v3;
	_ =	sdelay $0x1  }
0x1b7: {  	v4 =	vadd.f32 $2.000000030e-01, v4;
	_ =	sdelay $0x1  }
0x1b8: {  	v4 =	vmul.f32 v4, v3;
	_ =	sdelay $0x1  }
0x1b9: {  	v4 =	vadd.f32 $3.333333430e-01, v4;
	_ =	sdelay $0x1  }
0x1ba: {  	v3 =	vmul.f32 v4, v3;
	_ =	sdelay $0x1  }
0x1bb: {  	v2 =	vadd.f32 v2, v2;
	v3 =	vadd.f32 $1.000000000e+00, v3;
	_ =	sdelay $0x1  }
0x1bc: {  	v2 =	vmul.f32 v3, v2  }
0x1bd: {  	v1 =	vmin.f32 v1, $0.0e+00  }
0x1be: {  	v1 =	vsub.f32 v1, v2;
	_ =	sdelay $0x1  }
0x1bf: {  	s24 =	rddreg [dreg:$0x1c];
	[tilespmem:$0x190F0] =	vst v1  }
0x1c0: {  	v1 =	vld [tilespmem:s24+$0x18800]  }
0x1c1: {  	v2 =	vld [tilespmem:s24+$0x18C00];
	_ =	sdelay $0x4  }
0x1c2: {  	v1 =	vadd.f32 v2, v1;
	_ =	sdelay $0x1  }
0x1c3: {  	v2 =	vand.u32 $0x7FFFFFFF, v1  }
0x1c4: {  	v2 =	vsub.f32 $0.0e+00, v2;
	_ =	sdelay $0x1  }
0x1c5: {  	v2 =	vmul.f32 $1.442695020e+00, v2;
	_ =	sdelay $0x1  }
0x1c6: {  	(erf) = vpow2.f32 v2;
	_ =	sdelay $0x8  }
0x1c7: {  	v2 =	vpop (erf)  }
0x1c8: {  	v3 =	vadd.f32 $2.000000000e+00, v2;
	_ =	sdelay $0x1  }
0x1c9: {  	(erf) = vrcp.f32 v3;
	_ =	sdelay $0x8  }
0x1ca: {  	v3 =	vpop (erf)  }
0x1cb: {  	v2 =	vmul.f32 v3, v2;
	_ =	sdelay $0x1  }
0x1cc: {  	v3 =	vmul.f32 v2, v2;
	_ =	sdelay $0x1  }
0x1cd: {  	v48 =	vmul.f32 $1.111111120e-01, v3;
	_ =	sdelay $0x1  }
0x1ce: {  	v4 =	vadd.f32 $1.428571490e-01, v48;
	_ =	sdelay $0x1  }
0x1cf: {  	v4 =	vmul.f32 v4, v3;
	_ =	sdelay $0x1  }
0x1d0: {  	v4 =	vadd.f32 $2.000000030e-01, v4;
	_ =	sdelay $0x1  }
0x1d1: {  	v4 =	vmul.f32 v4, v3;
	_ =	sdelay $0x1  }
0x1d2: {  	v4 =	vadd.f32 $3.333333430e-01, v4;
	_ =	sdelay $0x1  }
0x1d3: {  	v3 =	vmul.f32 v4, v3;
	_ =	sdelay $0x1  }
0x1d4: {  	v2 =	vadd.f32 v2, v2;
	v3 =	vadd.f32 $1.000000000e+00, v3;
	_ =	sdelay $0x1  }
0x1d5: {  	v2 =	vmul.f32 v3, v2  }
0x1d6: {  	v1 =	vmin.f32 v1, $0.0e+00  }
0x1d7: {  	v1 =	vsub.f32 v1, v2;
	_ =	sdelay $0x1  }
0x1d8: {  	s26 =	rddreg [dreg:$0x1d];
	[tilespmem:$0x19100] =	vst v1  }
0x1d9: {  	v1 =	vld [tilespmem:s26+$0x18800]  }
0x1da: {  	v2 =	vld [tilespmem:s26+$0x18C00];
	_ =	sdelay $0x4  }
0x1db: {  	v1 =	vadd.f32 v2, v1;
	_ =	sdelay $0x1  }
0x1dc: {  	v2 =	vand.u32 $0x7FFFFFFF, v1  }
0x1dd: {  	v2 =	vsub.f32 $0.0e+00, v2;
	_ =	sdelay $0x1  }
0x1de: {  	v2 =	vmul.f32 $1.442695020e+00, v2;
	_ =	sdelay $0x1  }
0x1df: {  	(erf) = vpow2.f32 v2;
	_ =	sdelay $0x8  }
0x1e0: {  	v2 =	vpop (erf)  }
0x1e1: {  	v3 =	vadd.f32 $2.000000000e+00, v2;
	_ =	sdelay $0x1  }
0x1e2: {  	(erf) = vrcp.f32 v3;
	_ =	sdelay $0x8  }
0x1e3: {  	v3 =	vpop (erf)  }
0x1e4: {  	v2 =	vmul.f32 v3, v2;
	_ =	sdelay $0x1  }
0x1e5: {  	v3 =	vmul.f32 v2, v2;
	_ =	sdelay $0x1  }
0x1e6: {  	v49 =	vmul.f32 $1.111111120e-01, v3;
	_ =	sdelay $0x1  }
0x1e7: {  	v4 =	vadd.f32 $1.428571490e-01, v49;
	_ =	sdelay $0x1  }
0x1e8: {  	v4 =	vmul.f32 v4, v3;
	_ =	sdelay $0x1  }
0x1e9: {  	v4 =	vadd.f32 $2.000000030e-01, v4;
	_ =	sdelay $0x1  }
0x1ea: {  	v4 =	vmul.f32 v4, v3;
	_ =	sdelay $0x1  }
0x1eb: {  	v4 =	vadd.f32 $3.333333430e-01, v4;
	_ =	sdelay $0x1  }
0x1ec: {  	v3 =	vmul.f32 v4, v3;
	_ =	sdelay $0x1  }
0x1ed: {  	v2 =	vadd.f32 v2, v2;
	v3 =	vadd.f32 $1.000000000e+00, v3;
	_ =	sdelay $0x1  }
0x1ee: {  	v2 =	vmul.f32 v3, v2  }
0x1ef: {  	v1 =	vmin.f32 v1, $0.0e+00  }
0x1f0: {  	v1 =	vsub.f32 v1, v2;
	_ =	sdelay $0x1  }
0x1f1: {  	[tilespmem:$0x19110] =	vst v1  }
0x1f2: {  	v1 =	vld [tilespmem:s31+$0x18800]  }
0x1f3: {  	v2 =	vld [tilespmem:s31+$0x18C00];
	_ =	sdelay $0x4  }
0x1f4: {  	v1 =	vadd.f32 v2, v1;
	_ =	sdelay $0x1  }
0x1f5: {  	v2 =	vand.u32 $0x7FFFFFFF, v1  }
0x1f6: {  	v2 =	vsub.f32 $0.0e+00, v2;
	_ =	sdelay $0x1  }
0x1f7: {  	v2 =	vmul.f32 $1.442695020e+00, v2;
	_ =	sdelay $0x1  }
0x1f8: {  	(erf) = vpow2.f32 v2;
	_ =	sdelay $0x8  }
0x1f9: {  	v2 =	vpop (erf)  }
0x1fa: {  	v3 =	vadd.f32 $2.000000000e+00, v2;
	_ =	sdelay $0x1  }
0x1fb: {  	(erf) = vrcp.f32 v3;
	_ =	sdelay $0x8  }
0x1fc: {  	v3 =	vpop (erf)  }
0x1fd: {  	v2 =	vmul.f32 v3, v2;
	_ =	sdelay $0x1  }
0x1fe: {  	v3 =	vmul.f32 v2, v2;
	_ =	sdelay $0x1  }
0x1ff: {  	v50 =	vmul.f32 $1.111111120e-01, v3;
	_ =	sdelay $0x1  }
0x200: {  	v4 =	vadd.f32 $1.428571490e-01, v50;
	_ =	sdelay $0x1  }
0x201: {  	v4 =	vmul.f32 v4, v3;
	_ =	sdelay $0x1  }
0x202: {  	v4 =	vadd.f32 $2.000000030e-01, v4;
	_ =	sdelay $0x1  }
0x203: {  	v4 =	vmul.f32 v4, v3;
	_ =	sdelay $0x1  }
0x204: {  	v4 =	vadd.f32 $3.333333430e-01, v4;
	_ =	sdelay $0x1  }
0x205: {  	v3 =	vmul.f32 v4, v3;
	_ =	sdelay $0x1  }
0x206: {  	v2 =	vadd.f32 v2, v2;
	v3 =	vadd.f32 $1.000000000e+00, v3;
	_ =	sdelay $0x1  }
0x207: {  	v2 =	vmul.f32 v3, v2  }
0x208: {  	v1 =	vmin.f32 v1, $0.0e+00  }
0x209: {  	v1 =	vsub.f32 v1, v2;
	_ =	sdelay $0x1  }
0x20a: {  	[tilespmem:$0x19120] =	vst v1  }
0x20b: {  	v1 =	vld [tilespmem:s0+$0x18800]  }
0x20c: {  	v2 =	vld [tilespmem:s0+$0x18C00];
	_ =	sdelay $0x4  }
0x20d: {  	v1 =	vadd.f32 v2, v1;
	_ =	sdelay $0x1  }
0x20e: {  	v2 =	vand.u32 $0x7FFFFFFF, v1  }
0x20f: {  	v2 =	vsub.f32 $0.0e+00, v2;
	_ =	sdelay $0x1  }
0x210: {  	v2 =	vmul.f32 $1.442695020e+00, v2;
	_ =	sdelay $0x1  }
0x211: {  	(erf) = vpow2.f32 v2;
	_ =	sdelay $0x8  }
0x212: {  	v2 =	vpop (erf)  }
0x213: {  	v3 =	vadd.f32 $2.000000000e+00, v2;
	_ =	sdelay $0x1  }
0x214: {  	(erf) = vrcp.f32 v3;
	_ =	sdelay $0x8  }
0x215: {  	v3 =	vpop (erf)  }
0x216: {  	v2 =	vmul.f32 v3, v2;
	_ =	sdelay $0x1  }
0x217: {  	v3 =	vmul.f32 v2, v2;
	_ =	sdelay $0x1  }
0x218: {  	v51 =	vmul.f32 $1.111111120e-01, v3;
	_ =	sdelay $0x1  }
0x219: {  	v4 =	vadd.f32 $1.428571490e-01, v51;
	_ =	sdelay $0x1  }
0x21a: {  	v4 =	vmul.f32 v4, v3;
	_ =	sdelay $0x1  }
0x21b: {  	v4 =	vadd.f32 $2.000000030e-01, v4;
	_ =	sdelay $0x1  }
0x21c: {  	v4 =	vmul.f32 v4, v3;
	_ =	sdelay $0x1  }
0x21d: {  	v4 =	vadd.f32 $3.333333430e-01, v4;
	_ =	sdelay $0x1  }
0x21e: {  	v3 =	vmul.f32 v4, v3;
	_ =	sdelay $0x1  }
0x21f: {  	v2 =	vadd.f32 v2, v2;
	v3 =	vadd.f32 $1.000000000e+00, v3;
	_ =	sdelay $0x1  }
0x220: {  	v2 =	vmul.f32 v3, v2  }
0x221: {  	v1 =	vmin.f32 v1, $0.0e+00  }
0x222: {  	v1 =	vsub.f32 v1, v2;
	_ =	sdelay $0x1  }
0x223: {  	[tilespmem:$0x19130] =	vst v1  }
0x224: {  	v1 =	vld [tilespmem:s3+$0x18800]  }
0x225: {  	v2 =	vld [tilespmem:s3+$0x18C00];
	_ =	sdelay $0x4  }
0x226: {  	v1 =	vadd.f32 v2, v1;
	_ =	sdelay $0x1  }
0x227: {  	v2 =	vand.u32 $0x7FFFFFFF, v1  }
0x228: {  	v2 =	vsub.f32 $0.0e+00, v2;
	_ =	sdelay $0x1  }
0x229: {  	v2 =	vmul.f32 $1.442695020e+00, v2;
	_ =	sdelay $0x1  }
0x22a: {  	(erf) = vpow2.f32 v2;
	_ =	sdelay $0x8  }
0x22b: {  	v2 =	vpop (erf)  }
0x22c: {  	v3 =	vadd.f32 $2.000000000e+00, v2;
	_ =	sdelay $0x1  }
0x22d: {  	(erf) = vrcp.f32 v3;
	_ =	sdelay $0x8  }
0x22e: {  	v3 =	vpop (erf)  }
0x22f: {  	v2 =	vmul.f32 v3, v2;
	_ =	sdelay $0x1  }
0x230: {  	v3 =	vmul.f32 v2, v2;
	_ =	sdelay $0x1  }
0x231: {  	v52 =	vmul.f32 $1.111111120e-01, v3;
	_ =	sdelay $0x1  }
0x232: {  	v4 =	vadd.f32 $1.428571490e-01, v52;
	_ =	sdelay $0x1  }
0x233: {  	v4 =	vmul.f32 v4, v3;
	_ =	sdelay $0x1  }
0x234: {  	v4 =	vadd.f32 $2.000000030e-01, v4;
	_ =	sdelay $0x1  }
0x235: {  	v4 =	vmul.f32 v4, v3;
	_ =	sdelay $0x1  }
0x236: {  	v4 =	vadd.f32 $3.333333430e-01, v4;
	_ =	sdelay $0x1  }
0x237: {  	v3 =	vmul.f32 v4, v3;
	_ =	sdelay $0x1  }
0x238: {  	v2 =	vadd.f32 v2, v2;
	v3 =	vadd.f32 $1.000000000e+00, v3;
	_ =	sdelay $0x1  }
0x239: {  	v2 =	vmul.f32 v3, v2  }
0x23a: {  	v1 =	vmin.f32 v1, $0.0e+00  }
0x23b: {  	v1 =	vsub.f32 v1, v2;
	_ =	sdelay $0x1  }
0x23c: {  	[tilespmem:$0x19140] =	vst v1  }
0x23d: {  	v1 =	vld [tilespmem:s5+$0x18800]  }
0x23e: {  	v2 =	vld [tilespmem:s5+$0x18C00];
	_ =	sdelay $0x4  }
0x23f: {  	v1 =	vadd.f32 v2, v1;
	_ =	sdelay $0x1  }
0x240: {  	v2 =	vand.u32 $0x7FFFFFFF, v1  }
0x241: {  	v2 =	vsub.f32 $0.0e+00, v2;
	_ =	sdelay $0x1  }
0x242: {  	v2 =	vmul.f32 $1.442695020e+00, v2;
	_ =	sdelay $0x1  }
0x243: {  	(erf) = vpow2.f32 v2;
	_ =	sdelay $0x8  }
0x244: {  	v2 =	vpop (erf)  }
0x245: {  	v3 =	vadd.f32 $2.000000000e+00, v2;
	_ =	sdelay $0x1  }
0x246: {  	(erf) = vrcp.f32 v3;
	_ =	sdelay $0x8  }
0x247: {  	v3 =	vpop (erf)  }
0x248: {  	v2 =	vmul.f32 v3, v2;
	_ =	sdelay $0x1  }
0x249: {  	v3 =	vmul.f32 v2, v2;
	_ =	sdelay $0x1  }
0x24a: {  	v53 =	vmul.f32 $1.111111120e-01, v3;
	_ =	sdelay $0x1  }
0x24b: {  	v4 =	vadd.f32 $1.428571490e-01, v53;
	_ =	sdelay $0x1  }
0x24c: {  	v4 =	vmul.f32 v4, v3;
	_ =	sdelay $0x1  }
0x24d: {  	v4 =	vadd.f32 $2.000000030e-01, v4;
	_ =	sdelay $0x1  }
0x24e: {  	v4 =	vmul.f32 v4, v3;
	_ =	sdelay $0x1  }
0x24f: {  	v4 =	vadd.f32 $3.333333430e-01, v4;
	_ =	sdelay $0x1  }
0x250: {  	v3 =	vmul.f32 v4, v3;
	_ =	sdelay $0x1  }
0x251: {  	v2 =	vadd.f32 v2, v2;
	v3 =	vadd.f32 $1.000000000e+00, v3;
	_ =	sdelay $0x1  }
0x252: {  	v2 =	vmul.f32 v3, v2  }
0x253: {  	v1 =	vmin.f32 v1, $0.0e+00  }
0x254: {  	v1 =	vsub.f32 v1, v2;
	_ =	sdelay $0x1  }
0x255: {  	[tilespmem:$0x19150] =	vst v1  }
0x256: {  	v1 =	vld [tilespmem:s6+$0x18800]  }
0x257: {  	v2 =	vld [tilespmem:s6+$0x18C00];
	_ =	sdelay $0x4  }
0x258: {  	v1 =	vadd.f32 v2, v1;
	_ =	sdelay $0x1  }
0x259: {  	v2 =	vand.u32 $0x7FFFFFFF, v1  }
0x25a: {  	v2 =	vsub.f32 $0.0e+00, v2;
	_ =	sdelay $0x1  }
0x25b: {  	v2 =	vmul.f32 $1.442695020e+00, v2;
	_ =	sdelay $0x1  }
0x25c: {  	(erf) = vpow2.f32 v2;
	_ =	sdelay $0x8  }
0x25d: {  	v2 =	vpop (erf)  }
0x25e: {  	v3 =	vadd.f32 $2.000000000e+00, v2;
	_ =	sdelay $0x1  }
0x25f: {  	(erf) = vrcp.f32 v3;
	_ =	sdelay $0x8  }
0x260: {  	v3 =	vpop (erf)  }
0x261: {  	v2 =	vmul.f32 v3, v2;
	_ =	sdelay $0x1  }
0x262: {  	v3 =	vmul.f32 v2, v2;
	_ =	sdelay $0x1  }
0x263: {  	v54 =	vmul.f32 $1.111111120e-01, v3;
	_ =	sdelay $0x1  }
0x264: {  	v4 =	vadd.f32 $1.428571490e-01, v54;
	_ =	sdelay $0x1  }
0x265: {  	v4 =	vmul.f32 v4, v3;
	_ =	sdelay $0x1  }
0x266: {  	v4 =	vadd.f32 $2.000000030e-01, v4;
	_ =	sdelay $0x1  }
0x267: {  	v4 =	vmul.f32 v4, v3;
	_ =	sdelay $0x1  }
0x268: {  	v4 =	vadd.f32 $3.333333430e-01, v4;
	_ =	sdelay $0x1  }
0x269: {  	v3 =	vmul.f32 v4, v3;
	_ =	sdelay $0x1  }
0x26a: {  	v2 =	vadd.f32 v2, v2;
	v3 =	vadd.f32 $1.000000000e+00, v3;
	_ =	sdelay $0x1  }
0x26b: {  	v2 =	vmul.f32 v3, v2  }
0x26c: {  	v1 =	vmin.f32 v1, $0.0e+00  }
0x26d: {  	v1 =	vsub.f32 v1, v2;
	_ =	sdelay $0x1  }
0x26e: {  	[tilespmem:$0x19160] =	vst v1  }
0x26f: {  	v1 =	vld [tilespmem:s9+$0x18800]  }
0x270: {  	v2 =	vld [tilespmem:s9+$0x18C00];
	_ =	sdelay $0x4  }
0x271: {  	v1 =	vadd.f32 v2, v1;
	_ =	sdelay $0x1  }
0x272: {  	v2 =	vand.u32 $0x7FFFFFFF, v1  }
0x273: {  	v2 =	vsub.f32 $0.0e+00, v2;
	_ =	sdelay $0x1  }
0x274: {  	v2 =	vmul.f32 $1.442695020e+00, v2;
	_ =	sdelay $0x1  }
0x275: {  	(erf) = vpow2.f32 v2;
	_ =	sdelay $0x8  }
0x276: {  	v2 =	vpop (erf)  }
0x277: {  	v3 =	vadd.f32 $2.000000000e+00, v2;
	_ =	sdelay $0x1  }
0x278: {  	(erf) = vrcp.f32 v3;
	_ =	sdelay $0x8  }
0x279: {  	v3 =	vpop (erf)  }
0x27a: {  	v2 =	vmul.f32 v3, v2;
	_ =	sdelay $0x1  }
0x27b: {  	v3 =	vmul.f32 v2, v2;
	_ =	sdelay $0x1  }
0x27c: {  	v55 =	vmul.f32 $1.111111120e-01, v3;
	_ =	sdelay $0x1  }
0x27d: {  	v4 =	vadd.f32 $1.428571490e-01, v55;
	_ =	sdelay $0x1  }
0x27e: {  	v4 =	vmul.f32 v4, v3;
	_ =	sdelay $0x1  }
0x27f: {  	v4 =	vadd.f32 $2.000000030e-01, v4;
	_ =	sdelay $0x1  }
0x280: {  	v4 =	vmul.f32 v4, v3;
	_ =	sdelay $0x1  }
0x281: {  	v4 =	vadd.f32 $3.333333430e-01, v4;
	_ =	sdelay $0x1  }
0x282: {  	v3 =	vmul.f32 v4, v3;
	_ =	sdelay $0x1  }
0x283: {  	v2 =	vadd.f32 v2, v2;
	v3 =	vadd.f32 $1.000000000e+00, v3;
	_ =	sdelay $0x1  }
0x284: {  	v2 =	vmul.f32 v3, v2  }
0x285: {  	v1 =	vmin.f32 v1, $0.0e+00  }
0x286: {  	v1 =	vsub.f32 v1, v2;
	_ =	sdelay $0x1  }
0x287: {  	[tilespmem:$0x19170] =	vst v1  }
0x288: {  	v1 =	vld [tilespmem:s10+$0x18800]  }
0x289: {  	v2 =	vld [tilespmem:s10+$0x18C00];
	_ =	sdelay $0x4  }
0x28a: {  	v1 =	vadd.f32 v2, v1;
	_ =	sdelay $0x1  }
0x28b: {  	v2 =	vand.u32 $0x7FFFFFFF, v1  }
0x28c: {  	v2 =	vsub.f32 $0.0e+00, v2;
	_ =	sdelay $0x1  }
0x28d: {  	v2 =	vmul.f32 $1.442695020e+00, v2;
	_ =	sdelay $0x1  }
0x28e: {  	(erf) = vpow2.f32 v2;
	_ =	sdelay $0x8  }
0x28f: {  	v2 =	vpop (erf)  }
0x290: {  	v3 =	vadd.f32 $2.000000000e+00, v2;
	_ =	sdelay $0x1  }
0x291: {  	(erf) = vrcp.f32 v3;
	_ =	sdelay $0x8  }
0x292: {  	v3 =	vpop (erf)  }
0x293: {  	v2 =	vmul.f32 v3, v2;
	_ =	sdelay $0x1  }
0x294: {  	v3 =	vmul.f32 v2, v2;
	_ =	sdelay $0x1  }
0x295: {  	v56 =	vmul.f32 $1.111111120e-01, v3;
	_ =	sdelay $0x1  }
0x296: {  	v4 =	vadd.f32 $1.428571490e-01, v56;
	_ =	sdelay $0x1  }
0x297: {  	v4 =	vmul.f32 v4, v3;
	_ =	sdelay $0x1  }
0x298: {  	v4 =	vadd.f32 $2.000000030e-01, v4;
	_ =	sdelay $0x1  }
0x299: {  	v4 =	vmul.f32 v4, v3;
	_ =	sdelay $0x1  }
0x29a: {  	v4 =	vadd.f32 $3.333333430e-01, v4;
	_ =	sdelay $0x1  }
0x29b: {  	v3 =	vmul.f32 v4, v3;
	_ =	sdelay $0x1  }
0x29c: {  	v2 =	vadd.f32 v2, v2;
	v3 =	vadd.f32 $1.000000000e+00, v3;
	_ =	sdelay $0x1  }
0x29d: {  	v2 =	vmul.f32 v3, v2  }
0x29e: {  	v1 =	vmin.f32 v1, $0.0e+00  }
0x29f: {  	v1 =	vsub.f32 v1, v2;
	_ =	sdelay $0x1  }
0x2a0: {  	[tilespmem:$0x19180] =	vst v1  }
0x2a1: {  	v1 =	vld [tilespmem:s23+$0x18800]  }
0x2a2: {  	v2 =	vld [tilespmem:s23+$0x18C00];
	_ =	sdelay $0x4  }
0x2a3: {  	v1 =	vadd.f32 v2, v1;
	_ =	sdelay $0x1  }
0x2a4: {  	v2 =	vand.u32 $0x7FFFFFFF, v1  }
0x2a5: {  	v2 =	vsub.f32 $0.0e+00, v2;
	_ =	sdelay $0x1  }
0x2a6: {  	v2 =	vmul.f32 $1.442695020e+00, v2;
	_ =	sdelay $0x1  }
0x2a7: {  	(erf) = vpow2.f32 v2;
	_ =	sdelay $0x8  }
0x2a8: {  	v2 =	vpop (erf)  }
0x2a9: {  	v3 =	vadd.f32 $2.000000000e+00, v2;
	_ =	sdelay $0x1  }
0x2aa: {  	(erf) = vrcp.f32 v3;
	_ =	sdelay $0x8  }
0x2ab: {  	v3 =	vpop (erf)  }
0x2ac: {  	v2 =	vmul.f32 v3, v2;
	_ =	sdelay $0x1  }
0x2ad: {  	v3 =	vmul.f32 v2, v2;
	_ =	sdelay $0x1  }
0x2ae: {  	v57 =	vmul.f32 $1.111111120e-01, v3;
	_ =	sdelay $0x1  }
0x2af: {  	v4 =	vadd.f32 $1.428571490e-01, v57;
	_ =	sdelay $0x1  }
0x2b0: {  	v4 =	vmul.f32 v4, v3;
	_ =	sdelay $0x1  }
0x2b1: {  	v4 =	vadd.f32 $2.000000030e-01, v4;
	_ =	sdelay $0x1  }
0x2b2: {  	v4 =	vmul.f32 v4, v3;
	_ =	sdelay $0x1  }
0x2b3: {  	v4 =	vadd.f32 $3.333333430e-01, v4;
	_ =	sdelay $0x1  }
0x2b4: {  	v3 =	vmul.f32 v4, v3;
	_ =	sdelay $0x1  }
0x2b5: {  	v2 =	vadd.f32 v2, v2;
	v3 =	vadd.f32 $1.000000000e+00, v3;
	_ =	sdelay $0x1  }
0x2b6: {  	v2 =	vmul.f32 v3, v2  }
0x2b7: {  	v1 =	vmin.f32 v1, $0.0e+00  }
0x2b8: {  	v1 =	vsub.f32 v1, v2;
	_ =	sdelay $0x1  }
0x2b9: {  	[tilespmem:$0x19190] =	vst v1  }
0x2ba: {  	v1 =	vld [tilespmem:s25+$0x18800]  }
0x2bb: {  	v2 =	vld [tilespmem:s25+$0x18C00];
	_ =	sdelay $0x4  }
0x2bc: {  	v1 =	vadd.f32 v2, v1;
	_ =	sdelay $0x1  }
0x2bd: {  	v2 =	vand.u32 $0x7FFFFFFF, v1  }
0x2be: {  	v2 =	vsub.f32 $0.0e+00, v2;
	_ =	sdelay $0x1  }
0x2bf: {  	v2 =	vmul.f32 $1.442695020e+00, v2;
	_ =	sdelay $0x1  }
0x2c0: {  	(erf) = vpow2.f32 v2;
	_ =	sdelay $0x8  }
0x2c1: {  	v2 =	vpop (erf)  }
0x2c2: {  	v3 =	vadd.f32 $2.000000000e+00, v2;
	_ =	sdelay $0x1  }
0x2c3: {  	(erf) = vrcp.f32 v3;
	_ =	sdelay $0x8  }
0x2c4: {  	v3 =	vpop (erf)  }
0x2c5: {  	v2 =	vmul.f32 v3, v2;
	_ =	sdelay $0x1  }
0x2c6: {  	v3 =	vmul.f32 v2, v2;
	_ =	sdelay $0x1  }
0x2c7: {  	v58 =	vmul.f32 $1.111111120e-01, v3;
	_ =	sdelay $0x1  }
0x2c8: {  	v4 =	vadd.f32 $1.428571490e-01, v58;
	_ =	sdelay $0x1  }
0x2c9: {  	v4 =	vmul.f32 v4, v3;
	_ =	sdelay $0x1  }
0x2ca: {  	v4 =	vadd.f32 $2.000000030e-01, v4;
	_ =	sdelay $0x1  }
0x2cb: {  	v4 =	vmul.f32 v4, v3;
	_ =	sdelay $0x1  }
0x2cc: {  	v4 =	vadd.f32 $3.333333430e-01, v4;
	_ =	sdelay $0x1  }
0x2cd: {  	v3 =	vmul.f32 v4, v3;
	_ =	sdelay $0x1  }
0x2ce: {  	v2 =	vadd.f32 v2, v2;
	v3 =	vadd.f32 $1.000000000e+00, v3;
	_ =	sdelay $0x1  }
0x2cf: {  	v2 =	vmul.f32 v3, v2  }
0x2d0: {  	v1 =	vmin.f32 v1, $0.0e+00  }
0x2d1: {  	v1 =	vsub.f32 v1, v2;
	_ =	sdelay $0x1  }
0x2d2: {  	[tilespmem:$0x191A0] =	vst v1  }
0x2d3: {  	v1 =	vld [tilespmem:s11+$0x18800]  }
0x2d4: {  	v2 =	vld [tilespmem:s11+$0x18C00];
	_ =	sdelay $0x4  }
0x2d5: {  	v1 =	vadd.f32 v2, v1;
	_ =	sdelay $0x1  }
0x2d6: {  	v2 =	vand.u32 $0x7FFFFFFF, v1  }
0x2d7: {  	v2 =	vsub.f32 $0.0e+00, v2;
	_ =	sdelay $0x1  }
0x2d8: {  	v2 =	vmul.f32 $1.442695020e+00, v2;
	_ =	sdelay $0x1  }
0x2d9: {  	(erf) = vpow2.f32 v2;
	_ =	sdelay $0x8  }
0x2da: {  	v2 =	vpop (erf)  }
0x2db: {  	v3 =	vadd.f32 $2.000000000e+00, v2;
	_ =	sdelay $0x1  }
0x2dc: {  	(erf) = vrcp.f32 v3;
	_ =	sdelay $0x8  }
0x2dd: {  	v3 =	vpop (erf)  }
0x2de: {  	v2 =	vmul.f32 v3, v2;
	_ =	sdelay $0x1  }
0x2df: {  	v3 =	vmul.f32 v2, v2;
	_ =	sdelay $0x1  }
0x2e0: {  	v59 =	vmul.f32 $1.111111120e-01, v3;
	_ =	sdelay $0x1  }
0x2e1: {  	v4 =	vadd.f32 $1.428571490e-01, v59;
	_ =	sdelay $0x1  }
0x2e2: {  	v4 =	vmul.f32 v4, v3;
	_ =	sdelay $0x1  }
0x2e3: {  	v4 =	vadd.f32 $2.000000030e-01, v4;
	_ =	sdelay $0x1  }
0x2e4: {  	v4 =	vmul.f32 v4, v3;
	_ =	sdelay $0x1  }
0x2e5: {  	v4 =	vadd.f32 $3.333333430e-01, v4;
	_ =	sdelay $0x1  }
0x2e6: {  	v3 =	vmul.f32 v4, v3;
	_ =	sdelay $0x1  }
0x2e7: {  	v2 =	vadd.f32 v2, v2;
	v3 =	vadd.f32 $1.000000000e+00, v3;
	_ =	sdelay $0x1  }
0x2e8: {  	v2 =	vmul.f32 v3, v2  }
0x2e9: {  	v1 =	vmin.f32 v1, $0.0e+00  }
0x2ea: {  	v1 =	vsub.f32 v1, v2;
	_ =	sdelay $0x1  }
0x2eb: {  	[tilespmem:$0x191B0] =	vst v1  }
0x2ec: {  	v1 =	vld [tilespmem:s12+$0x18800]  }
0x2ed: {  	v2 =	vld [tilespmem:s12+$0x18C00];
	_ =	sdelay $0x4  }
0x2ee: {  	v1 =	vadd.f32 v2, v1;
	_ =	sdelay $0x1  }
0x2ef: {  	v2 =	vand.u32 $0x7FFFFFFF, v1  }
0x2f0: {  	v2 =	vsub.f32 $0.0e+00, v2;
	_ =	sdelay $0x1  }
0x2f1: {  	v2 =	vmul.f32 $1.442695020e+00, v2;
	_ =	sdelay $0x1  }
0x2f2: {  	(erf) = vpow2.f32 v2;
	_ =	sdelay $0x8  }
0x2f3: {  	v2 =	vpop (erf)  }
0x2f4: {  	v3 =	vadd.f32 $2.000000000e+00, v2;
	_ =	sdelay $0x1  }
0x2f5: {  	(erf) = vrcp.f32 v3;
	_ =	sdelay $0x8  }
0x2f6: {  	v3 =	vpop (erf)  }
0x2f7: {  	v2 =	vmul.f32 v3, v2;
	_ =	sdelay $0x1  }
0x2f8: {  	v3 =	vmul.f32 v2, v2;
	_ =	sdelay $0x1  }
0x2f9: {  	v60 =	vmul.f32 $1.111111120e-01, v3;
	_ =	sdelay $0x1  }
0x2fa: {  	v4 =	vadd.f32 $1.428571490e-01, v60;
	_ =	sdelay $0x1  }
0x2fb: {  	v4 =	vmul.f32 v4, v3;
	_ =	sdelay $0x1  }
0x2fc: {  	v4 =	vadd.f32 $2.000000030e-01, v4;
	_ =	sdelay $0x1  }
0x2fd: {  	v4 =	vmul.f32 v4, v3;
	_ =	sdelay $0x1  }
0x2fe: {  	v4 =	vadd.f32 $3.333333430e-01, v4;
	_ =	sdelay $0x1  }
0x2ff: {  	v3 =	vmul.f32 v4, v3;
	_ =	sdelay $0x1  }
0x300: {  	v2 =	vadd.f32 v2, v2;
	v3 =	vadd.f32 $1.000000000e+00, v3;
	_ =	sdelay $0x1  }
0x301: {  	v2 =	vmul.f32 v3, v2  }
0x302: {  	v1 =	vmin.f32 v1, $0.0e+00  }
0x303: {  	v1 =	vsub.f32 v1, v2;
	_ =	sdelay $0x1  }
0x304: {  	[tilespmem:$0x191C0] =	vst v1  }
0x305: {  	v1 =	vld [tilespmem:s13+$0x18800]  }
0x306: {  	v2 =	vld [tilespmem:s13+$0x18C00];
	_ =	sdelay $0x4  }
0x307: {  	v1 =	vadd.f32 v2, v1;
	_ =	sdelay $0x1  }
0x308: {  	v2 =	vand.u32 $0x7FFFFFFF, v1  }
0x309: {  	v2 =	vsub.f32 $0.0e+00, v2;
	_ =	sdelay $0x1  }
0x30a: {  	v2 =	vmul.f32 $1.442695020e+00, v2;
	_ =	sdelay $0x1  }
0x30b: {  	(erf) = vpow2.f32 v2;
	_ =	sdelay $0x8  }
0x30c: {  	v2 =	vpop (erf)  }
0x30d: {  	v3 =	vadd.f32 $2.000000000e+00, v2;
	_ =	sdelay $0x1  }
0x30e: {  	(erf) = vrcp.f32 v3;
	_ =	sdelay $0x8  }
0x30f: {  	v3 =	vpop (erf)  }
0x310: {  	v2 =	vmul.f32 v3, v2;
	_ =	sdelay $0x1  }
0x311: {  	v3 =	vmul.f32 v2, v2;
	_ =	sdelay $0x1  }
0x312: {  	v61 =	vmul.f32 $1.111111120e-01, v3;
	_ =	sdelay $0x1  }
0x313: {  	v4 =	vadd.f32 $1.428571490e-01, v61;
	_ =	sdelay $0x1  }
0x314: {  	v4 =	vmul.f32 v4, v3;
	_ =	sdelay $0x1  }
0x315: {  	v4 =	vadd.f32 $2.000000030e-01, v4;
	_ =	sdelay $0x1  }
0x316: {  	v4 =	vmul.f32 v4, v3;
	_ =	sdelay $0x1  }
0x317: {  	v4 =	vadd.f32 $3.333333430e-01, v4;
	_ =	sdelay $0x1  }
0x318: {  	v3 =	vmul.f32 v4, v3;
	_ =	sdelay $0x1  }
0x319: {  	v2 =	vadd.f32 v2, v2;
	v3 =	vadd.f32 $1.000000000e+00, v3;
	_ =	sdelay $0x1  }
0x31a: {  	v2 =	vmul.f32 v3, v2  }
0x31b: {  	v1 =	vmin.f32 v1, $0.0e+00  }
0x31c: {  	v1 =	vsub.f32 v1, v2;
	_ =	sdelay $0x1  }
0x31d: {  	[tilespmem:$0x191D0] =	vst v1  }
0x31e: {  	v1 =	vld [tilespmem:s14+$0x18800]  }
0x31f: {  	v2 =	vld [tilespmem:s14+$0x18C00];
	_ =	sdelay $0x4  }
0x320: {  	v1 =	vadd.f32 v2, v1;
	_ =	sdelay $0x1  }
0x321: {  	v2 =	vand.u32 $0x7FFFFFFF, v1  }
0x322: {  	v2 =	vsub.f32 $0.0e+00, v2;
	_ =	sdelay $0x1  }
0x323: {  	v2 =	vmul.f32 $1.442695020e+00, v2;
	_ =	sdelay $0x1  }
0x324: {  	(erf) = vpow2.f32 v2;
	_ =	sdelay $0x8  }
0x325: {  	v2 =	vpop (erf)  }
0x326: {  	v3 =	vadd.f32 $2.000000000e+00, v2;
	_ =	sdelay $0x1  }
0x327: {  	(erf) = vrcp.f32 v3;
	_ =	sdelay $0x8  }
0x328: {  	v3 =	vpop (erf)  }
0x329: {  	v2 =	vmul.f32 v3, v2;
	_ =	sdelay $0x1  }
0x32a: {  	v3 =	vmul.f32 v2, v2;
	_ =	sdelay $0x1  }
0x32b: {  	v62 =	vmul.f32 $1.111111120e-01, v3;
	_ =	sdelay $0x1  }
0x32c: {  	v4 =	vadd.f32 $1.428571490e-01, v62;
	_ =	sdelay $0x1  }
0x32d: {  	v4 =	vmul.f32 v4, v3;
	_ =	sdelay $0x1  }
0x32e: {  	v4 =	vadd.f32 $2.000000030e-01, v4;
	_ =	sdelay $0x1  }
0x32f: {  	v4 =	vmul.f32 v4, v3;
	_ =	sdelay $0x1  }
0x330: {  	v4 =	vadd.f32 $3.333333430e-01, v4;
	_ =	sdelay $0x1  }
0x331: {  	v3 =	vmul.f32 v4, v3;
	_ =	sdelay $0x1  }
0x332: {  	v2 =	vadd.f32 v2, v2;
	v3 =	vadd.f32 $1.000000000e+00, v3;
	_ =	sdelay $0x1  }
0x333: {  	v2 =	vmul.f32 v3, v2  }
0x334: {  	v1 =	vmin.f32 v1, $0.0e+00  }
0x335: {  	v1 =	vsub.f32 v1, v2;
	_ =	sdelay $0x1  }
0x336: {  	[tilespmem:$0x191E0] =	vst v1  }
0x337: {  	v1 =	vld [tilespmem:s15+$0x18800]  }
0x338: {  	v2 =	vld [tilespmem:s15+$0x18C00];
	_ =	sdelay $0x4  }
0x339: {  	v1 =	vadd.f32 v2, v1;
	_ =	sdelay $0x1  }
0x33a: {  	v2 =	vand.u32 $0x7FFFFFFF, v1  }
0x33b: {  	v2 =	vsub.f32 $0.0e+00, v2;
	_ =	sdelay $0x1  }
0x33c: {  	v2 =	vmul.f32 $1.442695020e+00, v2;
	_ =	sdelay $0x1  }
0x33d: {  	(erf) = vpow2.f32 v2;
	_ =	sdelay $0x8  }
0x33e: {  	v2 =	vpop (erf)  }
0x33f: {  	v3 =	vadd.f32 $2.000000000e+00, v2;
	_ =	sdelay $0x1  }
0x340: {  	(erf) = vrcp.f32 v3;
	_ =	sdelay $0x8  }
0x341: {  	v3 =	vpop (erf)  }
0x342: {  	v2 =	vmul.f32 v3, v2;
	_ =	sdelay $0x1  }
0x343: {  	v3 =	vmul.f32 v2, v2;
	_ =	sdelay $0x1  }
0x344: {  	v63 =	vmul.f32 $1.111111120e-01, v3;
	_ =	sdelay $0x1  }
0x345: {  	v4 =	vadd.f32 $1.428571490e-01, v63;
	_ =	sdelay $0x1  }
0x346: {  	v4 =	vmul.f32 v4, v3;
	_ =	sdelay $0x1  }
0x347: {  	v4 =	vadd.f32 $2.000000030e-01, v4;
	_ =	sdelay $0x1  }
0x348: {  	v4 =	vmul.f32 v4, v3;
	_ =	sdelay $0x1  }
0x349: {  	v4 =	vadd.f32 $3.333333430e-01, v4;
	_ =	sdelay $0x1  }
0x34a: {  	v3 =	vmul.f32 v4, v3;
	_ =	sdelay $0x1  }
0x34b: {  	v2 =	vadd.f32 v2, v2;
	v3 =	vadd.f32 $1.000000000e+00, v3;
	_ =	sdelay $0x1  }
0x34c: {  	v2 =	vmul.f32 v3, v2  }
0x34d: {  	v1 =	vmin.f32 v1, $0.0e+00  }
0x34e: {  	v1 =	vsub.f32 v1, v2;
	_ =	sdelay $0x1  }
0x34f: {  	s28 =	rddreg [dreg:$0x17];
	s29 =	simm.s32 $0x19000;
	[tilespmem:$0x191F0] =	vst v1  }
0x350: {  	[hbm4b:s28+s4] =	stream.linear.scatter [tilespmem:s29], [sflag:$0x2], $0x200, $0x38;
	[tilespmem:$0x19600] =	vst v63  }
0x351: {  	_ =	swait.ge [sflag:s16], $0x200  }
0x352: {  	s20 =	sadd.s32 $0x1, s20;
	s30 =	rddreg [dreg:$0x19]  }
0x353: {  	p0 =	sne.s32 s20, s30  }
.Ltmp1:
0x354: {  	_ = 	snop;
	(pc) =	sbr.rel @!p0 .LBB2_6-.Ltmp1, $3  }
0x355: {  	_ =	sdelay $0x1  }
0x356: {  	[sflag:s16] =	ssyncset.done $0x0  }
0x357: {  	[sflag:s16] =	ssyncadd.s32 $0xFFFFFE00  }
.LBB2_1:
0x358: {  	s21 =	rddreg [dreg:$0x7]  }
0x359: {  	[tilespmem:s4], [sflag:$0x2] =	stream.linear.gather [hbm4b:s21+s4], $0x400, $0x38;
	[tilespmem:$0x19600] =	vst v63  }
0x35a: {  	_ =	swait.ge [sflag:s16], $0x400  }
0x35b: {  	[sflag:s16] =	ssyncset.done $0x0  }
0x35c: {  	s22 =	simm.s32 $0x400;
	s24 =	rddreg [dreg:$0x8];
	[sflag:s16] =	ssyncadd.s32 $0xFFFFFC00  }
0x35d: {  	[tilespmem:s22], [sflag:$0x2] =	stream.linear.gather [hbm4b:s24+s4], $0x400, $0x38;
	[tilespmem:$0x19600] =	vst v63  }
0x35e: {  	_ =	swait.ge [sflag:s16], $0x400  }
0x35f: {  	[sflag:s16] =	ssyncset.done $0x0  }
0x360: {  	[sflag:s16] =	ssyncadd.s32 $0xFFFFFC00  }
0x361: {  	v1 =	vld [tilespmem:$0x0];
	_ =	sdelay $0x4  }
0x362: {  	v2 =	vshll.u32 v1, $0x3  }
0x363: {  	v1 =	vld [tilespmem:$0x400];
	(v2sf) =	vpush v2, $0x0;
	_ =	sdelay $0x4  }
0x364: {  	v1 =	vshll.u32 v1, $0x3  }
0x365: {  	(v2sf) =	vpush v1, $0x0;
	_ =	sdelay $0x3  }
0x366: {  	(v2sf) =	vpush v2, $0x1;
	_ =	sdelay $0x4  }
0x367: {  	s26 =	spop (v2sf)  }
0x368: {  	s21 =	sand.u32 $0x7FFFFC00, s26  }
0x369: {  	(v2sf) =	vpush v1, $0x1;
	s21 =	sadd.s32 s7, s21  }
0x36a: {  	s21 =	sshrl.u32 s21, $0x3  }
0x36b: {  	s21 =	sadd.s32 s1, s21  }
0x36c: {  	[tilespmem:s17], [sflag:$0x1] =	stream.linear.gather [hbm4b:s21+s4], $0x400, $0x38;
	[tilespmem:$0x19600] =	vst v63  }
0x36d: {  	s28 =	spop (v2sf)  }
0x36e: {  	s21 =	sand.u32 $0x7FFFFC00, s28  }
0x36f: {  	(v2sf) =	vpush v2, $0x2;
	s21 =	sadd.s32 s7, s21  }
0x370: {  	s21 =	sshrl.u32 s21, $0x3  }
0x371: {  	s29 =	spop (v2sf);
	s21 =	sadd.s32 s2, s21  }
0x372: {  	[tilespmem:s18], [sflag:$0x1] =	stream.linear.gather [hbm4b:s21+s4], $0x400, $0x38;
	[tilespmem:$0x19600] =	vst v63  }
0x373: {  	(v2sf) =	vpush v1, $0x2;
	s21 =	sand.u32 $0x7FFFFC00, s29  }
0x374: {  	s21 =	sadd.s32 s7, s21  }
0x375: {  	s21 =	sshrl.u32 s21, $0x3  }
0x376: {  	s30 =	simm.s32 $0xC00;
	s21 =	sadd.s32 s1, s21  }
0x377: {  	[tilespmem:s30], [sflag:$0x1] =	stream.linear.gather [hbm4b:s21+s4], $0x400, $0x38;
	[tilespmem:$0x19600] =	vst v63  }
0x378: {  	s22 =	spop (v2sf)  }
0x379: {  	s21 =	sand.u32 $0x7FFFFC00, s22  }
0x37a: {  	(v2sf) =	vpush v2, $0x3;
	s21 =	sadd.s32 s7, s21  }
0x37b: {  	s21 =	sshrl.u32 s21, $0x3  }
0x37c: {  	s24 =	simm.s32 $0xCC00;
	s21 =	sadd.s32 s2, s21  }
0x37d: {  	[tilespmem:s24], [sflag:$0x1] =	stream.linear.gather [hbm4b:s21+s4], $0x400, $0x38;
	[tilespmem:$0x19600] =	vst v63  }
0x37e: {  	s26 =	spop (v2sf)  }
0x37f: {  	s21 =	sand.u32 $0x7FFFFC00, s26  }
0x380: {  	(v2sf) =	vpush v1, $0x3;
	s21 =	sadd.s32 s7, s21  }
0x381: {  	s21 =	sshrl.u32 s21, $0x3  }
0x382: {  	s28 =	simm.s32 $0x1000;
	s29 =	spop (v2sf);
	s21 =	sadd.s32 s1, s21  }
0x383: {  	[tilespmem:s28], [sflag:$0x1] =	stream.linear.gather [hbm4b:s21+s4], $0x400, $0x38;
	[tilespmem:$0x19600] =	vst v63  }
0x384: {  	(v2sf) =	vpush v2, $0x4;
	s21 =	sand.u32 $0x7FFFFC00, s29  }
0x385: {  	s21 =	sadd.s32 s7, s21  }
0x386: {  	s21 =	sshrl.u32 s21, $0x3  }
0x387: {  	s30 =	simm.s32 $0xD000;
	s21 =	sadd.s32 s2, s21  }
0x388: {  	[tilespmem:s30], [sflag:$0x1] =	stream.linear.gather [hbm4b:s21+s4], $0x400, $0x38;
	[tilespmem:$0x19600] =	vst v63  }
0x389: {  	s22 =	spop (v2sf)  }
0x38a: {  	s21 =	sand.u32 $0x7FFFFC00, s22  }
0x38b: {  	(v2sf) =	vpush v1, $0x4;
	s21 =	sadd.s32 s7, s21  }
0x38c: {  	s21 =	sshrl.u32 s21, $0x3  }
0x38d: {  	s24 =	simm.s32 $0x1400;
	s21 =	sadd.s32 s1, s21  }
0x38e: {  	[tilespmem:s24], [sflag:$0x1] =	stream.linear.gather [hbm4b:s21+s4], $0x400, $0x38;
	[tilespmem:$0x19600] =	vst v63  }
0x38f: {  	s26 =	spop (v2sf)  }
0x390: {  	s21 =	sand.u32 $0x7FFFFC00, s26  }
0x391: {  	(v2sf) =	vpush v2, $0x5;
	s21 =	sadd.s32 s7, s21  }
0x392: {  	s21 =	sshrl.u32 s21, $0x3  }
0x393: {  	s28 =	simm.s32 $0xD400;
	s29 =	spop (v2sf);
	s21 =	sadd.s32 s2, s21  }
0x394: {  	[tilespmem:s28], [sflag:$0x1] =	stream.linear.gather [hbm4b:s21+s4], $0x400, $0x38;
	[tilespmem:$0x19600] =	vst v63  }
0x395: {  	(v2sf) =	vpush v1, $0x5;
	s21 =	sand.u32 $0x7FFFFC00, s29  }
0x396: {  	s21 =	sadd.s32 s7, s21  }
0x397: {  	s21 =	sshrl.u32 s21, $0x3  }
0x398: {  	s30 =	simm.s32 $0x1800;
	s21 =	sadd.s32 s1, s21  }
0x399: {  	[tilespmem:s30], [sflag:$0x1] =	stream.linear.gather [hbm4b:s21+s4], $0x400, $0x38;
	[tilespmem:$0x19600] =	vst v63  }
0x39a: {  	s22 =	spop (v2sf)  }
0x39b: {  	s21 =	sand.u32 $0x7FFFFC00, s22  }
0x39c: {  	(v2sf) =	vpush v2, $0x6;
	s21 =	sadd.s32 s7, s21  }
0x39d: {  	s21 =	sshrl.u32 s21, $0x3  }
0x39e: {  	s24 =	simm.s32 $0xD800;
	s21 =	sadd.s32 s2, s21  }
0x39f: {  	[tilespmem:s24], [sflag:$0x1] =	stream.linear.gather [hbm4b:s21+s4], $0x400, $0x38;
	[tilespmem:$0x19600] =	vst v63  }
0x3a0: {  	s26 =	spop (v2sf)  }
0x3a1: {  	s21 =	sand.u32 $0x7FFFFC00, s26  }
0x3a2: {  	(v2sf) =	vpush v1, $0x6;
	s21 =	sadd.s32 s7, s21  }
0x3a3: {  	s21 =	sshrl.u32 s21, $0x3  }
0x3a4: {  	s28 =	simm.s32 $0x1C00;
	s29 =	spop (v2sf);
	s21 =	sadd.s32 s1, s21  }
0x3a5: {  	[tilespmem:s28], [sflag:$0x1] =	stream.linear.gather [hbm4b:s21+s4], $0x400, $0x38;
	[tilespmem:$0x19600] =	vst v63  }
0x3a6: {  	(v2sf) =	vpush v2, $0x7;
	s21 =	sand.u32 $0x7FFFFC00, s29  }
0x3a7: {  	s21 =	sadd.s32 s7, s21  }
0x3a8: {  	s21 =	sshrl.u32 s21, $0x3  }
0x3a9: {  	s30 =	simm.s32 $0xDC00;
	s21 =	sadd.s32 s2, s21  }
0x3aa: {  	[tilespmem:s30], [sflag:$0x1] =	stream.linear.gather [hbm4b:s21+s4], $0x400, $0x38;
	[tilespmem:$0x19600] =	vst v63  }
0x3ab: {  	s22 =	spop (v2sf)  }
0x3ac: {  	s21 =	sand.u32 $0x7FFFFC00, s22  }
0x3ad: {  	(v2sf) =	vpush v1, $0x7;
	s21 =	sadd.s32 s7, s21  }
0x3ae: {  	s21 =	sshrl.u32 s21, $0x3  }
0x3af: {  	s24 =	simm.s32 $0x2000;
	s21 =	sadd.s32 s1, s21  }
0x3b0: {  	[tilespmem:s24], [sflag:$0x1] =	stream.linear.gather [hbm4b:s21+s4], $0x400, $0x38;
	[tilespmem:$0x19600] =	vst v63  }
0x3b1: {  	s26 =	spop (v2sf)  }
0x3b2: {  	s21 =	sand.u32 $0x7FFFFC00, s26  }
0x3b3: {  	(v2sf) =	vpush v2, $0x8;
	s21 =	sadd.s32 s7, s21  }
0x3b4: {  	s21 =	sshrl.u32 s21, $0x3  }
0x3b5: {  	s28 =	simm.s32 $0xE000;
	s29 =	spop (v2sf);
	s21 =	sadd.s32 s2, s21  }
0x3b6: {  	[tilespmem:s28], [sflag:$0x1] =	stream.linear.gather [hbm4b:s21+s4], $0x400, $0x38;
	[tilespmem:$0x19600] =	vst v63  }
0x3b7: {  	(v2sf) =	vpush v1, $0x8;
	s21 =	sand.u32 $0x7FFFFC00, s29  }
0x3b8: {  	s21 =	sadd.s32 s7, s21  }
0x3b9: {  	s21 =	sshrl.u32 s21, $0x3  }
0x3ba: {  	s30 =	simm.s32 $0x2400;
	s21 =	sadd.s32 s1, s21  }
0x3bb: {  	[tilespmem:s30], [sflag:$0x1] =	stream.linear.gather [hbm4b:s21+s4], $0x400, $0x38;
	[tilespmem:$0x19600] =	vst v63  }
0x3bc: {  	s22 =	spop (v2sf)  }
0x3bd: {  	s21 =	sand.u32 $0x7FFFFC00, s22  }
0x3be: {  	(v2sf) =	vpush v2, $0x9;
	s21 =	sadd.s32 s7, s21  }
0x3bf: {  	s21 =	sshrl.u32 s21, $0x3  }
0x3c0: {  	s24 =	simm.s32 $0xE400;
	s21 =	sadd.s32 s2, s21  }
0x3c1: {  	[tilespmem:s24], [sflag:$0x1] =	stream.linear.gather [hbm4b:s21+s4], $0x400, $0x38;
	[tilespmem:$0x19600] =	vst v63  }
0x3c2: {  	s26 =	spop (v2sf)  }
0x3c3: {  	s21 =	sand.u32 $0x7FFFFC00, s26  }
0x3c4: {  	(v2sf) =	vpush v1, $0x9;
	s21 =	sadd.s32 s7, s21  }
0x3c5: {  	s21 =	sshrl.u32 s21, $0x3  }
0x3c6: {  	s28 =	simm.s32 $0x2800;
	s29 =	spop (v2sf);
	s21 =	sadd.s32 s1, s21  }
0x3c7: {  	[tilespmem:s28], [sflag:$0x1] =	stream.linear.gather [hbm4b:s21+s4], $0x400, $0x38;
	[tilespmem:$0x19600] =	vst v63  }
0x3c8: {  	(v2sf) =	vpush v2, $0xA;
	s21 =	sand.u32 $0x7FFFFC00, s29  }
0x3c9: {  	s21 =	sadd.s32 s7, s21  }
0x3ca: {  	s21 =	sshrl.u32 s21, $0x3  }
0x3cb: {  	s30 =	simm.s32 $0xE800;
	s21 =	sadd.s32 s2, s21  }
0x3cc: {  	[tilespmem:s30], [sflag:$0x1] =	stream.linear.gather [hbm4b:s21+s4], $0x400, $0x38;
	[tilespmem:$0x19600] =	vst v63  }
0x3cd: {  	s22 =	spop (v2sf)  }
0x3ce: {  	s21 =	sand.u32 $0x7FFFFC00, s22  }
0x3cf: {  	(v2sf) =	vpush v1, $0xA;
	s21 =	sadd.s32 s7, s21  }
0x3d0: {  	s21 =	sshrl.u32 s21, $0x3  }
0x3d1: {  	s24 =	simm.s32 $0x2C00;
	s21 =	sadd.s32 s1, s21  }
0x3d2: {  	[tilespmem:s24], [sflag:$0x1] =	stream.linear.gather [hbm4b:s21+s4], $0x400, $0x38;
	[tilespmem:$0x19600] =	vst v63  }
0x3d3: {  	s26 =	spop (v2sf)  }
0x3d4: {  	s21 =	sand.u32 $0x7FFFFC00, s26  }
0x3d5: {  	(v2sf) =	vpush v2, $0xB;
	s21 =	sadd.s32 s7, s21  }
0x3d6: {  	s21 =	sshrl.u32 s21, $0x3  }
0x3d7: {  	s28 =	simm.s32 $0xEC00;
	s29 =	spop (v2sf);
	s21 =	sadd.s32 s2, s21  }
0x3d8: {  	[tilespmem:s28], [sflag:$0x1] =	stream.linear.gather [hbm4b:s21+s4], $0x400, $0x38;
	[tilespmem:$0x19600] =	vst v63  }
0x3d9: {  	(v2sf) =	vpush v1, $0xB;
	s21 =	sand.u32 $0x7FFFFC00, s29  }
0x3da: {  	s21 =	sadd.s32 s7, s21  }
0x3db: {  	s21 =	sshrl.u32 s21, $0x3  }
0x3dc: {  	s30 =	simm.s32 $0x3000;
	s21 =	sadd.s32 s1, s21  }
0x3dd: {  	[tilespmem:s30], [sflag:$0x1] =	stream.linear.gather [hbm4b:s21+s4], $0x400, $0x38;
	[tilespmem:$0x19600] =	vst v63  }
0x3de: {  	s22 =	spop (v2sf)  }
0x3df: {  	s21 =	sand.u32 $0x7FFFFC00, s22  }
0x3e0: {  	(v2sf) =	vpush v2, $0xC;
	s21 =	sadd.s32 s7, s21  }
0x3e1: {  	s21 =	sshrl.u32 s21, $0x3  }
0x3e2: {  	s24 =	simm.s32 $0xF000;
	s21 =	sadd.s32 s2, s21  }
0x3e3: {  	[tilespmem:s24], [sflag:$0x1] =	stream.linear.gather [hbm4b:s21+s4], $0x400, $0x38;
	[tilespmem:$0x19600] =	vst v63  }
0x3e4: {  	s26 =	spop (v2sf)  }
0x3e5: {  	s21 =	sand.u32 $0x7FFFFC00, s26  }
0x3e6: {  	(v2sf) =	vpush v1, $0xC;
	s21 =	sadd.s32 s7, s21  }
0x3e7: {  	s21 =	sshrl.u32 s21, $0x3  }
0x3e8: {  	s28 =	simm.s32 $0x3400;
	s29 =	spop (v2sf);
	s21 =	sadd.s32 s1, s21  }
0x3e9: {  	[tilespmem:s28], [sflag:$0x1] =	stream.linear.gather [hbm4b:s21+s4], $0x400, $0x38;
	[tilespmem:$0x19600] =	vst v63  }
0x3ea: {  	(v2sf) =	vpush v2, $0xD;
	s21 =	sand.u32 $0x7FFFFC00, s29  }
0x3eb: {  	s21 =	sadd.s32 s7, s21  }
0x3ec: {  	s21 =	sshrl.u32 s21, $0x3  }
0x3ed: {  	s30 =	simm.s32 $0xF400;
	s21 =	sadd.s32 s2, s21  }
0x3ee: {  	[tilespmem:s30], [sflag:$0x1] =	stream.linear.gather [hbm4b:s21+s4], $0x400, $0x38;
	[tilespmem:$0x19600] =	vst v63  }
0x3ef: {  	s22 =	spop (v2sf)  }
0x3f0: {  	s21 =	sand.u32 $0x7FFFFC00, s22  }
0x3f1: {  	(v2sf) =	vpush v1, $0xD;
	s21 =	sadd.s32 s7, s21  }
0x3f2: {  	s21 =	sshrl.u32 s21, $0x3  }
0x3f3: {  	s24 =	simm.s32 $0x3800;
	s21 =	sadd.s32 s1, s21  }
0x3f4: {  	[tilespmem:s24], [sflag:$0x1] =	stream.linear.gather [hbm4b:s21+s4], $0x400, $0x38;
	[tilespmem:$0x19600] =	vst v63  }
0x3f5: {  	s26 =	spop (v2sf)  }
0x3f6: {  	s21 =	sand.u32 $0x7FFFFC00, s26  }
0x3f7: {  	(v2sf) =	vpush v2, $0xE;
	s21 =	sadd.s32 s7, s21  }
0x3f8: {  	s21 =	sshrl.u32 s21, $0x3  }
0x3f9: {  	s28 =	simm.s32 $0xF800;
	s29 =	spop (v2sf);
	s21 =	sadd.s32 s2, s21  }
0x3fa: {  	[tilespmem:s28], [sflag:$0x1] =	stream.linear.gather [hbm4b:s21+s4], $0x400, $0x38;
	[tilespmem:$0x19600] =	vst v63  }
0x3fb: {  	(v2sf) =	vpush v1, $0xE;
	s21 =	sand.u32 $0x7FFFFC00, s29  }
0x3fc: {  	s21 =	sadd.s32 s7, s21  }
0x3fd: {  	s21 =	sshrl.u32 s21, $0x3  }
0x3fe: {  	s30 =	simm.s32 $0x3C00;
	s21 =	sadd.s32 s1, s21  }
0x3ff: {  	[tilespmem:s30], [sflag:$0x1] =	stream.linear.gather [hbm4b:s21+s4], $0x400, $0x38;
	[tilespmem:$0x19600] =	vst v63  }
0x400: {  	s22 =	spop (v2sf)  }
0x401: {  	s21 =	sand.u32 $0x7FFFFC00, s22  }
0x402: {  	(v2sf) =	vpush v2, $0xF;
	s21 =	sadd.s32 s7, s21  }
0x403: {  	s21 =	sshrl.u32 s21, $0x3  }
0x404: {  	s24 =	simm.s32 $0xFC00;
	s21 =	sadd.s32 s2, s21  }
0x405: {  	[tilespmem:s24], [sflag:$0x1] =	stream.linear.gather [hbm4b:s21+s4], $0x400, $0x38;
	[tilespmem:$0x19600] =	vst v63  }
0x406: {  	s26 =	spop (v2sf)  }
0x407: {  	s21 =	sand.u32 $0x7FFFFC00, s26  }
0x408: {  	(v2sf) =	vpush v1, $0xF;
	s21 =	sadd.s32 s7, s21  }
0x409: {  	s21 =	sshrl.u32 s21, $0x3  }
0x40a: {  	s28 =	simm.s32 $0x4000;
	s29 =	spop (v2sf);
	s21 =	sadd.s32 s1, s21  }
0x40b: {  	[tilespmem:s28], [sflag:$0x1] =	stream.linear.gather [hbm4b:s21+s4], $0x400, $0x38;
	[tilespmem:$0x19600] =	vst v63  }
0x40c: {  	s21 =	sand.u32 $0x7FFFFC00, s29  }
0x40d: {  	s21 =	sadd.s32 s7, s21  }
0x40e: {  	s21 =	sshrl.u32 s21, $0x3  }
0x40f: {  	s30 =	simm.s32 $0x10000;
	s21 =	sadd.s32 s2, s21  }
0x410: {  	[tilespmem:s30], [sflag:$0x1] =	stream.linear.gather [hbm4b:s21+s4], $0x400, $0x38;
	[tilespmem:$0x19600] =	vst v63  }
0x411: {  	s22 =	spop (v2sf)  }
0x412: {  	s21 =	sand.u32 $0x7FFFFC00, s22  }
0x413: {  	s21 =	sadd.s32 s7, s21  }
0x414: {  	s21 =	sshrl.u32 s21, $0x3  }
0x415: {  	s24 =	simm.s32 $0x4400;
	s21 =	sadd.s32 s1, s21  }
0x416: {  	[tilespmem:s24], [sflag:$0x1] =	stream.linear.gather [hbm4b:s21+s4], $0x400, $0x38;
	[tilespmem:$0x19600] =	vst v63  }
0x417: {  	s26 =	spop (v2sf)  }
0x418: {  	s21 =	sand.u32 $0x7FFFFC00, s26  }
0x419: {  	s21 =	sadd.s32 s7, s21  }
0x41a: {  	s21 =	sshrl.u32 s21, $0x3  }
0x41b: {  	s28 =	simm.s32 $0x10400;
	s21 =	sadd.s32 s2, s21  }
0x41c: {  	[tilespmem:s28], [sflag:$0x1] =	stream.linear.gather [hbm4b:s21+s4], $0x400, $0x38;
	[tilespmem:$0x19600] =	vst v63  }
0x41d: {  	v1 =	vld [tilespmem:$0x10];
	_ =	sdelay $0x4  }
0x41e: {  	v2 =	vshll.u32 v1, $0x3  }
0x41f: {  	v1 =	vld [tilespmem:$0x410];
	(v2sf) =	vpush v2, $0x0;
	_ =	sdelay $0x4  }
0x420: {  	v1 =	vshll.u32 v1, $0x3  }
0x421: {  	(v2sf) =	vpush v1, $0x0;
	_ =	sdelay $0x3  }
0x422: {  	(v2sf) =	vpush v2, $0x1;
	_ =	sdelay $0x4  }
0x423: {  	s29 =	spop (v2sf)  }
0x424: {  	s21 =	sand.u32 $0x7FFFFC00, s29  }
0x425: {  	(v2sf) =	vpush v1, $0x1;
	s21 =	sadd.s32 s7, s21  }
0x426: {  	s21 =	sshrl.u32 s21, $0x3  }
0x427: {  	s30 =	simm.s32 $0x4800;
	s21 =	sadd.s32 s1, s21  }
0x428: {  	[tilespmem:s30], [sflag:$0x1] =	stream.linear.gather [hbm4b:s21+s4], $0x400, $0x38;
	[tilespmem:$0x19600] =	vst v63  }
0x429: {  	s22 =	spop (v2sf)  }
0x42a: {  	s21 =	sand.u32 $0x7FFFFC00, s22  }
0x42b: {  	(v2sf) =	vpush v2, $0x2;
	s21 =	sadd.s32 s7, s21  }
0x42c: {  	s21 =	sshrl.u32 s21, $0x3  }
0x42d: {  	s24 =	simm.s32 $0x10800;
	s26 =	spop (v2sf);
	s21 =	sadd.s32 s2, s21  }
0x42e: {  	[tilespmem:s24], [sflag:$0x1] =	stream.linear.gather [hbm4b:s21+s4], $0x400, $0x38;
	[tilespmem:$0x19600] =	vst v63  }
0x42f: {  	(v2sf) =	vpush v1, $0x2;
	s21 =	sand.u32 $0x7FFFFC00, s26  }
0x430: {  	s21 =	sadd.s32 s7, s21  }
0x431: {  	s21 =	sshrl.u32 s21, $0x3  }
0x432: {  	s28 =	simm.s32 $0x4C00;
	s21 =	sadd.s32 s1, s21  }
0x433: {  	[tilespmem:s28], [sflag:$0x1] =	stream.linear.gather [hbm4b:s21+s4], $0x400, $0x38;
	[tilespmem:$0x19600] =	vst v63  }
0x434: {  	s29 =	spop (v2sf)  }
0x435: {  	s21 =	sand.u32 $0x7FFFFC00, s29  }
0x436: {  	(v2sf) =	vpush v2, $0x3;
	s21 =	sadd.s32 s7, s21  }
0x437: {  	s21 =	sshrl.u32 s21, $0x3  }
0x438: {  	s30 =	simm.s32 $0x10C00;
	s21 =	sadd.s32 s2, s21  }
0x439: {  	[tilespmem:s30], [sflag:$0x1] =	stream.linear.gather [hbm4b:s21+s4], $0x400, $0x38;
	[tilespmem:$0x19600] =	vst v63  }
0x43a: {  	s22 =	spop (v2sf)  }
0x43b: {  	s21 =	sand.u32 $0x7FFFFC00, s22  }
0x43c: {  	(v2sf) =	vpush v1, $0x3;
	s21 =	sadd.s32 s7, s21  }
0x43d: {  	s21 =	sshrl.u32 s21, $0x3  }
0x43e: {  	s24 =	simm.s32 $0x5000;
	s26 =	spop (v2sf);
	s21 =	sadd.s32 s1, s21  }
0x43f: {  	[tilespmem:s24], [sflag:$0x1] =	stream.linear.gather [hbm4b:s21+s4], $0x400, $0x38;
	[tilespmem:$0x19600] =	vst v63  }
0x440: {  	(v2sf) =	vpush v2, $0x4;
	s21 =	sand.u32 $0x7FFFFC00, s26  }
0x441: {  	s21 =	sadd.s32 s7, s21  }
0x442: {  	s21 =	sshrl.u32 s21, $0x3  }
0x443: {  	s28 =	simm.s32 $0x11000;
	s21 =	sadd.s32 s2, s21  }
0x444: {  	[tilespmem:s28], [sflag:$0x1] =	stream.linear.gather [hbm4b:s21+s4], $0x400, $0x38;
	[tilespmem:$0x19600] =	vst v63  }
0x445: {  	s29 =	spop (v2sf)  }
0x446: {  	s21 =	sand.u32 $0x7FFFFC00, s29  }
0x447: {  	(v2sf) =	vpush v1, $0x4;
	s21 =	sadd.s32 s7, s21  }
0x448: {  	s21 =	sshrl.u32 s21, $0x3  }
0x449: {  	s30 =	simm.s32 $0x5400;
	s21 =	sadd.s32 s1, s21  }
0x44a: {  	[tilespmem:s30], [sflag:$0x1] =	stream.linear.gather [hbm4b:s21+s4], $0x400, $0x38;
	[tilespmem:$0x19600] =	vst v63  }
0x44b: {  	s22 =	spop (v2sf)  }
0x44c: {  	s21 =	sand.u32 $0x7FFFFC00, s22  }
0x44d: {  	(v2sf) =	vpush v2, $0x5;
	s21 =	sadd.s32 s7, s21  }
0x44e: {  	s21 =	sshrl.u32 s21, $0x3  }
0x44f: {  	s24 =	simm.s32 $0x11400;
	s26 =	spop (v2sf);
	s21 =	sadd.s32 s2, s21  }
0x450: {  	[tilespmem:s24], [sflag:$0x1] =	stream.linear.gather [hbm4b:s21+s4], $0x400, $0x38;
	[tilespmem:$0x19600] =	vst v63  }
0x451: {  	(v2sf) =	vpush v1, $0x5;
	s21 =	sand.u32 $0x7FFFFC00, s26  }
0x452: {  	s21 =	sadd.s32 s7, s21  }
0x453: {  	s21 =	sshrl.u32 s21, $0x3  }
0x454: {  	s28 =	simm.s32 $0x5800;
	s21 =	sadd.s32 s1, s21  }
0x455: {  	[tilespmem:s28], [sflag:$0x1] =	stream.linear.gather [hbm4b:s21+s4], $0x400, $0x38;
	[tilespmem:$0x19600] =	vst v63  }
0x456: {  	s29 =	spop (v2sf)  }
0x457: {  	s21 =	sand.u32 $0x7FFFFC00, s29  }
0x458: {  	(v2sf) =	vpush v2, $0x6;
	s21 =	sadd.s32 s7, s21  }
0x459: {  	s21 =	sshrl.u32 s21, $0x3  }
0x45a: {  	s30 =	simm.s32 $0x11800;
	s21 =	sadd.s32 s2, s21  }
0x45b: {  	[tilespmem:s30], [sflag:$0x1] =	stream.linear.gather [hbm4b:s21+s4], $0x400, $0x38;
	[tilespmem:$0x19600] =	vst v63  }
0x45c: {  	s22 =	spop (v2sf)  }
0x45d: {  	s21 =	sand.u32 $0x7FFFFC00, s22  }
0x45e: {  	(v2sf) =	vpush v1, $0x6;
	s21 =	sadd.s32 s7, s21  }
0x45f: {  	s21 =	sshrl.u32 s21, $0x3  }
0x460: {  	s24 =	simm.s32 $0x5C00;
	s26 =	spop (v2sf);
	s21 =	sadd.s32 s1, s21  }
0x461: {  	[tilespmem:s24], [sflag:$0x1] =	stream.linear.gather [hbm4b:s21+s4], $0x400, $0x38;
	[tilespmem:$0x19600] =	vst v63  }
0x462: {  	(v2sf) =	vpush v2, $0x7;
	s21 =	sand.u32 $0x7FFFFC00, s26  }
0x463: {  	s21 =	sadd.s32 s7, s21  }
0x464: {  	s21 =	sshrl.u32 s21, $0x3  }
0x465: {  	s28 =	simm.s32 $0x11C00;
	s21 =	sadd.s32 s2, s21  }
0x466: {  	[tilespmem:s28], [sflag:$0x1] =	stream.linear.gather [hbm4b:s21+s4], $0x400, $0x38;
	[tilespmem:$0x19600] =	vst v63  }
0x467: {  	s29 =	spop (v2sf)  }
0x468: {  	s21 =	sand.u32 $0x7FFFFC00, s29  }
0x469: {  	(v2sf) =	vpush v1, $0x7;
	s21 =	sadd.s32 s7, s21  }
0x46a: {  	s21 =	sshrl.u32 s21, $0x3  }
0x46b: {  	s30 =	simm.s32 $0x6000;
	s21 =	sadd.s32 s1, s21  }
0x46c: {  	[tilespmem:s30], [sflag:$0x1] =	stream.linear.gather [hbm4b:s21+s4], $0x400, $0x38;
	[tilespmem:$0x19600] =	vst v63  }
0x46d: {  	s22 =	spop (v2sf)  }
0x46e: {  	s21 =	sand.u32 $0x7FFFFC00, s22  }
0x46f: {  	(v2sf) =	vpush v2, $0x8;
	s21 =	sadd.s32 s7, s21  }
0x470: {  	s21 =	sshrl.u32 s21, $0x3  }
0x471: {  	s24 =	simm.s32 $0x12000;
	s26 =	spop (v2sf);
	s21 =	sadd.s32 s2, s21  }
0x472: {  	[tilespmem:s24], [sflag:$0x1] =	stream.linear.gather [hbm4b:s21+s4], $0x400, $0x38;
	[tilespmem:$0x19600] =	vst v63  }
0x473: {  	(v2sf) =	vpush v1, $0x8;
	s21 =	sand.u32 $0x7FFFFC00, s26  }
0x474: {  	s21 =	sadd.s32 s7, s21  }
0x475: {  	s21 =	sshrl.u32 s21, $0x3  }
0x476: {  	s28 =	simm.s32 $0x6400;
	s21 =	sadd.s32 s1, s21  }
0x477: {  	[tilespmem:s28], [sflag:$0x1] =	stream.linear.gather [hbm4b:s21+s4], $0x400, $0x38;
	[tilespmem:$0x19600] =	vst v63  }
0x478: {  	s29 =	spop (v2sf)  }
0x479: {  	s21 =	sand.u32 $0x7FFFFC00, s29  }
0x47a: {  	(v2sf) =	vpush v2, $0x9;
	s21 =	sadd.s32 s7, s21  }
0x47b: {  	s21 =	sshrl.u32 s21, $0x3  }
0x47c: {  	s30 =	simm.s32 $0x12400;
	s21 =	sadd.s32 s2, s21  }
0x47d: {  	[tilespmem:s30], [sflag:$0x1] =	stream.linear.gather [hbm4b:s21+s4], $0x400, $0x38;
	[tilespmem:$0x19600] =	vst v63  }
0x47e: {  	s22 =	spop (v2sf)  }
0x47f: {  	s21 =	sand.u32 $0x7FFFFC00, s22  }
0x480: {  	(v2sf) =	vpush v1, $0x9;
	s21 =	sadd.s32 s7, s21  }
0x481: {  	s21 =	sshrl.u32 s21, $0x3  }
0x482: {  	s24 =	simm.s32 $0x6800;
	s26 =	spop (v2sf);
	s21 =	sadd.s32 s1, s21  }
0x483: {  	[tilespmem:s24], [sflag:$0x1] =	stream.linear.gather [hbm4b:s21+s4], $0x400, $0x38;
	[tilespmem:$0x19600] =	vst v63  }
0x484: {  	(v2sf) =	vpush v2, $0xA;
	s21 =	sand.u32 $0x7FFFFC00, s26  }
0x485: {  	s21 =	sadd.s32 s7, s21  }
0x486: {  	s21 =	sshrl.u32 s21, $0x3  }
0x487: {  	s28 =	simm.s32 $0x12800;
	s21 =	sadd.s32 s2, s21  }
0x488: {  	[tilespmem:s28], [sflag:$0x1] =	stream.linear.gather [hbm4b:s21+s4], $0x400, $0x38;
	[tilespmem:$0x19600] =	vst v63  }
0x489: {  	s29 =	spop (v2sf)  }
0x48a: {  	s21 =	sand.u32 $0x7FFFFC00, s29  }
0x48b: {  	(v2sf) =	vpush v1, $0xA;
	s21 =	sadd.s32 s7, s21  }
0x48c: {  	s21 =	sshrl.u32 s21, $0x3  }
0x48d: {  	s30 =	simm.s32 $0x6C00;
	s21 =	sadd.s32 s1, s21  }
0x48e: {  	[tilespmem:s30], [sflag:$0x1] =	stream.linear.gather [hbm4b:s21+s4], $0x400, $0x38;
	[tilespmem:$0x19600] =	vst v63  }
0x48f: {  	s22 =	spop (v2sf)  }
0x490: {  	s21 =	sand.u32 $0x7FFFFC00, s22  }
0x491: {  	(v2sf) =	vpush v2, $0xB;
	s21 =	sadd.s32 s7, s21  }
0x492: {  	s21 =	sshrl.u32 s21, $0x3  }
0x493: {  	s24 =	simm.s32 $0x12C00;
	s26 =	spop (v2sf);
	s21 =	sadd.s32 s2, s21  }
0x494: {  	[tilespmem:s24], [sflag:$0x1] =	stream.linear.gather [hbm4b:s21+s4], $0x400, $0x38;
	[tilespmem:$0x19600] =	vst v63  }
0x495: {  	(v2sf) =	vpush v1, $0xB;
	s21 =	sand.u32 $0x7FFFFC00, s26  }
0x496: {  	s21 =	sadd.s32 s7, s21  }
0x497: {  	s21 =	sshrl.u32 s21, $0x3  }
0x498: {  	s28 =	simm.s32 $0x7000;
	s21 =	sadd.s32 s1, s21  }
0x499: {  	[tilespmem:s28], [sflag:$0x1] =	stream.linear.gather [hbm4b:s21+s4], $0x400, $0x38;
	[tilespmem:$0x19600] =	vst v63  }
0x49a: {  	s29 =	spop (v2sf)  }
0x49b: {  	s21 =	sand.u32 $0x7FFFFC00, s29  }
0x49c: {  	(v2sf) =	vpush v2, $0xC;
	s21 =	sadd.s32 s7, s21  }
0x49d: {  	s21 =	sshrl.u32 s21, $0x3  }
0x49e: {  	s30 =	simm.s32 $0x13000;
	s21 =	sadd.s32 s2, s21  }
0x49f: {  	[tilespmem:s30], [sflag:$0x1] =	stream.linear.gather [hbm4b:s21+s4], $0x400, $0x38;
	[tilespmem:$0x19600] =	vst v63  }
0x4a0: {  	s22 =	spop (v2sf)  }
0x4a1: {  	s21 =	sand.u32 $0x7FFFFC00, s22  }
0x4a2: {  	(v2sf) =	vpush v1, $0xC;
	s21 =	sadd.s32 s7, s21  }
0x4a3: {  	s21 =	sshrl.u32 s21, $0x3  }
0x4a4: {  	s24 =	simm.s32 $0x7400;
	s26 =	spop (v2sf);
	s21 =	sadd.s32 s1, s21  }
0x4a5: {  	[tilespmem:s24], [sflag:$0x1] =	stream.linear.gather [hbm4b:s21+s4], $0x400, $0x38;
	[tilespmem:$0x19600] =	vst v63  }
0x4a6: {  	(v2sf) =	vpush v2, $0xD;
	s21 =	sand.u32 $0x7FFFFC00, s26  }
0x4a7: {  	s21 =	sadd.s32 s7, s21  }
0x4a8: {  	s21 =	sshrl.u32 s21, $0x3  }
0x4a9: {  	s28 =	simm.s32 $0x13400;
	s21 =	sadd.s32 s2, s21  }
0x4aa: {  	[tilespmem:s28], [sflag:$0x1] =	stream.linear.gather [hbm4b:s21+s4], $0x400, $0x38;
	[tilespmem:$0x19600] =	vst v63  }
0x4ab: {  	s29 =	spop (v2sf)  }
0x4ac: {  	s21 =	sand.u32 $0x7FFFFC00, s29  }
0x4ad: {  	(v2sf) =	vpush v1, $0xD;
	s21 =	sadd.s32 s7, s21  }
0x4ae: {  	s21 =	sshrl.u32 s21, $0x3  }
0x4af: {  	s30 =	simm.s32 $0x7800;
	s21 =	sadd.s32 s1, s21  }
0x4b0: {  	[tilespmem:s30], [sflag:$0x1] =	stream.linear.gather [hbm4b:s21+s4], $0x400, $0x38;
	[tilespmem:$0x19600] =	vst v63  }
0x4b1: {  	s22 =	spop (v2sf)  }
0x4b2: {  	s21 =	sand.u32 $0x7FFFFC00, s22  }
0x4b3: {  	(v2sf) =	vpush v2, $0xE;
	s21 =	sadd.s32 s7, s21  }
0x4b4: {  	s21 =	sshrl.u32 s21, $0x3  }
0x4b5: {  	s24 =	simm.s32 $0x13800;
	s26 =	spop (v2sf);
	s21 =	sadd.s32 s2, s21  }
0x4b6: {  	(v2sf) =	vpush v1, $0xE;
	[tilespmem:s24], [sflag:$0x1] =	stream.linear.gather [hbm4b:s21+s4], $0x400, $0x38;
	[tilespmem:$0x19600] =	vst v63  }
0x4b7: {  	s21 =	sand.u32 $0x7FFFFC00, s26  }
0x4b8: {  	s21 =	sadd.s32 s7, s21  }
0x4b9: {  	s21 =	sshrl.u32 s21, $0x3  }
0x4ba: {  	s28 =	simm.s32 $0x7C00;
	s21 =	sadd.s32 s1, s21  }
0x4bb: {  	[tilespmem:s28], [sflag:$0x1] =	stream.linear.gather [hbm4b:s21+s4], $0x400, $0x38;
	[tilespmem:$0x19600] =	vst v63  }
0x4bc: {  	s29 =	spop (v2sf)  }
0x4bd: {  	(v2sf) =	vpush v2, $0xF;
	s21 =	sand.u32 $0x7FFFFC00, s29  }
0x4be: {  	s21 =	sadd.s32 s7, s21  }
0x4bf: {  	s21 =	sshrl.u32 s21, $0x3  }
0x4c0: {  	s30 =	simm.s32 $0x13C00;
	s21 =	sadd.s32 s2, s21  }
0x4c1: {  	[tilespmem:s30], [sflag:$0x1] =	stream.linear.gather [hbm4b:s21+s4], $0x400, $0x38;
	[tilespmem:$0x19600] =	vst v63  }
0x4c2: {  	s24 =	spop (v2sf)  }
0x4c3: {  	(v2sf) =	vpush v1, $0xF;
	s21 =	sand.u32 $0x7FFFFC00, s24  }
0x4c4: {  	s21 =	sadd.s32 s7, s21  }
0x4c5: {  	s26 =	spop (v2sf);
	s21 =	sshrl.u32 s21, $0x3  }
0x4c6: {  	s24 =	simm.s32 $0x8000;
	s28 =	sand.u32 $0x7FFFFC00, s26;
	s21 =	sadd.s32 s1, s21  }
0x4c7: {  	[tilespmem:s24], [sflag:$0x1] =	stream.linear.gather [hbm4b:s21+s4], $0x400, $0x38;
	[tilespmem:$0x19600] =	vst v63  }
0x4c8: {  	s21 =	sadd.s32 s7, s28  }
0x4c9: {  	s21 =	sshrl.u32 s21, $0x3  }
0x4ca: {  	s30 =	simm.s32 $0x14000;
	s21 =	sadd.s32 s2, s21  }
0x4cb: {  	[tilespmem:s30], [sflag:$0x1] =	stream.linear.gather [hbm4b:s21+s4], $0x400, $0x38;
	[tilespmem:$0x19600] =	vst v63  }
0x4cc: {  	s29 =	spop (v2sf)  }
0x4cd: {  	s26 =	sand.u32 $0x7FFFFC00, s29  }
0x4ce: {  	s21 =	sadd.s32 s7, s26  }
0x4cf: {  	s21 =	sshrl.u32 s21, $0x3  }
0x4d0: {  	s28 =	simm.s32 $0x8400;
	s21 =	sadd.s32 s1, s21  }
0x4d1: {  	[tilespmem:s28], [sflag:$0x1] =	stream.linear.gather [hbm4b:s21+s4], $0x400, $0x38;
	[tilespmem:$0x19600] =	vst v63  }
0x4d2: {  	s29 =	spop (v2sf)  }
0x4d3: {  	s21 =	sand.u32 $0x7FFFFC00, s29  }
.Ltmp2:
0x4d4: {  	s21 =	sadd.s32 s7, s21;
	(pc) =	sbr.rel .LBB2_2-.Ltmp2, $4  }
0x4d5: {  	s21 =	sshrl.u32 s21, $0x3  }
0x4d6: {  	s22 =	simm.s32 $0x420;
	s30 =	simm.s32 $0x14400;
	s21 =	sadd.s32 s2, s21  }
0x4d7: {  	[tilespmem:s30], [sflag:$0x1] =	stream.linear.gather [hbm4b:s21+s4], $0x400, $0x38;
	[tilespmem:$0x19600] =	vst v63  }
0x4d8: {  	s24 =	simm.s32 $0x18800;
	s26 =	simm.s32 $0x0;
	s21 =	simm.s32 $0x20  }
.LBB2_4:
0x4d9: {  	s28 =	smul.u32 $0xAB, s26;
	_ =	sdelay $0x1  }
0x4da: {  	s28 =	sshrl.u32 s28, $0x9  }
0x4db: {  	s28 =	smul.u32 $0x3, s28;
	_ =	sdelay $0x1  }
0x4dc: {  	v1 =	vld [tilespmem:s21+$0xFFFFFFE0];
	s28 =	ssub.s32 s26, s28  }
0x4dd: {  	v2 =	vld [tilespmem:s22+$0xFFFFFFE0];
	s28 =	sshll.u32 s28, $0x4  }
0x4de: {  	s28 =	sand.u32 $0xF0, s28  }
0x4df: {  	v3 =	vmov s28  }
0x4e0: {  	v3 =	vshll.u32 v3, $0xA  }
0x4e1: {  	v1 =	vand.u32 $0x7F, v1;
	v3 =	vor.u32 v0, v3  }
0x4e2: {  	v2 =	vand.u32 $0x7F, v2;
	v4 =	vor.u32 v3, v1  }
0x4e3: {  	v5 =	vor.u32 v3, v2;
	v6 =	vor.u32 $0x80, v3  }
0x4e4: {  	v7 =	vor.u32 v6, v1  }
0x4e5: {  	v8 =	vor.u32 $0x100, v3;
	v6 =	vor.u32 v6, v2  }
0x4e6: {  	v9 =	vor.u32 v8, v1  }
0x4e7: {  	v10 =	vor.u32 $0x180, v3;
	v8 =	vor.u32 v8, v2;
	v4 =	vld.idx.msk [tilespmem:v4+s17+$0x0], $0xffff  }
0x4e8: {  	v11 =	vor.u32 v10, v1;
	v5 =	vld.idx.msk [tilespmem:v5+s18+$0x0], $0xffff  }
0x4e9: {  	v12 =	vor.u32 $0x200, v3;
	v10 =	vor.u32 v10, v2;
	v7 =	vld.idx.msk [tilespmem:v7+s17+$0x0], $0xffff  }
0x4ea: {  	v13 =	vor.u32 v12, v1;
	v6 =	vld.idx.msk [tilespmem:v6+s18+$0x0], $0xffff  }
0x4eb: {  	v14 =	vor.u32 $0x280, v3;
	v12 =	vor.u32 v12, v2;
	v9 =	vld.idx.msk [tilespmem:v9+s17+$0x0], $0xffff  }
0x4ec: {  	v15 =	vor.u32 v14, v1;
	v8 =	vld.idx.msk [tilespmem:v8+s18+$0x0], $0xffff  }
0x4ed: {  	v55 =	vor.u32 $0x300, v3;
	v54 =	vor.u32 v14, v2;
	v53 =	vld.idx.msk [tilespmem:v11+s17+$0x0], $0xffff;
	v4 =	vmul.f32 v5, v4  }
0x4ee: {  	v3 =	vor.u32 $0x380, v3;
	v57 =	vor.u32 v55, v1;
	v56 =	vld.idx.msk [tilespmem:v10+s18+$0x0], $0xffff  }
0x4ef: {  	v14 =	vor.u32 v55, v2;
	v13 =	vld.idx.msk [tilespmem:v13+s17+$0x0], $0xffff;
	v6 =	vmul.f32 v6, v7;
	v4 =	vadd.f32 $0.0e+00, v4  }
0x4f0: {  	v1 =	vor.u32 v3, v1;
	v12 =	vld.idx.msk [tilespmem:v12+s18+$0x0], $0xffff  }
0x4f1: {  	v2 =	vor.u32 v3, v2;
	v3 =	vld.idx.msk [tilespmem:v15+s17+$0x0], $0xffff;
	v58 =	vmul.f32 v8, v9;
	v4 =	vadd.f32 v6, v4  }
0x4f2: {  	v59 =	vld.idx.msk [tilespmem:v54+s18+$0x0], $0xffff  }
0x4f3: {  	v60 =	vld.idx.msk [tilespmem:v57+s17+$0x0], $0xffff;
	v5 =	vmul.f32 v56, v53;
	v4 =	vadd.f32 v58, v4  }
0x4f4: {  	v61 =	vld.idx.msk [tilespmem:v14+s18+$0x0], $0xffff  }
0x4f5: {  	v1 =	vld.idx.msk [tilespmem:v1+s17+$0x0], $0xffff;
	v62 =	vmul.f32 v12, v13;
	v4 =	vadd.f32 v5, v4  }
0x4f6: {  	v2 =	vld.idx.msk [tilespmem:v2+s18+$0x0], $0xffff  }
0x4f7: {  	v3 =	vmul.f32 v59, v3;
	v4 =	vadd.f32 v62, v4;
	_ =	sdelay $0x1  }
0x4f8: {  	s26 =	sadd.s32 $0x1, s26;
	v63 =	vmul.f32 v61, v60;
	v3 =	vadd.f32 v3, v4  }
0x4f9: {  	p0 =	sne.s32 s26, $0x40  }
.Ltmp3:
0x4fa: {  	v1 =	vmul.f32 v2, v1;
	v3 =	vadd.f32 v63, v3;
	(pc) =	sbr.rel @!p0 .LBB2_5-.Ltmp3, $3  }
0x4fb: {  	_ = 	snop  }
0x4fc: {  	v1 =	vadd.f32 v1, v3;
	_ =	sdelay $0x1  }
0x4fd: {  	s21 =	sadd.s32 $0x10, s21;
	s22 =	sadd.s32 $0x10, s22;
	[tilespmem:s24+$0x0] =	vst v1;
	s24 =	sadd.s32 $0x10, s24  }
.LBB2_2:
0x4fe: {  	_ =	swait.ge [sflag:s19], $0x4000;
	p0 =	sgt.u32 s26, $0x3D  }
.Ltmp4:
0x4ff: {  	[sflag:s19] =	ssyncset.done $0x0;
	(pc) =	sbr.rel @p0 .LBB2_4-.Ltmp4, $4  }
0x500: {  	[sflag:s19] =	ssyncadd.s32 $0xFFFFC000  }
0x501: {  	_ =	swait.ge [sflag:s19], $0x4000  }
0x502: {  	[sflag:s19] =	ssyncset.done $0x0  }
0x503: {  	[sflag:s19] =	ssyncadd.s32 $0xFFFFC000  }
0x504: {  	v1 =	vld [tilespmem:s21+$0x0];
	_ =	sdelay $0x4  }
0x505: {  	v2 =	vshll.u32 v1, $0x3  }
0x506: {  	v1 =	vld [tilespmem:s22+$0x0];
	(v2sf) =	vpush v2, $0x0;
	_ =	sdelay $0x4  }
0x507: {  	v1 =	vshll.u32 v1, $0x3  }
0x508: {  	(v2sf) =	vpush v1, $0x0;
	_ =	sdelay $0x2  }
0x509: {  	s28 =	sadd.s32 $0x2, s26  }
0x50a: {  	s29 =	smul.u32 $0xAB, s28;
	_ =	sdelay $0x1  }
0x50b: {  	s29 =	sshrl.u32 s29, $0x9;
	(v2sf) =	vpush v2, $0x1  }
0x50c: {  	s29 =	sand.u32 $0x7F, s29  }
0x50d: {  	s29 =	smul.u32 $0x3, s29  }
0x50e: {  	s30 =	spop (v2sf)  }
0x50f: {  	s28 =	ssub.s32 s28, s29;
	s30 =	sand.u32 $0x7FFFFC00, s30  }
0x510: {  	s28 =	sand.u32 $0xFF, s28;
	s29 =	sadd.s32 s7, s30  }
0x511: {  	s28 =	sshll.u32 s28, $0xE;
	(v2sf) =	vpush v1, $0x1;
	s29 =	sshrl.u32 s29, $0x3  }
0x512: {  	s30 =	sor.u32 $0x800, s28;
	s29 =	sadd.s32 s1, s29  }
0x513: {  	[tilespmem:s30], [sflag:$0x1] =	stream.linear.gather [hbm4b:s29+s4], $0x400, $0x38;
	[tilespmem:$0x19600] =	vst v63  }
0x514: {  	s30 =	spop (v2sf)  }
0x515: {  	s29 =	sand.u32 $0x7FFFFC00, s30  }
0x516: {  	s29 =	sadd.s32 s7, s29  }
0x517: {  	(v2sf) =	vpush v2, $0x2;
	s29 =	sshrl.u32 s29, $0x3  }
0x518: {  	s30 =	sadd.s32 $0xC800, s28;
	s29 =	sadd.s32 s2, s29  }
0x519: {  	[tilespmem:s30], [sflag:$0x1] =	stream.linear.gather [hbm4b:s29+s4], $0x400, $0x38;
	[tilespmem:$0x19600] =	vst v63  }
0x51a: {  	s30 =	spop (v2sf)  }
0x51b: {  	s29 =	sand.u32 $0x7FFFFC00, s30  }
0x51c: {  	s29 =	sadd.s32 s7, s29  }
0x51d: {  	(v2sf) =	vpush v1, $0x2;
	s29 =	sshrl.u32 s29, $0x3  }
0x51e: {  	s30 =	sor.u32 $0xC00, s28;
	s29 =	sadd.s32 s1, s29  }
0x51f: {  	[tilespmem:s30], [sflag:$0x1] =	stream.linear.gather [hbm4b:s29+s4], $0x400, $0x38;
	[tilespmem:$0x19600] =	vst v63  }
0x520: {  	s30 =	spop (v2sf)  }
0x521: {  	s29 =	sand.u32 $0x7FFFFC00, s30  }
0x522: {  	s29 =	sadd.s32 s7, s29  }
0x523: {  	(v2sf) =	vpush v2, $0x3;
	s29 =	sshrl.u32 s29, $0x3  }
0x524: {  	s30 =	sadd.s32 $0xCC00, s28;
	s29 =	sadd.s32 s2, s29  }
0x525: {  	[tilespmem:s30], [sflag:$0x1] =	stream.linear.gather [hbm4b:s29+s4], $0x400, $0x38;
	[tilespmem:$0x19600] =	vst v63  }
0x526: {  	s30 =	spop (v2sf)  }
0x527: {  	s29 =	sand.u32 $0x7FFFFC00, s30  }
0x528: {  	s29 =	sadd.s32 s7, s29  }
0x529: {  	(v2sf) =	vpush v1, $0x3;
	s29 =	sshrl.u32 s29, $0x3  }
0x52a: {  	s30 =	sor.u32 $0x1000, s28;
	s29 =	sadd.s32 s1, s29  }
0x52b: {  	[tilespmem:s30], [sflag:$0x1] =	stream.linear.gather [hbm4b:s29+s4], $0x400, $0x38;
	[tilespmem:$0x19600] =	vst v63  }
0x52c: {  	s30 =	spop (v2sf)  }
0x52d: {  	s29 =	sand.u32 $0x7FFFFC00, s30  }
0x52e: {  	s29 =	sadd.s32 s7, s29  }
0x52f: {  	(v2sf) =	vpush v2, $0x4;
	s29 =	sshrl.u32 s29, $0x3  }
0x530: {  	s30 =	sadd.s32 $0xD000, s28;
	s29 =	sadd.s32 s2, s29  }
0x531: {  	[tilespmem:s30], [sflag:$0x1] =	stream.linear.gather [hbm4b:s29+s4], $0x400, $0x38;
	[tilespmem:$0x19600] =	vst v63  }
0x532: {  	s30 =	spop (v2sf)  }
0x533: {  	s29 =	sand.u32 $0x7FFFFC00, s30  }
0x534: {  	s29 =	sadd.s32 s7, s29  }
0x535: {  	(v2sf) =	vpush v1, $0x4;
	s29 =	sshrl.u32 s29, $0x3  }
0x536: {  	s30 =	sor.u32 $0x1400, s28;
	s29 =	sadd.s32 s1, s29  }
0x537: {  	[tilespmem:s30], [sflag:$0x1] =	stream.linear.gather [hbm4b:s29+s4], $0x400, $0x38;
	[tilespmem:$0x19600] =	vst v63  }
0x538: {  	s30 =	spop (v2sf)  }
0x539: {  	s29 =	sand.u32 $0x7FFFFC00, s30  }
0x53a: {  	s29 =	sadd.s32 s7, s29  }
0x53b: {  	(v2sf) =	vpush v2, $0x5;
	s29 =	sshrl.u32 s29, $0x3  }
0x53c: {  	s30 =	sadd.s32 $0xD400, s28;
	s29 =	sadd.s32 s2, s29  }
0x53d: {  	[tilespmem:s30], [sflag:$0x1] =	stream.linear.gather [hbm4b:s29+s4], $0x400, $0x38;
	[tilespmem:$0x19600] =	vst v63  }
0x53e: {  	s30 =	spop (v2sf)  }
0x53f: {  	s29 =	sand.u32 $0x7FFFFC00, s30  }
0x540: {  	s29 =	sadd.s32 s7, s29  }
0x541: {  	(v2sf) =	vpush v1, $0x5;
	s29 =	sshrl.u32 s29, $0x3  }
0x542: {  	s30 =	sor.u32 $0x1800, s28;
	s29 =	sadd.s32 s1, s29  }
0x543: {  	[tilespmem:s30], [sflag:$0x1] =	stream.linear.gather [hbm4b:s29+s4], $0x400, $0x38;
	[tilespmem:$0x19600] =	vst v63  }
0x544: {  	s30 =	spop (v2sf)  }
0x545: {  	s29 =	sand.u32 $0x7FFFFC00, s30  }
0x546: {  	s29 =	sadd.s32 s7, s29  }
0x547: {  	(v2sf) =	vpush v2, $0x6;
	s29 =	sshrl.u32 s29, $0x3  }
0x548: {  	s30 =	sadd.s32 $0xD800, s28;
	s29 =	sadd.s32 s2, s29  }
0x549: {  	[tilespmem:s30], [sflag:$0x1] =	stream.linear.gather [hbm4b:s29+s4], $0x400, $0x38;
	[tilespmem:$0x19600] =	vst v63  }
0x54a: {  	s30 =	spop (v2sf)  }
0x54b: {  	s29 =	sand.u32 $0x7FFFFC00, s30  }
0x54c: {  	s29 =	sadd.s32 s7, s29  }
0x54d: {  	(v2sf) =	vpush v1, $0x6;
	s29 =	sshrl.u32 s29, $0x3  }
0x54e: {  	s30 =	sor.u32 $0x1C00, s28;
	s29 =	sadd.s32 s1, s29  }
0x54f: {  	[tilespmem:s30], [sflag:$0x1] =	stream.linear.gather [hbm4b:s29+s4], $0x400, $0x38;
	[tilespmem:$0x19600] =	vst v63  }
0x550: {  	s30 =	spop (v2sf)  }
0x551: {  	s29 =	sand.u32 $0x7FFFFC00, s30  }
0x552: {  	s29 =	sadd.s32 s7, s29  }
0x553: {  	(v2sf) =	vpush v2, $0x7;
	s29 =	sshrl.u32 s29, $0x3  }
0x554: {  	s30 =	sadd.s32 $0xDC00, s28;
	s29 =	sadd.s32 s2, s29  }
0x555: {  	[tilespmem:s30], [sflag:$0x1] =	stream.linear.gather [hbm4b:s29+s4], $0x400, $0x38;
	[tilespmem:$0x19600] =	vst v63  }
0x556: {  	s30 =	spop (v2sf)  }
0x557: {  	s29 =	sand.u32 $0x7FFFFC00, s30  }
0x558: {  	s29 =	sadd.s32 s7, s29  }
0x559: {  	(v2sf) =	vpush v1, $0x7;
	s29 =	sshrl.u32 s29, $0x3  }
0x55a: {  	s30 =	sor.u32 $0x2000, s28;
	s29 =	sadd.s32 s1, s29  }
0x55b: {  	[tilespmem:s30], [sflag:$0x1] =	stream.linear.gather [hbm4b:s29+s4], $0x400, $0x38;
	[tilespmem:$0x19600] =	vst v63  }
0x55c: {  	s30 =	spop (v2sf)  }
0x55d: {  	s29 =	sand.u32 $0x7FFFFC00, s30  }
0x55e: {  	s29 =	sadd.s32 s7, s29  }
0x55f: {  	(v2sf) =	vpush v2, $0x8;
	s29 =	sshrl.u32 s29, $0x3  }
0x560: {  	s30 =	sadd.s32 $0xE000, s28;
	s29 =	sadd.s32 s2, s29  }
0x561: {  	[tilespmem:s30], [sflag:$0x1] =	stream.linear.gather [hbm4b:s29+s4], $0x400, $0x38;
	[tilespmem:$0x19600] =	vst v63  }
0x562: {  	s30 =	spop (v2sf)  }
0x563: {  	s29 =	sand.u32 $0x7FFFFC00, s30  }
0x564: {  	s29 =	sadd.s32 s7, s29  }
0x565: {  	(v2sf) =	vpush v1, $0x8;
	s29 =	sshrl.u32 s29, $0x3  }
0x566: {  	s30 =	sor.u32 $0x2400, s28;
	s29 =	sadd.s32 s1, s29  }
0x567: {  	[tilespmem:s30], [sflag:$0x1] =	stream.linear.gather [hbm4b:s29+s4], $0x400, $0x38;
	[tilespmem:$0x19600] =	vst v63  }
0x568: {  	s30 =	spop (v2sf)  }
0x569: {  	s29 =	sand.u32 $0x7FFFFC00, s30  }
0x56a: {  	s29 =	sadd.s32 s7, s29  }
0x56b: {  	(v2sf) =	vpush v2, $0x9;
	s29 =	sshrl.u32 s29, $0x3  }
0x56c: {  	s30 =	sadd.s32 $0xE400, s28;
	s29 =	sadd.s32 s2, s29  }
0x56d: {  	[tilespmem:s30], [sflag:$0x1] =	stream.linear.gather [hbm4b:s29+s4], $0x400, $0x38;
	[tilespmem:$0x19600] =	vst v63  }
0x56e: {  	s30 =	spop (v2sf)  }
0x56f: {  	s29 =	sand.u32 $0x7FFFFC00, s30  }
0x570: {  	s29 =	sadd.s32 s7, s29  }
0x571: {  	(v2sf) =	vpush v1, $0x9;
	s29 =	sshrl.u32 s29, $0x3  }
0x572: {  	s30 =	sor.u32 $0x2800, s28;
	s29 =	sadd.s32 s1, s29  }
0x573: {  	[tilespmem:s30], [sflag:$0x1] =	stream.linear.gather [hbm4b:s29+s4], $0x400, $0x38;
	[tilespmem:$0x19600] =	vst v63  }
0x574: {  	s30 =	spop (v2sf)  }
0x575: {  	s29 =	sand.u32 $0x7FFFFC00, s30  }
0x576: {  	s29 =	sadd.s32 s7, s29  }
0x577: {  	(v2sf) =	vpush v2, $0xA;
	s29 =	sshrl.u32 s29, $0x3  }
0x578: {  	s30 =	sadd.s32 $0xE800, s28;
	s29 =	sadd.s32 s2, s29  }
0x579: {  	[tilespmem:s30], [sflag:$0x1] =	stream.linear.gather [hbm4b:s29+s4], $0x400, $0x38;
	[tilespmem:$0x19600] =	vst v63  }
0x57a: {  	s30 =	spop (v2sf)  }
0x57b: {  	s29 =	sand.u32 $0x7FFFFC00, s30  }
0x57c: {  	s29 =	sadd.s32 s7, s29  }
0x57d: {  	(v2sf) =	vpush v1, $0xA;
	s29 =	sshrl.u32 s29, $0x3  }
0x57e: {  	s30 =	sor.u32 $0x2C00, s28;
	s29 =	sadd.s32 s1, s29  }
0x57f: {  	[tilespmem:s30], [sflag:$0x1] =	stream.linear.gather [hbm4b:s29+s4], $0x400, $0x38;
	[tilespmem:$0x19600] =	vst v63  }
0x580: {  	s30 =	spop (v2sf)  }
0x581: {  	s29 =	sand.u32 $0x7FFFFC00, s30  }
0x582: {  	s29 =	sadd.s32 s7, s29  }
0x583: {  	(v2sf) =	vpush v2, $0xB;
	s29 =	sshrl.u32 s29, $0x3  }
0x584: {  	s30 =	sadd.s32 $0xEC00, s28;
	s29 =	sadd.s32 s2, s29  }
0x585: {  	[tilespmem:s30], [sflag:$0x1] =	stream.linear.gather [hbm4b:s29+s4], $0x400, $0x38;
	[tilespmem:$0x19600] =	vst v63  }
0x586: {  	s30 =	spop (v2sf)  }
0x587: {  	s29 =	sand.u32 $0x7FFFFC00, s30  }
0x588: {  	s29 =	sadd.s32 s7, s29  }
0x589: {  	(v2sf) =	vpush v1, $0xB;
	s29 =	sshrl.u32 s29, $0x3  }
0x58a: {  	s30 =	sor.u32 $0x3000, s28;
	s29 =	sadd.s32 s1, s29  }
0x58b: {  	[tilespmem:s30], [sflag:$0x1] =	stream.linear.gather [hbm4b:s29+s4], $0x400, $0x38;
	[tilespmem:$0x19600] =	vst v63  }
0x58c: {  	s30 =	spop (v2sf)  }
0x58d: {  	s29 =	sand.u32 $0x7FFFFC00, s30  }
0x58e: {  	s29 =	sadd.s32 s7, s29  }
0x58f: {  	(v2sf) =	vpush v2, $0xC;
	s29 =	sshrl.u32 s29, $0x3  }
0x590: {  	s30 =	sadd.s32 $0xF000, s28;
	s29 =	sadd.s32 s2, s29  }
0x591: {  	[tilespmem:s30], [sflag:$0x1] =	stream.linear.gather [hbm4b:s29+s4], $0x400, $0x38;
	[tilespmem:$0x19600] =	vst v63  }
0x592: {  	s30 =	spop (v2sf)  }
0x593: {  	s29 =	sand.u32 $0x7FFFFC00, s30  }
0x594: {  	s29 =	sadd.s32 s7, s29  }
0x595: {  	(v2sf) =	vpush v1, $0xC;
	s29 =	sshrl.u32 s29, $0x3  }
0x596: {  	s30 =	sor.u32 $0x3400, s28;
	s29 =	sadd.s32 s1, s29  }
0x597: {  	[tilespmem:s30], [sflag:$0x1] =	stream.linear.gather [hbm4b:s29+s4], $0x400, $0x38;
	[tilespmem:$0x19600] =	vst v63  }
0x598: {  	s30 =	spop (v2sf)  }
0x599: {  	s29 =	sand.u32 $0x7FFFFC00, s30  }
0x59a: {  	s29 =	sadd.s32 s7, s29  }
0x59b: {  	(v2sf) =	vpush v2, $0xD;
	s29 =	sshrl.u32 s29, $0x3  }
0x59c: {  	s30 =	sadd.s32 $0xF400, s28;
	s29 =	sadd.s32 s2, s29  }
0x59d: {  	[tilespmem:s30], [sflag:$0x1] =	stream.linear.gather [hbm4b:s29+s4], $0x400, $0x38;
	[tilespmem:$0x19600] =	vst v63  }
0x59e: {  	s30 =	spop (v2sf)  }
0x59f: {  	s29 =	sand.u32 $0x7FFFFC00, s30  }
0x5a0: {  	s29 =	sadd.s32 s7, s29  }
0x5a1: {  	(v2sf) =	vpush v1, $0xD;
	s29 =	sshrl.u32 s29, $0x3  }
0x5a2: {  	s30 =	sor.u32 $0x3800, s28;
	s29 =	sadd.s32 s1, s29  }
0x5a3: {  	[tilespmem:s30], [sflag:$0x1] =	stream.linear.gather [hbm4b:s29+s4], $0x400, $0x38;
	[tilespmem:$0x19600] =	vst v63  }
0x5a4: {  	s30 =	spop (v2sf)  }
0x5a5: {  	s29 =	sand.u32 $0x7FFFFC00, s30  }
0x5a6: {  	s29 =	sadd.s32 s7, s29  }
0x5a7: {  	(v2sf) =	vpush v2, $0xE;
	s29 =	sshrl.u32 s29, $0x3  }
0x5a8: {  	s30 =	sadd.s32 $0xF800, s28;
	s29 =	sadd.s32 s2, s29  }
0x5a9: {  	[tilespmem:s30], [sflag:$0x1] =	stream.linear.gather [hbm4b:s29+s4], $0x400, $0x38;
	[tilespmem:$0x19600] =	vst v63  }
0x5aa: {  	s30 =	spop (v2sf)  }
0x5ab: {  	s29 =	sand.u32 $0x7FFFFC00, s30  }
0x5ac: {  	s29 =	sadd.s32 s7, s29  }
0x5ad: {  	(v2sf) =	vpush v1, $0xE;
	s29 =	sshrl.u32 s29, $0x3  }
0x5ae: {  	s30 =	sor.u32 $0x3C00, s28;
	s29 =	sadd.s32 s1, s29  }
0x5af: {  	[tilespmem:s30], [sflag:$0x1] =	stream.linear.gather [hbm4b:s29+s4], $0x400, $0x38;
	[tilespmem:$0x19600] =	vst v63  }
0x5b0: {  	s30 =	spop (v2sf)  }
0x5b1: {  	s29 =	sand.u32 $0x7FFFFC00, s30  }
0x5b2: {  	s29 =	sadd.s32 s7, s29  }
0x5b3: {  	(v2sf) =	vpush v2, $0xF;
	s29 =	sshrl.u32 s29, $0x3  }
0x5b4: {  	s30 =	sadd.s32 $0xFC00, s28;
	s29 =	sadd.s32 s2, s29  }
0x5b5: {  	[tilespmem:s30], [sflag:$0x1] =	stream.linear.gather [hbm4b:s29+s4], $0x400, $0x38;
	[tilespmem:$0x19600] =	vst v63  }
0x5b6: {  	s30 =	spop (v2sf)  }
0x5b7: {  	s29 =	sand.u32 $0x7FFFFC00, s30  }
0x5b8: {  	s29 =	sadd.s32 s7, s29  }
0x5b9: {  	(v2sf) =	vpush v1, $0xF;
	s29 =	sshrl.u32 s29, $0x3  }
0x5ba: {  	s30 =	sadd.s32 $0x4000, s28;
	s29 =	sadd.s32 s1, s29  }
0x5bb: {  	[tilespmem:s30], [sflag:$0x1] =	stream.linear.gather [hbm4b:s29+s4], $0x400, $0x38;
	[tilespmem:$0x19600] =	vst v63  }
0x5bc: {  	s30 =	spop (v2sf)  }
0x5bd: {  	s29 =	sand.u32 $0x7FFFFC00, s30  }
0x5be: {  	s29 =	sadd.s32 s7, s29  }
0x5bf: {  	s29 =	sshrl.u32 s29, $0x3  }
0x5c0: {  	s30 =	sor.u32 $0x10000, s28;
	s29 =	sadd.s32 s2, s29  }
0x5c1: {  	[tilespmem:s30], [sflag:$0x1] =	stream.linear.gather [hbm4b:s29+s4], $0x400, $0x38;
	[tilespmem:$0x19600] =	vst v63  }
0x5c2: {  	s30 =	spop (v2sf)  }
0x5c3: {  	s29 =	sand.u32 $0x7FFFFC00, s30  }
0x5c4: {  	s29 =	sadd.s32 s7, s29  }
0x5c5: {  	s29 =	sshrl.u32 s29, $0x3  }
0x5c6: {  	s30 =	sadd.s32 $0x4400, s28;
	s29 =	sadd.s32 s1, s29  }
0x5c7: {  	[tilespmem:s30], [sflag:$0x1] =	stream.linear.gather [hbm4b:s29+s4], $0x400, $0x38;
	[tilespmem:$0x19600] =	vst v63  }
0x5c8: {  	s30 =	spop (v2sf)  }
.Ltmp5:
0x5c9: {  	s29 =	sand.u32 $0x7FFFFC00, s30;
	(pc) =	sbr.rel .LBB2_4-.Ltmp5, $4  }
0x5ca: {  	s29 =	sadd.s32 s7, s29  }
0x5cb: {  	s29 =	sshrl.u32 s29, $0x3  }
0x5cc: {  	s28 =	sor.u32 $0x10400, s28;
	s29 =	sadd.s32 s2, s29  }
0x5cd: {  	[tilespmem:s28], [sflag:$0x1] =	stream.linear.gather [hbm4b:s29+s4], $0x400, $0x38;
	[tilespmem:$0x19600] =	vst v63  }
.LBB2_6:
0x5ce: {  	_ =	sfence.sel $0x180000  }
0x5cf: {  	[bflag:$0x0] =	sbarrier.arrive $0xFFFF  }
0x5d0: {  	_ =	strace $0x90000047  }
0x5d1: {  	s0 =	stileid.u32;
	[bflag:$0x2] =	sbarrier.arrive $0xFFFF  }
0x5d2: {  	p0 =	sne.s32 s0, $0x0;
	s0 =	rddreg [dreg:$0x6]  }
0x5d3: {  	s0 =	sadd.s32 @!p0 $0x100000, s0  }
0x5d4: {  	[sflag:s0] =	ssyncadd.tile.s32 @!p0 $0x1;
	_ =	shalt  }
.Lfunc_end2:
_tile_overlayer_lowered:
.L_overlay_start_2:
0x5d5: {  	(tag) =	ssettag $0x2  }
0x5d6: {  	s0 =	rddreg [dreg:$0x0];
	s2 =	stileid.u32  }
0x5d7: {  	s1 =	rddreg [dreg:$0x1];
	p0 =	sne.s32 s2, $0x0  }
0x5d8: {  	s3 =	rddreg [dreg:$0x2];
	[bflag:$0x3] =	sbarrier.arrive $0xFFFF;
	s2 =	simm.s32 @!p0 $0x1C02  }
0x5d9: {  	[timem:s3], [sflag:s2] =	dma.local @!p0 [hbm:s0], s1  }
0x5da: {  	s0 =	simm.s32 @!p0 $0x2  }
0x5db: {  	_ =	swait.ge @!p0 [sflag:s0], s1  }
0x5dc: {  	s1 =	ssub.s32 @!p0 $0x0, s1;
	[sflag:s0] =	ssyncset.done @!p0 $0x0  }
0x5dd: {  	[sflag:s0] =	ssyncadd.s32 @!p0 s1  }
0x5de: {  	[bflag:$0x3] =	sbarrier.arrive $0xFFFF  }
0x5df: {  	_ =	shalt  }

</sc_bundles>
